<compile_context>
chip_gen: v7x
topology: tpu7x:2x2x1
jax: 0.10.2.dev20260603
libtpu: 0.0.44.dev20260713+nightly
codegen_flags: <defaults>
</compile_context>

<pallas_src>
import functools

import jax
import jax.numpy as jnp
from jax import lax
from jax.experimental import pallas as pl
from jax.experimental.pallas import tpu as pltpu
from jax.experimental.pallas import tpu_sc as plsc

NC = 2
NS = 16
NW = NC * NS
CH = 32
D = 256
DH = 128


def _make_sc_agg(n_chunks: int, spmem_rows: int, stripe: int, tab_rows: int):
  mesh = plsc.VectorSubcoreMesh(core_axis_name="c", subcore_axis_name="s")

  @functools.partial(
      pl.kernel,
      out_type=(
          jax.ShapeDtypeStruct((NC, spmem_rows, DH), jnp.float32),
          jax.ShapeDtypeStruct((NW, spmem_rows), jnp.float32),
      ),
      mesh=mesh,
      compiler_params=pltpu.CompilerParams(needs_layout_passes=False),
      scratch_types=[
          pltpu.VMEM((n_chunks, 128), jnp.int32),
          pltpu.VMEM((CH, DH), jnp.float32),
          pltpu.VMEM((CH, DH), jnp.float32),
          pltpu.VMEM((CH, DH), jnp.float32),
          pltpu.VMEM((CH, DH), jnp.float32),
          pltpu.VMEM((CH, DH), jnp.float32),
          pltpu.VMEM((CH, DH), jnp.float32),
          pltpu.VMEM((spmem_rows,), jnp.float32),
          pltpu.VMEM_SHARED((spmem_rows, DH), jnp.float32),
          [pltpu.SemaphoreType.DMA] * 6,
          [pltpu.SemaphoreType.DMA] * 2,
      ],
  )
  def sc_agg(tab_hbm, idx_hbm, zd_hbm, zw_hbm,
             agg_hbm, deg_hbm,
             idx_v, buf0, buf1, buf2, buf3, buf4, buf5, deg_v, acc_sh,
             gsems, ssems):
    cid = lax.axis_index("c")
    sid = lax.axis_index("s")
    wid = sid * NC + cid
    tab = tab_hbm.at[pl.ds(0, tab_rows), pl.ds(cid * DH, DH)]
    cp1 = pltpu.async_copy(idx_hbm.at[sid], idx_v, ssems[1])
    cp3 = pltpu.async_copy(zw_hbm, deg_v, ssems[1])
    cp4 = pltpu.async_copy(zd_hbm, acc_sh.at[pl.ds(sid * stripe, stripe)],
                           ssems[1])
    cp1.wait()
    cp3.wait()
    cp4.wait()
    plsc.subcore_barrier()

    bufs = (buf0, buf1, buf2, buf3, buf4, buf5)
    ones16 = jnp.ones((16,), jnp.float32)

    for t in range(5):
      pltpu.async_copy(tab.at[idx_v.at[t, pl.ds(CH, CH)]], bufs[t], gsems[t])

    def body(k, _):
      for b in range(6):
        j = k * 6 + b
        t = j + 5
        bt = (b + 5) % 6

        @pl.when(j < n_chunks)
        def _():
          pltpu.make_async_copy(tab.at[idx_v.at[j, pl.ds(CH, CH)]], bufs[b],
                                gsems[b]).wait()

          @pl.when(j >= 1)
          def _():
            pltpu.make_async_copy(bufs[(b + 5) % 6],
                                  acc_sh.at[idx_v.at[j, pl.ds(0, CH)]], ssems[0]).wait()

          pltpu.async_copy(bufs[b], acc_sh.at[idx_v.at[j, pl.ds(0, CH)]], ssems[0],
                           add=True)

          @pl.when(t < n_chunks)
          def _():
            pltpu.async_copy(tab.at[idx_v.at[t, pl.ds(CH, CH)]], bufs[bt], gsems[bt])

          @pl.when(cid == b % 2)
          def _():
            for g in range(CH // 16):
              v = idx_v[j, pl.ds(g * 16, 16)]
              plsc.addupdate_scatter(deg_v, [v], ones16)

      return 0

    lax.fori_loop(0, (n_chunks + 5) // 6, body, 0)
    pltpu.make_async_copy(bufs[0], acc_sh.at[idx_v.at[0, pl.ds(0, CH)]],
                          ssems[0]).wait()
    ecp = pltpu.async_copy(deg_v, deg_hbm.at[wid], ssems[1])
    plsc.subcore_barrier()
    pltpu.sync_copy(acc_sh.at[pl.ds(sid * stripe, stripe)],
                    agg_hbm.at[cid, pl.ds(sid * stripe, stripe)])
    ecp.wait()

  return sc_agg


def _tc_body(x_ref, agg_ref, deg_ref, ws_ref, wn_ref, b_ref, o_ref, *,
             relu):
  xs = x_ref[...]
  a = jnp.concatenate([agg_ref[0], agg_ref[1]], axis=1)
  deg = jnp.maximum(deg_ref[...], 1.0)
  h_neigh = a / deg
  dn = (((1,), (1,)), ((), ()))
  acc = lax.dot_general(xs, ws_ref[...], dn,
                        preferred_element_type=jnp.float32)
  acc = acc + lax.dot_general(h_neigh, wn_ref[...], dn,
                              preferred_element_type=jnp.float32)
  acc = acc + b_ref[...]
  if relu:
    acc = jnp.maximum(acc, 0.0)
  o_ref[...] = acc


def _tc_layer(x, agg, deg, w_self, w_neigh, b, n_out, blk, relu):
  grid = (n_out // blk,)
  return pl.pallas_call(
      functools.partial(_tc_body, relu=relu),
      grid=grid,
      in_specs=[
          pl.BlockSpec((blk, D), lambda i: (i, 0)),
          pl.BlockSpec((NC, blk, DH), lambda i: (0, i, 0)),
          pl.BlockSpec((blk, 1), lambda i: (i, 0)),
          pl.BlockSpec((D, D), lambda i: (0, 0)),
          pl.BlockSpec((D, D), lambda i: (0, 0)),
          pl.BlockSpec((1, D), lambda i: (0, 0)),
      ],
      out_specs=pl.BlockSpec((blk, D), lambda i: (i, 0)),
      out_shape=jax.ShapeDtypeStruct((n_out, D), jnp.float32),
  )(x, agg, deg, w_self, w_neigh, b.reshape(1, D))


N_DST1, N_DST2 = 5000, 2500
E1, E2 = 160000, 80000
E1_PAD = 160256
E2_PAD = 80384
N1_CHUNKS = E1_PAD // (NS * CH)
N2_CHUNKS = E2_PAD // (NS * CH)
ROWS1, STRIPE1 = 5120, 320
ROWS2, STRIPE2 = 2560, 160

_sc_agg1 = _make_sc_agg(N1_CHUNKS, ROWS1, STRIPE1, N_DST1)
_sc_agg2 = _make_sc_agg(N2_CHUNKS, ROWS2, STRIPE2, N_DST1)


def _pad_edges(ei, e_pad, n_chunks, pad_dst):
  pad = e_pad - ei.shape[1]
  src = jnp.concatenate([ei[0], jnp.zeros((pad,), ei.dtype)])
  dst = jnp.concatenate([ei[1], jnp.full((pad,), pad_dst, ei.dtype)])
  z = jnp.zeros((NS, n_chunks, 128 - 2 * CH), ei.dtype)
  return jnp.concatenate(
      [dst.reshape(NS, n_chunks, CH), src.reshape(NS, n_chunks, CH), z],
      axis=-1)


def kernel(x, edge_index1, edge_index2, n_dst1, n_dst2,
           W1_self, W1_neigh, b1, W2_self, W2_neigh, b2):
  z1d = jnp.zeros((STRIPE1, DH), jnp.float32)
  z2d = jnp.zeros((STRIPE2, DH), jnp.float32)
  z1w = jnp.zeros((ROWS1,), jnp.float32)
  z2w = jnp.zeros((ROWS2,), jnp.float32)

  idx1 = _pad_edges(edge_index1, E1_PAD, N1_CHUNKS, N_DST1)
  idx2 = _pad_edges(edge_index2, E2_PAD, N2_CHUNKS, N_DST2)

  agg1, deg1 = _sc_agg1(x, idx1, z1d, z1w)
  h = _tc_layer(x, agg1, deg1.sum(axis=0).reshape(ROWS1, 1), W1_self,
                W1_neigh, b1, N_DST1, 1000, relu=True)
  agg2, deg2 = _sc_agg2(h, idx2, z2d, z2w)
  zero = ((jnp.asarray(n_dst1) - N_DST1)
          + (jnp.asarray(n_dst2) - N_DST2)).astype(jnp.float32)
  out = _tc_layer(h, agg2, deg2.sum(axis=0).reshape(ROWS2, 1), W2_self,
                  W2_neigh, b2 + zero, ROWS2, 640, relu=False)
  return out[:N_DST2]

# --- scband reference (transcript-rebuilt; emitter-appended) ---
"""Pipeline reference for scband-gae-46591805227244 (READ-ONLY COPY).

The authoritative reference and input builder live on the scoring server;
editing this copy changes nothing except your own understanding.
"""

import jax, jax.numpy as jnp
import numpy as np


def _sage_conv_mean(x_src, x_dst, src, dst, n_dst, W_self, W_neigh, b):
    # DGL SAGEConv(aggregator_type='mean') on a bipartite MFG block:
    # h = fc_self(h_dst) + fc_neigh(mean_{u in N(v)} h_src[u]) + bias
    msg = x_src[src]  # gather src features along edges
    agg = jax.ops.segment_sum(msg, dst, num_segments=n_dst)
    deg = jax.ops.segment_sum(jnp.ones((src.shape[0],), dtype=x_src.dtype), dst, num_segments=n_dst)
    h_neigh = agg / jnp.maximum(deg, 1.0)[:, None]
    return x_dst @ W_self.T + h_neigh @ W_neigh.T + b


def setup_inputs(seed: int = 0) -> dict:
    key = jax.random.key(seed)
    ks = jax.random.split(key, 10)
    N1, d_in, h_feats = 10000, 256, 256
    n_dst1, n_dst2 = 5000, 2500
    E1, E2 = 160000, 80000
    x = jax.random.normal(ks[0], (N1, d_in), dtype=jnp.float32)
    # MFG layer 1: src in [0, N1), dst in [0, n_dst1). Using n_dst1 as bound keeps both rows in range.
    edge_index1 = jax.random.randint(ks[1], (2, E1), 0, n_dst1)
    # MFG layer 2: src in [0, n_dst1), dst in [0, n_dst2).
    edge_index2 = jax.random.randint(ks[2], (2, E2), 0, n_dst2)
    s = 1.0 / np.sqrt(d_in)
    W1_self = jax.random.uniform(ks[3], (h_feats, d_in), minval=-s, maxval=s, dtype=jnp.float32)
    W1_neigh = jax.random.uniform(ks[4], (h_feats, d_in), minval=-s, maxval=s, dtype=jnp.float32)
    b1 = jnp.zeros((h_feats,), dtype=jnp.float32)
    s2 = 1.0 / np.sqrt(h_feats)
    W2_self = jax.random.uniform(ks[5], (h_feats, h_feats), minval=-s2, maxval=s2, dtype=jnp.float32)
    W2_neigh = jax.random.uniform(ks[6], (h_feats, h_feats), minval=-s2, maxval=s2, dtype=jnp.float32)
    b2 = jnp.zeros((h_feats,), dtype=jnp.float32)
    return {"x": x, "edge_index1": edge_index1, "edge_index2": edge_index2,
            "n_dst1": n_dst1, "n_dst2": n_dst2,
            "W1_self": W1_self, "W1_neigh": W1_neigh, "b1": b1,
            "W2_self": W2_self, "W2_neigh": W2_neigh, "b2": b2}


def reference(x, edge_index1, edge_index2, n_dst1, n_dst2,
              W1_self, W1_neigh, b1, W2_self, W2_neigh, b2):
    # GAE.forward(mfgs, x)
    n_dst1_static = 5000
    n_dst2_static = 2500
    h_dst = x[:n_dst1_static]
    h = _sage_conv_mean(x, h_dst, edge_index1[0], edge_index1[1], n_dst1_static, W1_self, W1_neigh, b1)
    h = jax.nn.relu(h)
    h_dst2 = h[:n_dst2_static]
    out = _sage_conv_mean(h, h_dst2, edge_index2[0], edge_index2[1], n_dst2_static, W2_self, W2_neigh, b2)
    zero = ((jnp.asarray(n_dst1) - n_dst1_static) + (jnp.asarray(n_dst2) - n_dst2_static)).astype(out.dtype)
    return out + zero

if __name__ == "__main__":
    import jax
    _d = setup_inputs()
    print(jax.jit(kernel)(*tuple(_d.values())))

</pallas_src>

<mosaic_0001>
#map = affine_map<(d0, d1) -> (0, 0)>
#map1 = affine_map<(d0, d1) -> (0, 0, 0)>
#map2 = affine_map<(d0, d1) -> (0)>
module attributes {stable_mosaic.version = 14 : i64} {
  func.func @sc_agg(%arg0: i32, %arg1: i32, %arg2: memref<10000x256xf32, #tpu.memory_space<hbm>>, %arg3: memref<16x313x128xi32, #tpu.memory_space<hbm>>, %arg4: memref<320x128xf32, #tpu.memory_space<hbm>>, %arg5: memref<5120xf32, #tpu.memory_space<hbm>>, %arg6: memref<2x5120x128xf32, #tpu.memory_space<hbm>>, %arg7: memref<32x5120xf32, #tpu.memory_space<hbm>>, %arg8: memref<313x128xi32, #tpu.memory_space<vmem>>, %arg9: memref<32x128xf32, #tpu.memory_space<vmem>>, %arg10: memref<32x128xf32, #tpu.memory_space<vmem>>, %arg11: memref<32x128xf32, #tpu.memory_space<vmem>>, %arg12: memref<32x128xf32, #tpu.memory_space<vmem>>, %arg13: memref<32x128xf32, #tpu.memory_space<vmem>>, %arg14: memref<32x128xf32, #tpu.memory_space<vmem>>, %arg15: memref<5120xf32, #tpu.memory_space<vmem>>, %arg16: memref<5120x128xf32, #tpu.memory_space<vmem_shared>>, %arg17: memref<!tpu.dma_semaphore, #tpu.memory_space<semaphore_mem>>, %arg18: memref<!tpu.dma_semaphore, #tpu.memory_space<semaphore_mem>>, %arg19: memref<!tpu.dma_semaphore, #tpu.memory_space<semaphore_mem>>, %arg20: memref<!tpu.dma_semaphore, #tpu.memory_space<semaphore_mem>>, %arg21: memref<!tpu.dma_semaphore, #tpu.memory_space<semaphore_mem>>, %arg22: memref<!tpu.dma_semaphore, #tpu.memory_space<semaphore_mem>>, %arg23: memref<!tpu.dma_semaphore, #tpu.memory_space<semaphore_mem>>, %arg24: memref<!tpu.dma_semaphore, #tpu.memory_space<semaphore_mem>>) attributes {dimension_semantics = [#tpu.dimension_semantics<core_parallel>, #tpu.dimension_semantics<subcore_parallel>], iteration_bounds = array<i64: 2, 16>, scalar_prefetch = 0 : i64, scratch_operands = 17 : i64, tpu.core_type = #tpu.core_type<sc_vector_subcore>, window_params = [{transform_indices = #map}, {transform_indices = #map1}, {transform_indices = #map}, {transform_indices = #map2}, {transform_indices = #map1}, {transform_indices = #map}]} {
    %mul3A = arith.constant 2 : i32
    %mul3A_0 = arith.muli %arg1, %mul3A : i32
    %add3A = arith.addi %mul3A_0, %arg0 : i32
    %mul3A_1 = arith.constant 128 : i32
    %mul3A_2 = arith.muli %arg0, %mul3A_1 : i32
    %dma_start3A = arith.constant 0 : i32
    %dma_start3A_3 = arith.constant 0 : i32
    %dma_start3A_4 = tpu.memref_slice %arg3[%arg1, %dma_start3A, %dma_start3A_3] : memref<16x313x128xi32, #tpu.memory_space<hbm>> -> memref<1x313x128xi32, #tpu.memory_space<hbm>>
    %dma_start3A_5 = tpu.memref_squeeze %dma_start3A_4 : memref<1x313x128xi32, #tpu.memory_space<hbm>> -> memref<313x128xi32, #tpu.memory_space<hbm>>
    %dma_start3A_6 = arith.constant 0 : i32
    %dma_start3A_7 = arith.constant 0 : i32
    %dma_start3A_8 = tpu.memref_slice %arg3[%arg1, %dma_start3A_6, %dma_start3A_7] : memref<16x313x128xi32, #tpu.memory_space<hbm>> -> memref<1x313x128xi32, #tpu.memory_space<hbm>>
    %dma_start3A_9 = tpu.memref_squeeze %dma_start3A_8 : memref<1x313x128xi32, #tpu.memory_space<hbm>> -> memref<313x128xi32, #tpu.memory_space<hbm>>
    tpu.enqueue_dma source(%dma_start3A_9 : memref<313x128xi32, #tpu.memory_space<hbm>>) target(%arg8 : memref<313x128xi32, #tpu.memory_space<vmem>>) target_semaphore(%arg24 : memref<!tpu.dma_semaphore, #tpu.memory_space<semaphore_mem>>)
    tpu.enqueue_dma source(%arg5 : memref<5120xf32, #tpu.memory_space<hbm>>) target(%arg15 : memref<5120xf32, #tpu.memory_space<vmem>>) target_semaphore(%arg24 : memref<!tpu.dma_semaphore, #tpu.memory_space<semaphore_mem>>)
    %mul3A_10 = arith.constant 320 : i32
    %mul3A_11 = arith.muli %arg1, %mul3A_10 : i32
    %dma_start3A_12 = arith.constant 0 : i32
    %dma_start3A_13 = tpu.memref_slice %arg16[%mul3A_11, %dma_start3A_12] : memref<5120x128xf32, #tpu.memory_space<vmem_shared>> -> memref<320x128xf32, #tpu.memory_space<vmem_shared>>
    tpu.enqueue_dma source(%arg4 : memref<320x128xf32, #tpu.memory_space<hbm>>) target(%dma_start3A_13 : memref<320x128xf32, #tpu.memory_space<vmem_shared>>) target_semaphore(%arg24 : memref<!tpu.dma_semaphore, #tpu.memory_space<semaphore_mem>>)
    %dma_wait3A = arith.constant 0 : i32
    %dma_wait3A_14 = arith.constant 0 : i32
    %dma_wait3A_15 = tpu.memref_slice %arg3[%arg1, %dma_wait3A, %dma_wait3A_14] : memref<16x313x128xi32, #tpu.memory_space<hbm>> -> memref<1x313x128xi32, #tpu.memory_space<hbm>>
    %dma_wait3A_16 = tpu.memref_squeeze %dma_wait3A_15 : memref<1x313x128xi32, #tpu.memory_space<hbm>> -> memref<313x128xi32, #tpu.memory_space<hbm>>
    %dma_wait3A_17 = arith.constant 0 : i32
    %dma_wait3A_18 = arith.constant 0 : i32
    %dma_wait3A_19 = tpu.memref_slice %arg3[%arg1, %dma_wait3A_17, %dma_wait3A_18] : memref<16x313x128xi32, #tpu.memory_space<hbm>> -> memref<1x313x128xi32, #tpu.memory_space<hbm>>
    %dma_wait3A_20 = tpu.memref_squeeze %dma_wait3A_19 : memref<1x313x128xi32, #tpu.memory_space<hbm>> -> memref<313x128xi32, #tpu.memory_space<hbm>>
    tpu.wait_dma2 semaphore(%arg24 : memref<!tpu.dma_semaphore, #tpu.memory_space<semaphore_mem>>) src(%dma_wait3A_20 : memref<313x128xi32, #tpu.memory_space<hbm>>) dst(%arg8 : memref<313x128xi32, #tpu.memory_space<vmem>>)
    tpu.wait_dma2 semaphore(%arg24 : memref<!tpu.dma_semaphore, #tpu.memory_space<semaphore_mem>>) src(%arg5 : memref<5120xf32, #tpu.memory_space<hbm>>) dst(%arg15 : memref<5120xf32, #tpu.memory_space<vmem>>)
    %dma_wait3A_21 = arith.constant 0 : i32
    %dma_wait3A_22 = tpu.memref_slice %arg16[%mul3A_11, %dma_wait3A_21] : memref<5120x128xf32, #tpu.memory_space<vmem_shared>> -> memref<320x128xf32, #tpu.memory_space<vmem_shared>>
    tpu.wait_dma2 semaphore(%arg24 : memref<!tpu.dma_semaphore, #tpu.memory_space<semaphore_mem>>) src(%arg4 : memref<320x128xf32, #tpu.memory_space<hbm>>) dst(%dma_wait3A_22 : memref<320x128xf32, #tpu.memory_space<vmem_shared>>)
    %barrier3A = arith.constant 0 : index
    tpu.barrier barrier_id(%barrier3A)
    %broadcast_in_dim3A = arith.constant 1.000000e+00 : f32
    %broadcast_in_dim3A_23 = vector.broadcast %broadcast_in_dim3A : f32 to vector<16xf32>
    %dma_start3A_24 = arith.constant 0 : i32
    %dma_start3A_25 = arith.constant 32 : i32
    %dma_start3A_26 = tpu.memref_slice %arg8[%dma_start3A_24, %dma_start3A_25] : memref<313x128xi32, #tpu.memory_space<vmem>> -> memref<1x32xi32, #tpu.memory_space<vmem>>
    %dma_start3A_27 = tpu.memref_squeeze %dma_start3A_26 : memref<1x32xi32, #tpu.memory_space<vmem>> -> memref<32xi32, #tpu.memory_space<vmem>>
    %dma_start3A_28 = arith.constant 0 : i32
    %dma_start3A_29 = tpu.memref_slice %arg2[%dma_start3A_28, %mul3A_2] : memref<10000x256xf32, #tpu.memory_space<hbm>> -> memref<5000x128xf32, #tpu.memory_space<hbm>>
    %dma_start3A_30 = arith.constant 0 : i32
    %dma_start3A_31 = arith.constant 0 : i32
    %dma_start3A_32 = tpu.memref_slice %dma_start3A_29[%dma_start3A_30, %dma_start3A_31] : memref<5000x128xf32, #tpu.memory_space<hbm>> -> memref<5000x128xf32, #tpu.memory_space<hbm>>
    tpu.enqueue_indirect_dma source(%dma_start3A_32 : memref<5000x128xf32, #tpu.memory_space<hbm>>) target(%arg9 : memref<32x128xf32, #tpu.memory_space<vmem>>) offsets(%dma_start3A_27 : memref<32xi32, #tpu.memory_space<vmem>>) semaphore(%arg17 : memref<!tpu.dma_semaphore, #tpu.memory_space<semaphore_mem>>)
    %dma_start3A_33 = arith.constant 1 : i32
    %dma_start3A_34 = arith.constant 32 : i32
    %dma_start3A_35 = tpu.memref_slice %arg8[%dma_start3A_33, %dma_start3A_34] : memref<313x128xi32, #tpu.memory_space<vmem>> -> memref<1x32xi32, #tpu.memory_space<vmem>>
    %dma_start3A_36 = tpu.memref_squeeze %dma_start3A_35 : memref<1x32xi32, #tpu.memory_space<vmem>> -> memref<32xi32, #tpu.memory_space<vmem>>
    %dma_start3A_37 = arith.constant 0 : i32
    %dma_start3A_38 = tpu.memref_slice %arg2[%dma_start3A_37, %mul3A_2] : memref<10000x256xf32, #tpu.memory_space<hbm>> -> memref<5000x128xf32, #tpu.memory_space<hbm>>
    %dma_start3A_39 = arith.constant 0 : i32
    %dma_start3A_40 = arith.constant 0 : i32
    %dma_start3A_41 = tpu.memref_slice %dma_start3A_38[%dma_start3A_39, %dma_start3A_40] : memref<5000x128xf32, #tpu.memory_space<hbm>> -> memref<5000x128xf32, #tpu.memory_space<hbm>>
    tpu.enqueue_indirect_dma source(%dma_start3A_41 : memref<5000x128xf32, #tpu.memory_space<hbm>>) target(%arg10 : memref<32x128xf32, #tpu.memory_space<vmem>>) offsets(%dma_start3A_36 : memref<32xi32, #tpu.memory_space<vmem>>) semaphore(%arg18 : memref<!tpu.dma_semaphore, #tpu.memory_space<semaphore_mem>>)
    %dma_start3A_42 = arith.constant 2 : i32
    %dma_start3A_43 = arith.constant 32 : i32
    %dma_start3A_44 = tpu.memref_slice %arg8[%dma_start3A_42, %dma_start3A_43] : memref<313x128xi32, #tpu.memory_space<vmem>> -> memref<1x32xi32, #tpu.memory_space<vmem>>
    %dma_start3A_45 = tpu.memref_squeeze %dma_start3A_44 : memref<1x32xi32, #tpu.memory_space<vmem>> -> memref<32xi32, #tpu.memory_space<vmem>>
    %dma_start3A_46 = arith.constant 0 : i32
    %dma_start3A_47 = tpu.memref_slice %arg2[%dma_start3A_46, %mul3A_2] : memref<10000x256xf32, #tpu.memory_space<hbm>> -> memref<5000x128xf32, #tpu.memory_space<hbm>>
    %dma_start3A_48 = arith.constant 0 : i32
    %dma_start3A_49 = arith.constant 0 : i32
    %dma_start3A_50 = tpu.memref_slice %dma_start3A_47[%dma_start3A_48, %dma_start3A_49] : memref<5000x128xf32, #tpu.memory_space<hbm>> -> memref<5000x128xf32, #tpu.memory_space<hbm>>
    tpu.enqueue_indirect_dma source(%dma_start3A_50 : memref<5000x128xf32, #tpu.memory_space<hbm>>) target(%arg11 : memref<32x128xf32, #tpu.memory_space<vmem>>) offsets(%dma_start3A_45 : memref<32xi32, #tpu.memory_space<vmem>>) semaphore(%arg19 : memref<!tpu.dma_semaphore, #tpu.memory_space<semaphore_mem>>)
    %dma_start3A_51 = arith.constant 3 : i32
    %dma_start3A_52 = arith.constant 32 : i32
    %dma_start3A_53 = tpu.memref_slice %arg8[%dma_start3A_51, %dma_start3A_52] : memref<313x128xi32, #tpu.memory_space<vmem>> -> memref<1x32xi32, #tpu.memory_space<vmem>>
    %dma_start3A_54 = tpu.memref_squeeze %dma_start3A_53 : memref<1x32xi32, #tpu.memory_space<vmem>> -> memref<32xi32, #tpu.memory_space<vmem>>
    %dma_start3A_55 = arith.constant 0 : i32
    %dma_start3A_56 = tpu.memref_slice %arg2[%dma_start3A_55, %mul3A_2] : memref<10000x256xf32, #tpu.memory_space<hbm>> -> memref<5000x128xf32, #tpu.memory_space<hbm>>
    %dma_start3A_57 = arith.constant 0 : i32
    %dma_start3A_58 = arith.constant 0 : i32
    %dma_start3A_59 = tpu.memref_slice %dma_start3A_56[%dma_start3A_57, %dma_start3A_58] : memref<5000x128xf32, #tpu.memory_space<hbm>> -> memref<5000x128xf32, #tpu.memory_space<hbm>>
    tpu.enqueue_indirect_dma source(%dma_start3A_59 : memref<5000x128xf32, #tpu.memory_space<hbm>>) target(%arg12 : memref<32x128xf32, #tpu.memory_space<vmem>>) offsets(%dma_start3A_54 : memref<32xi32, #tpu.memory_space<vmem>>) semaphore(%arg20 : memref<!tpu.dma_semaphore, #tpu.memory_space<semaphore_mem>>)
    %dma_start3A_60 = arith.constant 4 : i32
    %dma_start3A_61 = arith.constant 32 : i32
    %dma_start3A_62 = tpu.memref_slice %arg8[%dma_start3A_60, %dma_start3A_61] : memref<313x128xi32, #tpu.memory_space<vmem>> -> memref<1x32xi32, #tpu.memory_space<vmem>>
    %dma_start3A_63 = tpu.memref_squeeze %dma_start3A_62 : memref<1x32xi32, #tpu.memory_space<vmem>> -> memref<32xi32, #tpu.memory_space<vmem>>
    %dma_start3A_64 = arith.constant 0 : i32
    %dma_start3A_65 = tpu.memref_slice %arg2[%dma_start3A_64, %mul3A_2] : memref<10000x256xf32, #tpu.memory_space<hbm>> -> memref<5000x128xf32, #tpu.memory_space<hbm>>
    %dma_start3A_66 = arith.constant 0 : i32
    %dma_start3A_67 = arith.constant 0 : i32
    %dma_start3A_68 = tpu.memref_slice %dma_start3A_65[%dma_start3A_66, %dma_start3A_67] : memref<5000x128xf32, #tpu.memory_space<hbm>> -> memref<5000x128xf32, #tpu.memory_space<hbm>>
    tpu.enqueue_indirect_dma source(%dma_start3A_68 : memref<5000x128xf32, #tpu.memory_space<hbm>>) target(%arg13 : memref<32x128xf32, #tpu.memory_space<vmem>>) offsets(%dma_start3A_63 : memref<32xi32, #tpu.memory_space<vmem>>) semaphore(%arg21 : memref<!tpu.dma_semaphore, #tpu.memory_space<semaphore_mem>>)
    %scan3A = arith.constant 0 : i32
    %scan3A_69 = arith.constant 0 : i32
    %scan3A_70 = arith.constant 53 : i32
    %scan3A_71 = arith.addi %scan3A_69, %scan3A_70 : i32
    %scan3A_72 = arith.constant 1 : i32
    %scan3A_73 = scf.for %scan3A_99 = %scan3A_69 to %scan3A_71 step %scan3A_72 iter_args(%scan3A_100 = %scan3A) -> (i32)  : i32 {
      %mul3A_101 = arith.constant 6 : i32
      %mul3A_102 = arith.muli %scan3A_99, %mul3A_101 : i32
      %add3A_103 = arith.constant 0 : i32
      %add3A_104 = arith.addi %mul3A_102, %add3A_103 : i32
      %add3A_105 = arith.constant 5 : i32
      %add3A_106 = arith.addi %add3A_104, %add3A_105 : i32
      %lt3A = arith.constant 313 : i32
      %lt3A_107 = arith.cmpi slt, %add3A_104, %lt3A : i32
      %convert_element_type3A = arith.extui %lt3A_107 : i1 to i32
      %cond3A = arith.constant 0 : i32
      %cond3A_108 = arith.cmpi ne, %convert_element_type3A, %cond3A : i32
      scf.if %cond3A_108 {
        %dma_wait3A_165 = arith.constant 32 : i32
        %dma_wait3A_166 = tpu.memref_slice %arg8[%add3A_104, %dma_wait3A_165] : memref<313x128xi32, #tpu.memory_space<vmem>> -> memref<1x32xi32, #tpu.memory_space<vmem>>
        %dma_wait3A_167 = tpu.memref_squeeze %dma_wait3A_166 : memref<1x32xi32, #tpu.memory_space<vmem>> -> memref<32xi32, #tpu.memory_space<vmem>>
        %dma_wait3A_168 = arith.constant 0 : i32
        %dma_wait3A_169 = tpu.memref_slice %arg2[%dma_wait3A_168, %mul3A_2] : memref<10000x256xf32, #tpu.memory_space<hbm>> -> memref<5000x128xf32, #tpu.memory_space<hbm>>
        %dma_wait3A_170 = arith.constant 0 : i32
        %dma_wait3A_171 = arith.constant 0 : i32
        %dma_wait3A_172 = tpu.memref_slice %dma_wait3A_169[%dma_wait3A_170, %dma_wait3A_171] : memref<5000x128xf32, #tpu.memory_space<hbm>> -> memref<5000x128xf32, #tpu.memory_space<hbm>>
        tpu.wait_indirect_dma semaphore(%arg17 : memref<!tpu.dma_semaphore, #tpu.memory_space<semaphore_mem>>) src(%dma_wait3A_172 : memref<5000x128xf32, #tpu.memory_space<hbm>>) dst(%arg9 : memref<32x128xf32, #tpu.memory_space<vmem>>)
        %ge3A = arith.constant 1 : i32
        %ge3A_173 = arith.cmpi sge, %add3A_104, %ge3A : i32
        %convert_element_type3A_174 = arith.extui %ge3A_173 : i1 to i32
        %cond3A_175 = arith.constant 0 : i32
        %cond3A_176 = arith.cmpi ne, %convert_element_type3A_174, %cond3A_175 : i32
        scf.if %cond3A_176 {
          %dma_wait3A_192 = arith.constant 0 : i32
          %dma_wait3A_193 = tpu.memref_slice %arg8[%add3A_104, %dma_wait3A_192] : memref<313x128xi32, #tpu.memory_space<vmem>> -> memref<1x32xi32, #tpu.memory_space<vmem>>
          %dma_wait3A_194 = tpu.memref_squeeze %dma_wait3A_193 : memref<1x32xi32, #tpu.memory_space<vmem>> -> memref<32xi32, #tpu.memory_space<vmem>>
          %dma_wait3A_195 = arith.constant 0 : i32
          %dma_wait3A_196 = arith.constant 0 : i32
          %dma_wait3A_197 = tpu.memref_slice %arg16[%dma_wait3A_195, %dma_wait3A_196] : memref<5120x128xf32, #tpu.memory_space<vmem_shared>> -> memref<5120x128xf32, #tpu.memory_space<vmem_shared>>
          tpu.wait_indirect_dma semaphore(%arg23 : memref<!tpu.dma_semaphore, #tpu.memory_space<semaphore_mem>>) src(%arg14 : memref<32x128xf32, #tpu.memory_space<vmem>>) dst(%dma_wait3A_197 : memref<5120x128xf32, #tpu.memory_space<vmem_shared>>)
        } else {
        }
        %dma_start3A_177 = arith.constant 0 : i32
        %dma_start3A_178 = tpu.memref_slice %arg8[%add3A_104, %dma_start3A_177] : memref<313x128xi32, #tpu.memory_space<vmem>> -> memref<1x32xi32, #tpu.memory_space<vmem>>
        %dma_start3A_179 = tpu.memref_squeeze %dma_start3A_178 : memref<1x32xi32, #tpu.memory_space<vmem>> -> memref<32xi32, #tpu.memory_space<vmem>>
        %dma_start3A_180 = arith.constant 0 : i32
        %dma_start3A_181 = arith.constant 0 : i32
        %dma_start3A_182 = tpu.memref_slice %arg16[%dma_start3A_180, %dma_start3A_181] : memref<5120x128xf32, #tpu.memory_space<vmem_shared>> -> memref<5120x128xf32, #tpu.memory_space<vmem_shared>>
        tpu.enqueue_indirect_dma source(%arg9 : memref<32x128xf32, #tpu.memory_space<vmem>>) target(%dma_start3A_182 : memref<5120x128xf32, #tpu.memory_space<vmem_shared>>) offsets(%dma_start3A_179 : memref<32xi32, #tpu.memory_space<vmem>>) semaphore(%arg23 : memref<!tpu.dma_semaphore, #tpu.memory_space<semaphore_mem>>) {add = true}
        %lt3A_183 = arith.constant 313 : i32
        %lt3A_184 = arith.cmpi slt, %add3A_106, %lt3A_183 : i32
        %convert_element_type3A_185 = arith.extui %lt3A_184 : i1 to i32
        %cond3A_186 = arith.constant 0 : i32
        %cond3A_187 = arith.cmpi ne, %convert_element_type3A_185, %cond3A_186 : i32
        scf.if %cond3A_187 {
          %dma_start3A_192 = arith.constant 32 : i32
          %dma_start3A_193 = tpu.memref_slice %arg8[%add3A_106, %dma_start3A_192] : memref<313x128xi32, #tpu.memory_space<vmem>> -> memref<1x32xi32, #tpu.memory_space<vmem>>
          %dma_start3A_194 = tpu.memref_squeeze %dma_start3A_193 : memref<1x32xi32, #tpu.memory_space<vmem>> -> memref<32xi32, #tpu.memory_space<vmem>>
          %dma_start3A_195 = arith.constant 0 : i32
          %dma_start3A_196 = tpu.memref_slice %arg2[%dma_start3A_195, %mul3A_2] : memref<10000x256xf32, #tpu.memory_space<hbm>> -> memref<5000x128xf32, #tpu.memory_space<hbm>>
          %dma_start3A_197 = arith.constant 0 : i32
          %dma_start3A_198 = arith.constant 0 : i32
          %dma_start3A_199 = tpu.memref_slice %dma_start3A_196[%dma_start3A_197, %dma_start3A_198] : memref<5000x128xf32, #tpu.memory_space<hbm>> -> memref<5000x128xf32, #tpu.memory_space<hbm>>
          tpu.enqueue_indirect_dma source(%dma_start3A_199 : memref<5000x128xf32, #tpu.memory_space<hbm>>) target(%arg14 : memref<32x128xf32, #tpu.memory_space<vmem>>) offsets(%dma_start3A_194 : memref<32xi32, #tpu.memory_space<vmem>>) semaphore(%arg22 : memref<!tpu.dma_semaphore, #tpu.memory_space<semaphore_mem>>)
        } else {
        }
        %eq3A = arith.constant 0 : i32
        %eq3A_188 = arith.cmpi eq, %arg0, %eq3A : i32
        %convert_element_type3A_189 = arith.extui %eq3A_188 : i1 to i32
        %cond3A_190 = arith.constant 0 : i32
        %cond3A_191 = arith.cmpi ne, %convert_element_type3A_189, %cond3A_190 : i32
        scf.if %cond3A_191 {
          %get3A = arith.index_cast %add3A_104 : i32 to index
          %get3A_192 = arith.constant 0 : index
          %get3A_193 = tpu.vector_load %arg8[%get3A, %get3A_192] {strides = array<i32>} : memref<313x128xi32, #tpu.memory_space<vmem>>, vector<16xi32>,
          tpu.vector_store_idx %arg15[%get3A_193], %broadcast_in_dim3A_23 {add = true} : memref<5120xf32, #tpu.memory_space<vmem>>[vector<16xi32>], vector<16xf32>,
          %get3A_194 = arith.index_cast %add3A_104 : i32 to index
          %get3A_195 = arith.constant 16 : index
          %get3A_196 = tpu.vector_load %arg8[%get3A_194, %get3A_195] {strides = array<i32>} : memref<313x128xi32, #tpu.memory_space<vmem>>, vector<16xi32>,
          tpu.vector_store_idx %arg15[%get3A_196], %broadcast_in_dim3A_23 {add = true} : memref<5120xf32, #tpu.memory_space<vmem>>[vector<16xi32>], vector<16xf32>,
        } else {
        }
      } else {
      }
      %mul3A_109 = arith.constant 6 : i32
      %mul3A_110 = arith.muli %scan3A_99, %mul3A_109 : i32
      %add3A_111 = arith.constant 1 : i32
      %add3A_112 = arith.addi %mul3A_110, %add3A_111 : i32
      %add3A_113 = arith.constant 5 : i32
      %add3A_114 = arith.addi %add3A_112, %add3A_113 : i32
      %lt3A_115 = arith.constant 313 : i32
      %lt3A_116 = arith.cmpi slt, %add3A_112, %lt3A_115 : i32
      %convert_element_type3A_117 = arith.extui %lt3A_116 : i1 to i32
      %cond3A_118 = arith.constant 0 : i32
      %cond3A_119 = arith.cmpi ne, %convert_element_type3A_117, %cond3A_118 : i32
      scf.if %cond3A_119 {
        %dma_wait3A_165 = arith.constant 32 : i32
        %dma_wait3A_166 = tpu.memref_slice %arg8[%add3A_112, %dma_wait3A_165] : memref<313x128xi32, #tpu.memory_space<vmem>> -> memref<1x32xi32, #tpu.memory_space<vmem>>
        %dma_wait3A_167 = tpu.memref_squeeze %dma_wait3A_166 : memref<1x32xi32, #tpu.memory_space<vmem>> -> memref<32xi32, #tpu.memory_space<vmem>>
        %dma_wait3A_168 = arith.constant 0 : i32
        %dma_wait3A_169 = tpu.memref_slice %arg2[%dma_wait3A_168, %mul3A_2] : memref<10000x256xf32, #tpu.memory_space<hbm>> -> memref<5000x128xf32, #tpu.memory_space<hbm>>
        %dma_wait3A_170 = arith.constant 0 : i32
        %dma_wait3A_171 = arith.constant 0 : i32
        %dma_wait3A_172 = tpu.memref_slice %dma_wait3A_169[%dma_wait3A_170, %dma_wait3A_171] : memref<5000x128xf32, #tpu.memory_space<hbm>> -> memref<5000x128xf32, #tpu.memory_space<hbm>>
        tpu.wait_indirect_dma semaphore(%arg18 : memref<!tpu.dma_semaphore, #tpu.memory_space<semaphore_mem>>) src(%dma_wait3A_172 : memref<5000x128xf32, #tpu.memory_space<hbm>>) dst(%arg10 : memref<32x128xf32, #tpu.memory_space<vmem>>)
        %ge3A = arith.constant 1 : i32
        %ge3A_173 = arith.cmpi sge, %add3A_112, %ge3A : i32
        %convert_element_type3A_174 = arith.extui %ge3A_173 : i1 to i32
        %cond3A_175 = arith.constant 0 : i32
        %cond3A_176 = arith.cmpi ne, %convert_element_type3A_174, %cond3A_175 : i32
        scf.if %cond3A_176 {
          %dma_wait3A_192 = arith.constant 0 : i32
          %dma_wait3A_193 = tpu.memref_slice %arg8[%add3A_112, %dma_wait3A_192] : memref<313x128xi32, #tpu.memory_space<vmem>> -> memref<1x32xi32, #tpu.memory_space<vmem>>
          %dma_wait3A_194 = tpu.memref_squeeze %dma_wait3A_193 : memref<1x32xi32, #tpu.memory_space<vmem>> -> memref<32xi32, #tpu.memory_space<vmem>>
          %dma_wait3A_195 = arith.constant 0 : i32
          %dma_wait3A_196 = arith.constant 0 : i32
          %dma_wait3A_197 = tpu.memref_slice %arg16[%dma_wait3A_195, %dma_wait3A_196] : memref<5120x128xf32, #tpu.memory_space<vmem_shared>> -> memref<5120x128xf32, #tpu.memory_space<vmem_shared>>
          tpu.wait_indirect_dma semaphore(%arg23 : memref<!tpu.dma_semaphore, #tpu.memory_space<semaphore_mem>>) src(%arg9 : memref<32x128xf32, #tpu.memory_space<vmem>>) dst(%dma_wait3A_197 : memref<5120x128xf32, #tpu.memory_space<vmem_shared>>)
        } else {
        }
        %dma_start3A_177 = arith.constant 0 : i32
        %dma_start3A_178 = tpu.memref_slice %arg8[%add3A_112, %dma_start3A_177] : memref<313x128xi32, #tpu.memory_space<vmem>> -> memref<1x32xi32, #tpu.memory_space<vmem>>
        %dma_start3A_179 = tpu.memref_squeeze %dma_start3A_178 : memref<1x32xi32, #tpu.memory_space<vmem>> -> memref<32xi32, #tpu.memory_space<vmem>>
        %dma_start3A_180 = arith.constant 0 : i32
        %dma_start3A_181 = arith.constant 0 : i32
        %dma_start3A_182 = tpu.memref_slice %arg16[%dma_start3A_180, %dma_start3A_181] : memref<5120x128xf32, #tpu.memory_space<vmem_shared>> -> memref<5120x128xf32, #tpu.memory_space<vmem_shared>>
        tpu.enqueue_indirect_dma source(%arg10 : memref<32x128xf32, #tpu.memory_space<vmem>>) target(%dma_start3A_182 : memref<5120x128xf32, #tpu.memory_space<vmem_shared>>) offsets(%dma_start3A_179 : memref<32xi32, #tpu.memory_space<vmem>>) semaphore(%arg23 : memref<!tpu.dma_semaphore, #tpu.memory_space<semaphore_mem>>) {add = true}
        %lt3A_183 = arith.constant 313 : i32
        %lt3A_184 = arith.cmpi slt, %add3A_114, %lt3A_183 : i32
        %convert_element_type3A_185 = arith.extui %lt3A_184 : i1 to i32
        %cond3A_186 = arith.constant 0 : i32
        %cond3A_187 = arith.cmpi ne, %convert_element_type3A_185, %cond3A_186 : i32
        scf.if %cond3A_187 {
          %dma_start3A_192 = arith.constant 32 : i32
          %dma_start3A_193 = tpu.memref_slice %arg8[%add3A_114, %dma_start3A_192] : memref<313x128xi32, #tpu.memory_space<vmem>> -> memref<1x32xi32, #tpu.memory_space<vmem>>
          %dma_start3A_194 = tpu.memref_squeeze %dma_start3A_193 : memref<1x32xi32, #tpu.memory_space<vmem>> -> memref<32xi32, #tpu.memory_space<vmem>>
          %dma_start3A_195 = arith.constant 0 : i32
          %dma_start3A_196 = tpu.memref_slice %arg2[%dma_start3A_195, %mul3A_2] : memref<10000x256xf32, #tpu.memory_space<hbm>> -> memref<5000x128xf32, #tpu.memory_space<hbm>>
          %dma_start3A_197 = arith.constant 0 : i32
          %dma_start3A_198 = arith.constant 0 : i32
          %dma_start3A_199 = tpu.memref_slice %dma_start3A_196[%dma_start3A_197, %dma_start3A_198] : memref<5000x128xf32, #tpu.memory_space<hbm>> -> memref<5000x128xf32, #tpu.memory_space<hbm>>
          tpu.enqueue_indirect_dma source(%dma_start3A_199 : memref<5000x128xf32, #tpu.memory_space<hbm>>) target(%arg9 : memref<32x128xf32, #tpu.memory_space<vmem>>) offsets(%dma_start3A_194 : memref<32xi32, #tpu.memory_space<vmem>>) semaphore(%arg17 : memref<!tpu.dma_semaphore, #tpu.memory_space<semaphore_mem>>)
        } else {
        }
        %eq3A = arith.constant 1 : i32
        %eq3A_188 = arith.cmpi eq, %arg0, %eq3A : i32
        %convert_element_type3A_189 = arith.extui %eq3A_188 : i1 to i32
        %cond3A_190 = arith.constant 0 : i32
        %cond3A_191 = arith.cmpi ne, %convert_element_type3A_189, %cond3A_190 : i32
        scf.if %cond3A_191 {
          %get3A = arith.index_cast %add3A_112 : i32 to index
          %get3A_192 = arith.constant 0 : index
          %get3A_193 = tpu.vector_load %arg8[%get3A, %get3A_192] {strides = array<i32>} : memref<313x128xi32, #tpu.memory_space<vmem>>, vector<16xi32>,
          tpu.vector_store_idx %arg15[%get3A_193], %broadcast_in_dim3A_23 {add = true} : memref<5120xf32, #tpu.memory_space<vmem>>[vector<16xi32>], vector<16xf32>,
          %get3A_194 = arith.index_cast %add3A_112 : i32 to index
          %get3A_195 = arith.constant 16 : index
          %get3A_196 = tpu.vector_load %arg8[%get3A_194, %get3A_195] {strides = array<i32>} : memref<313x128xi32, #tpu.memory_space<vmem>>, vector<16xi32>,
          tpu.vector_store_idx %arg15[%get3A_196], %broadcast_in_dim3A_23 {add = true} : memref<5120xf32, #tpu.memory_space<vmem>>[vector<16xi32>], vector<16xf32>,
        } else {
        }
      } else {
      }
      %mul3A_120 = arith.constant 6 : i32
      %mul3A_121 = arith.muli %scan3A_99, %mul3A_120 : i32
      %add3A_122 = arith.constant 2 : i32
      %add3A_123 = arith.addi %mul3A_121, %add3A_122 : i32
      %add3A_124 = arith.constant 5 : i32
      %add3A_125 = arith.addi %add3A_123, %add3A_124 : i32
      %lt3A_126 = arith.constant 313 : i32
      %lt3A_127 = arith.cmpi slt, %add3A_123, %lt3A_126 : i32
      %convert_element_type3A_128 = arith.extui %lt3A_127 : i1 to i32
      %cond3A_129 = arith.constant 0 : i32
      %cond3A_130 = arith.cmpi ne, %convert_element_type3A_128, %cond3A_129 : i32
      scf.if %cond3A_130 {
        %dma_wait3A_165 = arith.constant 32 : i32
        %dma_wait3A_166 = tpu.memref_slice %arg8[%add3A_123, %dma_wait3A_165] : memref<313x128xi32, #tpu.memory_space<vmem>> -> memref<1x32xi32, #tpu.memory_space<vmem>>
        %dma_wait3A_167 = tpu.memref_squeeze %dma_wait3A_166 : memref<1x32xi32, #tpu.memory_space<vmem>> -> memref<32xi32, #tpu.memory_space<vmem>>
        %dma_wait3A_168 = arith.constant 0 : i32
        %dma_wait3A_169 = tpu.memref_slice %arg2[%dma_wait3A_168, %mul3A_2] : memref<10000x256xf32, #tpu.memory_space<hbm>> -> memref<5000x128xf32, #tpu.memory_space<hbm>>
        %dma_wait3A_170 = arith.constant 0 : i32
        %dma_wait3A_171 = arith.constant 0 : i32
        %dma_wait3A_172 = tpu.memref_slice %dma_wait3A_169[%dma_wait3A_170, %dma_wait3A_171] : memref<5000x128xf32, #tpu.memory_space<hbm>> -> memref<5000x128xf32, #tpu.memory_space<hbm>>
        tpu.wait_indirect_dma semaphore(%arg19 : memref<!tpu.dma_semaphore, #tpu.memory_space<semaphore_mem>>) src(%dma_wait3A_172 : memref<5000x128xf32, #tpu.memory_space<hbm>>) dst(%arg11 : memref<32x128xf32, #tpu.memory_space<vmem>>)
        %ge3A = arith.constant 1 : i32
        %ge3A_173 = arith.cmpi sge, %add3A_123, %ge3A : i32
        %convert_element_type3A_174 = arith.extui %ge3A_173 : i1 to i32
        %cond3A_175 = arith.constant 0 : i32
        %cond3A_176 = arith.cmpi ne, %convert_element_type3A_174, %cond3A_175 : i32
        scf.if %cond3A_176 {
          %dma_wait3A_192 = arith.constant 0 : i32
          %dma_wait3A_193 = tpu.memref_slice %arg8[%add3A_123, %dma_wait3A_192] : memref<313x128xi32, #tpu.memory_space<vmem>> -> memref<1x32xi32, #tpu.memory_space<vmem>>
          %dma_wait3A_194 = tpu.memref_squeeze %dma_wait3A_193 : memref<1x32xi32, #tpu.memory_space<vmem>> -> memref<32xi32, #tpu.memory_space<vmem>>
          %dma_wait3A_195 = arith.constant 0 : i32
          %dma_wait3A_196 = arith.constant 0 : i32
          %dma_wait3A_197 = tpu.memref_slice %arg16[%dma_wait3A_195, %dma_wait3A_196] : memref<5120x128xf32, #tpu.memory_space<vmem_shared>> -> memref<5120x128xf32, #tpu.memory_space<vmem_shared>>
          tpu.wait_indirect_dma semaphore(%arg23 : memref<!tpu.dma_semaphore, #tpu.memory_space<semaphore_mem>>) src(%arg10 : memref<32x128xf32, #tpu.memory_space<vmem>>) dst(%dma_wait3A_197 : memref<5120x128xf32, #tpu.memory_space<vmem_shared>>)
        } else {
        }
        %dma_start3A_177 = arith.constant 0 : i32
        %dma_start3A_178 = tpu.memref_slice %arg8[%add3A_123, %dma_start3A_177] : memref<313x128xi32, #tpu.memory_space<vmem>> -> memref<1x32xi32, #tpu.memory_space<vmem>>
        %dma_start3A_179 = tpu.memref_squeeze %dma_start3A_178 : memref<1x32xi32, #tpu.memory_space<vmem>> -> memref<32xi32, #tpu.memory_space<vmem>>
        %dma_start3A_180 = arith.constant 0 : i32
        %dma_start3A_181 = arith.constant 0 : i32
        %dma_start3A_182 = tpu.memref_slice %arg16[%dma_start3A_180, %dma_start3A_181] : memref<5120x128xf32, #tpu.memory_space<vmem_shared>> -> memref<5120x128xf32, #tpu.memory_space<vmem_shared>>
        tpu.enqueue_indirect_dma source(%arg11 : memref<32x128xf32, #tpu.memory_space<vmem>>) target(%dma_start3A_182 : memref<5120x128xf32, #tpu.memory_space<vmem_shared>>) offsets(%dma_start3A_179 : memref<32xi32, #tpu.memory_space<vmem>>) semaphore(%arg23 : memref<!tpu.dma_semaphore, #tpu.memory_space<semaphore_mem>>) {add = true}
        %lt3A_183 = arith.constant 313 : i32
        %lt3A_184 = arith.cmpi slt, %add3A_125, %lt3A_183 : i32
        %convert_element_type3A_185 = arith.extui %lt3A_184 : i1 to i32
        %cond3A_186 = arith.constant 0 : i32
        %cond3A_187 = arith.cmpi ne, %convert_element_type3A_185, %cond3A_186 : i32
        scf.if %cond3A_187 {
          %dma_start3A_192 = arith.constant 32 : i32
          %dma_start3A_193 = tpu.memref_slice %arg8[%add3A_125, %dma_start3A_192] : memref<313x128xi32, #tpu.memory_space<vmem>> -> memref<1x32xi32, #tpu.memory_space<vmem>>
          %dma_start3A_194 = tpu.memref_squeeze %dma_start3A_193 : memref<1x32xi32, #tpu.memory_space<vmem>> -> memref<32xi32, #tpu.memory_space<vmem>>
          %dma_start3A_195 = arith.constant 0 : i32
          %dma_start3A_196 = tpu.memref_slice %arg2[%dma_start3A_195, %mul3A_2] : memref<10000x256xf32, #tpu.memory_space<hbm>> -> memref<5000x128xf32, #tpu.memory_space<hbm>>
          %dma_start3A_197 = arith.constant 0 : i32
          %dma_start3A_198 = arith.constant 0 : i32
          %dma_start3A_199 = tpu.memref_slice %dma_start3A_196[%dma_start3A_197, %dma_start3A_198] : memref<5000x128xf32, #tpu.memory_space<hbm>> -> memref<5000x128xf32, #tpu.memory_space<hbm>>
          tpu.enqueue_indirect_dma source(%dma_start3A_199 : memref<5000x128xf32, #tpu.memory_space<hbm>>) target(%arg10 : memref<32x128xf32, #tpu.memory_space<vmem>>) offsets(%dma_start3A_194 : memref<32xi32, #tpu.memory_space<vmem>>) semaphore(%arg18 : memref<!tpu.dma_semaphore, #tpu.memory_space<semaphore_mem>>)
        } else {
        }
        %eq3A = arith.constant 0 : i32
        %eq3A_188 = arith.cmpi eq, %arg0, %eq3A : i32
        %convert_element_type3A_189 = arith.extui %eq3A_188 : i1 to i32
        %cond3A_190 = arith.constant 0 : i32
        %cond3A_191 = arith.cmpi ne, %convert_element_type3A_189, %cond3A_190 : i32
        scf.if %cond3A_191 {
          %get3A = arith.index_cast %add3A_123 : i32 to index
          %get3A_192 = arith.constant 0 : index
          %get3A_193 = tpu.vector_load %arg8[%get3A, %get3A_192] {strides = array<i32>} : memref<313x128xi32, #tpu.memory_space<vmem>>, vector<16xi32>,
          tpu.vector_store_idx %arg15[%get3A_193], %broadcast_in_dim3A_23 {add = true} : memref<5120xf32, #tpu.memory_space<vmem>>[vector<16xi32>], vector<16xf32>,
          %get3A_194 = arith.index_cast %add3A_123 : i32 to index
          %get3A_195 = arith.constant 16 : index
          %get3A_196 = tpu.vector_load %arg8[%get3A_194, %get3A_195] {strides = array<i32>} : memref<313x128xi32, #tpu.memory_space<vmem>>, vector<16xi32>,
          tpu.vector_store_idx %arg15[%get3A_196], %broadcast_in_dim3A_23 {add = true} : memref<5120xf32, #tpu.memory_space<vmem>>[vector<16xi32>], vector<16xf32>,
        } else {
        }
      } else {
      }
      %mul3A_131 = arith.constant 6 : i32
      %mul3A_132 = arith.muli %scan3A_99, %mul3A_131 : i32
      %add3A_133 = arith.constant 3 : i32
      %add3A_134 = arith.addi %mul3A_132, %add3A_133 : i32
      %add3A_135 = arith.constant 5 : i32
      %add3A_136 = arith.addi %add3A_134, %add3A_135 : i32
      %lt3A_137 = arith.constant 313 : i32
      %lt3A_138 = arith.cmpi slt, %add3A_134, %lt3A_137 : i32
      %convert_element_type3A_139 = arith.extui %lt3A_138 : i1 to i32
      %cond3A_140 = arith.constant 0 : i32
      %cond3A_141 = arith.cmpi ne, %convert_element_type3A_139, %cond3A_140 : i32
      scf.if %cond3A_141 {
        %dma_wait3A_165 = arith.constant 32 : i32
        %dma_wait3A_166 = tpu.memref_slice %arg8[%add3A_134, %dma_wait3A_165] : memref<313x128xi32, #tpu.memory_space<vmem>> -> memref<1x32xi32, #tpu.memory_space<vmem>>
        %dma_wait3A_167 = tpu.memref_squeeze %dma_wait3A_166 : memref<1x32xi32, #tpu.memory_space<vmem>> -> memref<32xi32, #tpu.memory_space<vmem>>
        %dma_wait3A_168 = arith.constant 0 : i32
        %dma_wait3A_169 = tpu.memref_slice %arg2[%dma_wait3A_168, %mul3A_2] : memref<10000x256xf32, #tpu.memory_space<hbm>> -> memref<5000x128xf32, #tpu.memory_space<hbm>>
        %dma_wait3A_170 = arith.constant 0 : i32
        %dma_wait3A_171 = arith.constant 0 : i32
        %dma_wait3A_172 = tpu.memref_slice %dma_wait3A_169[%dma_wait3A_170, %dma_wait3A_171] : memref<5000x128xf32, #tpu.memory_space<hbm>> -> memref<5000x128xf32, #tpu.memory_space<hbm>>
        tpu.wait_indirect_dma semaphore(%arg20 : memref<!tpu.dma_semaphore, #tpu.memory_space<semaphore_mem>>) src(%dma_wait3A_172 : memref<5000x128xf32, #tpu.memory_space<hbm>>) dst(%arg12 : memref<32x128xf32, #tpu.memory_space<vmem>>)
        %ge3A = arith.constant 1 : i32
        %ge3A_173 = arith.cmpi sge, %add3A_134, %ge3A : i32
        %convert_element_type3A_174 = arith.extui %ge3A_173 : i1 to i32
        %cond3A_175 = arith.constant 0 : i32
        %cond3A_176 = arith.cmpi ne, %convert_element_type3A_174, %cond3A_175 : i32
        scf.if %cond3A_176 {
          %dma_wait3A_192 = arith.constant 0 : i32
          %dma_wait3A_193 = tpu.memref_slice %arg8[%add3A_134, %dma_wait3A_192] : memref<313x128xi32, #tpu.memory_space<vmem>> -> memref<1x32xi32, #tpu.memory_space<vmem>>
          %dma_wait3A_194 = tpu.memref_squeeze %dma_wait3A_193 : memref<1x32xi32, #tpu.memory_space<vmem>> -> memref<32xi32, #tpu.memory_space<vmem>>
          %dma_wait3A_195 = arith.constant 0 : i32
          %dma_wait3A_196 = arith.constant 0 : i32
          %dma_wait3A_197 = tpu.memref_slice %arg16[%dma_wait3A_195, %dma_wait3A_196] : memref<5120x128xf32, #tpu.memory_space<vmem_shared>> -> memref<5120x128xf32, #tpu.memory_space<vmem_shared>>
          tpu.wait_indirect_dma semaphore(%arg23 : memref<!tpu.dma_semaphore, #tpu.memory_space<semaphore_mem>>) src(%arg11 : memref<32x128xf32, #tpu.memory_space<vmem>>) dst(%dma_wait3A_197 : memref<5120x128xf32, #tpu.memory_space<vmem_shared>>)
        } else {
        }
        %dma_start3A_177 = arith.constant 0 : i32
        %dma_start3A_178 = tpu.memref_slice %arg8[%add3A_134, %dma_start3A_177] : memref<313x128xi32, #tpu.memory_space<vmem>> -> memref<1x32xi32, #tpu.memory_space<vmem>>
        %dma_start3A_179 = tpu.memref_squeeze %dma_start3A_178 : memref<1x32xi32, #tpu.memory_space<vmem>> -> memref<32xi32, #tpu.memory_space<vmem>>
        %dma_start3A_180 = arith.constant 0 : i32
        %dma_start3A_181 = arith.constant 0 : i32
        %dma_start3A_182 = tpu.memref_slice %arg16[%dma_start3A_180, %dma_start3A_181] : memref<5120x128xf32, #tpu.memory_space<vmem_shared>> -> memref<5120x128xf32, #tpu.memory_space<vmem_shared>>
        tpu.enqueue_indirect_dma source(%arg12 : memref<32x128xf32, #tpu.memory_space<vmem>>) target(%dma_start3A_182 : memref<5120x128xf32, #tpu.memory_space<vmem_shared>>) offsets(%dma_start3A_179 : memref<32xi32, #tpu.memory_space<vmem>>) semaphore(%arg23 : memref<!tpu.dma_semaphore, #tpu.memory_space<semaphore_mem>>) {add = true}
        %lt3A_183 = arith.constant 313 : i32
        %lt3A_184 = arith.cmpi slt, %add3A_136, %lt3A_183 : i32
        %convert_element_type3A_185 = arith.extui %lt3A_184 : i1 to i32
        %cond3A_186 = arith.constant 0 : i32
        %cond3A_187 = arith.cmpi ne, %convert_element_type3A_185, %cond3A_186 : i32
        scf.if %cond3A_187 {
          %dma_start3A_192 = arith.constant 32 : i32
          %dma_start3A_193 = tpu.memref_slice %arg8[%add3A_136, %dma_start3A_192] : memref<313x128xi32, #tpu.memory_space<vmem>> -> memref<1x32xi32, #tpu.memory_space<vmem>>
          %dma_start3A_194 = tpu.memref_squeeze %dma_start3A_193 : memref<1x32xi32, #tpu.memory_space<vmem>> -> memref<32xi32, #tpu.memory_space<vmem>>
          %dma_start3A_195 = arith.constant 0 : i32
          %dma_start3A_196 = tpu.memref_slice %arg2[%dma_start3A_195, %mul3A_2] : memref<10000x256xf32, #tpu.memory_space<hbm>> -> memref<5000x128xf32, #tpu.memory_space<hbm>>
          %dma_start3A_197 = arith.constant 0 : i32
          %dma_start3A_198 = arith.constant 0 : i32
          %dma_start3A_199 = tpu.memref_slice %dma_start3A_196[%dma_start3A_197, %dma_start3A_198] : memref<5000x128xf32, #tpu.memory_space<hbm>> -> memref<5000x128xf32, #tpu.memory_space<hbm>>
          tpu.enqueue_indirect_dma source(%dma_start3A_199 : memref<5000x128xf32, #tpu.memory_space<hbm>>) target(%arg11 : memref<32x128xf32, #tpu.memory_space<vmem>>) offsets(%dma_start3A_194 : memref<32xi32, #tpu.memory_space<vmem>>) semaphore(%arg19 : memref<!tpu.dma_semaphore, #tpu.memory_space<semaphore_mem>>)
        } else {
        }
        %eq3A = arith.constant 1 : i32
        %eq3A_188 = arith.cmpi eq, %arg0, %eq3A : i32
        %convert_element_type3A_189 = arith.extui %eq3A_188 : i1 to i32
        %cond3A_190 = arith.constant 0 : i32
        %cond3A_191 = arith.cmpi ne, %convert_element_type3A_189, %cond3A_190 : i32
        scf.if %cond3A_191 {
          %get3A = arith.index_cast %add3A_134 : i32 to index
          %get3A_192 = arith.constant 0 : index
          %get3A_193 = tpu.vector_load %arg8[%get3A, %get3A_192] {strides = array<i32>} : memref<313x128xi32, #tpu.memory_space<vmem>>, vector<16xi32>,
          tpu.vector_store_idx %arg15[%get3A_193], %broadcast_in_dim3A_23 {add = true} : memref<5120xf32, #tpu.memory_space<vmem>>[vector<16xi32>], vector<16xf32>,
          %get3A_194 = arith.index_cast %add3A_134 : i32 to index
          %get3A_195 = arith.constant 16 : index
          %get3A_196 = tpu.vector_load %arg8[%get3A_194, %get3A_195] {strides = array<i32>} : memref<313x128xi32, #tpu.memory_space<vmem>>, vector<16xi32>,
          tpu.vector_store_idx %arg15[%get3A_196], %broadcast_in_dim3A_23 {add = true} : memref<5120xf32, #tpu.memory_space<vmem>>[vector<16xi32>], vector<16xf32>,
        } else {
        }
      } else {
      }
      %mul3A_142 = arith.constant 6 : i32
      %mul3A_143 = arith.muli %scan3A_99, %mul3A_142 : i32
      %add3A_144 = arith.constant 4 : i32
      %add3A_145 = arith.addi %mul3A_143, %add3A_144 : i32
      %add3A_146 = arith.constant 5 : i32
      %add3A_147 = arith.addi %add3A_145, %add3A_146 : i32
      %lt3A_148 = arith.constant 313 : i32
      %lt3A_149 = arith.cmpi slt, %add3A_145, %lt3A_148 : i32
      %convert_element_type3A_150 = arith.extui %lt3A_149 : i1 to i32
      %cond3A_151 = arith.constant 0 : i32
      %cond3A_152 = arith.cmpi ne, %convert_element_type3A_150, %cond3A_151 : i32
      scf.if %cond3A_152 {
        %dma_wait3A_165 = arith.constant 32 : i32
        %dma_wait3A_166 = tpu.memref_slice %arg8[%add3A_145, %dma_wait3A_165] : memref<313x128xi32, #tpu.memory_space<vmem>> -> memref<1x32xi32, #tpu.memory_space<vmem>>
        %dma_wait3A_167 = tpu.memref_squeeze %dma_wait3A_166 : memref<1x32xi32, #tpu.memory_space<vmem>> -> memref<32xi32, #tpu.memory_space<vmem>>
        %dma_wait3A_168 = arith.constant 0 : i32
        %dma_wait3A_169 = tpu.memref_slice %arg2[%dma_wait3A_168, %mul3A_2] : memref<10000x256xf32, #tpu.memory_space<hbm>> -> memref<5000x128xf32, #tpu.memory_space<hbm>>
        %dma_wait3A_170 = arith.constant 0 : i32
        %dma_wait3A_171 = arith.constant 0 : i32
        %dma_wait3A_172 = tpu.memref_slice %dma_wait3A_169[%dma_wait3A_170, %dma_wait3A_171] : memref<5000x128xf32, #tpu.memory_space<hbm>> -> memref<5000x128xf32, #tpu.memory_space<hbm>>
        tpu.wait_indirect_dma semaphore(%arg21 : memref<!tpu.dma_semaphore, #tpu.memory_space<semaphore_mem>>) src(%dma_wait3A_172 : memref<5000x128xf32, #tpu.memory_space<hbm>>) dst(%arg13 : memref<32x128xf32, #tpu.memory_space<vmem>>)
        %ge3A = arith.constant 1 : i32
        %ge3A_173 = arith.cmpi sge, %add3A_145, %ge3A : i32
        %convert_element_type3A_174 = arith.extui %ge3A_173 : i1 to i32
        %cond3A_175 = arith.constant 0 : i32
        %cond3A_176 = arith.cmpi ne, %convert_element_type3A_174, %cond3A_175 : i32
        scf.if %cond3A_176 {
          %dma_wait3A_192 = arith.constant 0 : i32
          %dma_wait3A_193 = tpu.memref_slice %arg8[%add3A_145, %dma_wait3A_192] : memref<313x128xi32, #tpu.memory_space<vmem>> -> memref<1x32xi32, #tpu.memory_space<vmem>>
          %dma_wait3A_194 = tpu.memref_squeeze %dma_wait3A_193 : memref<1x32xi32, #tpu.memory_space<vmem>> -> memref<32xi32, #tpu.memory_space<vmem>>
          %dma_wait3A_195 = arith.constant 0 : i32
          %dma_wait3A_196 = arith.constant 0 : i32
          %dma_wait3A_197 = tpu.memref_slice %arg16[%dma_wait3A_195, %dma_wait3A_196] : memref<5120x128xf32, #tpu.memory_space<vmem_shared>> -> memref<5120x128xf32, #tpu.memory_space<vmem_shared>>
          tpu.wait_indirect_dma semaphore(%arg23 : memref<!tpu.dma_semaphore, #tpu.memory_space<semaphore_mem>>) src(%arg12 : memref<32x128xf32, #tpu.memory_space<vmem>>) dst(%dma_wait3A_197 : memref<5120x128xf32, #tpu.memory_space<vmem_shared>>)
        } else {
        }
        %dma_start3A_177 = arith.constant 0 : i32
        %dma_start3A_178 = tpu.memref_slice %arg8[%add3A_145, %dma_start3A_177] : memref<313x128xi32, #tpu.memory_space<vmem>> -> memref<1x32xi32, #tpu.memory_space<vmem>>
        %dma_start3A_179 = tpu.memref_squeeze %dma_start3A_178 : memref<1x32xi32, #tpu.memory_space<vmem>> -> memref<32xi32, #tpu.memory_space<vmem>>
        %dma_start3A_180 = arith.constant 0 : i32
        %dma_start3A_181 = arith.constant 0 : i32
        %dma_start3A_182 = tpu.memref_slice %arg16[%dma_start3A_180, %dma_start3A_181] : memref<5120x128xf32, #tpu.memory_space<vmem_shared>> -> memref<5120x128xf32, #tpu.memory_space<vmem_shared>>
        tpu.enqueue_indirect_dma source(%arg13 : memref<32x128xf32, #tpu.memory_space<vmem>>) target(%dma_start3A_182 : memref<5120x128xf32, #tpu.memory_space<vmem_shared>>) offsets(%dma_start3A_179 : memref<32xi32, #tpu.memory_space<vmem>>) semaphore(%arg23 : memref<!tpu.dma_semaphore, #tpu.memory_space<semaphore_mem>>) {add = true}
        %lt3A_183 = arith.constant 313 : i32
        %lt3A_184 = arith.cmpi slt, %add3A_147, %lt3A_183 : i32
        %convert_element_type3A_185 = arith.extui %lt3A_184 : i1 to i32
        %cond3A_186 = arith.constant 0 : i32
        %cond3A_187 = arith.cmpi ne, %convert_element_type3A_185, %cond3A_186 : i32
        scf.if %cond3A_187 {
          %dma_start3A_192 = arith.constant 32 : i32
          %dma_start3A_193 = tpu.memref_slice %arg8[%add3A_147, %dma_start3A_192] : memref<313x128xi32, #tpu.memory_space<vmem>> -> memref<1x32xi32, #tpu.memory_space<vmem>>
          %dma_start3A_194 = tpu.memref_squeeze %dma_start3A_193 : memref<1x32xi32, #tpu.memory_space<vmem>> -> memref<32xi32, #tpu.memory_space<vmem>>
          %dma_start3A_195 = arith.constant 0 : i32
          %dma_start3A_196 = tpu.memref_slice %arg2[%dma_start3A_195, %mul3A_2] : memref<10000x256xf32, #tpu.memory_space<hbm>> -> memref<5000x128xf32, #tpu.memory_space<hbm>>
          %dma_start3A_197 = arith.constant 0 : i32
          %dma_start3A_198 = arith.constant 0 : i32
          %dma_start3A_199 = tpu.memref_slice %dma_start3A_196[%dma_start3A_197, %dma_start3A_198] : memref<5000x128xf32, #tpu.memory_space<hbm>> -> memref<5000x128xf32, #tpu.memory_space<hbm>>
          tpu.enqueue_indirect_dma source(%dma_start3A_199 : memref<5000x128xf32, #tpu.memory_space<hbm>>) target(%arg12 : memref<32x128xf32, #tpu.memory_space<vmem>>) offsets(%dma_start3A_194 : memref<32xi32, #tpu.memory_space<vmem>>) semaphore(%arg20 : memref<!tpu.dma_semaphore, #tpu.memory_space<semaphore_mem>>)
        } else {
        }
        %eq3A = arith.constant 0 : i32
        %eq3A_188 = arith.cmpi eq, %arg0, %eq3A : i32
        %convert_element_type3A_189 = arith.extui %eq3A_188 : i1 to i32
        %cond3A_190 = arith.constant 0 : i32
        %cond3A_191 = arith.cmpi ne, %convert_element_type3A_189, %cond3A_190 : i32
        scf.if %cond3A_191 {
          %get3A = arith.index_cast %add3A_145 : i32 to index
          %get3A_192 = arith.constant 0 : index
          %get3A_193 = tpu.vector_load %arg8[%get3A, %get3A_192] {strides = array<i32>} : memref<313x128xi32, #tpu.memory_space<vmem>>, vector<16xi32>,
          tpu.vector_store_idx %arg15[%get3A_193], %broadcast_in_dim3A_23 {add = true} : memref<5120xf32, #tpu.memory_space<vmem>>[vector<16xi32>], vector<16xf32>,
          %get3A_194 = arith.index_cast %add3A_145 : i32 to index
          %get3A_195 = arith.constant 16 : index
          %get3A_196 = tpu.vector_load %arg8[%get3A_194, %get3A_195] {strides = array<i32>} : memref<313x128xi32, #tpu.memory_space<vmem>>, vector<16xi32>,
          tpu.vector_store_idx %arg15[%get3A_196], %broadcast_in_dim3A_23 {add = true} : memref<5120xf32, #tpu.memory_space<vmem>>[vector<16xi32>], vector<16xf32>,
        } else {
        }
      } else {
      }
      %mul3A_153 = arith.constant 6 : i32
      %mul3A_154 = arith.muli %scan3A_99, %mul3A_153 : i32
      %add3A_155 = arith.constant 5 : i32
      %add3A_156 = arith.addi %mul3A_154, %add3A_155 : i32
      %add3A_157 = arith.constant 5 : i32
      %add3A_158 = arith.addi %add3A_156, %add3A_157 : i32
      %lt3A_159 = arith.constant 313 : i32
      %lt3A_160 = arith.cmpi slt, %add3A_156, %lt3A_159 : i32
      %convert_element_type3A_161 = arith.extui %lt3A_160 : i1 to i32
      %cond3A_162 = arith.constant 0 : i32
      %cond3A_163 = arith.cmpi ne, %convert_element_type3A_161, %cond3A_162 : i32
      scf.if %cond3A_163 {
        %dma_wait3A_165 = arith.constant 32 : i32
        %dma_wait3A_166 = tpu.memref_slice %arg8[%add3A_156, %dma_wait3A_165] : memref<313x128xi32, #tpu.memory_space<vmem>> -> memref<1x32xi32, #tpu.memory_space<vmem>>
        %dma_wait3A_167 = tpu.memref_squeeze %dma_wait3A_166 : memref<1x32xi32, #tpu.memory_space<vmem>> -> memref<32xi32, #tpu.memory_space<vmem>>
        %dma_wait3A_168 = arith.constant 0 : i32
        %dma_wait3A_169 = tpu.memref_slice %arg2[%dma_wait3A_168, %mul3A_2] : memref<10000x256xf32, #tpu.memory_space<hbm>> -> memref<5000x128xf32, #tpu.memory_space<hbm>>
        %dma_wait3A_170 = arith.constant 0 : i32
        %dma_wait3A_171 = arith.constant 0 : i32
        %dma_wait3A_172 = tpu.memref_slice %dma_wait3A_169[%dma_wait3A_170, %dma_wait3A_171] : memref<5000x128xf32, #tpu.memory_space<hbm>> -> memref<5000x128xf32, #tpu.memory_space<hbm>>
        tpu.wait_indirect_dma semaphore(%arg22 : memref<!tpu.dma_semaphore, #tpu.memory_space<semaphore_mem>>) src(%dma_wait3A_172 : memref<5000x128xf32, #tpu.memory_space<hbm>>) dst(%arg14 : memref<32x128xf32, #tpu.memory_space<vmem>>)
        %ge3A = arith.constant 1 : i32
        %ge3A_173 = arith.cmpi sge, %add3A_156, %ge3A : i32
        %convert_element_type3A_174 = arith.extui %ge3A_173 : i1 to i32
        %cond3A_175 = arith.constant 0 : i32
        %cond3A_176 = arith.cmpi ne, %convert_element_type3A_174, %cond3A_175 : i32
        scf.if %cond3A_176 {
          %dma_wait3A_192 = arith.constant 0 : i32
          %dma_wait3A_193 = tpu.memref_slice %arg8[%add3A_156, %dma_wait3A_192] : memref<313x128xi32, #tpu.memory_space<vmem>> -> memref<1x32xi32, #tpu.memory_space<vmem>>
          %dma_wait3A_194 = tpu.memref_squeeze %dma_wait3A_193 : memref<1x32xi32, #tpu.memory_space<vmem>> -> memref<32xi32, #tpu.memory_space<vmem>>
          %dma_wait3A_195 = arith.constant 0 : i32
          %dma_wait3A_196 = arith.constant 0 : i32
          %dma_wait3A_197 = tpu.memref_slice %arg16[%dma_wait3A_195, %dma_wait3A_196] : memref<5120x128xf32, #tpu.memory_space<vmem_shared>> -> memref<5120x128xf32, #tpu.memory_space<vmem_shared>>
          tpu.wait_indirect_dma semaphore(%arg23 : memref<!tpu.dma_semaphore, #tpu.memory_space<semaphore_mem>>) src(%arg13 : memref<32x128xf32, #tpu.memory_space<vmem>>) dst(%dma_wait3A_197 : memref<5120x128xf32, #tpu.memory_space<vmem_shared>>)
        } else {
        }
        %dma_start3A_177 = arith.constant 0 : i32
        %dma_start3A_178 = tpu.memref_slice %arg8[%add3A_156, %dma_start3A_177] : memref<313x128xi32, #tpu.memory_space<vmem>> -> memref<1x32xi32, #tpu.memory_space<vmem>>
        %dma_start3A_179 = tpu.memref_squeeze %dma_start3A_178 : memref<1x32xi32, #tpu.memory_space<vmem>> -> memref<32xi32, #tpu.memory_space<vmem>>
        %dma_start3A_180 = arith.constant 0 : i32
        %dma_start3A_181 = arith.constant 0 : i32
        %dma_start3A_182 = tpu.memref_slice %arg16[%dma_start3A_180, %dma_start3A_181] : memref<5120x128xf32, #tpu.memory_space<vmem_shared>> -> memref<5120x128xf32, #tpu.memory_space<vmem_shared>>
        tpu.enqueue_indirect_dma source(%arg14 : memref<32x128xf32, #tpu.memory_space<vmem>>) target(%dma_start3A_182 : memref<5120x128xf32, #tpu.memory_space<vmem_shared>>) offsets(%dma_start3A_179 : memref<32xi32, #tpu.memory_space<vmem>>) semaphore(%arg23 : memref<!tpu.dma_semaphore, #tpu.memory_space<semaphore_mem>>) {add = true}
        %lt3A_183 = arith.constant 313 : i32
        %lt3A_184 = arith.cmpi slt, %add3A_158, %lt3A_183 : i32
        %convert_element_type3A_185 = arith.extui %lt3A_184 : i1 to i32
        %cond3A_186 = arith.constant 0 : i32
        %cond3A_187 = arith.cmpi ne, %convert_element_type3A_185, %cond3A_186 : i32
        scf.if %cond3A_187 {
          %dma_start3A_192 = arith.constant 32 : i32
          %dma_start3A_193 = tpu.memref_slice %arg8[%add3A_158, %dma_start3A_192] : memref<313x128xi32, #tpu.memory_space<vmem>> -> memref<1x32xi32, #tpu.memory_space<vmem>>
          %dma_start3A_194 = tpu.memref_squeeze %dma_start3A_193 : memref<1x32xi32, #tpu.memory_space<vmem>> -> memref<32xi32, #tpu.memory_space<vmem>>
          %dma_start3A_195 = arith.constant 0 : i32
          %dma_start3A_196 = tpu.memref_slice %arg2[%dma_start3A_195, %mul3A_2] : memref<10000x256xf32, #tpu.memory_space<hbm>> -> memref<5000x128xf32, #tpu.memory_space<hbm>>
          %dma_start3A_197 = arith.constant 0 : i32
          %dma_start3A_198 = arith.constant 0 : i32
          %dma_start3A_199 = tpu.memref_slice %dma_start3A_196[%dma_start3A_197, %dma_start3A_198] : memref<5000x128xf32, #tpu.memory_space<hbm>> -> memref<5000x128xf32, #tpu.memory_space<hbm>>
          tpu.enqueue_indirect_dma source(%dma_start3A_199 : memref<5000x128xf32, #tpu.memory_space<hbm>>) target(%arg13 : memref<32x128xf32, #tpu.memory_space<vmem>>) offsets(%dma_start3A_194 : memref<32xi32, #tpu.memory_space<vmem>>) semaphore(%arg21 : memref<!tpu.dma_semaphore, #tpu.memory_space<semaphore_mem>>)
        } else {
        }
        %eq3A = arith.constant 1 : i32
        %eq3A_188 = arith.cmpi eq, %arg0, %eq3A : i32
        %convert_element_type3A_189 = arith.extui %eq3A_188 : i1 to i32
        %cond3A_190 = arith.constant 0 : i32
        %cond3A_191 = arith.cmpi ne, %convert_element_type3A_189, %cond3A_190 : i32
        scf.if %cond3A_191 {
          %get3A = arith.index_cast %add3A_156 : i32 to index
          %get3A_192 = arith.constant 0 : index
          %get3A_193 = tpu.vector_load %arg8[%get3A, %get3A_192] {strides = array<i32>} : memref<313x128xi32, #tpu.memory_space<vmem>>, vector<16xi32>,
          tpu.vector_store_idx %arg15[%get3A_193], %broadcast_in_dim3A_23 {add = true} : memref<5120xf32, #tpu.memory_space<vmem>>[vector<16xi32>], vector<16xf32>,
          %get3A_194 = arith.index_cast %add3A_156 : i32 to index
          %get3A_195 = arith.constant 16 : index
          %get3A_196 = tpu.vector_load %arg8[%get3A_194, %get3A_195] {strides = array<i32>} : memref<313x128xi32, #tpu.memory_space<vmem>>, vector<16xi32>,
          tpu.vector_store_idx %arg15[%get3A_196], %broadcast_in_dim3A_23 {add = true} : memref<5120xf32, #tpu.memory_space<vmem>>[vector<16xi32>], vector<16xf32>,
        } else {
        }
      } else {
      }
      %scan3A_164 = arith.constant 0 : i32
      scf.yield %scan3A_164 : i32
    }
    %scan3A_74 = arith.constant 53 : i32
    %dma_wait3A_75 = arith.constant 0 : i32
    %dma_wait3A_76 = arith.constant 0 : i32
    %dma_wait3A_77 = tpu.memref_slice %arg8[%dma_wait3A_75, %dma_wait3A_76] : memref<313x128xi32, #tpu.memory_space<vmem>> -> memref<1x32xi32, #tpu.memory_space<vmem>>
    %dma_wait3A_78 = tpu.memref_squeeze %dma_wait3A_77 : memref<1x32xi32, #tpu.memory_space<vmem>> -> memref<32xi32, #tpu.memory_space<vmem>>
    %dma_wait3A_79 = arith.constant 0 : i32
    %dma_wait3A_80 = arith.constant 0 : i32
    %dma_wait3A_81 = tpu.memref_slice %arg16[%dma_wait3A_79, %dma_wait3A_80] : memref<5120x128xf32, #tpu.memory_space<vmem_shared>> -> memref<5120x128xf32, #tpu.memory_space<vmem_shared>>
    tpu.wait_indirect_dma semaphore(%arg23 : memref<!tpu.dma_semaphore, #tpu.memory_space<semaphore_mem>>) src(%arg9 : memref<32x128xf32, #tpu.memory_space<vmem>>) dst(%dma_wait3A_81 : memref<5120x128xf32, #tpu.memory_space<vmem_shared>>)
    %dma_start3A_82 = arith.constant 0 : i32
    %dma_start3A_83 = tpu.memref_slice %arg7[%add3A, %dma_start3A_82] : memref<32x5120xf32, #tpu.memory_space<hbm>> -> memref<1x5120xf32, #tpu.memory_space<hbm>>
    %dma_start3A_84 = tpu.memref_squeeze %dma_start3A_83 : memref<1x5120xf32, #tpu.memory_space<hbm>> -> memref<5120xf32, #tpu.memory_space<hbm>>
    %dma_start3A_85 = arith.constant 0 : i32
    %dma_start3A_86 = tpu.memref_slice %arg7[%add3A, %dma_start3A_85] : memref<32x5120xf32, #tpu.memory_space<hbm>> -> memref<1x5120xf32, #tpu.memory_space<hbm>>
    %dma_start3A_87 = tpu.memref_squeeze %dma_start3A_86 : memref<1x5120xf32, #tpu.memory_space<hbm>> -> memref<5120xf32, #tpu.memory_space<hbm>>
    tpu.enqueue_dma source(%arg15 : memref<5120xf32, #tpu.memory_space<vmem>>) target(%dma_start3A_87 : memref<5120xf32, #tpu.memory_space<hbm>>) target_semaphore(%arg24 : memref<!tpu.dma_semaphore, #tpu.memory_space<semaphore_mem>>)
    %barrier3A_88 = arith.constant 0 : index
    tpu.barrier barrier_id(%barrier3A_88)
    %mul3A_89 = arith.constant 320 : i32
    %mul3A_90 = arith.muli %arg1, %mul3A_89 : i32
    %mul3A_91 = arith.constant 320 : i32
    %mul3A_92 = arith.muli %arg1, %mul3A_91 : i32
    "tpu.region"() ({
      %run_scoped3A = tpu.sem_alloc : memref<!tpu.dma_semaphore, #tpu.memory_space<semaphore_mem>>
      %dma_start3A_99 = arith.constant 0 : i32
      %dma_start3A_100 = tpu.memref_slice %arg6[%arg0, %mul3A_92, %dma_start3A_99] : memref<2x5120x128xf32, #tpu.memory_space<hbm>> -> memref<1x320x128xf32, #tpu.memory_space<hbm>>
      %dma_start3A_101 = tpu.memref_squeeze %dma_start3A_100 : memref<1x320x128xf32, #tpu.memory_space<hbm>> -> memref<320x128xf32, #tpu.memory_space<hbm>>
      %dma_start3A_102 = arith.constant 0 : i32
      %dma_start3A_103 = tpu.memref_slice %arg16[%mul3A_90, %dma_start3A_102] : memref<5120x128xf32, #tpu.memory_space<vmem_shared>> -> memref<320x128xf32, #tpu.memory_space<vmem_shared>>
      tpu.enqueue_dma source(%dma_start3A_103 : memref<320x128xf32, #tpu.memory_space<vmem_shared>>) target(%dma_start3A_101 : memref<320x128xf32, #tpu.memory_space<hbm>>) target_semaphore(%run_scoped3A : memref<!tpu.dma_semaphore, #tpu.memory_space<semaphore_mem>>)
      %dma_wait3A_104 = arith.constant 0 : i32
      %dma_wait3A_105 = tpu.memref_slice %arg6[%arg0, %mul3A_92, %dma_wait3A_104] : memref<2x5120x128xf32, #tpu.memory_space<hbm>> -> memref<1x320x128xf32, #tpu.memory_space<hbm>>
      %dma_wait3A_106 = tpu.memref_squeeze %dma_wait3A_105 : memref<1x320x128xf32, #tpu.memory_space<hbm>> -> memref<320x128xf32, #tpu.memory_space<hbm>>
      %dma_wait3A_107 = arith.constant 0 : i32
      %dma_wait3A_108 = tpu.memref_slice %arg16[%mul3A_90, %dma_wait3A_107] : memref<5120x128xf32, #tpu.memory_space<vmem_shared>> -> memref<320x128xf32, #tpu.memory_space<vmem_shared>>
      tpu.wait_dma2 semaphore(%run_scoped3A : memref<!tpu.dma_semaphore, #tpu.memory_space<semaphore_mem>>) src(%dma_wait3A_108 : memref<320x128xf32, #tpu.memory_space<vmem_shared>>) dst(%dma_wait3A_106 : memref<320x128xf32, #tpu.memory_space<hbm>>)
      tpu.yield
    }) : () -> ()
    %dma_wait3A_93 = arith.constant 0 : i32
    %dma_wait3A_94 = tpu.memref_slice %arg7[%add3A, %dma_wait3A_93] : memref<32x5120xf32, #tpu.memory_space<hbm>> -> memref<1x5120xf32, #tpu.memory_space<hbm>>
    %dma_wait3A_95 = tpu.memref_squeeze %dma_wait3A_94 : memref<1x5120xf32, #tpu.memory_space<hbm>> -> memref<5120xf32, #tpu.memory_space<hbm>>
    %dma_wait3A_96 = arith.constant 0 : i32
    %dma_wait3A_97 = tpu.memref_slice %arg7[%add3A, %dma_wait3A_96] : memref<32x5120xf32, #tpu.memory_space<hbm>> -> memref<1x5120xf32, #tpu.memory_space<hbm>>
    %dma_wait3A_98 = tpu.memref_squeeze %dma_wait3A_97 : memref<1x5120xf32, #tpu.memory_space<hbm>> -> memref<5120xf32, #tpu.memory_space<hbm>>
    tpu.wait_dma2 semaphore(%arg24 : memref<!tpu.dma_semaphore, #tpu.memory_space<semaphore_mem>>) src(%arg15 : memref<5120xf32, #tpu.memory_space<vmem>>) dst(%dma_wait3A_98 : memref<5120xf32, #tpu.memory_space<hbm>>)
    return
  }
}

#map = affine_map<(d0, d1) -> (0, 0)>
#map1 = affine_map<(d0, d1) -> (0, 0, 0)>
#map2 = affine_map<(d0, d1) -> (0)>
module attributes {stable_mosaic.version = 14 : i64} {
  func.func @sc_agg(%arg0: i32, %arg1: i32, %arg2: memref<5000x256xf32, #tpu.memory_space<hbm>>, %arg3: memref<16x157x128xi32, #tpu.memory_space<hbm>>, %arg4: memref<160x128xf32, #tpu.memory_space<hbm>>, %arg5: memref<2560xf32, #tpu.memory_space<hbm>>, %arg6: memref<2x2560x128xf32, #tpu.memory_space<hbm>>, %arg7: memref<32x2560xf32, #tpu.memory_space<hbm>>, %arg8: memref<157x128xi32, #tpu.memory_space<vmem>>, %arg9: memref<32x128xf32, #tpu.memory_space<vmem>>, %arg10: memref<32x128xf32, #tpu.memory_space<vmem>>, %arg11: memref<32x128xf32, #tpu.memory_space<vmem>>, %arg12: memref<32x128xf32, #tpu.memory_space<vmem>>, %arg13: memref<32x128xf32, #tpu.memory_space<vmem>>, %arg14: memref<32x128xf32, #tpu.memory_space<vmem>>, %arg15: memref<2560xf32, #tpu.memory_space<vmem>>, %arg16: memref<2560x128xf32, #tpu.memory_space<vmem_shared>>, %arg17: memref<!tpu.dma_semaphore, #tpu.memory_space<semaphore_mem>>, %arg18: memref<!tpu.dma_semaphore, #tpu.memory_space<semaphore_mem>>, %arg19: memref<!tpu.dma_semaphore, #tpu.memory_space<semaphore_mem>>, %arg20: memref<!tpu.dma_semaphore, #tpu.memory_space<semaphore_mem>>, %arg21: memref<!tpu.dma_semaphore, #tpu.memory_space<semaphore_mem>>, %arg22: memref<!tpu.dma_semaphore, #tpu.memory_space<semaphore_mem>>, %arg23: memref<!tpu.dma_semaphore, #tpu.memory_space<semaphore_mem>>, %arg24: memref<!tpu.dma_semaphore, #tpu.memory_space<semaphore_mem>>) attributes {dimension_semantics = [#tpu.dimension_semantics<core_parallel>, #tpu.dimension_semantics<subcore_parallel>], iteration_bounds = array<i64: 2, 16>, scalar_prefetch = 0 : i64, scratch_operands = 17 : i64, tpu.core_type = #tpu.core_type<sc_vector_subcore>, window_params = [{transform_indices = #map}, {transform_indices = #map1}, {transform_indices = #map}, {transform_indices = #map2}, {transform_indices = #map1}, {transform_indices = #map}]} {
    %mul3A = arith.constant 2 : i32
    %mul3A_0 = arith.muli %arg1, %mul3A : i32
    %add3A = arith.addi %mul3A_0, %arg0 : i32
    %mul3A_1 = arith.constant 128 : i32
    %mul3A_2 = arith.muli %arg0, %mul3A_1 : i32
    %dma_start3A = arith.constant 0 : i32
    %dma_start3A_3 = arith.constant 0 : i32
    %dma_start3A_4 = tpu.memref_slice %arg3[%arg1, %dma_start3A, %dma_start3A_3] : memref<16x157x128xi32, #tpu.memory_space<hbm>> -> memref<1x157x128xi32, #tpu.memory_space<hbm>>
    %dma_start3A_5 = tpu.memref_squeeze %dma_start3A_4 : memref<1x157x128xi32, #tpu.memory_space<hbm>> -> memref<157x128xi32, #tpu.memory_space<hbm>>
    %dma_start3A_6 = arith.constant 0 : i32
    %dma_start3A_7 = arith.constant 0 : i32
    %dma_start3A_8 = tpu.memref_slice %arg3[%arg1, %dma_start3A_6, %dma_start3A_7] : memref<16x157x128xi32, #tpu.memory_space<hbm>> -> memref<1x157x128xi32, #tpu.memory_space<hbm>>
    %dma_start3A_9 = tpu.memref_squeeze %dma_start3A_8 : memref<1x157x128xi32, #tpu.memory_space<hbm>> -> memref<157x128xi32, #tpu.memory_space<hbm>>
    tpu.enqueue_dma source(%dma_start3A_9 : memref<157x128xi32, #tpu.memory_space<hbm>>) target(%arg8 : memref<157x128xi32, #tpu.memory_space<vmem>>) target_semaphore(%arg24 : memref<!tpu.dma_semaphore, #tpu.memory_space<semaphore_mem>>)
    tpu.enqueue_dma source(%arg5 : memref<2560xf32, #tpu.memory_space<hbm>>) target(%arg15 : memref<2560xf32, #tpu.memory_space<vmem>>) target_semaphore(%arg24 : memref<!tpu.dma_semaphore, #tpu.memory_space<semaphore_mem>>)
    %mul3A_10 = arith.constant 160 : i32
    %mul3A_11 = arith.muli %arg1, %mul3A_10 : i32
    %dma_start3A_12 = arith.constant 0 : i32
    %dma_start3A_13 = tpu.memref_slice %arg16[%mul3A_11, %dma_start3A_12] : memref<2560x128xf32, #tpu.memory_space<vmem_shared>> -> memref<160x128xf32, #tpu.memory_space<vmem_shared>>
    tpu.enqueue_dma source(%arg4 : memref<160x128xf32, #tpu.memory_space<hbm>>) target(%dma_start3A_13 : memref<160x128xf32, #tpu.memory_space<vmem_shared>>) target_semaphore(%arg24 : memref<!tpu.dma_semaphore, #tpu.memory_space<semaphore_mem>>)
    %dma_wait3A = arith.constant 0 : i32
    %dma_wait3A_14 = arith.constant 0 : i32
    %dma_wait3A_15 = tpu.memref_slice %arg3[%arg1, %dma_wait3A, %dma_wait3A_14] : memref<16x157x128xi32, #tpu.memory_space<hbm>> -> memref<1x157x128xi32, #tpu.memory_space<hbm>>
    %dma_wait3A_16 = tpu.memref_squeeze %dma_wait3A_15 : memref<1x157x128xi32, #tpu.memory_space<hbm>> -> memref<157x128xi32, #tpu.memory_space<hbm>>
    %dma_wait3A_17 = arith.constant 0 : i32
    %dma_wait3A_18 = arith.constant 0 : i32
    %dma_wait3A_19 = tpu.memref_slice %arg3[%arg1, %dma_wait3A_17, %dma_wait3A_18] : memref<16x157x128xi32, #tpu.memory_space<hbm>> -> memref<1x157x128xi32, #tpu.memory_space<hbm>>
    %dma_wait3A_20 = tpu.memref_squeeze %dma_wait3A_19 : memref<1x157x128xi32, #tpu.memory_space<hbm>> -> memref<157x128xi32, #tpu.memory_space<hbm>>
    tpu.wait_dma2 semaphore(%arg24 : memref<!tpu.dma_semaphore, #tpu.memory_space<semaphore_mem>>) src(%dma_wait3A_20 : memref<157x128xi32, #tpu.memory_space<hbm>>) dst(%arg8 : memref<157x128xi32, #tpu.memory_space<vmem>>)
    tpu.wait_dma2 semaphore(%arg24 : memref<!tpu.dma_semaphore, #tpu.memory_space<semaphore_mem>>) src(%arg5 : memref<2560xf32, #tpu.memory_space<hbm>>) dst(%arg15 : memref<2560xf32, #tpu.memory_space<vmem>>)
    %dma_wait3A_21 = arith.constant 0 : i32
    %dma_wait3A_22 = tpu.memref_slice %arg16[%mul3A_11, %dma_wait3A_21] : memref<2560x128xf32, #tpu.memory_space<vmem_shared>> -> memref<160x128xf32, #tpu.memory_space<vmem_shared>>
    tpu.wait_dma2 semaphore(%arg24 : memref<!tpu.dma_semaphore, #tpu.memory_space<semaphore_mem>>) src(%arg4 : memref<160x128xf32, #tpu.memory_space<hbm>>) dst(%dma_wait3A_22 : memref<160x128xf32, #tpu.memory_space<vmem_shared>>)
    %barrier3A = arith.constant 0 : index
    tpu.barrier barrier_id(%barrier3A)
    %broadcast_in_dim3A = arith.constant 1.000000e+00 : f32
    %broadcast_in_dim3A_23 = vector.broadcast %broadcast_in_dim3A : f32 to vector<16xf32>
    %dma_start3A_24 = arith.constant 0 : i32
    %dma_start3A_25 = arith.constant 32 : i32
    %dma_start3A_26 = tpu.memref_slice %arg8[%dma_start3A_24, %dma_start3A_25] : memref<157x128xi32, #tpu.memory_space<vmem>> -> memref<1x32xi32, #tpu.memory_space<vmem>>
    %dma_start3A_27 = tpu.memref_squeeze %dma_start3A_26 : memref<1x32xi32, #tpu.memory_space<vmem>> -> memref<32xi32, #tpu.memory_space<vmem>>
    %dma_start3A_28 = arith.constant 0 : i32
    %dma_start3A_29 = tpu.memref_slice %arg2[%dma_start3A_28, %mul3A_2] : memref<5000x256xf32, #tpu.memory_space<hbm>> -> memref<5000x128xf32, #tpu.memory_space<hbm>>
    %dma_start3A_30 = arith.constant 0 : i32
    %dma_start3A_31 = arith.constant 0 : i32
    %dma_start3A_32 = tpu.memref_slice %dma_start3A_29[%dma_start3A_30, %dma_start3A_31] : memref<5000x128xf32, #tpu.memory_space<hbm>> -> memref<5000x128xf32, #tpu.memory_space<hbm>>
    tpu.enqueue_indirect_dma source(%dma_start3A_32 : memref<5000x128xf32, #tpu.memory_space<hbm>>) target(%arg9 : memref<32x128xf32, #tpu.memory_space<vmem>>) offsets(%dma_start3A_27 : memref<32xi32, #tpu.memory_space<vmem>>) semaphore(%arg17 : memref<!tpu.dma_semaphore, #tpu.memory_space<semaphore_mem>>)
    %dma_start3A_33 = arith.constant 1 : i32
    %dma_start3A_34 = arith.constant 32 : i32
    %dma_start3A_35 = tpu.memref_slice %arg8[%dma_start3A_33, %dma_start3A_34] : memref<157x128xi32, #tpu.memory_space<vmem>> -> memref<1x32xi32, #tpu.memory_space<vmem>>
    %dma_start3A_36 = tpu.memref_squeeze %dma_start3A_35 : memref<1x32xi32, #tpu.memory_space<vmem>> -> memref<32xi32, #tpu.memory_space<vmem>>
    %dma_start3A_37 = arith.constant 0 : i32
    %dma_start3A_38 = tpu.memref_slice %arg2[%dma_start3A_37, %mul3A_2] : memref<5000x256xf32, #tpu.memory_space<hbm>> -> memref<5000x128xf32, #tpu.memory_space<hbm>>
    %dma_start3A_39 = arith.constant 0 : i32
    %dma_start3A_40 = arith.constant 0 : i32
    %dma_start3A_41 = tpu.memref_slice %dma_start3A_38[%dma_start3A_39, %dma_start3A_40] : memref<5000x128xf32, #tpu.memory_space<hbm>> -> memref<5000x128xf32, #tpu.memory_space<hbm>>
    tpu.enqueue_indirect_dma source(%dma_start3A_41 : memref<5000x128xf32, #tpu.memory_space<hbm>>) target(%arg10 : memref<32x128xf32, #tpu.memory_space<vmem>>) offsets(%dma_start3A_36 : memref<32xi32, #tpu.memory_space<vmem>>) semaphore(%arg18 : memref<!tpu.dma_semaphore, #tpu.memory_space<semaphore_mem>>)
    %dma_start3A_42 = arith.constant 2 : i32
    %dma_start3A_43 = arith.constant 32 : i32
    %dma_start3A_44 = tpu.memref_slice %arg8[%dma_start3A_42, %dma_start3A_43] : memref<157x128xi32, #tpu.memory_space<vmem>> -> memref<1x32xi32, #tpu.memory_space<vmem>>
    %dma_start3A_45 = tpu.memref_squeeze %dma_start3A_44 : memref<1x32xi32, #tpu.memory_space<vmem>> -> memref<32xi32, #tpu.memory_space<vmem>>
    %dma_start3A_46 = arith.constant 0 : i32
    %dma_start3A_47 = tpu.memref_slice %arg2[%dma_start3A_46, %mul3A_2] : memref<5000x256xf32, #tpu.memory_space<hbm>> -> memref<5000x128xf32, #tpu.memory_space<hbm>>
    %dma_start3A_48 = arith.constant 0 : i32
    %dma_start3A_49 = arith.constant 0 : i32
    %dma_start3A_50 = tpu.memref_slice %dma_start3A_47[%dma_start3A_48, %dma_start3A_49] : memref<5000x128xf32, #tpu.memory_space<hbm>> -> memref<5000x128xf32, #tpu.memory_space<hbm>>
    tpu.enqueue_indirect_dma source(%dma_start3A_50 : memref<5000x128xf32, #tpu.memory_space<hbm>>) target(%arg11 : memref<32x128xf32, #tpu.memory_space<vmem>>) offsets(%dma_start3A_45 : memref<32xi32, #tpu.memory_space<vmem>>) semaphore(%arg19 : memref<!tpu.dma_semaphore, #tpu.memory_space<semaphore_mem>>)
    %dma_start3A_51 = arith.constant 3 : i32
    %dma_start3A_52 = arith.constant 32 : i32
    %dma_start3A_53 = tpu.memref_slice %arg8[%dma_start3A_51, %dma_start3A_52] : memref<157x128xi32, #tpu.memory_space<vmem>> -> memref<1x32xi32, #tpu.memory_space<vmem>>
    %dma_start3A_54 = tpu.memref_squeeze %dma_start3A_53 : memref<1x32xi32, #tpu.memory_space<vmem>> -> memref<32xi32, #tpu.memory_space<vmem>>
    %dma_start3A_55 = arith.constant 0 : i32
    %dma_start3A_56 = tpu.memref_slice %arg2[%dma_start3A_55, %mul3A_2] : memref<5000x256xf32, #tpu.memory_space<hbm>> -> memref<5000x128xf32, #tpu.memory_space<hbm>>
    %dma_start3A_57 = arith.constant 0 : i32
    %dma_start3A_58 = arith.constant 0 : i32
    %dma_start3A_59 = tpu.memref_slice %dma_start3A_56[%dma_start3A_57, %dma_start3A_58] : memref<5000x128xf32, #tpu.memory_space<hbm>> -> memref<5000x128xf32, #tpu.memory_space<hbm>>
    tpu.enqueue_indirect_dma source(%dma_start3A_59 : memref<5000x128xf32, #tpu.memory_space<hbm>>) target(%arg12 : memref<32x128xf32, #tpu.memory_space<vmem>>) offsets(%dma_start3A_54 : memref<32xi32, #tpu.memory_space<vmem>>) semaphore(%arg20 : memref<!tpu.dma_semaphore, #tpu.memory_space<semaphore_mem>>)
    %dma_start3A_60 = arith.constant 4 : i32
    %dma_start3A_61 = arith.constant 32 : i32
    %dma_start3A_62 = tpu.memref_slice %arg8[%dma_start3A_60, %dma_start3A_61] : memref<157x128xi32, #tpu.memory_space<vmem>> -> memref<1x32xi32, #tpu.memory_space<vmem>>
    %dma_start3A_63 = tpu.memref_squeeze %dma_start3A_62 : memref<1x32xi32, #tpu.memory_space<vmem>> -> memref<32xi32, #tpu.memory_space<vmem>>
    %dma_start3A_64 = arith.constant 0 : i32
    %dma_start3A_65 = tpu.memref_slice %arg2[%dma_start3A_64, %mul3A_2] : memref<5000x256xf32, #tpu.memory_space<hbm>> -> memref<5000x128xf32, #tpu.memory_space<hbm>>
    %dma_start3A_66 = arith.constant 0 : i32
    %dma_start3A_67 = arith.constant 0 : i32
    %dma_start3A_68 = tpu.memref_slice %dma_start3A_65[%dma_start3A_66, %dma_start3A_67] : memref<5000x128xf32, #tpu.memory_space<hbm>> -> memref<5000x128xf32, #tpu.memory_space<hbm>>
    tpu.enqueue_indirect_dma source(%dma_start3A_68 : memref<5000x128xf32, #tpu.memory_space<hbm>>) target(%arg13 : memref<32x128xf32, #tpu.memory_space<vmem>>) offsets(%dma_start3A_63 : memref<32xi32, #tpu.memory_space<vmem>>) semaphore(%arg21 : memref<!tpu.dma_semaphore, #tpu.memory_space<semaphore_mem>>)
    %scan3A = arith.constant 0 : i32
    %scan3A_69 = arith.constant 0 : i32
    %scan3A_70 = arith.constant 27 : i32
    %scan3A_71 = arith.addi %scan3A_69, %scan3A_70 : i32
    %scan3A_72 = arith.constant 1 : i32
    %scan3A_73 = scf.for %scan3A_99 = %scan3A_69 to %scan3A_71 step %scan3A_72 iter_args(%scan3A_100 = %scan3A) -> (i32)  : i32 {
      %mul3A_101 = arith.constant 6 : i32
      %mul3A_102 = arith.muli %scan3A_99, %mul3A_101 : i32
      %add3A_103 = arith.constant 0 : i32
      %add3A_104 = arith.addi %mul3A_102, %add3A_103 : i32
      %add3A_105 = arith.constant 5 : i32
      %add3A_106 = arith.addi %add3A_104, %add3A_105 : i32
      %lt3A = arith.constant 157 : i32
      %lt3A_107 = arith.cmpi slt, %add3A_104, %lt3A : i32
      %convert_element_type3A = arith.extui %lt3A_107 : i1 to i32
      %cond3A = arith.constant 0 : i32
      %cond3A_108 = arith.cmpi ne, %convert_element_type3A, %cond3A : i32
      scf.if %cond3A_108 {
        %dma_wait3A_165 = arith.constant 32 : i32
        %dma_wait3A_166 = tpu.memref_slice %arg8[%add3A_104, %dma_wait3A_165] : memref<157x128xi32, #tpu.memory_space<vmem>> -> memref<1x32xi32, #tpu.memory_space<vmem>>
        %dma_wait3A_167 = tpu.memref_squeeze %dma_wait3A_166 : memref<1x32xi32, #tpu.memory_space<vmem>> -> memref<32xi32, #tpu.memory_space<vmem>>
        %dma_wait3A_168 = arith.constant 0 : i32
        %dma_wait3A_169 = tpu.memref_slice %arg2[%dma_wait3A_168, %mul3A_2] : memref<5000x256xf32, #tpu.memory_space<hbm>> -> memref<5000x128xf32, #tpu.memory_space<hbm>>
        %dma_wait3A_170 = arith.constant 0 : i32
        %dma_wait3A_171 = arith.constant 0 : i32
        %dma_wait3A_172 = tpu.memref_slice %dma_wait3A_169[%dma_wait3A_170, %dma_wait3A_171] : memref<5000x128xf32, #tpu.memory_space<hbm>> -> memref<5000x128xf32, #tpu.memory_space<hbm>>
        tpu.wait_indirect_dma semaphore(%arg17 : memref<!tpu.dma_semaphore, #tpu.memory_space<semaphore_mem>>) src(%dma_wait3A_172 : memref<5000x128xf32, #tpu.memory_space<hbm>>) dst(%arg9 : memref<32x128xf32, #tpu.memory_space<vmem>>)
        %ge3A = arith.constant 1 : i32
        %ge3A_173 = arith.cmpi sge, %add3A_104, %ge3A : i32
        %convert_element_type3A_174 = arith.extui %ge3A_173 : i1 to i32
        %cond3A_175 = arith.constant 0 : i32
        %cond3A_176 = arith.cmpi ne, %convert_element_type3A_174, %cond3A_175 : i32
        scf.if %cond3A_176 {
          %dma_wait3A_192 = arith.constant 0 : i32
          %dma_wait3A_193 = tpu.memref_slice %arg8[%add3A_104, %dma_wait3A_192] : memref<157x128xi32, #tpu.memory_space<vmem>> -> memref<1x32xi32, #tpu.memory_space<vmem>>
          %dma_wait3A_194 = tpu.memref_squeeze %dma_wait3A_193 : memref<1x32xi32, #tpu.memory_space<vmem>> -> memref<32xi32, #tpu.memory_space<vmem>>
          %dma_wait3A_195 = arith.constant 0 : i32
          %dma_wait3A_196 = arith.constant 0 : i32
          %dma_wait3A_197 = tpu.memref_slice %arg16[%dma_wait3A_195, %dma_wait3A_196] : memref<2560x128xf32, #tpu.memory_space<vmem_shared>> -> memref<2560x128xf32, #tpu.memory_space<vmem_shared>>
          tpu.wait_indirect_dma semaphore(%arg23 : memref<!tpu.dma_semaphore, #tpu.memory_space<semaphore_mem>>) src(%arg14 : memref<32x128xf32, #tpu.memory_space<vmem>>) dst(%dma_wait3A_197 : memref<2560x128xf32, #tpu.memory_space<vmem_shared>>)
        } else {
        }
        %dma_start3A_177 = arith.constant 0 : i32
        %dma_start3A_178 = tpu.memref_slice %arg8[%add3A_104, %dma_start3A_177] : memref<157x128xi32, #tpu.memory_space<vmem>> -> memref<1x32xi32, #tpu.memory_space<vmem>>
        %dma_start3A_179 = tpu.memref_squeeze %dma_start3A_178 : memref<1x32xi32, #tpu.memory_space<vmem>> -> memref<32xi32, #tpu.memory_space<vmem>>
        %dma_start3A_180 = arith.constant 0 : i32
        %dma_start3A_181 = arith.constant 0 : i32
        %dma_start3A_182 = tpu.memref_slice %arg16[%dma_start3A_180, %dma_start3A_181] : memref<2560x128xf32, #tpu.memory_space<vmem_shared>> -> memref<2560x128xf32, #tpu.memory_space<vmem_shared>>
        tpu.enqueue_indirect_dma source(%arg9 : memref<32x128xf32, #tpu.memory_space<vmem>>) target(%dma_start3A_182 : memref<2560x128xf32, #tpu.memory_space<vmem_shared>>) offsets(%dma_start3A_179 : memref<32xi32, #tpu.memory_space<vmem>>) semaphore(%arg23 : memref<!tpu.dma_semaphore, #tpu.memory_space<semaphore_mem>>) {add = true}
        %lt3A_183 = arith.constant 157 : i32
        %lt3A_184 = arith.cmpi slt, %add3A_106, %lt3A_183 : i32
        %convert_element_type3A_185 = arith.extui %lt3A_184 : i1 to i32
        %cond3A_186 = arith.constant 0 : i32
        %cond3A_187 = arith.cmpi ne, %convert_element_type3A_185, %cond3A_186 : i32
        scf.if %cond3A_187 {
          %dma_start3A_192 = arith.constant 32 : i32
          %dma_start3A_193 = tpu.memref_slice %arg8[%add3A_106, %dma_start3A_192] : memref<157x128xi32, #tpu.memory_space<vmem>> -> memref<1x32xi32, #tpu.memory_space<vmem>>
          %dma_start3A_194 = tpu.memref_squeeze %dma_start3A_193 : memref<1x32xi32, #tpu.memory_space<vmem>> -> memref<32xi32, #tpu.memory_space<vmem>>
          %dma_start3A_195 = arith.constant 0 : i32
          %dma_start3A_196 = tpu.memref_slice %arg2[%dma_start3A_195, %mul3A_2] : memref<5000x256xf32, #tpu.memory_space<hbm>> -> memref<5000x128xf32, #tpu.memory_space<hbm>>
          %dma_start3A_197 = arith.constant 0 : i32
          %dma_start3A_198 = arith.constant 0 : i32
          %dma_start3A_199 = tpu.memref_slice %dma_start3A_196[%dma_start3A_197, %dma_start3A_198] : memref<5000x128xf32, #tpu.memory_space<hbm>> -> memref<5000x128xf32, #tpu.memory_space<hbm>>
          tpu.enqueue_indirect_dma source(%dma_start3A_199 : memref<5000x128xf32, #tpu.memory_space<hbm>>) target(%arg14 : memref<32x128xf32, #tpu.memory_space<vmem>>) offsets(%dma_start3A_194 : memref<32xi32, #tpu.memory_space<vmem>>) semaphore(%arg22 : memref<!tpu.dma_semaphore, #tpu.memory_space<semaphore_mem>>)
        } else {
        }
        %eq3A = arith.constant 0 : i32
        %eq3A_188 = arith.cmpi eq, %arg0, %eq3A : i32
        %convert_element_type3A_189 = arith.extui %eq3A_188 : i1 to i32
        %cond3A_190 = arith.constant 0 : i32
        %cond3A_191 = arith.cmpi ne, %convert_element_type3A_189, %cond3A_190 : i32
        scf.if %cond3A_191 {
          %get3A = arith.index_cast %add3A_104 : i32 to index
          %get3A_192 = arith.constant 0 : index
          %get3A_193 = tpu.vector_load %arg8[%get3A, %get3A_192] {strides = array<i32>} : memref<157x128xi32, #tpu.memory_space<vmem>>, vector<16xi32>,
          tpu.vector_store_idx %arg15[%get3A_193], %broadcast_in_dim3A_23 {add = true} : memref<2560xf32, #tpu.memory_space<vmem>>[vector<16xi32>], vector<16xf32>,
          %get3A_194 = arith.index_cast %add3A_104 : i32 to index
          %get3A_195 = arith.constant 16 : index
          %get3A_196 = tpu.vector_load %arg8[%get3A_194, %get3A_195] {strides = array<i32>} : memref<157x128xi32, #tpu.memory_space<vmem>>, vector<16xi32>,
          tpu.vector_store_idx %arg15[%get3A_196], %broadcast_in_dim3A_23 {add = true} : memref<2560xf32, #tpu.memory_space<vmem>>[vector<16xi32>], vector<16xf32>,
        } else {
        }
      } else {
      }
      %mul3A_109 = arith.constant 6 : i32
      %mul3A_110 = arith.muli %scan3A_99, %mul3A_109 : i32
      %add3A_111 = arith.constant 1 : i32
      %add3A_112 = arith.addi %mul3A_110, %add3A_111 : i32
      %add3A_113 = arith.constant 5 : i32
      %add3A_114 = arith.addi %add3A_112, %add3A_113 : i32
      %lt3A_115 = arith.constant 157 : i32
      %lt3A_116 = arith.cmpi slt, %add3A_112, %lt3A_115 : i32
      %convert_element_type3A_117 = arith.extui %lt3A_116 : i1 to i32
      %cond3A_118 = arith.constant 0 : i32
      %cond3A_119 = arith.cmpi ne, %convert_element_type3A_117, %cond3A_118 : i32
      scf.if %cond3A_119 {
        %dma_wait3A_165 = arith.constant 32 : i32
        %dma_wait3A_166 = tpu.memref_slice %arg8[%add3A_112, %dma_wait3A_165] : memref<157x128xi32, #tpu.memory_space<vmem>> -> memref<1x32xi32, #tpu.memory_space<vmem>>
        %dma_wait3A_167 = tpu.memref_squeeze %dma_wait3A_166 : memref<1x32xi32, #tpu.memory_space<vmem>> -> memref<32xi32, #tpu.memory_space<vmem>>
        %dma_wait3A_168 = arith.constant 0 : i32
        %dma_wait3A_169 = tpu.memref_slice %arg2[%dma_wait3A_168, %mul3A_2] : memref<5000x256xf32, #tpu.memory_space<hbm>> -> memref<5000x128xf32, #tpu.memory_space<hbm>>
        %dma_wait3A_170 = arith.constant 0 : i32
        %dma_wait3A_171 = arith.constant 0 : i32
        %dma_wait3A_172 = tpu.memref_slice %dma_wait3A_169[%dma_wait3A_170, %dma_wait3A_171] : memref<5000x128xf32, #tpu.memory_space<hbm>> -> memref<5000x128xf32, #tpu.memory_space<hbm>>
        tpu.wait_indirect_dma semaphore(%arg18 : memref<!tpu.dma_semaphore, #tpu.memory_space<semaphore_mem>>) src(%dma_wait3A_172 : memref<5000x128xf32, #tpu.memory_space<hbm>>) dst(%arg10 : memref<32x128xf32, #tpu.memory_space<vmem>>)
        %ge3A = arith.constant 1 : i32
        %ge3A_173 = arith.cmpi sge, %add3A_112, %ge3A : i32
        %convert_element_type3A_174 = arith.extui %ge3A_173 : i1 to i32
        %cond3A_175 = arith.constant 0 : i32
        %cond3A_176 = arith.cmpi ne, %convert_element_type3A_174, %cond3A_175 : i32
        scf.if %cond3A_176 {
          %dma_wait3A_192 = arith.constant 0 : i32
          %dma_wait3A_193 = tpu.memref_slice %arg8[%add3A_112, %dma_wait3A_192] : memref<157x128xi32, #tpu.memory_space<vmem>> -> memref<1x32xi32, #tpu.memory_space<vmem>>
          %dma_wait3A_194 = tpu.memref_squeeze %dma_wait3A_193 : memref<1x32xi32, #tpu.memory_space<vmem>> -> memref<32xi32, #tpu.memory_space<vmem>>
          %dma_wait3A_195 = arith.constant 0 : i32
          %dma_wait3A_196 = arith.constant 0 : i32
          %dma_wait3A_197 = tpu.memref_slice %arg16[%dma_wait3A_195, %dma_wait3A_196] : memref<2560x128xf32, #tpu.memory_space<vmem_shared>> -> memref<2560x128xf32, #tpu.memory_space<vmem_shared>>
          tpu.wait_indirect_dma semaphore(%arg23 : memref<!tpu.dma_semaphore, #tpu.memory_space<semaphore_mem>>) src(%arg9 : memref<32x128xf32, #tpu.memory_space<vmem>>) dst(%dma_wait3A_197 : memref<2560x128xf32, #tpu.memory_space<vmem_shared>>)
        } else {
        }
        %dma_start3A_177 = arith.constant 0 : i32
        %dma_start3A_178 = tpu.memref_slice %arg8[%add3A_112, %dma_start3A_177] : memref<157x128xi32, #tpu.memory_space<vmem>> -> memref<1x32xi32, #tpu.memory_space<vmem>>
        %dma_start3A_179 = tpu.memref_squeeze %dma_start3A_178 : memref<1x32xi32, #tpu.memory_space<vmem>> -> memref<32xi32, #tpu.memory_space<vmem>>
        %dma_start3A_180 = arith.constant 0 : i32
        %dma_start3A_181 = arith.constant 0 : i32
        %dma_start3A_182 = tpu.memref_slice %arg16[%dma_start3A_180, %dma_start3A_181] : memref<2560x128xf32, #tpu.memory_space<vmem_shared>> -> memref<2560x128xf32, #tpu.memory_space<vmem_shared>>
        tpu.enqueue_indirect_dma source(%arg10 : memref<32x128xf32, #tpu.memory_space<vmem>>) target(%dma_start3A_182 : memref<2560x128xf32, #tpu.memory_space<vmem_shared>>) offsets(%dma_start3A_179 : memref<32xi32, #tpu.memory_space<vmem>>) semaphore(%arg23 : memref<!tpu.dma_semaphore, #tpu.memory_space<semaphore_mem>>) {add = true}
        %lt3A_183 = arith.constant 157 : i32
        %lt3A_184 = arith.cmpi slt, %add3A_114, %lt3A_183 : i32
        %convert_element_type3A_185 = arith.extui %lt3A_184 : i1 to i32
        %cond3A_186 = arith.constant 0 : i32
        %cond3A_187 = arith.cmpi ne, %convert_element_type3A_185, %cond3A_186 : i32
        scf.if %cond3A_187 {
          %dma_start3A_192 = arith.constant 32 : i32
          %dma_start3A_193 = tpu.memref_slice %arg8[%add3A_114, %dma_start3A_192] : memref<157x128xi32, #tpu.memory_space<vmem>> -> memref<1x32xi32, #tpu.memory_space<vmem>>
          %dma_start3A_194 = tpu.memref_squeeze %dma_start3A_193 : memref<1x32xi32, #tpu.memory_space<vmem>> -> memref<32xi32, #tpu.memory_space<vmem>>
          %dma_start3A_195 = arith.constant 0 : i32
          %dma_start3A_196 = tpu.memref_slice %arg2[%dma_start3A_195, %mul3A_2] : memref<5000x256xf32, #tpu.memory_space<hbm>> -> memref<5000x128xf32, #tpu.memory_space<hbm>>
          %dma_start3A_197 = arith.constant 0 : i32
          %dma_start3A_198 = arith.constant 0 : i32
          %dma_start3A_199 = tpu.memref_slice %dma_start3A_196[%dma_start3A_197, %dma_start3A_198] : memref<5000x128xf32, #tpu.memory_space<hbm>> -> memref<5000x128xf32, #tpu.memory_space<hbm>>
          tpu.enqueue_indirect_dma source(%dma_start3A_199 : memref<5000x128xf32, #tpu.memory_space<hbm>>) target(%arg9 : memref<32x128xf32, #tpu.memory_space<vmem>>) offsets(%dma_start3A_194 : memref<32xi32, #tpu.memory_space<vmem>>) semaphore(%arg17 : memref<!tpu.dma_semaphore, #tpu.memory_space<semaphore_mem>>)
        } else {
        }
        %eq3A = arith.constant 1 : i32
        %eq3A_188 = arith.cmpi eq, %arg0, %eq3A : i32
        %convert_element_type3A_189 = arith.extui %eq3A_188 : i1 to i32
        %cond3A_190 = arith.constant 0 : i32
        %cond3A_191 = arith.cmpi ne, %convert_element_type3A_189, %cond3A_190 : i32
        scf.if %cond3A_191 {
          %get3A = arith.index_cast %add3A_112 : i32 to index
          %get3A_192 = arith.constant 0 : index
          %get3A_193 = tpu.vector_load %arg8[%get3A, %get3A_192] {strides = array<i32>} : memref<157x128xi32, #tpu.memory_space<vmem>>, vector<16xi32>,
          tpu.vector_store_idx %arg15[%get3A_193], %broadcast_in_dim3A_23 {add = true} : memref<2560xf32, #tpu.memory_space<vmem>>[vector<16xi32>], vector<16xf32>,
          %get3A_194 = arith.index_cast %add3A_112 : i32 to index
          %get3A_195 = arith.constant 16 : index
          %get3A_196 = tpu.vector_load %arg8[%get3A_194, %get3A_195] {strides = array<i32>} : memref<157x128xi32, #tpu.memory_space<vmem>>, vector<16xi32>,
          tpu.vector_store_idx %arg15[%get3A_196], %broadcast_in_dim3A_23 {add = true} : memref<2560xf32, #tpu.memory_space<vmem>>[vector<16xi32>], vector<16xf32>,
        } else {
        }
      } else {
      }
      %mul3A_120 = arith.constant 6 : i32
      %mul3A_121 = arith.muli %scan3A_99, %mul3A_120 : i32
      %add3A_122 = arith.constant 2 : i32
      %add3A_123 = arith.addi %mul3A_121, %add3A_122 : i32
      %add3A_124 = arith.constant 5 : i32
      %add3A_125 = arith.addi %add3A_123, %add3A_124 : i32
      %lt3A_126 = arith.constant 157 : i32
      %lt3A_127 = arith.cmpi slt, %add3A_123, %lt3A_126 : i32
      %convert_element_type3A_128 = arith.extui %lt3A_127 : i1 to i32
      %cond3A_129 = arith.constant 0 : i32
      %cond3A_130 = arith.cmpi ne, %convert_element_type3A_128, %cond3A_129 : i32
      scf.if %cond3A_130 {
        %dma_wait3A_165 = arith.constant 32 : i32
        %dma_wait3A_166 = tpu.memref_slice %arg8[%add3A_123, %dma_wait3A_165] : memref<157x128xi32, #tpu.memory_space<vmem>> -> memref<1x32xi32, #tpu.memory_space<vmem>>
        %dma_wait3A_167 = tpu.memref_squeeze %dma_wait3A_166 : memref<1x32xi32, #tpu.memory_space<vmem>> -> memref<32xi32, #tpu.memory_space<vmem>>
        %dma_wait3A_168 = arith.constant 0 : i32
        %dma_wait3A_169 = tpu.memref_slice %arg2[%dma_wait3A_168, %mul3A_2] : memref<5000x256xf32, #tpu.memory_space<hbm>> -> memref<5000x128xf32, #tpu.memory_space<hbm>>
        %dma_wait3A_170 = arith.constant 0 : i32
        %dma_wait3A_171 = arith.constant 0 : i32
        %dma_wait3A_172 = tpu.memref_slice %dma_wait3A_169[%dma_wait3A_170, %dma_wait3A_171] : memref<5000x128xf32, #tpu.memory_space<hbm>> -> memref<5000x128xf32, #tpu.memory_space<hbm>>
        tpu.wait_indirect_dma semaphore(%arg19 : memref<!tpu.dma_semaphore, #tpu.memory_space<semaphore_mem>>) src(%dma_wait3A_172 : memref<5000x128xf32, #tpu.memory_space<hbm>>) dst(%arg11 : memref<32x128xf32, #tpu.memory_space<vmem>>)
        %ge3A = arith.constant 1 : i32
        %ge3A_173 = arith.cmpi sge, %add3A_123, %ge3A : i32
        %convert_element_type3A_174 = arith.extui %ge3A_173 : i1 to i32
        %cond3A_175 = arith.constant 0 : i32
        %cond3A_176 = arith.cmpi ne, %convert_element_type3A_174, %cond3A_175 : i32
        scf.if %cond3A_176 {
          %dma_wait3A_192 = arith.constant 0 : i32
          %dma_wait3A_193 = tpu.memref_slice %arg8[%add3A_123, %dma_wait3A_192] : memref<157x128xi32, #tpu.memory_space<vmem>> -> memref<1x32xi32, #tpu.memory_space<vmem>>
          %dma_wait3A_194 = tpu.memref_squeeze %dma_wait3A_193 : memref<1x32xi32, #tpu.memory_space<vmem>> -> memref<32xi32, #tpu.memory_space<vmem>>
          %dma_wait3A_195 = arith.constant 0 : i32
          %dma_wait3A_196 = arith.constant 0 : i32
          %dma_wait3A_197 = tpu.memref_slice %arg16[%dma_wait3A_195, %dma_wait3A_196] : memref<2560x128xf32, #tpu.memory_space<vmem_shared>> -> memref<2560x128xf32, #tpu.memory_space<vmem_shared>>
          tpu.wait_indirect_dma semaphore(%arg23 : memref<!tpu.dma_semaphore, #tpu.memory_space<semaphore_mem>>) src(%arg10 : memref<32x128xf32, #tpu.memory_space<vmem>>) dst(%dma_wait3A_197 : memref<2560x128xf32, #tpu.memory_space<vmem_shared>>)
        } else {
        }
        %dma_start3A_177 = arith.constant 0 : i32
        %dma_start3A_178 = tpu.memref_slice %arg8[%add3A_123, %dma_start3A_177] : memref<157x128xi32, #tpu.memory_space<vmem>> -> memref<1x32xi32, #tpu.memory_space<vmem>>
        %dma_start3A_179 = tpu.memref_squeeze %dma_start3A_178 : memref<1x32xi32, #tpu.memory_space<vmem>> -> memref<32xi32, #tpu.memory_space<vmem>>
        %dma_start3A_180 = arith.constant 0 : i32
        %dma_start3A_181 = arith.constant 0 : i32
        %dma_start3A_182 = tpu.memref_slice %arg16[%dma_start3A_180, %dma_start3A_181] : memref<2560x128xf32, #tpu.memory_space<vmem_shared>> -> memref<2560x128xf32, #tpu.memory_space<vmem_shared>>
        tpu.enqueue_indirect_dma source(%arg11 : memref<32x128xf32, #tpu.memory_space<vmem>>) target(%dma_start3A_182 : memref<2560x128xf32, #tpu.memory_space<vmem_shared>>) offsets(%dma_start3A_179 : memref<32xi32, #tpu.memory_space<vmem>>) semaphore(%arg23 : memref<!tpu.dma_semaphore, #tpu.memory_space<semaphore_mem>>) {add = true}
        %lt3A_183 = arith.constant 157 : i32
        %lt3A_184 = arith.cmpi slt, %add3A_125, %lt3A_183 : i32
        %convert_element_type3A_185 = arith.extui %lt3A_184 : i1 to i32
        %cond3A_186 = arith.constant 0 : i32
        %cond3A_187 = arith.cmpi ne, %convert_element_type3A_185, %cond3A_186 : i32
        scf.if %cond3A_187 {
          %dma_start3A_192 = arith.constant 32 : i32
          %dma_start3A_193 = tpu.memref_slice %arg8[%add3A_125, %dma_start3A_192] : memref<157x128xi32, #tpu.memory_space<vmem>> -> memref<1x32xi32, #tpu.memory_space<vmem>>
          %dma_start3A_194 = tpu.memref_squeeze %dma_start3A_193 : memref<1x32xi32, #tpu.memory_space<vmem>> -> memref<32xi32, #tpu.memory_space<vmem>>
          %dma_start3A_195 = arith.constant 0 : i32
          %dma_start3A_196 = tpu.memref_slice %arg2[%dma_start3A_195, %mul3A_2] : memref<5000x256xf32, #tpu.memory_space<hbm>> -> memref<5000x128xf32, #tpu.memory_space<hbm>>
          %dma_start3A_197 = arith.constant 0 : i32
          %dma_start3A_198 = arith.constant 0 : i32
          %dma_start3A_199 = tpu.memref_slice %dma_start3A_196[%dma_start3A_197, %dma_start3A_198] : memref<5000x128xf32, #tpu.memory_space<hbm>> -> memref<5000x128xf32, #tpu.memory_space<hbm>>
          tpu.enqueue_indirect_dma source(%dma_start3A_199 : memref<5000x128xf32, #tpu.memory_space<hbm>>) target(%arg10 : memref<32x128xf32, #tpu.memory_space<vmem>>) offsets(%dma_start3A_194 : memref<32xi32, #tpu.memory_space<vmem>>) semaphore(%arg18 : memref<!tpu.dma_semaphore, #tpu.memory_space<semaphore_mem>>)
        } else {
        }
        %eq3A = arith.constant 0 : i32
        %eq3A_188 = arith.cmpi eq, %arg0, %eq3A : i32
        %convert_element_type3A_189 = arith.extui %eq3A_188 : i1 to i32
        %cond3A_190 = arith.constant 0 : i32
        %cond3A_191 = arith.cmpi ne, %convert_element_type3A_189, %cond3A_190 : i32
        scf.if %cond3A_191 {
          %get3A = arith.index_cast %add3A_123 : i32 to index
          %get3A_192 = arith.constant 0 : index
          %get3A_193 = tpu.vector_load %arg8[%get3A, %get3A_192] {strides = array<i32>} : memref<157x128xi32, #tpu.memory_space<vmem>>, vector<16xi32>,
          tpu.vector_store_idx %arg15[%get3A_193], %broadcast_in_dim3A_23 {add = true} : memref<2560xf32, #tpu.memory_space<vmem>>[vector<16xi32>], vector<16xf32>,
          %get3A_194 = arith.index_cast %add3A_123 : i32 to index
          %get3A_195 = arith.constant 16 : index
          %get3A_196 = tpu.vector_load %arg8[%get3A_194, %get3A_195] {strides = array<i32>} : memref<157x128xi32, #tpu.memory_space<vmem>>, vector<16xi32>,
          tpu.vector_store_idx %arg15[%get3A_196], %broadcast_in_dim3A_23 {add = true} : memref<2560xf32, #tpu.memory_space<vmem>>[vector<16xi32>], vector<16xf32>,
        } else {
        }
      } else {
      }
      %mul3A_131 = arith.constant 6 : i32
      %mul3A_132 = arith.muli %scan3A_99, %mul3A_131 : i32
      %add3A_133 = arith.constant 3 : i32
      %add3A_134 = arith.addi %mul3A_132, %add3A_133 : i32
      %add3A_135 = arith.constant 5 : i32
      %add3A_136 = arith.addi %add3A_134, %add3A_135 : i32
      %lt3A_137 = arith.constant 157 : i32
      %lt3A_138 = arith.cmpi slt, %add3A_134, %lt3A_137 : i32
      %convert_element_type3A_139 = arith.extui %lt3A_138 : i1 to i32
      %cond3A_140 = arith.constant 0 : i32
      %cond3A_141 = arith.cmpi ne, %convert_element_type3A_139, %cond3A_140 : i32
      scf.if %cond3A_141 {
        %dma_wait3A_165 = arith.constant 32 : i32
        %dma_wait3A_166 = tpu.memref_slice %arg8[%add3A_134, %dma_wait3A_165] : memref<157x128xi32, #tpu.memory_space<vmem>> -> memref<1x32xi32, #tpu.memory_space<vmem>>
        %dma_wait3A_167 = tpu.memref_squeeze %dma_wait3A_166 : memref<1x32xi32, #tpu.memory_space<vmem>> -> memref<32xi32, #tpu.memory_space<vmem>>
        %dma_wait3A_168 = arith.constant 0 : i32
        %dma_wait3A_169 = tpu.memref_slice %arg2[%dma_wait3A_168, %mul3A_2] : memref<5000x256xf32, #tpu.memory_space<hbm>> -> memref<5000x128xf32, #tpu.memory_space<hbm>>
        %dma_wait3A_170 = arith.constant 0 : i32
        %dma_wait3A_171 = arith.constant 0 : i32
        %dma_wait3A_172 = tpu.memref_slice %dma_wait3A_169[%dma_wait3A_170, %dma_wait3A_171] : memref<5000x128xf32, #tpu.memory_space<hbm>> -> memref<5000x128xf32, #tpu.memory_space<hbm>>
        tpu.wait_indirect_dma semaphore(%arg20 : memref<!tpu.dma_semaphore, #tpu.memory_space<semaphore_mem>>) src(%dma_wait3A_172 : memref<5000x128xf32, #tpu.memory_space<hbm>>) dst(%arg12 : memref<32x128xf32, #tpu.memory_space<vmem>>)
        %ge3A = arith.constant 1 : i32
        %ge3A_173 = arith.cmpi sge, %add3A_134, %ge3A : i32
        %convert_element_type3A_174 = arith.extui %ge3A_173 : i1 to i32
        %cond3A_175 = arith.constant 0 : i32
        %cond3A_176 = arith.cmpi ne, %convert_element_type3A_174, %cond3A_175 : i32
        scf.if %cond3A_176 {
          %dma_wait3A_192 = arith.constant 0 : i32
          %dma_wait3A_193 = tpu.memref_slice %arg8[%add3A_134, %dma_wait3A_192] : memref<157x128xi32, #tpu.memory_space<vmem>> -> memref<1x32xi32, #tpu.memory_space<vmem>>
          %dma_wait3A_194 = tpu.memref_squeeze %dma_wait3A_193 : memref<1x32xi32, #tpu.memory_space<vmem>> -> memref<32xi32, #tpu.memory_space<vmem>>
          %dma_wait3A_195 = arith.constant 0 : i32
          %dma_wait3A_196 = arith.constant 0 : i32
          %dma_wait3A_197 = tpu.memref_slice %arg16[%dma_wait3A_195, %dma_wait3A_196] : memref<2560x128xf32, #tpu.memory_space<vmem_shared>> -> memref<2560x128xf32, #tpu.memory_space<vmem_shared>>
          tpu.wait_indirect_dma semaphore(%arg23 : memref<!tpu.dma_semaphore, #tpu.memory_space<semaphore_mem>>) src(%arg11 : memref<32x128xf32, #tpu.memory_space<vmem>>) dst(%dma_wait3A_197 : memref<2560x128xf32, #tpu.memory_space<vmem_shared>>)
        } else {
        }
        %dma_start3A_177 = arith.constant 0 : i32
        %dma_start3A_178 = tpu.memref_slice %arg8[%add3A_134, %dma_start3A_177] : memref<157x128xi32, #tpu.memory_space<vmem>> -> memref<1x32xi32, #tpu.memory_space<vmem>>
        %dma_start3A_179 = tpu.memref_squeeze %dma_start3A_178 : memref<1x32xi32, #tpu.memory_space<vmem>> -> memref<32xi32, #tpu.memory_space<vmem>>
        %dma_start3A_180 = arith.constant 0 : i32
        %dma_start3A_181 = arith.constant 0 : i32
        %dma_start3A_182 = tpu.memref_slice %arg16[%dma_start3A_180, %dma_start3A_181] : memref<2560x128xf32, #tpu.memory_space<vmem_shared>> -> memref<2560x128xf32, #tpu.memory_space<vmem_shared>>
        tpu.enqueue_indirect_dma source(%arg12 : memref<32x128xf32, #tpu.memory_space<vmem>>) target(%dma_start3A_182 : memref<2560x128xf32, #tpu.memory_space<vmem_shared>>) offsets(%dma_start3A_179 : memref<32xi32, #tpu.memory_space<vmem>>) semaphore(%arg23 : memref<!tpu.dma_semaphore, #tpu.memory_space<semaphore_mem>>) {add = true}
        %lt3A_183 = arith.constant 157 : i32
        %lt3A_184 = arith.cmpi slt, %add3A_136, %lt3A_183 : i32
        %convert_element_type3A_185 = arith.extui %lt3A_184 : i1 to i32
        %cond3A_186 = arith.constant 0 : i32
        %cond3A_187 = arith.cmpi ne, %convert_element_type3A_185, %cond3A_186 : i32
        scf.if %cond3A_187 {
          %dma_start3A_192 = arith.constant 32 : i32
          %dma_start3A_193 = tpu.memref_slice %arg8[%add3A_136, %dma_start3A_192] : memref<157x128xi32, #tpu.memory_space<vmem>> -> memref<1x32xi32, #tpu.memory_space<vmem>>
          %dma_start3A_194 = tpu.memref_squeeze %dma_start3A_193 : memref<1x32xi32, #tpu.memory_space<vmem>> -> memref<32xi32, #tpu.memory_space<vmem>>
          %dma_start3A_195 = arith.constant 0 : i32
          %dma_start3A_196 = tpu.memref_slice %arg2[%dma_start3A_195, %mul3A_2] : memref<5000x256xf32, #tpu.memory_space<hbm>> -> memref<5000x128xf32, #tpu.memory_space<hbm>>
          %dma_start3A_197 = arith.constant 0 : i32
          %dma_start3A_198 = arith.constant 0 : i32
          %dma_start3A_199 = tpu.memref_slice %dma_start3A_196[%dma_start3A_197, %dma_start3A_198] : memref<5000x128xf32, #tpu.memory_space<hbm>> -> memref<5000x128xf32, #tpu.memory_space<hbm>>
          tpu.enqueue_indirect_dma source(%dma_start3A_199 : memref<5000x128xf32, #tpu.memory_space<hbm>>) target(%arg11 : memref<32x128xf32, #tpu.memory_space<vmem>>) offsets(%dma_start3A_194 : memref<32xi32, #tpu.memory_space<vmem>>) semaphore(%arg19 : memref<!tpu.dma_semaphore, #tpu.memory_space<semaphore_mem>>)
        } else {
        }
        %eq3A = arith.constant 1 : i32
        %eq3A_188 = arith.cmpi eq, %arg0, %eq3A : i32
        %convert_element_type3A_189 = arith.extui %eq3A_188 : i1 to i32
        %cond3A_190 = arith.constant 0 : i32
        %cond3A_191 = arith.cmpi ne, %convert_element_type3A_189, %cond3A_190 : i32
        scf.if %cond3A_191 {
          %get3A = arith.index_cast %add3A_134 : i32 to index
          %get3A_192 = arith.constant 0 : index
          %get3A_193 = tpu.vector_load %arg8[%get3A, %get3A_192] {strides = array<i32>} : memref<157x128xi32, #tpu.memory_space<vmem>>, vector<16xi32>,
          tpu.vector_store_idx %arg15[%get3A_193], %broadcast_in_dim3A_23 {add = true} : memref<2560xf32, #tpu.memory_space<vmem>>[vector<16xi32>], vector<16xf32>,
          %get3A_194 = arith.index_cast %add3A_134 : i32 to index
          %get3A_195 = arith.constant 16 : index
          %get3A_196 = tpu.vector_load %arg8[%get3A_194, %get3A_195] {strides = array<i32>} : memref<157x128xi32, #tpu.memory_space<vmem>>, vector<16xi32>,
          tpu.vector_store_idx %arg15[%get3A_196], %broadcast_in_dim3A_23 {add = true} : memref<2560xf32, #tpu.memory_space<vmem>>[vector<16xi32>], vector<16xf32>,
        } else {
        }
      } else {
      }
      %mul3A_142 = arith.constant 6 : i32
      %mul3A_143 = arith.muli %scan3A_99, %mul3A_142 : i32
      %add3A_144 = arith.constant 4 : i32
      %add3A_145 = arith.addi %mul3A_143, %add3A_144 : i32
      %add3A_146 = arith.constant 5 : i32
      %add3A_147 = arith.addi %add3A_145, %add3A_146 : i32
      %lt3A_148 = arith.constant 157 : i32
      %lt3A_149 = arith.cmpi slt, %add3A_145, %lt3A_148 : i32
      %convert_element_type3A_150 = arith.extui %lt3A_149 : i1 to i32
      %cond3A_151 = arith.constant 0 : i32
      %cond3A_152 = arith.cmpi ne, %convert_element_type3A_150, %cond3A_151 : i32
      scf.if %cond3A_152 {
        %dma_wait3A_165 = arith.constant 32 : i32
        %dma_wait3A_166 = tpu.memref_slice %arg8[%add3A_145, %dma_wait3A_165] : memref<157x128xi32, #tpu.memory_space<vmem>> -> memref<1x32xi32, #tpu.memory_space<vmem>>
        %dma_wait3A_167 = tpu.memref_squeeze %dma_wait3A_166 : memref<1x32xi32, #tpu.memory_space<vmem>> -> memref<32xi32, #tpu.memory_space<vmem>>
        %dma_wait3A_168 = arith.constant 0 : i32
        %dma_wait3A_169 = tpu.memref_slice %arg2[%dma_wait3A_168, %mul3A_2] : memref<5000x256xf32, #tpu.memory_space<hbm>> -> memref<5000x128xf32, #tpu.memory_space<hbm>>
        %dma_wait3A_170 = arith.constant 0 : i32
        %dma_wait3A_171 = arith.constant 0 : i32
        %dma_wait3A_172 = tpu.memref_slice %dma_wait3A_169[%dma_wait3A_170, %dma_wait3A_171] : memref<5000x128xf32, #tpu.memory_space<hbm>> -> memref<5000x128xf32, #tpu.memory_space<hbm>>
        tpu.wait_indirect_dma semaphore(%arg21 : memref<!tpu.dma_semaphore, #tpu.memory_space<semaphore_mem>>) src(%dma_wait3A_172 : memref<5000x128xf32, #tpu.memory_space<hbm>>) dst(%arg13 : memref<32x128xf32, #tpu.memory_space<vmem>>)
        %ge3A = arith.constant 1 : i32
        %ge3A_173 = arith.cmpi sge, %add3A_145, %ge3A : i32
        %convert_element_type3A_174 = arith.extui %ge3A_173 : i1 to i32
        %cond3A_175 = arith.constant 0 : i32
        %cond3A_176 = arith.cmpi ne, %convert_element_type3A_174, %cond3A_175 : i32
        scf.if %cond3A_176 {
          %dma_wait3A_192 = arith.constant 0 : i32
          %dma_wait3A_193 = tpu.memref_slice %arg8[%add3A_145, %dma_wait3A_192] : memref<157x128xi32, #tpu.memory_space<vmem>> -> memref<1x32xi32, #tpu.memory_space<vmem>>
          %dma_wait3A_194 = tpu.memref_squeeze %dma_wait3A_193 : memref<1x32xi32, #tpu.memory_space<vmem>> -> memref<32xi32, #tpu.memory_space<vmem>>
          %dma_wait3A_195 = arith.constant 0 : i32
          %dma_wait3A_196 = arith.constant 0 : i32
          %dma_wait3A_197 = tpu.memref_slice %arg16[%dma_wait3A_195, %dma_wait3A_196] : memref<2560x128xf32, #tpu.memory_space<vmem_shared>> -> memref<2560x128xf32, #tpu.memory_space<vmem_shared>>
          tpu.wait_indirect_dma semaphore(%arg23 : memref<!tpu.dma_semaphore, #tpu.memory_space<semaphore_mem>>) src(%arg12 : memref<32x128xf32, #tpu.memory_space<vmem>>) dst(%dma_wait3A_197 : memref<2560x128xf32, #tpu.memory_space<vmem_shared>>)
        } else {
        }
        %dma_start3A_177 = arith.constant 0 : i32
        %dma_start3A_178 = tpu.memref_slice %arg8[%add3A_145, %dma_start3A_177] : memref<157x128xi32, #tpu.memory_space<vmem>> -> memref<1x32xi32, #tpu.memory_space<vmem>>
        %dma_start3A_179 = tpu.memref_squeeze %dma_start3A_178 : memref<1x32xi32, #tpu.memory_space<vmem>> -> memref<32xi32, #tpu.memory_space<vmem>>
        %dma_start3A_180 = arith.constant 0 : i32
        %dma_start3A_181 = arith.constant 0 : i32
        %dma_start3A_182 = tpu.memref_slice %arg16[%dma_start3A_180, %dma_start3A_181] : memref<2560x128xf32, #tpu.memory_space<vmem_shared>> -> memref<2560x128xf32, #tpu.memory_space<vmem_shared>>
        tpu.enqueue_indirect_dma source(%arg13 : memref<32x128xf32, #tpu.memory_space<vmem>>) target(%dma_start3A_182 : memref<2560x128xf32, #tpu.memory_space<vmem_shared>>) offsets(%dma_start3A_179 : memref<32xi32, #tpu.memory_space<vmem>>) semaphore(%arg23 : memref<!tpu.dma_semaphore, #tpu.memory_space<semaphore_mem>>) {add = true}
        %lt3A_183 = arith.constant 157 : i32
        %lt3A_184 = arith.cmpi slt, %add3A_147, %lt3A_183 : i32
        %convert_element_type3A_185 = arith.extui %lt3A_184 : i1 to i32
        %cond3A_186 = arith.constant 0 : i32
        %cond3A_187 = arith.cmpi ne, %convert_element_type3A_185, %cond3A_186 : i32
        scf.if %cond3A_187 {
          %dma_start3A_192 = arith.constant 32 : i32
          %dma_start3A_193 = tpu.memref_slice %arg8[%add3A_147, %dma_start3A_192] : memref<157x128xi32, #tpu.memory_space<vmem>> -> memref<1x32xi32, #tpu.memory_space<vmem>>
          %dma_start3A_194 = tpu.memref_squeeze %dma_start3A_193 : memref<1x32xi32, #tpu.memory_space<vmem>> -> memref<32xi32, #tpu.memory_space<vmem>>
          %dma_start3A_195 = arith.constant 0 : i32
          %dma_start3A_196 = tpu.memref_slice %arg2[%dma_start3A_195, %mul3A_2] : memref<5000x256xf32, #tpu.memory_space<hbm>> -> memref<5000x128xf32, #tpu.memory_space<hbm>>
          %dma_start3A_197 = arith.constant 0 : i32
          %dma_start3A_198 = arith.constant 0 : i32
          %dma_start3A_199 = tpu.memref_slice %dma_start3A_196[%dma_start3A_197, %dma_start3A_198] : memref<5000x128xf32, #tpu.memory_space<hbm>> -> memref<5000x128xf32, #tpu.memory_space<hbm>>
          tpu.enqueue_indirect_dma source(%dma_start3A_199 : memref<5000x128xf32, #tpu.memory_space<hbm>>) target(%arg12 : memref<32x128xf32, #tpu.memory_space<vmem>>) offsets(%dma_start3A_194 : memref<32xi32, #tpu.memory_space<vmem>>) semaphore(%arg20 : memref<!tpu.dma_semaphore, #tpu.memory_space<semaphore_mem>>)
        } else {
        }
        %eq3A = arith.constant 0 : i32
        %eq3A_188 = arith.cmpi eq, %arg0, %eq3A : i32
        %convert_element_type3A_189 = arith.extui %eq3A_188 : i1 to i32
        %cond3A_190 = arith.constant 0 : i32
        %cond3A_191 = arith.cmpi ne, %convert_element_type3A_189, %cond3A_190 : i32
        scf.if %cond3A_191 {
          %get3A = arith.index_cast %add3A_145 : i32 to index
          %get3A_192 = arith.constant 0 : index
          %get3A_193 = tpu.vector_load %arg8[%get3A, %get3A_192] {strides = array<i32>} : memref<157x128xi32, #tpu.memory_space<vmem>>, vector<16xi32>,
          tpu.vector_store_idx %arg15[%get3A_193], %broadcast_in_dim3A_23 {add = true} : memref<2560xf32, #tpu.memory_space<vmem>>[vector<16xi32>], vector<16xf32>,
          %get3A_194 = arith.index_cast %add3A_145 : i32 to index
          %get3A_195 = arith.constant 16 : index
          %get3A_196 = tpu.vector_load %arg8[%get3A_194, %get3A_195] {strides = array<i32>} : memref<157x128xi32, #tpu.memory_space<vmem>>, vector<16xi32>,
          tpu.vector_store_idx %arg15[%get3A_196], %broadcast_in_dim3A_23 {add = true} : memref<2560xf32, #tpu.memory_space<vmem>>[vector<16xi32>], vector<16xf32>,
        } else {
        }
      } else {
      }
      %mul3A_153 = arith.constant 6 : i32
      %mul3A_154 = arith.muli %scan3A_99, %mul3A_153 : i32
      %add3A_155 = arith.constant 5 : i32
      %add3A_156 = arith.addi %mul3A_154, %add3A_155 : i32
      %add3A_157 = arith.constant 5 : i32
      %add3A_158 = arith.addi %add3A_156, %add3A_157 : i32
      %lt3A_159 = arith.constant 157 : i32
      %lt3A_160 = arith.cmpi slt, %add3A_156, %lt3A_159 : i32
      %convert_element_type3A_161 = arith.extui %lt3A_160 : i1 to i32
      %cond3A_162 = arith.constant 0 : i32
      %cond3A_163 = arith.cmpi ne, %convert_element_type3A_161, %cond3A_162 : i32
      scf.if %cond3A_163 {
        %dma_wait3A_165 = arith.constant 32 : i32
        %dma_wait3A_166 = tpu.memref_slice %arg8[%add3A_156, %dma_wait3A_165] : memref<157x128xi32, #tpu.memory_space<vmem>> -> memref<1x32xi32, #tpu.memory_space<vmem>>
        %dma_wait3A_167 = tpu.memref_squeeze %dma_wait3A_166 : memref<1x32xi32, #tpu.memory_space<vmem>> -> memref<32xi32, #tpu.memory_space<vmem>>
        %dma_wait3A_168 = arith.constant 0 : i32
        %dma_wait3A_169 = tpu.memref_slice %arg2[%dma_wait3A_168, %mul3A_2] : memref<5000x256xf32, #tpu.memory_space<hbm>> -> memref<5000x128xf32, #tpu.memory_space<hbm>>
        %dma_wait3A_170 = arith.constant 0 : i32
        %dma_wait3A_171 = arith.constant 0 : i32
        %dma_wait3A_172 = tpu.memref_slice %dma_wait3A_169[%dma_wait3A_170, %dma_wait3A_171] : memref<5000x128xf32, #tpu.memory_space<hbm>> -> memref<5000x128xf32, #tpu.memory_space<hbm>>
        tpu.wait_indirect_dma semaphore(%arg22 : memref<!tpu.dma_semaphore, #tpu.memory_space<semaphore_mem>>) src(%dma_wait3A_172 : memref<5000x128xf32, #tpu.memory_space<hbm>>) dst(%arg14 : memref<32x128xf32, #tpu.memory_space<vmem>>)
        %ge3A = arith.constant 1 : i32
        %ge3A_173 = arith.cmpi sge, %add3A_156, %ge3A : i32
        %convert_element_type3A_174 = arith.extui %ge3A_173 : i1 to i32
        %cond3A_175 = arith.constant 0 : i32
        %cond3A_176 = arith.cmpi ne, %convert_element_type3A_174, %cond3A_175 : i32
        scf.if %cond3A_176 {
          %dma_wait3A_192 = arith.constant 0 : i32
          %dma_wait3A_193 = tpu.memref_slice %arg8[%add3A_156, %dma_wait3A_192] : memref<157x128xi32, #tpu.memory_space<vmem>> -> memref<1x32xi32, #tpu.memory_space<vmem>>
          %dma_wait3A_194 = tpu.memref_squeeze %dma_wait3A_193 : memref<1x32xi32, #tpu.memory_space<vmem>> -> memref<32xi32, #tpu.memory_space<vmem>>
          %dma_wait3A_195 = arith.constant 0 : i32
          %dma_wait3A_196 = arith.constant 0 : i32
          %dma_wait3A_197 = tpu.memref_slice %arg16[%dma_wait3A_195, %dma_wait3A_196] : memref<2560x128xf32, #tpu.memory_space<vmem_shared>> -> memref<2560x128xf32, #tpu.memory_space<vmem_shared>>
          tpu.wait_indirect_dma semaphore(%arg23 : memref<!tpu.dma_semaphore, #tpu.memory_space<semaphore_mem>>) src(%arg13 : memref<32x128xf32, #tpu.memory_space<vmem>>) dst(%dma_wait3A_197 : memref<2560x128xf32, #tpu.memory_space<vmem_shared>>)
        } else {
        }
        %dma_start3A_177 = arith.constant 0 : i32
        %dma_start3A_178 = tpu.memref_slice %arg8[%add3A_156, %dma_start3A_177] : memref<157x128xi32, #tpu.memory_space<vmem>> -> memref<1x32xi32, #tpu.memory_space<vmem>>
        %dma_start3A_179 = tpu.memref_squeeze %dma_start3A_178 : memref<1x32xi32, #tpu.memory_space<vmem>> -> memref<32xi32, #tpu.memory_space<vmem>>
        %dma_start3A_180 = arith.constant 0 : i32
        %dma_start3A_181 = arith.constant 0 : i32
        %dma_start3A_182 = tpu.memref_slice %arg16[%dma_start3A_180, %dma_start3A_181] : memref<2560x128xf32, #tpu.memory_space<vmem_shared>> -> memref<2560x128xf32, #tpu.memory_space<vmem_shared>>
        tpu.enqueue_indirect_dma source(%arg14 : memref<32x128xf32, #tpu.memory_space<vmem>>) target(%dma_start3A_182 : memref<2560x128xf32, #tpu.memory_space<vmem_shared>>) offsets(%dma_start3A_179 : memref<32xi32, #tpu.memory_space<vmem>>) semaphore(%arg23 : memref<!tpu.dma_semaphore, #tpu.memory_space<semaphore_mem>>) {add = true}
        %lt3A_183 = arith.constant 157 : i32
        %lt3A_184 = arith.cmpi slt, %add3A_158, %lt3A_183 : i32
        %convert_element_type3A_185 = arith.extui %lt3A_184 : i1 to i32
        %cond3A_186 = arith.constant 0 : i32
        %cond3A_187 = arith.cmpi ne, %convert_element_type3A_185, %cond3A_186 : i32
        scf.if %cond3A_187 {
          %dma_start3A_192 = arith.constant 32 : i32
          %dma_start3A_193 = tpu.memref_slice %arg8[%add3A_158, %dma_start3A_192] : memref<157x128xi32, #tpu.memory_space<vmem>> -> memref<1x32xi32, #tpu.memory_space<vmem>>
          %dma_start3A_194 = tpu.memref_squeeze %dma_start3A_193 : memref<1x32xi32, #tpu.memory_space<vmem>> -> memref<32xi32, #tpu.memory_space<vmem>>
          %dma_start3A_195 = arith.constant 0 : i32
          %dma_start3A_196 = tpu.memref_slice %arg2[%dma_start3A_195, %mul3A_2] : memref<5000x256xf32, #tpu.memory_space<hbm>> -> memref<5000x128xf32, #tpu.memory_space<hbm>>
          %dma_start3A_197 = arith.constant 0 : i32
          %dma_start3A_198 = arith.constant 0 : i32
          %dma_start3A_199 = tpu.memref_slice %dma_start3A_196[%dma_start3A_197, %dma_start3A_198] : memref<5000x128xf32, #tpu.memory_space<hbm>> -> memref<5000x128xf32, #tpu.memory_space<hbm>>
          tpu.enqueue_indirect_dma source(%dma_start3A_199 : memref<5000x128xf32, #tpu.memory_space<hbm>>) target(%arg13 : memref<32x128xf32, #tpu.memory_space<vmem>>) offsets(%dma_start3A_194 : memref<32xi32, #tpu.memory_space<vmem>>) semaphore(%arg21 : memref<!tpu.dma_semaphore, #tpu.memory_space<semaphore_mem>>)
        } else {
        }
        %eq3A = arith.constant 1 : i32
        %eq3A_188 = arith.cmpi eq, %arg0, %eq3A : i32
        %convert_element_type3A_189 = arith.extui %eq3A_188 : i1 to i32
        %cond3A_190 = arith.constant 0 : i32
        %cond3A_191 = arith.cmpi ne, %convert_element_type3A_189, %cond3A_190 : i32
        scf.if %cond3A_191 {
          %get3A = arith.index_cast %add3A_156 : i32 to index
          %get3A_192 = arith.constant 0 : index
          %get3A_193 = tpu.vector_load %arg8[%get3A, %get3A_192] {strides = array<i32>} : memref<157x128xi32, #tpu.memory_space<vmem>>, vector<16xi32>,
          tpu.vector_store_idx %arg15[%get3A_193], %broadcast_in_dim3A_23 {add = true} : memref<2560xf32, #tpu.memory_space<vmem>>[vector<16xi32>], vector<16xf32>,
          %get3A_194 = arith.index_cast %add3A_156 : i32 to index
          %get3A_195 = arith.constant 16 : index
          %get3A_196 = tpu.vector_load %arg8[%get3A_194, %get3A_195] {strides = array<i32>} : memref<157x128xi32, #tpu.memory_space<vmem>>, vector<16xi32>,
          tpu.vector_store_idx %arg15[%get3A_196], %broadcast_in_dim3A_23 {add = true} : memref<2560xf32, #tpu.memory_space<vmem>>[vector<16xi32>], vector<16xf32>,
        } else {
        }
      } else {
      }
      %scan3A_164 = arith.constant 0 : i32
      scf.yield %scan3A_164 : i32
    }
    %scan3A_74 = arith.constant 27 : i32
    %dma_wait3A_75 = arith.constant 0 : i32
    %dma_wait3A_76 = arith.constant 0 : i32
    %dma_wait3A_77 = tpu.memref_slice %arg8[%dma_wait3A_75, %dma_wait3A_76] : memref<157x128xi32, #tpu.memory_space<vmem>> -> memref<1x32xi32, #tpu.memory_space<vmem>>
    %dma_wait3A_78 = tpu.memref_squeeze %dma_wait3A_77 : memref<1x32xi32, #tpu.memory_space<vmem>> -> memref<32xi32, #tpu.memory_space<vmem>>
    %dma_wait3A_79 = arith.constant 0 : i32
    %dma_wait3A_80 = arith.constant 0 : i32
    %dma_wait3A_81 = tpu.memref_slice %arg16[%dma_wait3A_79, %dma_wait3A_80] : memref<2560x128xf32, #tpu.memory_space<vmem_shared>> -> memref<2560x128xf32, #tpu.memory_space<vmem_shared>>
    tpu.wait_indirect_dma semaphore(%arg23 : memref<!tpu.dma_semaphore, #tpu.memory_space<semaphore_mem>>) src(%arg9 : memref<32x128xf32, #tpu.memory_space<vmem>>) dst(%dma_wait3A_81 : memref<2560x128xf32, #tpu.memory_space<vmem_shared>>)
    %dma_start3A_82 = arith.constant 0 : i32
    %dma_start3A_83 = tpu.memref_slice %arg7[%add3A, %dma_start3A_82] : memref<32x2560xf32, #tpu.memory_space<hbm>> -> memref<1x2560xf32, #tpu.memory_space<hbm>>
    %dma_start3A_84 = tpu.memref_squeeze %dma_start3A_83 : memref<1x2560xf32, #tpu.memory_space<hbm>> -> memref<2560xf32, #tpu.memory_space<hbm>>
    %dma_start3A_85 = arith.constant 0 : i32
    %dma_start3A_86 = tpu.memref_slice %arg7[%add3A, %dma_start3A_85] : memref<32x2560xf32, #tpu.memory_space<hbm>> -> memref<1x2560xf32, #tpu.memory_space<hbm>>
    %dma_start3A_87 = tpu.memref_squeeze %dma_start3A_86 : memref<1x2560xf32, #tpu.memory_space<hbm>> -> memref<2560xf32, #tpu.memory_space<hbm>>
    tpu.enqueue_dma source(%arg15 : memref<2560xf32, #tpu.memory_space<vmem>>) target(%dma_start3A_87 : memref<2560xf32, #tpu.memory_space<hbm>>) target_semaphore(%arg24 : memref<!tpu.dma_semaphore, #tpu.memory_space<semaphore_mem>>)
    %barrier3A_88 = arith.constant 0 : index
    tpu.barrier barrier_id(%barrier3A_88)
    %mul3A_89 = arith.constant 160 : i32
    %mul3A_90 = arith.muli %arg1, %mul3A_89 : i32
    %mul3A_91 = arith.constant 160 : i32
    %mul3A_92 = arith.muli %arg1, %mul3A_91 : i32
    "tpu.region"() ({
      %run_scoped3A = tpu.sem_alloc : memref<!tpu.dma_semaphore, #tpu.memory_space<semaphore_mem>>
      %dma_start3A_99 = arith.constant 0 : i32
      %dma_start3A_100 = tpu.memref_slice %arg6[%arg0, %mul3A_92, %dma_start3A_99] : memref<2x2560x128xf32, #tpu.memory_space<hbm>> -> memref<1x160x128xf32, #tpu.memory_space<hbm>>
      %dma_start3A_101 = tpu.memref_squeeze %dma_start3A_100 : memref<1x160x128xf32, #tpu.memory_space<hbm>> -> memref<160x128xf32, #tpu.memory_space<hbm>>
      %dma_start3A_102 = arith.constant 0 : i32
      %dma_start3A_103 = tpu.memref_slice %arg16[%mul3A_90, %dma_start3A_102] : memref<2560x128xf32, #tpu.memory_space<vmem_shared>> -> memref<160x128xf32, #tpu.memory_space<vmem_shared>>
      tpu.enqueue_dma source(%dma_start3A_103 : memref<160x128xf32, #tpu.memory_space<vmem_shared>>) target(%dma_start3A_101 : memref<160x128xf32, #tpu.memory_space<hbm>>) target_semaphore(%run_scoped3A : memref<!tpu.dma_semaphore, #tpu.memory_space<semaphore_mem>>)
      %dma_wait3A_104 = arith.constant 0 : i32
      %dma_wait3A_105 = tpu.memref_slice %arg6[%arg0, %mul3A_92, %dma_wait3A_104] : memref<2x2560x128xf32, #tpu.memory_space<hbm>> -> memref<1x160x128xf32, #tpu.memory_space<hbm>>
      %dma_wait3A_106 = tpu.memref_squeeze %dma_wait3A_105 : memref<1x160x128xf32, #tpu.memory_space<hbm>> -> memref<160x128xf32, #tpu.memory_space<hbm>>
      %dma_wait3A_107 = arith.constant 0 : i32
      %dma_wait3A_108 = tpu.memref_slice %arg16[%mul3A_90, %dma_wait3A_107] : memref<2560x128xf32, #tpu.memory_space<vmem_shared>> -> memref<160x128xf32, #tpu.memory_space<vmem_shared>>
      tpu.wait_dma2 semaphore(%run_scoped3A : memref<!tpu.dma_semaphore, #tpu.memory_space<semaphore_mem>>) src(%dma_wait3A_108 : memref<160x128xf32, #tpu.memory_space<vmem_shared>>) dst(%dma_wait3A_106 : memref<160x128xf32, #tpu.memory_space<hbm>>)
      tpu.yield
    }) : () -> ()
    %dma_wait3A_93 = arith.constant 0 : i32
    %dma_wait3A_94 = tpu.memref_slice %arg7[%add3A, %dma_wait3A_93] : memref<32x2560xf32, #tpu.memory_space<hbm>> -> memref<1x2560xf32, #tpu.memory_space<hbm>>
    %dma_wait3A_95 = tpu.memref_squeeze %dma_wait3A_94 : memref<1x2560xf32, #tpu.memory_space<hbm>> -> memref<2560xf32, #tpu.memory_space<hbm>>
    %dma_wait3A_96 = arith.constant 0 : i32
    %dma_wait3A_97 = tpu.memref_slice %arg7[%add3A, %dma_wait3A_96] : memref<32x2560xf32, #tpu.memory_space<hbm>> -> memref<1x2560xf32, #tpu.memory_space<hbm>>
    %dma_wait3A_98 = tpu.memref_squeeze %dma_wait3A_97 : memref<1x2560xf32, #tpu.memory_space<hbm>> -> memref<2560xf32, #tpu.memory_space<hbm>>
    tpu.wait_dma2 semaphore(%arg24 : memref<!tpu.dma_semaphore, #tpu.memory_space<semaphore_mem>>) src(%arg15 : memref<2560xf32, #tpu.memory_space<vmem>>) dst(%dma_wait3A_98 : memref<2560xf32, #tpu.memory_space<hbm>>)
    return
  }
}

module attributes {stable_mosaic.version = 14 : i64} {
  func.func @_tc_body(%arg0: i32, %arg1: memref<1000x256xf32, #tpu.memory_space<vmem>>, %arg2: memref<2x1000x128xf32, #tpu.memory_space<vmem>>, %arg3: memref<1000x1xf32, #tpu.memory_space<vmem>>, %arg4: memref<256x256xf32, #tpu.memory_space<vmem>>, %arg5: memref<256x256xf32, #tpu.memory_space<vmem>>, %arg6: memref<1x256xf32, #tpu.memory_space<vmem>>, %arg7: memref<1000x256xf32, #tpu.memory_space<vmem>>) attributes {dimension_semantics = [#tpu.dimension_semantics<arbitrary>], iteration_bounds = array<i64: 5>, scalar_prefetch = 0 : i64, scratch_operands = 0 : i64, tpu.core_type = #tpu.core_type<tc>, window_params = [{transform_indices = @transform_0, window_bounds = array<i64: 1000, 256>}, {transform_indices = @transform_1, window_bounds = array<i64: 2, 1000, 128>}, {transform_indices = @transform_2, window_bounds = array<i64: 1000, 1>}, {pipeline_mode = #tpu.pipeline_mode<synchronous>, transform_indices = @transform_3, window_bounds = array<i64: 256, 256>}, {pipeline_mode = #tpu.pipeline_mode<synchronous>, transform_indices = @transform_4, window_bounds = array<i64: 256, 256>}, {pipeline_mode = #tpu.pipeline_mode<synchronous>, transform_indices = @transform_5, window_bounds = array<i64: 1, 256>}, {transform_indices = @transform_6, window_bounds = array<i64: 1000, 256>}]} {
    %get3A = arith.constant 0 : index
    %get3A_0 = arith.constant 0 : index
    %get3A_1 = vector.load %arg1[%get3A, %get3A_0] : memref<1000x256xf32, #tpu.memory_space<vmem>>, vector<1000x256xf32>
    %get3A_2 = arith.constant 0 : index
    %get3A_3 = arith.constant 0 : index
    %get3A_4 = arith.constant 0 : index
    %get3A_5 = vector.load %arg2[%get3A_2, %get3A_3, %get3A_4] : memref<2x1000x128xf32, #tpu.memory_space<vmem>>, vector<1x1000x128xf32>
    %get3A_6 = vector.shape_cast %get3A_5 : vector<1x1000x128xf32> to vector<1000x128xf32>
    %get3A_7 = arith.constant 1 : index
    %get3A_8 = arith.constant 0 : index
    %get3A_9 = arith.constant 0 : index
    %get3A_10 = vector.load %arg2[%get3A_7, %get3A_8, %get3A_9] : memref<2x1000x128xf32, #tpu.memory_space<vmem>>, vector<1x1000x128xf32>
    %get3A_11 = vector.shape_cast %get3A_10 : vector<1x1000x128xf32> to vector<1000x128xf32>
    %concatenate3A = tpu.concatenate %get3A_6, %get3A_11 in 1 : vector<1000x128xf32>, vector<1000x128xf32> -> vector<1000x256xf32>
    %get3A_12 = arith.constant 0 : index
    %get3A_13 = arith.constant 0 : index
    %get3A_14 = vector.load %arg3[%get3A_12, %get3A_13] : memref<1000x1xf32, #tpu.memory_space<vmem>>, vector<1000x1xf32>
    %max3A = arith.constant 1.000000e+00 : f32
    %max3A_15 = vector.broadcast %max3A : f32 to vector<1000x1xf32>
    %max3A_16 = arith.maximumf %get3A_14, %max3A_15 : vector<1000x1xf32>
    %div3A = vector.broadcast %max3A_16 : vector<1000x1xf32> to vector<1000x256xf32>
    %div3A_17 = arith.divf %concatenate3A, %div3A : vector<1000x256xf32>
    %get3A_18 = arith.constant 0 : index
    %get3A_19 = arith.constant 0 : index
    %get3A_20 = vector.load %arg4[%get3A_18, %get3A_19] : memref<256x256xf32, #tpu.memory_space<vmem>>, vector<256x256xf32>
    %dot_general3A = arith.constant dense<0.000000e+00> : vector<1000x256xf32>
    %dot_general3A_21 = tpu.matmul %get3A_1, %get3A_20, %dot_general3A {dimension_numbers = #tpu.dot_dimension_numbers<[1], [1], [0], [0], [0, 0, 1, 0], [], []>, transpose_lhs_hint = false} : vector<1000x256xf32>, vector<256x256xf32>, vector<1000x256xf32> -> vector<1000x256xf32>
    %get3A_22 = arith.constant 0 : index
    %get3A_23 = arith.constant 0 : index
    %get3A_24 = vector.load %arg5[%get3A_22, %get3A_23] : memref<256x256xf32, #tpu.memory_space<vmem>>, vector<256x256xf32>
    %dot_general3A_25 = arith.constant dense<0.000000e+00> : vector<1000x256xf32>
    %dot_general3A_26 = tpu.matmul %div3A_17, %get3A_24, %dot_general3A_25 {dimension_numbers = #tpu.dot_dimension_numbers<[1], [1], [0], [0], [0, 0, 1, 0], [], []>, transpose_lhs_hint = false} : vector<1000x256xf32>, vector<256x256xf32>, vector<1000x256xf32> -> vector<1000x256xf32>
    %add3A = arith.addf %dot_general3A_21, %dot_general3A_26 : vector<1000x256xf32>
    %get3A_27 = arith.constant 0 : index
    %get3A_28 = arith.constant 0 : index
    %get3A_29 = vector.load %arg6[%get3A_27, %get3A_28] : memref<1x256xf32, #tpu.memory_space<vmem>>, vector<1x256xf32>
    %add3A_30 = vector.broadcast %get3A_29 : vector<1x256xf32> to vector<1000x256xf32>
    %add3A_31 = arith.addf %add3A, %add3A_30 : vector<1000x256xf32>
    %max3A_32 = arith.constant 0.000000e+00 : f32
    %max3A_33 = vector.broadcast %max3A_32 : f32 to vector<1000x256xf32>
    %max3A_34 = arith.maximumf %add3A_31, %max3A_33 : vector<1000x256xf32>
    %swap3A = arith.constant 0 : index
    %swap3A_35 = arith.constant 0 : index
    %swap3A_36 = vector.load %arg7[%swap3A, %swap3A_35] : memref<1000x256xf32, #tpu.memory_space<vmem>>, vector<1000x256xf32>
    tpu.vector_store %arg7[%swap3A, %swap3A_35], %max3A_34 {strides = array<i32>} : memref<1000x256xf32, #tpu.memory_space<vmem>>, vector<1000x256xf32>,
    return
  }
  func.func @transform_0(%arg0: i32) -> (i32, i32) {
    %c0_i32 = arith.constant 0 : i32
    %c0_i32_0 = arith.constant 0 : i32
    return %arg0, %c0_i32 : i32, i32
  }
  func.func @transform_1(%arg0: i32) -> (i32, i32, i32) {
    %c0_i32 = arith.constant 0 : i32
    %c0_i32_0 = arith.constant 0 : i32
    %c0_i32_1 = arith.constant 0 : i32
    return %c0_i32, %arg0, %c0_i32_0 : i32, i32, i32
  }
  func.func @transform_2(%arg0: i32) -> (i32, i32) {
    %c0_i32 = arith.constant 0 : i32
    %c0_i32_0 = arith.constant 0 : i32
    return %arg0, %c0_i32 : i32, i32
  }
  func.func @transform_3(%arg0: i32) -> (i32, i32) {
    %c0_i32 = arith.constant 0 : i32
    %c0_i32_0 = arith.constant 0 : i32
    %c0_i32_1 = arith.constant 0 : i32
    return %c0_i32, %c0_i32_0 : i32, i32
  }
  func.func @transform_4(%arg0: i32) -> (i32, i32) {
    %c0_i32 = arith.constant 0 : i32
    %c0_i32_0 = arith.constant 0 : i32
    %c0_i32_1 = arith.constant 0 : i32
    return %c0_i32, %c0_i32_0 : i32, i32
  }
  func.func @transform_5(%arg0: i32) -> (i32, i32) {
    %c0_i32 = arith.constant 0 : i32
    %c0_i32_0 = arith.constant 0 : i32
    %c0_i32_1 = arith.constant 0 : i32
    return %c0_i32, %c0_i32_0 : i32, i32
  }
  func.func @transform_6(%arg0: i32) -> (i32, i32) {
    %c0_i32 = arith.constant 0 : i32
    %c0_i32_0 = arith.constant 0 : i32
    return %arg0, %c0_i32 : i32, i32
  }
}

module attributes {stable_mosaic.version = 14 : i64} {
  func.func @_tc_body(%arg0: i32, %arg1: memref<640x256xf32, #tpu.memory_space<vmem>>, %arg2: memref<2x640x128xf32, #tpu.memory_space<vmem>>, %arg3: memref<640x1xf32, #tpu.memory_space<vmem>>, %arg4: memref<256x256xf32, #tpu.memory_space<vmem>>, %arg5: memref<256x256xf32, #tpu.memory_space<vmem>>, %arg6: memref<1x256xf32, #tpu.memory_space<vmem>>, %arg7: memref<640x256xf32, #tpu.memory_space<vmem>>) attributes {dimension_semantics = [#tpu.dimension_semantics<arbitrary>], iteration_bounds = array<i64: 4>, scalar_prefetch = 0 : i64, scratch_operands = 0 : i64, tpu.core_type = #tpu.core_type<tc>, window_params = [{transform_indices = @transform_0, window_bounds = array<i64: 640, 256>}, {transform_indices = @transform_1, window_bounds = array<i64: 2, 640, 128>}, {transform_indices = @transform_2, window_bounds = array<i64: 640, 1>}, {pipeline_mode = #tpu.pipeline_mode<synchronous>, transform_indices = @transform_3, window_bounds = array<i64: 256, 256>}, {pipeline_mode = #tpu.pipeline_mode<synchronous>, transform_indices = @transform_4, window_bounds = array<i64: 256, 256>}, {pipeline_mode = #tpu.pipeline_mode<synchronous>, transform_indices = @transform_5, window_bounds = array<i64: 1, 256>}, {transform_indices = @transform_6, window_bounds = array<i64: 640, 256>}]} {
    %get3A = arith.constant 0 : index
    %get3A_0 = arith.constant 0 : index
    %get3A_1 = vector.load %arg1[%get3A, %get3A_0] : memref<640x256xf32, #tpu.memory_space<vmem>>, vector<640x256xf32>
    %get3A_2 = arith.constant 0 : index
    %get3A_3 = arith.constant 0 : index
    %get3A_4 = arith.constant 0 : index
    %get3A_5 = vector.load %arg2[%get3A_2, %get3A_3, %get3A_4] : memref<2x640x128xf32, #tpu.memory_space<vmem>>, vector<1x640x128xf32>
    %get3A_6 = vector.shape_cast %get3A_5 : vector<1x640x128xf32> to vector<640x128xf32>
    %get3A_7 = arith.constant 1 : index
    %get3A_8 = arith.constant 0 : index
    %get3A_9 = arith.constant 0 : index
    %get3A_10 = vector.load %arg2[%get3A_7, %get3A_8, %get3A_9] : memref<2x640x128xf32, #tpu.memory_space<vmem>>, vector<1x640x128xf32>
    %get3A_11 = vector.shape_cast %get3A_10 : vector<1x640x128xf32> to vector<640x128xf32>
    %concatenate3A = tpu.concatenate %get3A_6, %get3A_11 in 1 : vector<640x128xf32>, vector<640x128xf32> -> vector<640x256xf32>
    %get3A_12 = arith.constant 0 : index
    %get3A_13 = arith.constant 0 : index
    %get3A_14 = vector.load %arg3[%get3A_12, %get3A_13] : memref<640x1xf32, #tpu.memory_space<vmem>>, vector<640x1xf32>
    %max3A = arith.constant 1.000000e+00 : f32
    %max3A_15 = vector.broadcast %max3A : f32 to vector<640x1xf32>
    %max3A_16 = arith.maximumf %get3A_14, %max3A_15 : vector<640x1xf32>
    %div3A = vector.broadcast %max3A_16 : vector<640x1xf32> to vector<640x256xf32>
    %div3A_17 = arith.divf %concatenate3A, %div3A : vector<640x256xf32>
    %get3A_18 = arith.constant 0 : index
    %get3A_19 = arith.constant 0 : index
    %get3A_20 = vector.load %arg4[%get3A_18, %get3A_19] : memref<256x256xf32, #tpu.memory_space<vmem>>, vector<256x256xf32>
    %dot_general3A = arith.constant dense<0.000000e+00> : vector<640x256xf32>
    %dot_general3A_21 = tpu.matmul %get3A_1, %get3A_20, %dot_general3A {dimension_numbers = #tpu.dot_dimension_numbers<[1], [1], [0], [0], [0, 0, 1, 0], [], []>, transpose_lhs_hint = false} : vector<640x256xf32>, vector<256x256xf32>, vector<640x256xf32> -> vector<640x256xf32>
    %get3A_22 = arith.constant 0 : index
    %get3A_23 = arith.constant 0 : index
    %get3A_24 = vector.load %arg5[%get3A_22, %get3A_23] : memref<256x256xf32, #tpu.memory_space<vmem>>, vector<256x256xf32>
    %dot_general3A_25 = arith.constant dense<0.000000e+00> : vector<640x256xf32>
    %dot_general3A_26 = tpu.matmul %div3A_17, %get3A_24, %dot_general3A_25 {dimension_numbers = #tpu.dot_dimension_numbers<[1], [1], [0], [0], [0, 0, 1, 0], [], []>, transpose_lhs_hint = false} : vector<640x256xf32>, vector<256x256xf32>, vector<640x256xf32> -> vector<640x256xf32>
    %add3A = arith.addf %dot_general3A_21, %dot_general3A_26 : vector<640x256xf32>
    %get3A_27 = arith.constant 0 : index
    %get3A_28 = arith.constant 0 : index
    %get3A_29 = vector.load %arg6[%get3A_27, %get3A_28] : memref<1x256xf32, #tpu.memory_space<vmem>>, vector<1x256xf32>
    %add3A_30 = vector.broadcast %get3A_29 : vector<1x256xf32> to vector<640x256xf32>
    %add3A_31 = arith.addf %add3A, %add3A_30 : vector<640x256xf32>
    %swap3A = arith.constant 0 : index
    %swap3A_32 = arith.constant 0 : index
    %swap3A_33 = vector.load %arg7[%swap3A, %swap3A_32] : memref<640x256xf32, #tpu.memory_space<vmem>>, vector<640x256xf32>
    tpu.vector_store %arg7[%swap3A, %swap3A_32], %add3A_31 {strides = array<i32>} : memref<640x256xf32, #tpu.memory_space<vmem>>, vector<640x256xf32>,
    return
  }
  func.func @transform_0(%arg0: i32) -> (i32, i32) {
    %c0_i32 = arith.constant 0 : i32
    %c0_i32_0 = arith.constant 0 : i32
    return %arg0, %c0_i32 : i32, i32
  }
  func.func @transform_1(%arg0: i32) -> (i32, i32, i32) {
    %c0_i32 = arith.constant 0 : i32
    %c0_i32_0 = arith.constant 0 : i32
    %c0_i32_1 = arith.constant 0 : i32
    return %c0_i32, %arg0, %c0_i32_0 : i32, i32, i32
  }
  func.func @transform_2(%arg0: i32) -> (i32, i32) {
    %c0_i32 = arith.constant 0 : i32
    %c0_i32_0 = arith.constant 0 : i32
    return %arg0, %c0_i32 : i32, i32
  }
  func.func @transform_3(%arg0: i32) -> (i32, i32) {
    %c0_i32 = arith.constant 0 : i32
    %c0_i32_0 = arith.constant 0 : i32
    %c0_i32_1 = arith.constant 0 : i32
    return %c0_i32, %c0_i32_0 : i32, i32
  }
  func.func @transform_4(%arg0: i32) -> (i32, i32) {
    %c0_i32 = arith.constant 0 : i32
    %c0_i32_0 = arith.constant 0 : i32
    %c0_i32_1 = arith.constant 0 : i32
    return %c0_i32, %c0_i32_0 : i32, i32
  }
  func.func @transform_5(%arg0: i32) -> (i32, i32) {
    %c0_i32 = arith.constant 0 : i32
    %c0_i32_0 = arith.constant 0 : i32
    %c0_i32_1 = arith.constant 0 : i32
    return %c0_i32, %c0_i32_0 : i32, i32
  }
  func.func @transform_6(%arg0: i32) -> (i32, i32) {
    %c0_i32 = arith.constant 0 : i32
    %c0_i32_0 = arith.constant 0 : i32
    return %arg0, %c0_i32 : i32, i32
  }
}

</mosaic_0001>

<sc_bundles>
// kernel: kernel.6.cloned.1.call-start
scs
__scs_entry_jumppad:
0x0: {  	(pc) =	sbr.rel $0x88, $3  }
0x1: {  	(tag) =	ssettag $0x0;
	lr =	simm.s32 $0x1  }
0x2: {  	[smem:$0x3F96] =	sst lr;
	_ =	strace $0xD0000000  }
0x3: {  	_ = 	snop  }
0x4: {  	_ = 	snop  }
0x5: {  	_ = 	snop  }
0x6: {  	_ = 	snop  }
0x7: {  	_ = 	snop  }
__scs_overlays_trampoline_lowered:
0x8: {  	[smem:$0x3FA5] =	sst s0  }
0x9: {  	[smem:$0x3FA6] =	sst s1  }
0xa: {  	[smem:$0x3FA7] =	sst s2  }
0xb: {  	[smem:$0x3FA8] =	sst s3  }
0xc: {  	[smem:$0x3FA9] =	sst s4  }
0xd: {  	[smem:$0x3FAA] =	sst s5  }
0xe: {  	[smem:$0x3FAB] =	sst s6  }
0xf: {  	[smem:$0x3FAC] =	sst s7  }
0x10: {  	[smem:$0x3FAD] =	sst s8  }
0x11: {  	[smem:$0x3FAE] =	sst s9;
	s0 =	simm.s32 @!p0 $0x0  }
0x12: {  	s1 =	sld [smem:$0x3F94];
	s0 =	simm.s32 @p0 $0x1  }
0x13: {  	[smem:$0x3FAF] =	sst s0;
	s0 =	simm.s32 @!p1 $0x0  }
0x14: {  	s2 =	sld [smem:$0x3F93];
	s0 =	simm.s32 @p1 $0x1  }
0x15: {  	[smem:$0x3FB0] =	sst s0;
	s0 =	simm.s32 @!p2 $0x0  }
0x16: {  	s3 =	sld [smem:$0x3FDB];
	s0 =	simm.s32 @p2 $0x1  }
0x17: {  	s4 =	simm.s32 $0x1BF5;
	[smem:$0x3FB2] =	sst s0  }
0x18: {  	s0 =	sld [smem:$0x3F95];
	_ =	swait.ge [sflag:s4], $0x0  }
0x19: {  	s7 =	sld [smem:$0x3F96]  }
0x1a: {  	s8 =	sadd.s32 $0xFFFFE003, lr  }
0x1b: {  	s9 =	sadd.s32 $0xFFFFFEF7, lr;
	s5 =	simm.s32 $0xFFFFFFFF;
	p2 =	slt.u32 s8, $0xFFFFF086  }
0x1c: {  	p1 =	slt.u32 s9, $0xF7A;
	s5 =	simm.s32 @!p2 $0x0  }
0x1d: {  	s5 =	simm.s32 @p1 $0x1;
	p0 =	seq.s32 s7, s2  }
0x1e: {  	s7 =	smul.u32 @!p0 $0xF7A, s2;
	p2 =	seq.s32 @!p0 s5, $0x0  }
0x1f: {  	s9 =	smul.u32 $0xF7A, s1;
	s8 =	simm.s32 @!p0 $0x1BF5;
	p2 =	por !p2, p0  }
0x20: {  	[sflag:s8] =	ssyncset.s32 @!p0 $0xFFFFF086;
	s6 =	sadd.s32 @!p0 s3, s7;
	s7 =	simm.s32 @!p0 $0x108  }
0x21: {  	s3 =	sadd.s32 s3, s9;
	s6 =	sadd.s32 @!p0 $0x88, s6;
	s7 =	simm.s32 @p2 $0x1082  }
0x22: {  	[simem:s7], [sflag:s8] =	dma.local @!p0 [hbm:s6], $0xF7A  }
0x23: {  	s9 =	sor.u32 $0xD0000000, s2;
	s6 =	simm.s32 $0x108;
	_ =	swait.ge @!p0 [sflag:s8], $0x0  }
0x24: {  	s3 =	sadd.s32 $0x88, s3;
	s6 =	simm.s32 @!p1 $0x1082;
	[sflag:s4] =	ssyncset.s32 $0xFFFFF086  }
0x25: {  	[simem:s6], [sflag:s4] =	dma.local [hbm:s3], $0xF7A  }
0x26: {  	[smem:$0x3F96] =	sst s1;
	(tag) =	ssettag s2;
	_ =	strace s9  }
0x27: {  	s1 =	sld [smem:$0x3FA6]  }
0x28: {  	s2 =	sld [smem:$0x3FA7]  }
0x29: {  	s4 =	sld [smem:$0x3FA9]  }
0x2a: {  	p0 =	seq.s32 s5, $0x0;
	s5 =	sld [smem:$0x3FAA]  }
0x2b: {  	s6 =	sld [smem:$0x3FAB]  }
0x2c: {  	s7 =	sld [smem:$0x3FAC]  }
0x2d: {  	s3 =	simm.s32 $0x108;
	s8 =	sld [smem:$0x3FAD]  }
0x2e: {  	s3 =	simm.s32 @!p0 $0x1082;
	s9 =	sld [smem:$0x3FAE]  }
0x2f: {  	lr =	sadd.s32 s0, s3;
	s0 =	sld [smem:$0x3FA5]  }
0x30: {  	s3 =	sld [smem:$0x3FA8]  }
0x31: {  	[smem:$0x3FB1] =	sst s10  }
0x32: {  	s10 =	sld [smem:$0x3FAF];
	_ =	sdelay $0x3  }
0x33: {  	p0 =	seq.s32 s10, $0x1;
	s10 =	sld [smem:$0x3FB1];
	_ =	sdelay $0x3  }
0x34: {  	[smem:$0x3FB1] =	sst s10  }
0x35: {  	s10 =	sld [smem:$0x3FB0];
	_ =	sdelay $0x3  }
0x36: {  	p1 =	seq.s32 s10, $0x1;
	s10 =	sld [smem:$0x3FB1];
	_ =	sdelay $0x3  }
0x37: {  	[smem:$0x3FB1] =	sst s10  }
0x38: {  	s10 =	sld [smem:$0x3FB2]  }
0x39: {  	_ = 	snop;
	(pc) =	sbr.ind lr, $3  }
0x3a: {  	_ = 	snop  }
0x3b: {  	_ = 	snop  }
0x3c: {  	p2 =	seq.s32 s10, $0x1;
	s10 =	sld [smem:$0x3FB1]  }
0x3d: {  	_ =	shalt  }
0x3e: {  	_ =	shalt  }
0x3f: {  	_ =	shalt  }
0x40: {  	_ =	shalt  }
0x41: {  	_ =	shalt  }
0x42: {  	_ =	shalt  }
0x43: {  	_ =	shalt  }
0x44: {  	_ =	shalt  }
0x45: {  	_ =	shalt  }
0x46: {  	_ =	shalt  }
0x47: {  	_ =	shalt  }
0x48: {  	_ =	shalt  }
0x49: {  	_ =	shalt  }
0x4a: {  	_ =	shalt  }
0x4b: {  	_ =	shalt  }
0x4c: {  	_ =	shalt  }
0x4d: {  	_ =	shalt  }
0x4e: {  	_ =	shalt  }
0x4f: {  	_ =	shalt  }
0x50: {  	_ =	shalt  }
0x51: {  	_ =	shalt  }
0x52: {  	_ =	shalt  }
0x53: {  	_ =	shalt  }
0x54: {  	_ =	shalt  }
0x55: {  	_ =	shalt  }
0x56: {  	_ =	shalt  }
0x57: {  	_ =	shalt  }
0x58: {  	_ =	shalt  }
0x59: {  	_ =	shalt  }
0x5a: {  	_ =	shalt  }
0x5b: {  	_ =	shalt  }
0x5c: {  	_ =	shalt  }
0x5d: {  	_ =	shalt  }
0x5e: {  	_ =	shalt  }
0x5f: {  	_ =	shalt  }
0x60: {  	_ =	shalt  }
0x61: {  	_ =	shalt  }
0x62: {  	_ =	shalt  }
0x63: {  	_ =	shalt  }
0x64: {  	_ =	shalt  }
0x65: {  	_ =	shalt  }
0x66: {  	_ =	shalt  }
0x67: {  	_ =	shalt  }
0x68: {  	_ =	shalt  }
0x69: {  	_ =	shalt  }
0x6a: {  	_ =	shalt  }
0x6b: {  	_ =	shalt  }
0x6c: {  	_ =	shalt  }
0x6d: {  	_ =	shalt  }
0x6e: {  	_ =	shalt  }
0x6f: {  	_ =	shalt  }
0x70: {  	_ =	shalt  }
0x71: {  	_ =	shalt  }
0x72: {  	_ =	shalt  }
0x73: {  	_ =	shalt  }
0x74: {  	_ =	shalt  }
0x75: {  	_ =	shalt  }
0x76: {  	_ =	shalt  }
0x77: {  	_ =	shalt  }
0x78: {  	_ =	shalt  }
0x79: {  	_ =	shalt  }
0x7a: {  	_ =	shalt  }
0x7b: {  	_ =	shalt  }
0x7c: {  	_ =	shalt  }
0x7d: {  	_ =	shalt  }
0x7e: {  	_ =	shalt  }
0x7f: {  	_ =	shalt  }
0x80: {  	_ =	shalt  }
0x81: {  	_ =	shalt  }
0x82: {  	_ =	shalt  }
0x83: {  	_ =	shalt  }
0x84: {  	_ =	shalt  }
0x85: {  	_ =	shalt  }
0x86: {  	_ =	shalt  }
0x87: {  	_ =	shalt  }
.Lfunc_end0:
.L_simem_size_0:
called_computation_lowered:
.L_overlay_start_0:
0x88: {  	s2 =	sld [smem:$0x3FD9]  }
0x89: {  	s3 =	sld [smem:$0x3FFE];
	_ =	sdelay $0x1  }
0x8a: {  	s1 =	srdreg.scid  }
0x8b: {  	s0 =	sand.u32 $0x1, s1  }
0x8c: {  	s17 =	sshll.u32 s0, $0xA;
	s2 =	sadd.s32 s3, s2  }
0x8d: {  	s2 =	sadd.s32 s2, s17  }
0x8e: {  	[smem:$0x3FBD] =	sst s2  }
0x8f: {  	_ = 	snop  }
0x90: {  	s2 =	sld [smem:$0x3FC9];
	(tm) =	ssettm $0x1  }
0x91: {  	s18 =	sld [smem:$0x3FFB];
	_ =	sdelay $0x3  }
0x92: {  	_ =	strace s18  }
0x93: {  	s3 =	sld [smem:$0x3FFC];
	_ =	sdelay $0x3  }
0x94: {  	_ =	strace s3  }
0x95: {  	s3 =	sld [smem:$0x3FFD];
	_ =	sdelay $0x3  }
0x96: {  	_ =	strace s3  }
0x97: {  	_ =	strace $0x8FFFFFFF  }
0x98: {  	s19 =	sld [smem:$0x3FDB];
	_ =	sdelay $0x1  }
0x99: {  	s4 =	simm.s32 $_scs_section_size  }
0x9a: {  	s5 =	simm.s32 $_size__tile_overlayer_lowered;
	s6 =	simm.s32 $_tile_overlayer_lowered  }
0x9b: {  	s22 =	simm.s32 $0x1BFF;
	s21 =	sshll.u32 s6, $0x1;
	s3 =	sadd.s32 s4, s19  }
0x9c: {  	s7 =	simm.s32 $0x0;
	s20 =	sshll.u32 s5, $0x1;
	s5 =	sadd.s32 s21, s3  }
0x9d: {  	[timem:s7], [sflag:s22] =	dma.local [hbm:s5], s20  }
0x9e: {  	_ =	swait.ge [sflag:s22], s20  }
0x9f: {  	s4 =	ssub.s32 $0x0, s20;
	[sflag:s22] =	ssyncset.done $0x0  }
0xa0: {  	[sflag:s22] =	ssyncadd.s32 s4;
	_ =	sdelay $0x1  }
0xa1: {  	s23 =	simm.s32 $0x1B8B  }
0xa2: {  	_ =	swait.ge [sflag:s23], $0x1  }
0xa3: {  	[sflag:s23] =	ssyncset.done $0x0  }
0xa4: {  	s25 =	simm.s32 $0x1B8E;
	s24 =	sld [smem:$0x3FFE];
	[sflag:s23] =	ssyncadd.s32 $0xFFFFFFFF  }
0xa5: {  	s26 =	simm.s32 $execute0_lowered;
	[smem:$0x3FD2] =	sst s25  }
0xa6: {  	s5 =	sshll.u32 s26, $0x1;
	_ =	strace $0x80000046;
	[dreg:$0x1] =	wrdreg $0xFFFFFFFF  }
0xa7: {  	s28 =	simm.s32 $_size_execute0_lowered;
	s3 =	sadd.s32 s3, s5;
	[dreg:$0x0] =	wrdreg $0x0  }
0xa8: {  	s5 =	sshll.u32 s28, $0x1;
	[dreg:$0x2] =	wrdreg s3  }
0xa9: {  	[dreg:$0x3] =	wrdreg s5  }
0xaa: {  	[dreg:$0x4] =	wrdreg $0xC0  }
0xab: {  	_ =	task [dreg:s7], $0x5FFFF  }
0xac: {  	[dreg:$0x1] =	wrdreg $0xFFFFFFFF  }
0xad: {  	[dreg:$0x0] =	wrdreg $0x60  }
0xae: {  	[dreg:$0x2] =	wrdreg s2  }
0xaf: {  	[dreg:$0x3] =	wrdreg s24  }
0xb0: {  	[dreg:$0x4] =	wrdreg $0x114000  }
0xb1: {  	[dreg:$0x5] =	wrdreg $0x9  }
0xb2: {  	_ =	task.clear_ibuf [dreg:s7], $0x6FFFF;
	_ =	strace $0x90000046  }
0xb3: {  	s29 =	simm.s32 $0x9;
	_ =	strace $0x80000048  }
0xb4: {  	_ =	swait.ge [sflag:s29], $0x1  }
0xb5: {  	[sflag:s29] =	ssyncadd.s32 $0xFFFFFFFF  }
0xb6: {  	_ =	strace $0x90000048  }
0xb7: {  	_ =	sfence  }
0xb8: {  	s30 =	sld [smem:$0x0];
	_ =	sdelay $0x2  }
0xb9: {  	s31 =	sshll.u32 s1, $0xD;
	s1 =	sshrl.u32 s1, $0x2  }
0xba: {  	s3 =	sand.u32 $0x4000, s31;
	s1 =	sadd.s32 s1, s30  }
0xbb: {  	s0 =	sor.u32 s3, s0;
	s1 =	sshll.u32 s1, $0x11  }
0xbc: {  	s0 =	sor.u32 s1, s0  }
0xbd: {  	s0 =	sadd.s32 $0x8F2B, s0  }
0xbe: {  	[sflag:s0] =	ssyncadd.remote.s32 $0x1  }
0xbf: {  	_ =	sfence.sel $0xFFFF  }
0xc0: {  	[dreg:$0x0] =	wrdreg $0xFFFFFFFF;
	(pc) =	sbr.abs _section_cstart, $3  }
0xc1: {  	[dreg:$0x1] =	wrdreg $0xFFFFFFFF  }
0xc2: {  	_ =	task.clear_ibuf [dreg:s7], $0x2FFFF;
	_ =	strace $0x9FFFFFFF  }
0xc3: {  	(tm) =	ssettm $0x7FFFFFFF  }
tec
execute0_lowered:
.L_overlay_start_1:
0x0: {  	(tag) =	ssettag $0x1  }
0x1: {  	s0 =	rddreg [dreg:$0x0]  }
0x2: {  	s1 =	rddreg [dreg:$0x1]  }
0x3: {  	s11 =	stileid.u32;
	s3 =	srdreg.scid  }
0x4: {  	s2 =	rddreg [dreg:$0x2];
	s30 =	simm.s32 $0xC000;
	s13 =	simm.s32 $0x20  }
0x5: {  	s14 =	simm.s32 $0xFD80;
	s28 =	simm.s32 $0x5;
	s29 =	simm.s32 $0x6  }
0x6: {  	s4 =	smul.u32 $0x1400, s11;
	s5 =	sand.u32 $0x1, s3;
	s3 =	simm.s32 $0x0  }
0x7: {  	s7 =	smul.u32 $0xA000, s11;
	s8 =	sshrl.u32 s11, $0x2;
	s9 =	sshll.u32 s11, $0x8  }
0x8: {  	s10 =	sadd.s32 $0x14E00, s1;
	s17 =	sadd.s32 $0x16200, s1;
	s19 =	smul.u32 $0x28000, s11  }
0x9: {  	s22 =	sshll.u32 s11, $0x6;
	s11 =	simm.s32 $0x8;
	s6 =	smul.u32 $0xA0000, s5  }
0xa: {  	[smem:$0x7FF] =	sst s3;
	s8 =	smul.u32 $0xA000, s8;
	s9 =	sand.u32 $0x300, s9  }
0xb: {  	s16 =	sshll.u32 s5, $0x7;
	s18 =	ssub.s32 $0x2, s5;
	s24 =	sor.u32 $0x1C08, s22  }
0xc: {  	p0 =	sne.s32 s5, $0x0;
	_ =	strace $0x80000047;
	[dreg:$0x4] =	wrdreg s10  }
0xd: {  	p1 =	seq.s32 s5, $0x0;
	s5 =	simm.s32 $0x0;
	[dreg:$0x5] =	wrdreg s17  }
0xe: {  	s4 =	sadd.s32 s4, s1;
	s20 =	sshrl.u32 s18, $0x1;
	[dreg:$0x6] =	wrdreg s22  }
0xf: {  	s21 =	sshrl.u32 s19, $0x2;
	[dreg:$0x8] =	wrdreg s24;
	s22 =	simm.s32 $0xB000  }
0x10: {  	s17 =	simm.s32 $0xFE00;
	s19 =	simm.s32 $0xFF00;
	s24 =	simm.s32 $0x7  }
0x11: {  	s6 =	sadd.s32 s7, s6;
	s8 =	sor.u32 s8, s9;
	s4 =	sadd.s32 $0xE00, s4  }
0x12: {  	s23 =	sadd.s32 s21, s2;
	s9 =	sadd.s32 s0, s16;
	s7 =	simm.s32 $0x10000  }
0x13: {  	s0 =	simm.s32 $0x1;
	s21 =	simm.s32 $0xFF80;
	s6 =	sshrl.u32 s6, $0x3  }
0x14: {  	s8 =	sor.u32 s16, s8;
	[dreg:$0x7] =	wrdreg s4;
	s10 =	sshrl.u32 s23, $0x3  }
0x15: {  	v0 =	vimm.s32 $0x7;
	s16 =	simm.s32 $0xA000;
	s4 =	simm.s32 $0xF000;
	s23 =	simm.s32 $0x2  }
0x16: {  	v1 =	vimm.s32 $0x1;
	v2 =	vimm.s32 $0x0;
	v3 =	vlaneseq.u32;
	s8 =	sshrl.u32 s8, $0x3;
	s6 =	sadd.s32 s6, s1;
	[dreg:$0xc] =	wrdreg s10  }
.Ltmp0:
0x17: {  	vm0 =	vmmov $0x1;
	v4 =	vimm.s32 $0x2;
	v5 =	vimm.s32 $0x3;
	s1 =	sadd.s32 s8, s1;
	s8 =	ssub.s32 s18, s20;
	(pc) =	sbr.rel .LBB2_1-.Ltmp0, $4  }
0x18: {  	v6 =	vimm.s32 $0x4;
	v7 =	vimm.s32 $0x5;
	v8 =	vimm.s32 $0x6;
	s26 =	sadd.s32 $0x1B600, s6;
	s20 =	simm.s32 $0xE000;
	s6 =	simm.s32 $0xFD00  }
0x19: {  	v9 =	vimm.s32 $0x8;
	v10 =	vimm.s32 $0x9;
	v11 =	vimm.s32 $0xA;
	s18 =	simm.s32 $0xFE80;
	s25 =	sadd.s32 $0x16600, s1;
	[dreg:$0xa] =	wrdreg s26  }
0x1a: {  	v12 =	vimm.s32 $0xB;
	v13 =	vimm.s32 $0xC;
	v14 =	vimm.s32 $0xD;
	s31 =	smax.u32 s8, $0x1;
	s8 =	simm.s32 $0xD000;
	[dreg:$0x9] =	wrdreg s25  }
0x1b: {  	v15 =	vimm.s32 $0xE;
	v16 =	vimm.s32 $0xF;
	v3 =	vmul.u32 $0x8, v3;
	s26 =	simm.s32 $0x4;
	[dreg:$0xb] =	wrdreg s31;
	s25 =	simm.s32 $0x3  }
.LBB2_21:
0x1c: {  	_ =	swait.ge [sflag:s24], $0x1000  }
0x1d: {  	s7 =	simm.s32 $0x10000;
	s5 =	simm.s32 $0x80;
	[sflag:s24] =	ssyncset.done $0x0  }
0x1e: {  	s10 =	simm.s32 $0x400;
	s1 =	rddreg [dreg:$0x9];
	[sflag:s24] =	ssyncadd.s32 $0xFFFFF000  }
0x1f: {  	[hbm4b:s1+s5] =	stream.strided.scatter [tilespmem:s7], [sflag:$0x8], $0x1400, s10, s5, $0x38;
	[tilespmem:$0x1B400] =	vst v63  }
0x20: {  	[bflag:$0x0] =	sbarrier.arrive $0xFFFF  }
0x21: {  	s10 =	rddreg [dreg:$0x6]  }
0x22: {  	s11 =	rddreg [dreg:$0xa]  }
0x23: {  	s12 =	simm.s32 $0x9;
	s1 =	sor.u32 $0x1C09, s10;
	s10 =	rddreg [dreg:$0xc]  }
0x24: {  	[hbm:s11], [sflag:s1] =	dma.local [spmem:s10], $0x1400  }
0x25: {  	_ =	swait.ge [sflag:s12], $0x1400  }
0x26: {  	[sflag:s12] =	ssyncset.done $0x0  }
0x27: {  	s11 =	simm.s32 $0x8;
	[sflag:s12] =	ssyncadd.s32 $0xFFFFEC00  }
0x28: {  	_ =	swait.ge [sflag:s11], $0x1400  }
0x29: {  	s15 =	rddreg [dreg:$0xd]  }
0x2a: {  	s31 =	rddreg [dreg:$0xb];
	s5 =	sadd.s32 $0x1, s15  }
0x2b: {  	p2 =	sne.s32 s5, s31  }
.Ltmp1:
0x2c: {  	_ = 	snop;
	(pc) =	sbr.rel @!p2 .LBB2_22-.Ltmp1, $3  }
0x2d: {  	_ =	sdelay $0x1  }
0x2e: {  	[sflag:s11] =	ssyncset.done $0x0  }
0x2f: {  	[sflag:s11] =	ssyncadd.s32 $0xFFFFEC00  }
.LBB2_1:
0x30: {  	[dreg:$0xd] =	wrdreg s5  }
0x31: {  	s1 =	rddreg [dreg:$0x7]  }
0x32: {  	s5 =	rddreg [dreg:$0x5]  }
0x33: {  	s12 =	rddreg [dreg:$0x4]  }
0x34: {  	[tilespmem:s3], [sflag:$0x8] =	stream.linear.gather [hbm4b:s1+s3], $0x9C80, $0x38;
	[tilespmem:$0x1B400] =	vst v63  }
0x35: {  	s15 =	rddreg [dreg:$0x8]  }
0x36: {  	[tilespmem:s7], [sflag:$0x8] =	stream.linear.gather [hbm4b:s5+s3], $0x1400, $0x38;
	[tilespmem:$0x1B400] =	vst v63  }
0x37: {  	[spmem:s10], [sflag:s15] =	dma.local [hbm:s12], $0x1400  }
0x38: {  	_ =	swait.ge [sflag:s11], $0x9C80  }
0x39: {  	[sflag:s11] =	ssyncset.done $0x0  }
0x3a: {  	[sflag:s11] =	ssyncadd.s32 $0xFFFF6380  }
0x3b: {  	_ =	swait.ge [sflag:s11], $0x1400  }
0x3c: {  	[sflag:s11] =	ssyncset.done $0x0  }
0x3d: {  	[sflag:s11] =	ssyncadd.s32 $0xFFFFEC00  }
0x3e: {  	_ =	swait.ge [sflag:s11], $0x1400  }
0x3f: {  	[sflag:s11] =	ssyncset.done $0x0  }
0x40: {  	[sflag:s11] =	ssyncadd.s32 $0xFFFFEC00  }
0x41: {  	[bflag:$0x0] =	sbarrier.arrive $0xFFFF  }
0x42: {  	v17 =	vld [tilespmem:$0x20];
	_ =	sdelay $0x4  }
0x43: {  	v18 =	vshll.u32 v17, $0x1  }
0x44: {  	v17 =	vand.u32 $0x7, v17;
	v18 =	vand.u32 $0xFFFFFFF0, v18  }
0x45: {  	v17 =	vor.u32 v17, v18  }
0x46: {  	v18 =	vperm.xlane v17, v2;
	_ =	sdelay $0x1  }
0x47: {  	v19 =	vperm.xlane v17, v1;
	v18 =	vadd.s32 v3, v18;
	_ =	sdelay $0x1  }
0x48: {  	v20 =	vperm.xlane v17, v4;
	v19 =	vadd.s32 v3, v19;
	_ =	sdelay $0x1  }
0x49: {  	v21 =	vperm.xlane v17, v5;
	v20 =	vadd.s32 v3, v20  }
0x4a: {  	[tilespmem:s16], [sflag:$0x1] =	stream.indirect_vreg.gather [hbm4b:s9+s3], $0x80, v18, vm0, $0xb8;
	[tilespmem:$0x1B400] =	vst v63  }
0x4b: {  	s7 =	simm.s32 $0xA080;
	v56 =	vperm.xlane v17, v6;
	v18 =	vadd.s32 v3, v21  }
0x4c: {  	[tilespmem:s7], [sflag:$0x1] =	stream.indirect_vreg.gather [hbm4b:s9+s3], $0x80, v19, vm0, $0xb8;
	[tilespmem:$0x1B400] =	vst v63  }
0x4d: {  	s10 =	simm.s32 $0xA100;
	v57 =	vperm.xlane v17, v7;
	v19 =	vadd.s32 v3, v56  }
0x4e: {  	[tilespmem:s10], [sflag:$0x1] =	stream.indirect_vreg.gather [hbm4b:s9+s3], $0x80, v20, vm0, $0xb8;
	[tilespmem:$0x1B400] =	vst v63  }
0x4f: {  	s11 =	simm.s32 $0xA180;
	v59 =	vperm.xlane v17, v8;
	v58 =	vadd.s32 v3, v57  }
0x50: {  	[tilespmem:s11], [sflag:$0x1] =	stream.indirect_vreg.gather [hbm4b:s9+s3], $0x80, v18, vm0, $0xb8;
	[tilespmem:$0x1B400] =	vst v63  }
0x51: {  	s12 =	simm.s32 $0xA200;
	v60 =	vperm.xlane v17, v0;
	v18 =	vadd.s32 v3, v59  }
0x52: {  	[tilespmem:s12], [sflag:$0x1] =	stream.indirect_vreg.gather [hbm4b:s9+s3], $0x80, v19, vm0, $0xb8;
	[tilespmem:$0x1B400] =	vst v63  }
0x53: {  	s15 =	simm.s32 $0xA280;
	v61 =	vperm.xlane v17, v9;
	v19 =	vadd.s32 v3, v60  }
0x54: {  	[tilespmem:s15], [sflag:$0x1] =	stream.indirect_vreg.gather [hbm4b:s9+s3], $0x80, v58, vm0, $0xb8;
	[tilespmem:$0x1B400] =	vst v63  }
0x55: {  	s5 =	simm.s32 $0xA300;
	v63 =	vperm.xlane v17, v10;
	v62 =	vadd.s32 v3, v61  }
0x56: {  	[tilespmem:s5], [sflag:$0x1] =	stream.indirect_vreg.gather [hbm4b:s9+s3], $0x80, v18, vm0, $0xb8;
	[tilespmem:$0x1B400] =	vst v63  }
0x57: {  	v24 =	vperm.xlane v17, v11;
	s7 =	simm.s32 $0xA380;
	v18 =	vadd.s32 v3, v63  }
0x58: {  	[tilespmem:s7], [sflag:$0x1] =	stream.indirect_vreg.gather [hbm4b:s9+s3], $0x80, v19, vm0, $0xb8;
	[tilespmem:$0x1B400] =	vst v63  }
0x59: {  	v25 =	vperm.xlane v17, v12;
	s10 =	simm.s32 $0xA400;
	v19 =	vadd.s32 v3, v24  }
0x5a: {  	[tilespmem:s10], [sflag:$0x1] =	stream.indirect_vreg.gather [hbm4b:s9+s3], $0x80, v62, vm0, $0xb8;
	[tilespmem:$0x1B400] =	vst v63  }
0x5b: {  	v27 =	vperm.xlane v17, v13;
	v26 =	vadd.s32 v3, v25;
	s11 =	simm.s32 $0xA480  }
0x5c: {  	[tilespmem:s11], [sflag:$0x1] =	stream.indirect_vreg.gather [hbm4b:s9+s3], $0x80, v18, vm0, $0xb8;
	[tilespmem:$0x1B400] =	vst v63  }
0x5d: {  	v28 =	vperm.xlane v17, v14;
	s12 =	simm.s32 $0xA500;
	v18 =	vadd.s32 v3, v27  }
0x5e: {  	[tilespmem:s12], [sflag:$0x1] =	stream.indirect_vreg.gather [hbm4b:s9+s3], $0x80, v19, vm0, $0xb8;
	[tilespmem:$0x1B400] =	vst v63  }
0x5f: {  	v29 =	vperm.xlane v17, v15;
	s15 =	simm.s32 $0xA580;
	v19 =	vadd.s32 v3, v28  }
0x60: {  	[tilespmem:s15], [sflag:$0x1] =	stream.indirect_vreg.gather [hbm4b:s9+s3], $0x80, v26, vm0, $0xb8;
	[tilespmem:$0x1B400] =	vst v63  }
0x61: {  	v17 =	vperm.xlane v17, v16;
	v30 =	vadd.s32 v3, v29;
	s5 =	simm.s32 $0xA600  }
0x62: {  	[tilespmem:s5], [sflag:$0x1] =	stream.indirect_vreg.gather [hbm4b:s9+s3], $0x80, v18, vm0, $0xb8;
	[tilespmem:$0x1B400] =	vst v63  }
0x63: {  	v17 =	vadd.s32 v3, v17;
	s7 =	simm.s32 $0xA680  }
0x64: {  	[tilespmem:s7], [sflag:$0x1] =	stream.indirect_vreg.gather [hbm4b:s9+s3], $0x80, v19, vm0, $0xb8;
	[tilespmem:$0x1B400] =	vst v63  }
0x65: {  	s10 =	simm.s32 $0xA700  }
0x66: {  	[tilespmem:s10], [sflag:$0x1] =	stream.indirect_vreg.gather [hbm4b:s9+s3], $0x80, v30, vm0, $0xb8;
	[tilespmem:$0x1B400] =	vst v63  }
0x67: {  	s11 =	simm.s32 $0xA780  }
0x68: {  	[tilespmem:s11], [sflag:$0x1] =	stream.indirect_vreg.gather [hbm4b:s9+s3], $0x80, v17, vm0, $0xb8;
	[tilespmem:$0x1B400] =	vst v63  }
0x69: {  	v17 =	vld [tilespmem:$0x30];
	_ =	sdelay $0x4  }
0x6a: {  	v18 =	vshll.u32 v17, $0x1  }
0x6b: {  	v17 =	vand.u32 $0x7, v17;
	v18 =	vand.u32 $0xFFFFFFF0, v18  }
0x6c: {  	v17 =	vor.u32 v17, v18  }
0x6d: {  	v18 =	vperm.xlane v17, v2;
	_ =	sdelay $0x1  }
0x6e: {  	v19 =	vperm.xlane v17, v1;
	v18 =	vadd.s32 v3, v18;
	_ =	sdelay $0x1  }
0x6f: {  	v31 =	vperm.xlane v17, v4;
	v19 =	vadd.s32 v3, v19;
	_ =	sdelay $0x1  }
0x70: {  	s12 =	simm.s32 $0xA800;
	v32 =	vperm.xlane v17, v5;
	v20 =	vadd.s32 v3, v31  }
0x71: {  	[tilespmem:s12], [sflag:$0x1] =	stream.indirect_vreg.gather [hbm4b:s9+s3], $0x80, v18, vm0, $0xb8;
	[tilespmem:$0x1B400] =	vst v63  }
0x72: {  	s15 =	simm.s32 $0xA880;
	v33 =	vperm.xlane v17, v6;
	v18 =	vadd.s32 v3, v32  }
0x73: {  	[tilespmem:s15], [sflag:$0x1] =	stream.indirect_vreg.gather [hbm4b:s9+s3], $0x80, v19, vm0, $0xb8;
	[tilespmem:$0x1B400] =	vst v63  }
0x74: {  	s5 =	simm.s32 $0xA900;
	v34 =	vperm.xlane v17, v7;
	v19 =	vadd.s32 v3, v33  }
0x75: {  	[tilespmem:s5], [sflag:$0x1] =	stream.indirect_vreg.gather [hbm4b:s9+s3], $0x80, v20, vm0, $0xb8;
	[tilespmem:$0x1B400] =	vst v63  }
0x76: {  	s7 =	simm.s32 $0xA980;
	v36 =	vperm.xlane v17, v8;
	v35 =	vadd.s32 v3, v34  }
0x77: {  	[tilespmem:s7], [sflag:$0x1] =	stream.indirect_vreg.gather [hbm4b:s9+s3], $0x80, v18, vm0, $0xb8;
	[tilespmem:$0x1B400] =	vst v63  }
0x78: {  	s10 =	simm.s32 $0xAA00;
	v37 =	vperm.xlane v17, v0;
	v18 =	vadd.s32 v3, v36  }
0x79: {  	[tilespmem:s10], [sflag:$0x1] =	stream.indirect_vreg.gather [hbm4b:s9+s3], $0x80, v19, vm0, $0xb8;
	[tilespmem:$0x1B400] =	vst v63  }
0x7a: {  	s11 =	simm.s32 $0xAA80;
	v38 =	vperm.xlane v17, v9;
	v19 =	vadd.s32 v3, v37  }
0x7b: {  	[tilespmem:s11], [sflag:$0x1] =	stream.indirect_vreg.gather [hbm4b:s9+s3], $0x80, v35, vm0, $0xb8;
	[tilespmem:$0x1B400] =	vst v63  }
0x7c: {  	v40 =	vperm.xlane v17, v10;
	v39 =	vadd.s32 v3, v38;
	s12 =	simm.s32 $0xAB00  }
0x7d: {  	[tilespmem:s12], [sflag:$0x1] =	stream.indirect_vreg.gather [hbm4b:s9+s3], $0x80, v18, vm0, $0xb8;
	[tilespmem:$0x1B400] =	vst v63  }
0x7e: {  	v41 =	vperm.xlane v17, v11;
	s15 =	simm.s32 $0xAB80;
	v18 =	vadd.s32 v3, v40  }
0x7f: {  	[tilespmem:s15], [sflag:$0x1] =	stream.indirect_vreg.gather [hbm4b:s9+s3], $0x80, v19, vm0, $0xb8;
	[tilespmem:$0x1B400] =	vst v63  }
0x80: {  	v42 =	vperm.xlane v17, v12;
	s5 =	simm.s32 $0xAC00;
	v19 =	vadd.s32 v3, v41  }
0x81: {  	[tilespmem:s5], [sflag:$0x1] =	stream.indirect_vreg.gather [hbm4b:s9+s3], $0x80, v39, vm0, $0xb8;
	[tilespmem:$0x1B400] =	vst v63  }
0x82: {  	v44 =	vperm.xlane v17, v13;
	v43 =	vadd.s32 v3, v42;
	s7 =	simm.s32 $0xAC80  }
0x83: {  	[tilespmem:s7], [sflag:$0x1] =	stream.indirect_vreg.gather [hbm4b:s9+s3], $0x80, v18, vm0, $0xb8;
	[tilespmem:$0x1B400] =	vst v63  }
0x84: {  	v45 =	vperm.xlane v17, v14;
	s10 =	simm.s32 $0xAD00;
	v18 =	vadd.s32 v3, v44  }
0x85: {  	[tilespmem:s10], [sflag:$0x1] =	stream.indirect_vreg.gather [hbm4b:s9+s3], $0x80, v19, vm0, $0xb8;
	[tilespmem:$0x1B400] =	vst v63  }
0x86: {  	v46 =	vperm.xlane v17, v15;
	s11 =	simm.s32 $0xAD80;
	v19 =	vadd.s32 v3, v45  }
0x87: {  	[tilespmem:s11], [sflag:$0x1] =	stream.indirect_vreg.gather [hbm4b:s9+s3], $0x80, v43, vm0, $0xb8;
	[tilespmem:$0x1B400] =	vst v63  }
0x88: {  	v17 =	vperm.xlane v17, v16;
	v47 =	vadd.s32 v3, v46;
	s12 =	simm.s32 $0xAE00  }
0x89: {  	[tilespmem:s12], [sflag:$0x1] =	stream.indirect_vreg.gather [hbm4b:s9+s3], $0x80, v18, vm0, $0xb8;
	[tilespmem:$0x1B400] =	vst v63  }
0x8a: {  	v17 =	vadd.s32 v3, v17;
	s15 =	simm.s32 $0xAE80  }
0x8b: {  	[tilespmem:s15], [sflag:$0x1] =	stream.indirect_vreg.gather [hbm4b:s9+s3], $0x80, v19, vm0, $0xb8;
	[tilespmem:$0x1B400] =	vst v63  }
0x8c: {  	s5 =	simm.s32 $0xAF00  }
0x8d: {  	[tilespmem:s5], [sflag:$0x1] =	stream.indirect_vreg.gather [hbm4b:s9+s3], $0x80, v47, vm0, $0xb8;
	[tilespmem:$0x1B400] =	vst v63  }
0x8e: {  	s7 =	simm.s32 $0xAF80  }
0x8f: {  	[tilespmem:s7], [sflag:$0x1] =	stream.indirect_vreg.gather [hbm4b:s9+s3], $0x80, v17, vm0, $0xb8;
	[tilespmem:$0x1B400] =	vst v63  }
0x90: {  	v17 =	vld [tilespmem:$0xA0];
	_ =	sdelay $0x4  }
0x91: {  	v18 =	vshll.u32 v17, $0x1  }
0x92: {  	v17 =	vand.u32 $0x7, v17;
	v18 =	vand.u32 $0xFFFFFFF0, v18  }
0x93: {  	v17 =	vor.u32 v17, v18  }
0x94: {  	v18 =	vperm.xlane v17, v2;
	_ =	sdelay $0x1  }
0x95: {  	v19 =	vperm.xlane v17, v1;
	v18 =	vadd.s32 v3, v18;
	_ =	sdelay $0x1  }
0x96: {  	v48 =	vperm.xlane v17, v4;
	v19 =	vadd.s32 v3, v19;
	_ =	sdelay $0x1  }
0x97: {  	v49 =	vperm.xlane v17, v5;
	v20 =	vadd.s32 v3, v48  }
0x98: {  	[tilespmem:s22], [sflag:$0x2] =	stream.indirect_vreg.gather [hbm4b:s9+s3], $0x80, v18, vm0, $0xb8;
	[tilespmem:$0x1B400] =	vst v63  }
0x99: {  	s10 =	simm.s32 $0xB080;
	v50 =	vperm.xlane v17, v6;
	v18 =	vadd.s32 v3, v49  }
0x9a: {  	[tilespmem:s10], [sflag:$0x2] =	stream.indirect_vreg.gather [hbm4b:s9+s3], $0x80, v19, vm0, $0xb8;
	[tilespmem:$0x1B400] =	vst v63  }
0x9b: {  	s11 =	simm.s32 $0xB100;
	v51 =	vperm.xlane v17, v7;
	v19 =	vadd.s32 v3, v50  }
0x9c: {  	[tilespmem:s11], [sflag:$0x2] =	stream.indirect_vreg.gather [hbm4b:s9+s3], $0x80, v20, vm0, $0xb8;
	[tilespmem:$0x1B400] =	vst v63  }
0x9d: {  	s12 =	simm.s32 $0xB180;
	v53 =	vperm.xlane v17, v8;
	v52 =	vadd.s32 v3, v51  }
0x9e: {  	[tilespmem:s12], [sflag:$0x2] =	stream.indirect_vreg.gather [hbm4b:s9+s3], $0x80, v18, vm0, $0xb8;
	[tilespmem:$0x1B400] =	vst v63  }
0x9f: {  	s15 =	simm.s32 $0xB200;
	v54 =	vperm.xlane v17, v0;
	v18 =	vadd.s32 v3, v53  }
0xa0: {  	[tilespmem:s15], [sflag:$0x2] =	stream.indirect_vreg.gather [hbm4b:s9+s3], $0x80, v19, vm0, $0xb8;
	[tilespmem:$0x1B400] =	vst v63  }
0xa1: {  	s5 =	simm.s32 $0xB280;
	v55 =	vperm.xlane v17, v9;
	v19 =	vadd.s32 v3, v54  }
0xa2: {  	[tilespmem:s5], [sflag:$0x2] =	stream.indirect_vreg.gather [hbm4b:s9+s3], $0x80, v52, vm0, $0xb8;
	[tilespmem:$0x1B400] =	vst v63  }
0xa3: {  	s7 =	simm.s32 $0xB300;
	v57 =	vperm.xlane v17, v10;
	v56 =	vadd.s32 v3, v55  }
0xa4: {  	[tilespmem:s7], [sflag:$0x2] =	stream.indirect_vreg.gather [hbm4b:s9+s3], $0x80, v18, vm0, $0xb8;
	[tilespmem:$0x1B400] =	vst v63  }
0xa5: {  	v58 =	vperm.xlane v17, v11;
	s10 =	simm.s32 $0xB380;
	v18 =	vadd.s32 v3, v57  }
0xa6: {  	[tilespmem:s10], [sflag:$0x2] =	stream.indirect_vreg.gather [hbm4b:s9+s3], $0x80, v19, vm0, $0xb8;
	[tilespmem:$0x1B400] =	vst v63  }
0xa7: {  	v59 =	vperm.xlane v17, v12;
	s11 =	simm.s32 $0xB400;
	v19 =	vadd.s32 v3, v58  }
0xa8: {  	[tilespmem:s11], [sflag:$0x2] =	stream.indirect_vreg.gather [hbm4b:s9+s3], $0x80, v56, vm0, $0xb8;
	[tilespmem:$0x1B400] =	vst v63  }
0xa9: {  	v61 =	vperm.xlane v17, v13;
	v60 =	vadd.s32 v3, v59;
	s12 =	simm.s32 $0xB480  }
0xaa: {  	[tilespmem:s12], [sflag:$0x2] =	stream.indirect_vreg.gather [hbm4b:s9+s3], $0x80, v18, vm0, $0xb8;
	[tilespmem:$0x1B400] =	vst v63  }
0xab: {  	v62 =	vperm.xlane v17, v14;
	s15 =	simm.s32 $0xB500;
	v18 =	vadd.s32 v3, v61  }
0xac: {  	[tilespmem:s15], [sflag:$0x2] =	stream.indirect_vreg.gather [hbm4b:s9+s3], $0x80, v19, vm0, $0xb8;
	[tilespmem:$0x1B400] =	vst v63  }
0xad: {  	v63 =	vperm.xlane v17, v15;
	s5 =	simm.s32 $0xB580;
	v19 =	vadd.s32 v3, v62  }
0xae: {  	[tilespmem:s5], [sflag:$0x2] =	stream.indirect_vreg.gather [hbm4b:s9+s3], $0x80, v60, vm0, $0xb8;
	[tilespmem:$0x1B400] =	vst v63  }
0xaf: {  	v17 =	vperm.xlane v17, v16;
	v24 =	vadd.s32 v3, v63;
	s7 =	simm.s32 $0xB600  }
0xb0: {  	[tilespmem:s7], [sflag:$0x2] =	stream.indirect_vreg.gather [hbm4b:s9+s3], $0x80, v18, vm0, $0xb8;
	[tilespmem:$0x1B400] =	vst v63  }
0xb1: {  	v17 =	vadd.s32 v3, v17;
	s10 =	simm.s32 $0xB680  }
0xb2: {  	[tilespmem:s10], [sflag:$0x2] =	stream.indirect_vreg.gather [hbm4b:s9+s3], $0x80, v19, vm0, $0xb8;
	[tilespmem:$0x1B400] =	vst v63  }
0xb3: {  	s11 =	simm.s32 $0xB700  }
0xb4: {  	[tilespmem:s11], [sflag:$0x2] =	stream.indirect_vreg.gather [hbm4b:s9+s3], $0x80, v24, vm0, $0xb8;
	[tilespmem:$0x1B400] =	vst v63  }
0xb5: {  	s12 =	simm.s32 $0xB780  }
0xb6: {  	[tilespmem:s12], [sflag:$0x2] =	stream.indirect_vreg.gather [hbm4b:s9+s3], $0x80, v17, vm0, $0xb8;
	[tilespmem:$0x1B400] =	vst v63  }
0xb7: {  	v17 =	vld [tilespmem:$0xB0];
	_ =	sdelay $0x4  }
0xb8: {  	v18 =	vshll.u32 v17, $0x1  }
0xb9: {  	v17 =	vand.u32 $0x7, v17;
	v18 =	vand.u32 $0xFFFFFFF0, v18  }
0xba: {  	v17 =	vor.u32 v17, v18  }
0xbb: {  	v18 =	vperm.xlane v17, v2;
	_ =	sdelay $0x1  }
0xbc: {  	v19 =	vperm.xlane v17, v1;
	v18 =	vadd.s32 v3, v18;
	_ =	sdelay $0x1  }
0xbd: {  	v25 =	vperm.xlane v17, v4;
	v19 =	vadd.s32 v3, v19;
	_ =	sdelay $0x1  }
0xbe: {  	s15 =	simm.s32 $0xB800;
	v26 =	vperm.xlane v17, v5;
	v20 =	vadd.s32 v3, v25  }
0xbf: {  	[tilespmem:s15], [sflag:$0x2] =	stream.indirect_vreg.gather [hbm4b:s9+s3], $0x80, v18, vm0, $0xb8;
	[tilespmem:$0x1B400] =	vst v63  }
0xc0: {  	s5 =	simm.s32 $0xB880;
	v27 =	vperm.xlane v17, v6;
	v18 =	vadd.s32 v3, v26  }
0xc1: {  	[tilespmem:s5], [sflag:$0x2] =	stream.indirect_vreg.gather [hbm4b:s9+s3], $0x80, v19, vm0, $0xb8;
	[tilespmem:$0x1B400] =	vst v63  }
0xc2: {  	s7 =	simm.s32 $0xB900;
	v28 =	vperm.xlane v17, v7;
	v19 =	vadd.s32 v3, v27  }
0xc3: {  	[tilespmem:s7], [sflag:$0x2] =	stream.indirect_vreg.gather [hbm4b:s9+s3], $0x80, v20, vm0, $0xb8;
	[tilespmem:$0x1B400] =	vst v63  }
0xc4: {  	s10 =	simm.s32 $0xB980;
	v30 =	vperm.xlane v17, v8;
	v29 =	vadd.s32 v3, v28  }
0xc5: {  	[tilespmem:s10], [sflag:$0x2] =	stream.indirect_vreg.gather [hbm4b:s9+s3], $0x80, v18, vm0, $0xb8;
	[tilespmem:$0x1B400] =	vst v63  }
0xc6: {  	s11 =	simm.s32 $0xBA00;
	v31 =	vperm.xlane v17, v0;
	v18 =	vadd.s32 v3, v30  }
0xc7: {  	[tilespmem:s11], [sflag:$0x2] =	stream.indirect_vreg.gather [hbm4b:s9+s3], $0x80, v19, vm0, $0xb8;
	[tilespmem:$0x1B400] =	vst v63  }
0xc8: {  	s12 =	simm.s32 $0xBA80;
	v32 =	vperm.xlane v17, v9;
	v19 =	vadd.s32 v3, v31  }
0xc9: {  	[tilespmem:s12], [sflag:$0x2] =	stream.indirect_vreg.gather [hbm4b:s9+s3], $0x80, v29, vm0, $0xb8;
	[tilespmem:$0x1B400] =	vst v63  }
0xca: {  	v34 =	vperm.xlane v17, v10;
	v33 =	vadd.s32 v3, v32;
	s15 =	simm.s32 $0xBB00  }
0xcb: {  	[tilespmem:s15], [sflag:$0x2] =	stream.indirect_vreg.gather [hbm4b:s9+s3], $0x80, v18, vm0, $0xb8;
	[tilespmem:$0x1B400] =	vst v63  }
0xcc: {  	v35 =	vperm.xlane v17, v11;
	s5 =	simm.s32 $0xBB80;
	v18 =	vadd.s32 v3, v34  }
0xcd: {  	[tilespmem:s5], [sflag:$0x2] =	stream.indirect_vreg.gather [hbm4b:s9+s3], $0x80, v19, vm0, $0xb8;
	[tilespmem:$0x1B400] =	vst v63  }
0xce: {  	v36 =	vperm.xlane v17, v12;
	s7 =	simm.s32 $0xBC00;
	v19 =	vadd.s32 v3, v35  }
0xcf: {  	[tilespmem:s7], [sflag:$0x2] =	stream.indirect_vreg.gather [hbm4b:s9+s3], $0x80, v33, vm0, $0xb8;
	[tilespmem:$0x1B400] =	vst v63  }
0xd0: {  	v38 =	vperm.xlane v17, v13;
	v37 =	vadd.s32 v3, v36;
	s10 =	simm.s32 $0xBC80  }
0xd1: {  	[tilespmem:s10], [sflag:$0x2] =	stream.indirect_vreg.gather [hbm4b:s9+s3], $0x80, v18, vm0, $0xb8;
	[tilespmem:$0x1B400] =	vst v63  }
0xd2: {  	v39 =	vperm.xlane v17, v14;
	s11 =	simm.s32 $0xBD00;
	v18 =	vadd.s32 v3, v38  }
0xd3: {  	[tilespmem:s11], [sflag:$0x2] =	stream.indirect_vreg.gather [hbm4b:s9+s3], $0x80, v19, vm0, $0xb8;
	[tilespmem:$0x1B400] =	vst v63  }
0xd4: {  	v40 =	vperm.xlane v17, v15;
	s12 =	simm.s32 $0xBD80;
	v19 =	vadd.s32 v3, v39  }
0xd5: {  	[tilespmem:s12], [sflag:$0x2] =	stream.indirect_vreg.gather [hbm4b:s9+s3], $0x80, v37, vm0, $0xb8;
	[tilespmem:$0x1B400] =	vst v63  }
0xd6: {  	v17 =	vperm.xlane v17, v16;
	v41 =	vadd.s32 v3, v40;
	s15 =	simm.s32 $0xBE00  }
0xd7: {  	[tilespmem:s15], [sflag:$0x2] =	stream.indirect_vreg.gather [hbm4b:s9+s3], $0x80, v18, vm0, $0xb8;
	[tilespmem:$0x1B400] =	vst v63  }
0xd8: {  	v17 =	vadd.s32 v3, v17;
	s5 =	simm.s32 $0xBE80  }
0xd9: {  	[tilespmem:s5], [sflag:$0x2] =	stream.indirect_vreg.gather [hbm4b:s9+s3], $0x80, v19, vm0, $0xb8;
	[tilespmem:$0x1B400] =	vst v63  }
0xda: {  	s7 =	simm.s32 $0xBF00  }
0xdb: {  	[tilespmem:s7], [sflag:$0x2] =	stream.indirect_vreg.gather [hbm4b:s9+s3], $0x80, v41, vm0, $0xb8;
	[tilespmem:$0x1B400] =	vst v63  }
0xdc: {  	s10 =	simm.s32 $0xBF80  }
0xdd: {  	[tilespmem:s10], [sflag:$0x2] =	stream.indirect_vreg.gather [hbm4b:s9+s3], $0x80, v17, vm0, $0xb8;
	[tilespmem:$0x1B400] =	vst v63  }
0xde: {  	v17 =	vld [tilespmem:$0x120];
	_ =	sdelay $0x4  }
0xdf: {  	v18 =	vshll.u32 v17, $0x1  }
0xe0: {  	v17 =	vand.u32 $0x7, v17;
	v18 =	vand.u32 $0xFFFFFFF0, v18  }
0xe1: {  	v17 =	vor.u32 v17, v18  }
0xe2: {  	v18 =	vperm.xlane v17, v2;
	_ =	sdelay $0x1  }
0xe3: {  	v19 =	vperm.xlane v17, v1;
	v18 =	vadd.s32 v3, v18;
	_ =	sdelay $0x1  }
0xe4: {  	v42 =	vperm.xlane v17, v4;
	v19 =	vadd.s32 v3, v19;
	_ =	sdelay $0x1  }
0xe5: {  	v43 =	vperm.xlane v17, v5;
	v20 =	vadd.s32 v3, v42  }
0xe6: {  	[tilespmem:s30], [sflag:$0x3] =	stream.indirect_vreg.gather [hbm4b:s9+s3], $0x80, v18, vm0, $0xb8;
	[tilespmem:$0x1B400] =	vst v63  }
0xe7: {  	s11 =	simm.s32 $0xC080;
	v44 =	vperm.xlane v17, v6;
	v18 =	vadd.s32 v3, v43  }
0xe8: {  	[tilespmem:s11], [sflag:$0x3] =	stream.indirect_vreg.gather [hbm4b:s9+s3], $0x80, v19, vm0, $0xb8;
	[tilespmem:$0x1B400] =	vst v63  }
0xe9: {  	s12 =	simm.s32 $0xC100;
	v45 =	vperm.xlane v17, v7;
	v19 =	vadd.s32 v3, v44  }
0xea: {  	[tilespmem:s12], [sflag:$0x3] =	stream.indirect_vreg.gather [hbm4b:s9+s3], $0x80, v20, vm0, $0xb8;
	[tilespmem:$0x1B400] =	vst v63  }
0xeb: {  	s15 =	simm.s32 $0xC180;
	v47 =	vperm.xlane v17, v8;
	v46 =	vadd.s32 v3, v45  }
0xec: {  	[tilespmem:s15], [sflag:$0x3] =	stream.indirect_vreg.gather [hbm4b:s9+s3], $0x80, v18, vm0, $0xb8;
	[tilespmem:$0x1B400] =	vst v63  }
0xed: {  	s5 =	simm.s32 $0xC200;
	v48 =	vperm.xlane v17, v0;
	v18 =	vadd.s32 v3, v47  }
0xee: {  	[tilespmem:s5], [sflag:$0x3] =	stream.indirect_vreg.gather [hbm4b:s9+s3], $0x80, v19, vm0, $0xb8;
	[tilespmem:$0x1B400] =	vst v63  }
0xef: {  	s7 =	simm.s32 $0xC280;
	v49 =	vperm.xlane v17, v9;
	v19 =	vadd.s32 v3, v48  }
0xf0: {  	[tilespmem:s7], [sflag:$0x3] =	stream.indirect_vreg.gather [hbm4b:s9+s3], $0x80, v46, vm0, $0xb8;
	[tilespmem:$0x1B400] =	vst v63  }
0xf1: {  	s10 =	simm.s32 $0xC300;
	v51 =	vperm.xlane v17, v10;
	v50 =	vadd.s32 v3, v49  }
0xf2: {  	[tilespmem:s10], [sflag:$0x3] =	stream.indirect_vreg.gather [hbm4b:s9+s3], $0x80, v18, vm0, $0xb8;
	[tilespmem:$0x1B400] =	vst v63  }
0xf3: {  	v52 =	vperm.xlane v17, v11;
	s11 =	simm.s32 $0xC380;
	v18 =	vadd.s32 v3, v51  }
0xf4: {  	[tilespmem:s11], [sflag:$0x3] =	stream.indirect_vreg.gather [hbm4b:s9+s3], $0x80, v19, vm0, $0xb8;
	[tilespmem:$0x1B400] =	vst v63  }
0xf5: {  	v53 =	vperm.xlane v17, v12;
	s12 =	simm.s32 $0xC400;
	v19 =	vadd.s32 v3, v52  }
0xf6: {  	[tilespmem:s12], [sflag:$0x3] =	stream.indirect_vreg.gather [hbm4b:s9+s3], $0x80, v50, vm0, $0xb8;
	[tilespmem:$0x1B400] =	vst v63  }
0xf7: {  	v55 =	vperm.xlane v17, v13;
	v54 =	vadd.s32 v3, v53;
	s15 =	simm.s32 $0xC480  }
0xf8: {  	[tilespmem:s15], [sflag:$0x3] =	stream.indirect_vreg.gather [hbm4b:s9+s3], $0x80, v18, vm0, $0xb8;
	[tilespmem:$0x1B400] =	vst v63  }
0xf9: {  	v56 =	vperm.xlane v17, v14;
	s5 =	simm.s32 $0xC500;
	v18 =	vadd.s32 v3, v55  }
0xfa: {  	[tilespmem:s5], [sflag:$0x3] =	stream.indirect_vreg.gather [hbm4b:s9+s3], $0x80, v19, vm0, $0xb8;
	[tilespmem:$0x1B400] =	vst v63  }
0xfb: {  	v57 =	vperm.xlane v17, v15;
	s7 =	simm.s32 $0xC580;
	v19 =	vadd.s32 v3, v56  }
0xfc: {  	[tilespmem:s7], [sflag:$0x3] =	stream.indirect_vreg.gather [hbm4b:s9+s3], $0x80, v54, vm0, $0xb8;
	[tilespmem:$0x1B400] =	vst v63  }
0xfd: {  	v17 =	vperm.xlane v17, v16;
	v58 =	vadd.s32 v3, v57;
	s10 =	simm.s32 $0xC600  }
0xfe: {  	[tilespmem:s10], [sflag:$0x3] =	stream.indirect_vreg.gather [hbm4b:s9+s3], $0x80, v18, vm0, $0xb8;
	[tilespmem:$0x1B400] =	vst v63  }
0xff: {  	v17 =	vadd.s32 v3, v17;
	s11 =	simm.s32 $0xC680  }
0x100: {  	[tilespmem:s11], [sflag:$0x3] =	stream.indirect_vreg.gather [hbm4b:s9+s3], $0x80, v19, vm0, $0xb8;
	[tilespmem:$0x1B400] =	vst v63  }
0x101: {  	s12 =	simm.s32 $0xC700  }
0x102: {  	[tilespmem:s12], [sflag:$0x3] =	stream.indirect_vreg.gather [hbm4b:s9+s3], $0x80, v58, vm0, $0xb8;
	[tilespmem:$0x1B400] =	vst v63  }
0x103: {  	s15 =	simm.s32 $0xC780  }
0x104: {  	[tilespmem:s15], [sflag:$0x3] =	stream.indirect_vreg.gather [hbm4b:s9+s3], $0x80, v17, vm0, $0xb8;
	[tilespmem:$0x1B400] =	vst v63  }
0x105: {  	v17 =	vld [tilespmem:$0x130];
	_ =	sdelay $0x4  }
0x106: {  	v18 =	vshll.u32 v17, $0x1  }
0x107: {  	v17 =	vand.u32 $0x7, v17;
	v18 =	vand.u32 $0xFFFFFFF0, v18  }
0x108: {  	v17 =	vor.u32 v17, v18  }
0x109: {  	v18 =	vperm.xlane v17, v2;
	_ =	sdelay $0x1  }
0x10a: {  	v19 =	vperm.xlane v17, v1;
	v18 =	vadd.s32 v3, v18;
	_ =	sdelay $0x1  }
0x10b: {  	v59 =	vperm.xlane v17, v4;
	v19 =	vadd.s32 v3, v19;
	_ =	sdelay $0x1  }
0x10c: {  	s5 =	simm.s32 $0xC800;
	v60 =	vperm.xlane v17, v5;
	v20 =	vadd.s32 v3, v59  }
0x10d: {  	[tilespmem:s5], [sflag:$0x3] =	stream.indirect_vreg.gather [hbm4b:s9+s3], $0x80, v18, vm0, $0xb8;
	[tilespmem:$0x1B400] =	vst v63  }
0x10e: {  	s7 =	simm.s32 $0xC880;
	v61 =	vperm.xlane v17, v6;
	v18 =	vadd.s32 v3, v60  }
0x10f: {  	[tilespmem:s7], [sflag:$0x3] =	stream.indirect_vreg.gather [hbm4b:s9+s3], $0x80, v19, vm0, $0xb8;
	[tilespmem:$0x1B400] =	vst v63  }
0x110: {  	s10 =	simm.s32 $0xC900;
	v62 =	vperm.xlane v17, v7;
	v19 =	vadd.s32 v3, v61  }
0x111: {  	[tilespmem:s10], [sflag:$0x3] =	stream.indirect_vreg.gather [hbm4b:s9+s3], $0x80, v20, vm0, $0xb8;
	[tilespmem:$0x1B400] =	vst v63  }
0x112: {  	s11 =	simm.s32 $0xC980;
	v24 =	vperm.xlane v17, v8;
	v63 =	vadd.s32 v3, v62  }
0x113: {  	[tilespmem:s11], [sflag:$0x3] =	stream.indirect_vreg.gather [hbm4b:s9+s3], $0x80, v18, vm0, $0xb8;
	[tilespmem:$0x1B400] =	vst v63  }
0x114: {  	s12 =	simm.s32 $0xCA00;
	v25 =	vperm.xlane v17, v0;
	v18 =	vadd.s32 v3, v24  }
0x115: {  	[tilespmem:s12], [sflag:$0x3] =	stream.indirect_vreg.gather [hbm4b:s9+s3], $0x80, v19, vm0, $0xb8;
	[tilespmem:$0x1B400] =	vst v63  }
0x116: {  	s15 =	simm.s32 $0xCA80;
	v26 =	vperm.xlane v17, v9;
	v19 =	vadd.s32 v3, v25  }
0x117: {  	[tilespmem:s15], [sflag:$0x3] =	stream.indirect_vreg.gather [hbm4b:s9+s3], $0x80, v63, vm0, $0xb8;
	[tilespmem:$0x1B400] =	vst v63  }
0x118: {  	v28 =	vperm.xlane v17, v10;
	v27 =	vadd.s32 v3, v26;
	s5 =	simm.s32 $0xCB00  }
0x119: {  	[tilespmem:s5], [sflag:$0x3] =	stream.indirect_vreg.gather [hbm4b:s9+s3], $0x80, v18, vm0, $0xb8;
	[tilespmem:$0x1B400] =	vst v63  }
0x11a: {  	v29 =	vperm.xlane v17, v11;
	s7 =	simm.s32 $0xCB80;
	v18 =	vadd.s32 v3, v28  }
0x11b: {  	[tilespmem:s7], [sflag:$0x3] =	stream.indirect_vreg.gather [hbm4b:s9+s3], $0x80, v19, vm0, $0xb8;
	[tilespmem:$0x1B400] =	vst v63  }
0x11c: {  	v30 =	vperm.xlane v17, v12;
	s10 =	simm.s32 $0xCC00;
	v19 =	vadd.s32 v3, v29  }
0x11d: {  	[tilespmem:s10], [sflag:$0x3] =	stream.indirect_vreg.gather [hbm4b:s9+s3], $0x80, v27, vm0, $0xb8;
	[tilespmem:$0x1B400] =	vst v63  }
0x11e: {  	v32 =	vperm.xlane v17, v13;
	v31 =	vadd.s32 v3, v30;
	s11 =	simm.s32 $0xCC80  }
0x11f: {  	[tilespmem:s11], [sflag:$0x3] =	stream.indirect_vreg.gather [hbm4b:s9+s3], $0x80, v18, vm0, $0xb8;
	[tilespmem:$0x1B400] =	vst v63  }
0x120: {  	v33 =	vperm.xlane v17, v14;
	s12 =	simm.s32 $0xCD00;
	v18 =	vadd.s32 v3, v32  }
0x121: {  	[tilespmem:s12], [sflag:$0x3] =	stream.indirect_vreg.gather [hbm4b:s9+s3], $0x80, v19, vm0, $0xb8;
	[tilespmem:$0x1B400] =	vst v63  }
0x122: {  	v34 =	vperm.xlane v17, v15;
	s15 =	simm.s32 $0xCD80;
	v19 =	vadd.s32 v3, v33  }
0x123: {  	[tilespmem:s15], [sflag:$0x3] =	stream.indirect_vreg.gather [hbm4b:s9+s3], $0x80, v31, vm0, $0xb8;
	[tilespmem:$0x1B400] =	vst v63  }
0x124: {  	v17 =	vperm.xlane v17, v16;
	v35 =	vadd.s32 v3, v34;
	s5 =	simm.s32 $0xCE00  }
0x125: {  	[tilespmem:s5], [sflag:$0x3] =	stream.indirect_vreg.gather [hbm4b:s9+s3], $0x80, v18, vm0, $0xb8;
	[tilespmem:$0x1B400] =	vst v63  }
0x126: {  	v17 =	vadd.s32 v3, v17;
	s7 =	simm.s32 $0xCE80  }
0x127: {  	[tilespmem:s7], [sflag:$0x3] =	stream.indirect_vreg.gather [hbm4b:s9+s3], $0x80, v19, vm0, $0xb8;
	[tilespmem:$0x1B400] =	vst v63  }
0x128: {  	s10 =	simm.s32 $0xCF00  }
0x129: {  	[tilespmem:s10], [sflag:$0x3] =	stream.indirect_vreg.gather [hbm4b:s9+s3], $0x80, v35, vm0, $0xb8;
	[tilespmem:$0x1B400] =	vst v63  }
0x12a: {  	s11 =	simm.s32 $0xCF80  }
0x12b: {  	[tilespmem:s11], [sflag:$0x3] =	stream.indirect_vreg.gather [hbm4b:s9+s3], $0x80, v17, vm0, $0xb8;
	[tilespmem:$0x1B400] =	vst v63  }
0x12c: {  	v17 =	vld [tilespmem:$0x1A0];
	_ =	sdelay $0x4  }
0x12d: {  	v18 =	vshll.u32 v17, $0x1  }
0x12e: {  	v17 =	vand.u32 $0x7, v17;
	v18 =	vand.u32 $0xFFFFFFF0, v18  }
0x12f: {  	v17 =	vor.u32 v17, v18  }
0x130: {  	v18 =	vperm.xlane v17, v2;
	_ =	sdelay $0x1  }
0x131: {  	v19 =	vperm.xlane v17, v1;
	v18 =	vadd.s32 v3, v18;
	_ =	sdelay $0x1  }
0x132: {  	v36 =	vperm.xlane v17, v4;
	v19 =	vadd.s32 v3, v19;
	_ =	sdelay $0x1  }
0x133: {  	v37 =	vperm.xlane v17, v5;
	v20 =	vadd.s32 v3, v36  }
0x134: {  	[tilespmem:s8], [sflag:$0x4] =	stream.indirect_vreg.gather [hbm4b:s9+s3], $0x80, v18, vm0, $0xb8;
	[tilespmem:$0x1B400] =	vst v63  }
0x135: {  	s12 =	simm.s32 $0xD080;
	v38 =	vperm.xlane v17, v6;
	v18 =	vadd.s32 v3, v37  }
0x136: {  	[tilespmem:s12], [sflag:$0x4] =	stream.indirect_vreg.gather [hbm4b:s9+s3], $0x80, v19, vm0, $0xb8;
	[tilespmem:$0x1B400] =	vst v63  }
0x137: {  	s15 =	simm.s32 $0xD100;
	v39 =	vperm.xlane v17, v7;
	v19 =	vadd.s32 v3, v38  }
0x138: {  	[tilespmem:s15], [sflag:$0x4] =	stream.indirect_vreg.gather [hbm4b:s9+s3], $0x80, v20, vm0, $0xb8;
	[tilespmem:$0x1B400] =	vst v63  }
0x139: {  	s5 =	simm.s32 $0xD180;
	v41 =	vperm.xlane v17, v8;
	v40 =	vadd.s32 v3, v39  }
0x13a: {  	[tilespmem:s5], [sflag:$0x4] =	stream.indirect_vreg.gather [hbm4b:s9+s3], $0x80, v18, vm0, $0xb8;
	[tilespmem:$0x1B400] =	vst v63  }
0x13b: {  	s7 =	simm.s32 $0xD200;
	v42 =	vperm.xlane v17, v0;
	v18 =	vadd.s32 v3, v41  }
0x13c: {  	[tilespmem:s7], [sflag:$0x4] =	stream.indirect_vreg.gather [hbm4b:s9+s3], $0x80, v19, vm0, $0xb8;
	[tilespmem:$0x1B400] =	vst v63  }
0x13d: {  	s10 =	simm.s32 $0xD280;
	v43 =	vperm.xlane v17, v9;
	v19 =	vadd.s32 v3, v42  }
0x13e: {  	[tilespmem:s10], [sflag:$0x4] =	stream.indirect_vreg.gather [hbm4b:s9+s3], $0x80, v40, vm0, $0xb8;
	[tilespmem:$0x1B400] =	vst v63  }
0x13f: {  	s11 =	simm.s32 $0xD300;
	v45 =	vperm.xlane v17, v10;
	v44 =	vadd.s32 v3, v43  }
0x140: {  	[tilespmem:s11], [sflag:$0x4] =	stream.indirect_vreg.gather [hbm4b:s9+s3], $0x80, v18, vm0, $0xb8;
	[tilespmem:$0x1B400] =	vst v63  }
0x141: {  	v46 =	vperm.xlane v17, v11;
	s12 =	simm.s32 $0xD380;
	v18 =	vadd.s32 v3, v45  }
0x142: {  	[tilespmem:s12], [sflag:$0x4] =	stream.indirect_vreg.gather [hbm4b:s9+s3], $0x80, v19, vm0, $0xb8;
	[tilespmem:$0x1B400] =	vst v63  }
0x143: {  	v47 =	vperm.xlane v17, v12;
	s15 =	simm.s32 $0xD400;
	v19 =	vadd.s32 v3, v46  }
0x144: {  	[tilespmem:s15], [sflag:$0x4] =	stream.indirect_vreg.gather [hbm4b:s9+s3], $0x80, v44, vm0, $0xb8;
	[tilespmem:$0x1B400] =	vst v63  }
0x145: {  	v49 =	vperm.xlane v17, v13;
	v48 =	vadd.s32 v3, v47;
	s5 =	simm.s32 $0xD480  }
0x146: {  	[tilespmem:s5], [sflag:$0x4] =	stream.indirect_vreg.gather [hbm4b:s9+s3], $0x80, v18, vm0, $0xb8;
	[tilespmem:$0x1B400] =	vst v63  }
0x147: {  	v50 =	vperm.xlane v17, v14;
	s7 =	simm.s32 $0xD500;
	v18 =	vadd.s32 v3, v49  }
0x148: {  	[tilespmem:s7], [sflag:$0x4] =	stream.indirect_vreg.gather [hbm4b:s9+s3], $0x80, v19, vm0, $0xb8;
	[tilespmem:$0x1B400] =	vst v63  }
0x149: {  	v51 =	vperm.xlane v17, v15;
	s10 =	simm.s32 $0xD580;
	v19 =	vadd.s32 v3, v50  }
0x14a: {  	[tilespmem:s10], [sflag:$0x4] =	stream.indirect_vreg.gather [hbm4b:s9+s3], $0x80, v48, vm0, $0xb8;
	[tilespmem:$0x1B400] =	vst v63  }
0x14b: {  	v17 =	vperm.xlane v17, v16;
	v52 =	vadd.s32 v3, v51;
	s11 =	simm.s32 $0xD600  }
0x14c: {  	[tilespmem:s11], [sflag:$0x4] =	stream.indirect_vreg.gather [hbm4b:s9+s3], $0x80, v18, vm0, $0xb8;
	[tilespmem:$0x1B400] =	vst v63  }
0x14d: {  	v17 =	vadd.s32 v3, v17;
	s12 =	simm.s32 $0xD680  }
0x14e: {  	[tilespmem:s12], [sflag:$0x4] =	stream.indirect_vreg.gather [hbm4b:s9+s3], $0x80, v19, vm0, $0xb8;
	[tilespmem:$0x1B400] =	vst v63  }
0x14f: {  	s15 =	simm.s32 $0xD700  }
0x150: {  	[tilespmem:s15], [sflag:$0x4] =	stream.indirect_vreg.gather [hbm4b:s9+s3], $0x80, v52, vm0, $0xb8;
	[tilespmem:$0x1B400] =	vst v63  }
0x151: {  	s5 =	simm.s32 $0xD780  }
0x152: {  	[tilespmem:s5], [sflag:$0x4] =	stream.indirect_vreg.gather [hbm4b:s9+s3], $0x80, v17, vm0, $0xb8;
	[tilespmem:$0x1B400] =	vst v63  }
0x153: {  	v17 =	vld [tilespmem:$0x1B0];
	_ =	sdelay $0x4  }
0x154: {  	v18 =	vshll.u32 v17, $0x1  }
0x155: {  	v17 =	vand.u32 $0x7, v17;
	v18 =	vand.u32 $0xFFFFFFF0, v18  }
0x156: {  	v17 =	vor.u32 v17, v18  }
0x157: {  	v18 =	vperm.xlane v17, v2;
	_ =	sdelay $0x1  }
0x158: {  	v19 =	vperm.xlane v17, v1;
	v18 =	vadd.s32 v3, v18;
	_ =	sdelay $0x1  }
0x159: {  	v53 =	vperm.xlane v17, v4;
	v19 =	vadd.s32 v3, v19;
	_ =	sdelay $0x1  }
0x15a: {  	s7 =	simm.s32 $0xD800;
	v54 =	vperm.xlane v17, v5;
	v20 =	vadd.s32 v3, v53  }
0x15b: {  	[tilespmem:s7], [sflag:$0x4] =	stream.indirect_vreg.gather [hbm4b:s9+s3], $0x80, v18, vm0, $0xb8;
	[tilespmem:$0x1B400] =	vst v63  }
0x15c: {  	s10 =	simm.s32 $0xD880;
	v55 =	vperm.xlane v17, v6;
	v18 =	vadd.s32 v3, v54  }
0x15d: {  	[tilespmem:s10], [sflag:$0x4] =	stream.indirect_vreg.gather [hbm4b:s9+s3], $0x80, v19, vm0, $0xb8;
	[tilespmem:$0x1B400] =	vst v63  }
0x15e: {  	s11 =	simm.s32 $0xD900;
	v56 =	vperm.xlane v17, v7;
	v19 =	vadd.s32 v3, v55  }
0x15f: {  	[tilespmem:s11], [sflag:$0x4] =	stream.indirect_vreg.gather [hbm4b:s9+s3], $0x80, v20, vm0, $0xb8;
	[tilespmem:$0x1B400] =	vst v63  }
0x160: {  	s12 =	simm.s32 $0xD980;
	v58 =	vperm.xlane v17, v8;
	v57 =	vadd.s32 v3, v56  }
0x161: {  	[tilespmem:s12], [sflag:$0x4] =	stream.indirect_vreg.gather [hbm4b:s9+s3], $0x80, v18, vm0, $0xb8;
	[tilespmem:$0x1B400] =	vst v63  }
0x162: {  	s15 =	simm.s32 $0xDA00;
	v59 =	vperm.xlane v17, v0;
	v18 =	vadd.s32 v3, v58  }
0x163: {  	[tilespmem:s15], [sflag:$0x4] =	stream.indirect_vreg.gather [hbm4b:s9+s3], $0x80, v19, vm0, $0xb8;
	[tilespmem:$0x1B400] =	vst v63  }
0x164: {  	s5 =	simm.s32 $0xDA80;
	v60 =	vperm.xlane v17, v9;
	v19 =	vadd.s32 v3, v59  }
0x165: {  	[tilespmem:s5], [sflag:$0x4] =	stream.indirect_vreg.gather [hbm4b:s9+s3], $0x80, v57, vm0, $0xb8;
	[tilespmem:$0x1B400] =	vst v63  }
0x166: {  	v62 =	vperm.xlane v17, v10;
	v61 =	vadd.s32 v3, v60;
	s7 =	simm.s32 $0xDB00  }
0x167: {  	[tilespmem:s7], [sflag:$0x4] =	stream.indirect_vreg.gather [hbm4b:s9+s3], $0x80, v18, vm0, $0xb8;
	[tilespmem:$0x1B400] =	vst v63  }
0x168: {  	v63 =	vperm.xlane v17, v11;
	s10 =	simm.s32 $0xDB80;
	v18 =	vadd.s32 v3, v62  }
0x169: {  	[tilespmem:s10], [sflag:$0x4] =	stream.indirect_vreg.gather [hbm4b:s9+s3], $0x80, v19, vm0, $0xb8;
	[tilespmem:$0x1B400] =	vst v63  }
0x16a: {  	v24 =	vperm.xlane v17, v12;
	s11 =	simm.s32 $0xDC00;
	v19 =	vadd.s32 v3, v63  }
0x16b: {  	[tilespmem:s11], [sflag:$0x4] =	stream.indirect_vreg.gather [hbm4b:s9+s3], $0x80, v61, vm0, $0xb8;
	[tilespmem:$0x1B400] =	vst v63  }
0x16c: {  	v26 =	vperm.xlane v17, v13;
	v25 =	vadd.s32 v3, v24;
	s12 =	simm.s32 $0xDC80  }
0x16d: {  	[tilespmem:s12], [sflag:$0x4] =	stream.indirect_vreg.gather [hbm4b:s9+s3], $0x80, v18, vm0, $0xb8;
	[tilespmem:$0x1B400] =	vst v63  }
0x16e: {  	v27 =	vperm.xlane v17, v14;
	s15 =	simm.s32 $0xDD00;
	v18 =	vadd.s32 v3, v26  }
0x16f: {  	[tilespmem:s15], [sflag:$0x4] =	stream.indirect_vreg.gather [hbm4b:s9+s3], $0x80, v19, vm0, $0xb8;
	[tilespmem:$0x1B400] =	vst v63  }
0x170: {  	v28 =	vperm.xlane v17, v15;
	s5 =	simm.s32 $0xDD80;
	v19 =	vadd.s32 v3, v27  }
0x171: {  	[tilespmem:s5], [sflag:$0x4] =	stream.indirect_vreg.gather [hbm4b:s9+s3], $0x80, v25, vm0, $0xb8;
	[tilespmem:$0x1B400] =	vst v63  }
0x172: {  	v17 =	vperm.xlane v17, v16;
	v29 =	vadd.s32 v3, v28;
	s7 =	simm.s32 $0xDE00  }
0x173: {  	[tilespmem:s7], [sflag:$0x4] =	stream.indirect_vreg.gather [hbm4b:s9+s3], $0x80, v18, vm0, $0xb8;
	[tilespmem:$0x1B400] =	vst v63  }
0x174: {  	v17 =	vadd.s32 v3, v17;
	s10 =	simm.s32 $0xDE80  }
0x175: {  	[tilespmem:s10], [sflag:$0x4] =	stream.indirect_vreg.gather [hbm4b:s9+s3], $0x80, v19, vm0, $0xb8;
	[tilespmem:$0x1B400] =	vst v63  }
0x176: {  	s11 =	simm.s32 $0xDF00  }
0x177: {  	[tilespmem:s11], [sflag:$0x4] =	stream.indirect_vreg.gather [hbm4b:s9+s3], $0x80, v29, vm0, $0xb8;
	[tilespmem:$0x1B400] =	vst v63  }
0x178: {  	s12 =	simm.s32 $0xDF80  }
0x179: {  	[tilespmem:s12], [sflag:$0x4] =	stream.indirect_vreg.gather [hbm4b:s9+s3], $0x80, v17, vm0, $0xb8;
	[tilespmem:$0x1B400] =	vst v63  }
0x17a: {  	v17 =	vld [tilespmem:$0x220];
	_ =	sdelay $0x4  }
0x17b: {  	v18 =	vshll.u32 v17, $0x1  }
0x17c: {  	v17 =	vand.u32 $0x7, v17;
	v18 =	vand.u32 $0xFFFFFFF0, v18  }
0x17d: {  	v17 =	vor.u32 v17, v18  }
0x17e: {  	v18 =	vperm.xlane v17, v2;
	_ =	sdelay $0x1  }
0x17f: {  	v19 =	vperm.xlane v17, v1;
	v18 =	vadd.s32 v3, v18;
	_ =	sdelay $0x1  }
0x180: {  	v30 =	vperm.xlane v17, v4;
	v19 =	vadd.s32 v3, v19;
	_ =	sdelay $0x1  }
0x181: {  	v31 =	vperm.xlane v17, v5;
	v20 =	vadd.s32 v3, v30  }
0x182: {  	[tilespmem:s20], [sflag:$0x5] =	stream.indirect_vreg.gather [hbm4b:s9+s3], $0x80, v18, vm0, $0xb8;
	[tilespmem:$0x1B400] =	vst v63  }
0x183: {  	s15 =	simm.s32 $0xE080;
	v32 =	vperm.xlane v17, v6;
	v18 =	vadd.s32 v3, v31  }
0x184: {  	[tilespmem:s15], [sflag:$0x5] =	stream.indirect_vreg.gather [hbm4b:s9+s3], $0x80, v19, vm0, $0xb8;
	[tilespmem:$0x1B400] =	vst v63  }
0x185: {  	s5 =	simm.s32 $0xE100;
	v33 =	vperm.xlane v17, v7;
	v19 =	vadd.s32 v3, v32  }
0x186: {  	[tilespmem:s5], [sflag:$0x5] =	stream.indirect_vreg.gather [hbm4b:s9+s3], $0x80, v20, vm0, $0xb8;
	[tilespmem:$0x1B400] =	vst v63  }
0x187: {  	s7 =	simm.s32 $0xE180;
	v35 =	vperm.xlane v17, v8;
	v34 =	vadd.s32 v3, v33  }
0x188: {  	[tilespmem:s7], [sflag:$0x5] =	stream.indirect_vreg.gather [hbm4b:s9+s3], $0x80, v18, vm0, $0xb8;
	[tilespmem:$0x1B400] =	vst v63  }
0x189: {  	s10 =	simm.s32 $0xE200;
	v36 =	vperm.xlane v17, v0;
	v18 =	vadd.s32 v3, v35  }
0x18a: {  	[tilespmem:s10], [sflag:$0x5] =	stream.indirect_vreg.gather [hbm4b:s9+s3], $0x80, v19, vm0, $0xb8;
	[tilespmem:$0x1B400] =	vst v63  }
0x18b: {  	s11 =	simm.s32 $0xE280;
	v37 =	vperm.xlane v17, v9;
	v19 =	vadd.s32 v3, v36  }
0x18c: {  	[tilespmem:s11], [sflag:$0x5] =	stream.indirect_vreg.gather [hbm4b:s9+s3], $0x80, v34, vm0, $0xb8;
	[tilespmem:$0x1B400] =	vst v63  }
0x18d: {  	s12 =	simm.s32 $0xE300;
	v39 =	vperm.xlane v17, v10;
	v38 =	vadd.s32 v3, v37  }
0x18e: {  	[tilespmem:s12], [sflag:$0x5] =	stream.indirect_vreg.gather [hbm4b:s9+s3], $0x80, v18, vm0, $0xb8;
	[tilespmem:$0x1B400] =	vst v63  }
0x18f: {  	v40 =	vperm.xlane v17, v11;
	s15 =	simm.s32 $0xE380;
	v18 =	vadd.s32 v3, v39  }
0x190: {  	[tilespmem:s15], [sflag:$0x5] =	stream.indirect_vreg.gather [hbm4b:s9+s3], $0x80, v19, vm0, $0xb8;
	[tilespmem:$0x1B400] =	vst v63  }
0x191: {  	v41 =	vperm.xlane v17, v12;
	s5 =	simm.s32 $0xE400;
	v19 =	vadd.s32 v3, v40  }
0x192: {  	[tilespmem:s5], [sflag:$0x5] =	stream.indirect_vreg.gather [hbm4b:s9+s3], $0x80, v38, vm0, $0xb8;
	[tilespmem:$0x1B400] =	vst v63  }
0x193: {  	v43 =	vperm.xlane v17, v13;
	v42 =	vadd.s32 v3, v41;
	s7 =	simm.s32 $0xE480  }
0x194: {  	[tilespmem:s7], [sflag:$0x5] =	stream.indirect_vreg.gather [hbm4b:s9+s3], $0x80, v18, vm0, $0xb8;
	[tilespmem:$0x1B400] =	vst v63  }
0x195: {  	v44 =	vperm.xlane v17, v14;
	s10 =	simm.s32 $0xE500;
	v18 =	vadd.s32 v3, v43  }
0x196: {  	[tilespmem:s10], [sflag:$0x5] =	stream.indirect_vreg.gather [hbm4b:s9+s3], $0x80, v19, vm0, $0xb8;
	[tilespmem:$0x1B400] =	vst v63  }
0x197: {  	v45 =	vperm.xlane v17, v15;
	s11 =	simm.s32 $0xE580;
	v19 =	vadd.s32 v3, v44  }
0x198: {  	[tilespmem:s11], [sflag:$0x5] =	stream.indirect_vreg.gather [hbm4b:s9+s3], $0x80, v42, vm0, $0xb8;
	[tilespmem:$0x1B400] =	vst v63  }
0x199: {  	v17 =	vperm.xlane v17, v16;
	v46 =	vadd.s32 v3, v45;
	s12 =	simm.s32 $0xE600  }
0x19a: {  	[tilespmem:s12], [sflag:$0x5] =	stream.indirect_vreg.gather [hbm4b:s9+s3], $0x80, v18, vm0, $0xb8;
	[tilespmem:$0x1B400] =	vst v63  }
0x19b: {  	v17 =	vadd.s32 v3, v17;
	s15 =	simm.s32 $0xE680  }
0x19c: {  	[tilespmem:s15], [sflag:$0x5] =	stream.indirect_vreg.gather [hbm4b:s9+s3], $0x80, v19, vm0, $0xb8;
	[tilespmem:$0x1B400] =	vst v63  }
0x19d: {  	s5 =	simm.s32 $0xE700  }
0x19e: {  	[tilespmem:s5], [sflag:$0x5] =	stream.indirect_vreg.gather [hbm4b:s9+s3], $0x80, v46, vm0, $0xb8;
	[tilespmem:$0x1B400] =	vst v63  }
0x19f: {  	s7 =	simm.s32 $0xE780  }
0x1a0: {  	[tilespmem:s7], [sflag:$0x5] =	stream.indirect_vreg.gather [hbm4b:s9+s3], $0x80, v17, vm0, $0xb8;
	[tilespmem:$0x1B400] =	vst v63  }
0x1a1: {  	v17 =	vld [tilespmem:$0x230];
	_ =	sdelay $0x4  }
0x1a2: {  	v18 =	vshll.u32 v17, $0x1  }
0x1a3: {  	v17 =	vand.u32 $0x7, v17;
	v18 =	vand.u32 $0xFFFFFFF0, v18  }
0x1a4: {  	v17 =	vor.u32 v17, v18  }
0x1a5: {  	v18 =	vperm.xlane v17, v2;
	_ =	sdelay $0x1  }
0x1a6: {  	v19 =	vperm.xlane v17, v1;
	v18 =	vadd.s32 v3, v18;
	_ =	sdelay $0x1  }
0x1a7: {  	v47 =	vperm.xlane v17, v4;
	v19 =	vadd.s32 v3, v19;
	_ =	sdelay $0x1  }
0x1a8: {  	s10 =	simm.s32 $0xE800;
	v48 =	vperm.xlane v17, v5;
	v20 =	vadd.s32 v3, v47  }
0x1a9: {  	[tilespmem:s10], [sflag:$0x5] =	stream.indirect_vreg.gather [hbm4b:s9+s3], $0x80, v18, vm0, $0xb8;
	[tilespmem:$0x1B400] =	vst v63  }
0x1aa: {  	s11 =	simm.s32 $0xE880;
	v49 =	vperm.xlane v17, v6;
	v18 =	vadd.s32 v3, v48  }
0x1ab: {  	[tilespmem:s11], [sflag:$0x5] =	stream.indirect_vreg.gather [hbm4b:s9+s3], $0x80, v19, vm0, $0xb8;
	[tilespmem:$0x1B400] =	vst v63  }
0x1ac: {  	s12 =	simm.s32 $0xE900;
	v50 =	vperm.xlane v17, v7;
	v19 =	vadd.s32 v3, v49  }
0x1ad: {  	[tilespmem:s12], [sflag:$0x5] =	stream.indirect_vreg.gather [hbm4b:s9+s3], $0x80, v20, vm0, $0xb8;
	[tilespmem:$0x1B400] =	vst v63  }
0x1ae: {  	s15 =	simm.s32 $0xE980;
	v52 =	vperm.xlane v17, v8;
	v51 =	vadd.s32 v3, v50  }
0x1af: {  	[tilespmem:s15], [sflag:$0x5] =	stream.indirect_vreg.gather [hbm4b:s9+s3], $0x80, v18, vm0, $0xb8;
	[tilespmem:$0x1B400] =	vst v63  }
0x1b0: {  	s5 =	simm.s32 $0xEA00;
	v53 =	vperm.xlane v17, v0;
	v18 =	vadd.s32 v3, v52  }
0x1b1: {  	[tilespmem:s5], [sflag:$0x5] =	stream.indirect_vreg.gather [hbm4b:s9+s3], $0x80, v19, vm0, $0xb8;
	[tilespmem:$0x1B400] =	vst v63  }
0x1b2: {  	s7 =	simm.s32 $0xEA80;
	v54 =	vperm.xlane v17, v9;
	v19 =	vadd.s32 v3, v53  }
0x1b3: {  	[tilespmem:s7], [sflag:$0x5] =	stream.indirect_vreg.gather [hbm4b:s9+s3], $0x80, v51, vm0, $0xb8;
	[tilespmem:$0x1B400] =	vst v63  }
0x1b4: {  	v56 =	vperm.xlane v17, v10;
	v55 =	vadd.s32 v3, v54;
	s10 =	simm.s32 $0xEB00  }
0x1b5: {  	[tilespmem:s10], [sflag:$0x5] =	stream.indirect_vreg.gather [hbm4b:s9+s3], $0x80, v18, vm0, $0xb8;
	[tilespmem:$0x1B400] =	vst v63  }
0x1b6: {  	v57 =	vperm.xlane v17, v11;
	s11 =	simm.s32 $0xEB80;
	v18 =	vadd.s32 v3, v56  }
0x1b7: {  	[tilespmem:s11], [sflag:$0x5] =	stream.indirect_vreg.gather [hbm4b:s9+s3], $0x80, v19, vm0, $0xb8;
	[tilespmem:$0x1B400] =	vst v63  }
0x1b8: {  	v58 =	vperm.xlane v17, v12;
	s12 =	simm.s32 $0xEC00;
	v19 =	vadd.s32 v3, v57  }
0x1b9: {  	[tilespmem:s12], [sflag:$0x5] =	stream.indirect_vreg.gather [hbm4b:s9+s3], $0x80, v55, vm0, $0xb8;
	[tilespmem:$0x1B400] =	vst v63  }
0x1ba: {  	v60 =	vperm.xlane v17, v13;
	v59 =	vadd.s32 v3, v58;
	s15 =	simm.s32 $0xEC80  }
0x1bb: {  	[tilespmem:s15], [sflag:$0x5] =	stream.indirect_vreg.gather [hbm4b:s9+s3], $0x80, v18, vm0, $0xb8;
	[tilespmem:$0x1B400] =	vst v63  }
0x1bc: {  	v61 =	vperm.xlane v17, v14;
	s5 =	simm.s32 $0xED00;
	v18 =	vadd.s32 v3, v60  }
0x1bd: {  	[tilespmem:s5], [sflag:$0x5] =	stream.indirect_vreg.gather [hbm4b:s9+s3], $0x80, v19, vm0, $0xb8;
	[tilespmem:$0x1B400] =	vst v63  }
0x1be: {  	v62 =	vperm.xlane v17, v15;
	s7 =	simm.s32 $0xED80;
	v19 =	vadd.s32 v3, v61  }
0x1bf: {  	[tilespmem:s7], [sflag:$0x5] =	stream.indirect_vreg.gather [hbm4b:s9+s3], $0x80, v59, vm0, $0xb8;
	[tilespmem:$0x1B400] =	vst v63  }
0x1c0: {  	v17 =	vperm.xlane v17, v16;
	v63 =	vadd.s32 v3, v62;
	s10 =	simm.s32 $0xEE00  }
0x1c1: {  	[tilespmem:s10], [sflag:$0x5] =	stream.indirect_vreg.gather [hbm4b:s9+s3], $0x80, v18, vm0, $0xb8;
	[tilespmem:$0x1B400] =	vst v63  }
0x1c2: {  	v17 =	vadd.s32 v3, v17;
	s11 =	simm.s32 $0xEE80  }
0x1c3: {  	[tilespmem:s11], [sflag:$0x5] =	stream.indirect_vreg.gather [hbm4b:s9+s3], $0x80, v19, vm0, $0xb8;
	[tilespmem:$0x1B400] =	vst v63  }
.Ltmp2:
0x1c4: {  	s12 =	simm.s32 $0xEF00;
	(pc) =	sbr.rel .LBB2_2-.Ltmp2, $4  }
0x1c5: {  	[tilespmem:s12], [sflag:$0x5] =	stream.indirect_vreg.gather [hbm4b:s9+s3], $0x80, v63, vm0, $0xb8;
	[tilespmem:$0x1B400] =	vst v63  }
0x1c6: {  	s15 =	simm.s32 $0xEF80  }
0x1c7: {  	[tilespmem:s15], [sflag:$0x5] =	stream.indirect_vreg.gather [hbm4b:s9+s3], $0x80, v17, vm0, $0xb8;
	[tilespmem:$0x1B400] =	vst v63  }
0x1c8: {  	s31 =	simm.s32 $0x1;
	s1 =	simm.s32 $0x0;
	s15 =	simm.s32 $0x0  }
.LBB2_19:
0x1c9: {  	v17 =	vld @!p1 [tilespmem:s11+$0x280];
	_ =	sdelay $0x6  }
0x1ca: {  	v18 =	vimm.f32 @!p1 $1.000000000e+00;
	s5 =	simm.s32 @!p1 $0x10000  }
0x1cb: {  	[tilespmem:v17+s5+$0x0] =	vst.idx.add.f32.msk @!p1 $0xffff, v18  }
0x1cc: {  	v17 =	vld @!p1 [tilespmem:s7+$0x290];
	_ =	sdelay $0x7  }
0x1cd: {  	[tilespmem:v17+s5+$0x0] =	vst.idx.add.f32.msk @!p1 $0xffff, v18  }
.LBB2_20:
0x1ce: {  	s1 =	sadd.s32 $0xC00, s1  }
0x1cf: {  	p2 =	sne.s32 s1, $0x27C00  }
.Ltmp3:
0x1d0: {  	_ = 	snop;
	(pc) =	sbr.rel @!p2 .LBB2_21-.Ltmp3, $2  }
0x1d1: {  	_ =	sdelay $0x2  }
0x1d2: {  	s15 =	sadd.s32 $0x1, s15;
	s31 =	sadd.s32 $0x6, s31  }
.LBB2_2:
0x1d3: {  	p2 =	sne.s32 s1, $0x0  }
.Ltmp4:
0x1d4: {  	_ = 	snop;
	(pc) =	sbr.rel @!p2 .LBB2_3-.Ltmp4, $4  }
0x1d5: {  	_ = 	snop  }
0x1d6: {  	_ =	swait.ge [sflag:s0], $0x1000  }
0x1d7: {  	[sflag:s0] =	ssyncset.done $0x0  }
0x1d8: {  	[sflag:s0] =	ssyncadd.s32 $0xFFFFF000  }
0x1d9: {  	p3 =	seq.s32 s1, $0x27000  }
.Ltmp5:
0x1da: {  	_ = 	snop;
	(pc) =	sbr.rel @p3 .LBB2_6-.Ltmp5, $4  }
.Ltmp6:
0x1db: {  	_ =	swait.ge [sflag:s24], $0x1000;
	(pc) =	sbr.rel @!p3 .LBB2_5-.Ltmp6, $4  }
0x1dc: {  	[sflag:s24] =	ssyncset.done $0x0  }
0x1dd: {  	s5 =	sshra.s32 s1, $0x2;
	p2 =	por $0x1, $0x1;
	[sflag:s24] =	ssyncadd.s32 $0xFFFFF000  }
0x1de: {  	[spmem:s2] =	stream.indirect.scatter.add.f32 [tilespmem:s16], [sflag:$0x7], $0x80, s5, s13, $0xb8;
	[tilespmem:$0x1B400] =	vst v63  }
0x1df: {  	_ = 	snop  }
.LBB2_3:
0x1e0: {  	s5 =	simm.s32 $0x0  }
0x1e1: {  	[spmem:s2] =	stream.indirect.scatter.add.f32 [tilespmem:s16], [sflag:$0x7], $0x80, s5, s13, $0xb8;
	[tilespmem:$0x1B400] =	vst v63  }
.LBB2_5:
0x1e2: {  	s7 =	sshra.s32 s1, $0x2  }
0x1e3: {  	v17 =	vld [tilespmem:s7+$0x2A0];
	_ =	sdelay $0x4  }
0x1e4: {  	v18 =	vshll.u32 v17, $0x1  }
0x1e5: {  	v17 =	vand.u32 $0x7, v17;
	v18 =	vand.u32 $0xFFFFFFF0, v18  }
0x1e6: {  	v17 =	vor.u32 v17, v18  }
0x1e7: {  	v18 =	vperm.xlane v17, v2;
	_ =	sdelay $0x1  }
0x1e8: {  	v19 =	vperm.xlane v17, v1;
	v18 =	vadd.s32 v3, v18;
	_ =	sdelay $0x1  }
0x1e9: {  	v20 =	vperm.xlane v17, v4;
	v19 =	vadd.s32 v3, v19;
	_ =	sdelay $0x1  }
0x1ea: {  	v21 =	vperm.xlane v17, v5;
	v20 =	vadd.s32 v3, v20  }
0x1eb: {  	[tilespmem:s4], [sflag:$0x6] =	stream.indirect_vreg.gather [hbm4b:s9+s3], $0x80, v18, vm0, $0xb8;
	[tilespmem:$0x1B400] =	vst v63  }
0x1ec: {  	s10 =	simm.s32 $0xF080;
	v32 =	vperm.xlane v17, v6;
	v18 =	vadd.s32 v3, v21  }
0x1ed: {  	[tilespmem:s10], [sflag:$0x6] =	stream.indirect_vreg.gather [hbm4b:s9+s3], $0x80, v19, vm0, $0xb8;
	[tilespmem:$0x1B400] =	vst v63  }
0x1ee: {  	s12 =	simm.s32 $0xF100;
	v33 =	vperm.xlane v17, v7;
	v19 =	vadd.s32 v3, v32  }
0x1ef: {  	[tilespmem:s12], [sflag:$0x6] =	stream.indirect_vreg.gather [hbm4b:s9+s3], $0x80, v20, vm0, $0xb8;
	[tilespmem:$0x1B400] =	vst v63  }
0x1f0: {  	s11 =	simm.s32 $0xF180;
	v35 =	vperm.xlane v17, v8;
	v34 =	vadd.s32 v3, v33  }
0x1f1: {  	[tilespmem:s11], [sflag:$0x6] =	stream.indirect_vreg.gather [hbm4b:s9+s3], $0x80, v18, vm0, $0xb8;
	[tilespmem:$0x1B400] =	vst v63  }
0x1f2: {  	v36 =	vperm.xlane v17, v0;
	s12 =	simm.s32 $0xF200;
	v18 =	vadd.s32 v3, v35  }
0x1f3: {  	[tilespmem:s12], [sflag:$0x6] =	stream.indirect_vreg.gather [hbm4b:s9+s3], $0x80, v19, vm0, $0xb8;
	[tilespmem:$0x1B400] =	vst v63  }
0x1f4: {  	v37 =	vperm.xlane v17, v9;
	s11 =	simm.s32 $0xF280;
	v19 =	vadd.s32 v3, v36  }
0x1f5: {  	[tilespmem:s11], [sflag:$0x6] =	stream.indirect_vreg.gather [hbm4b:s9+s3], $0x80, v34, vm0, $0xb8;
	[tilespmem:$0x1B400] =	vst v63  }
0x1f6: {  	v39 =	vperm.xlane v17, v10;
	v38 =	vadd.s32 v3, v37;
	s12 =	simm.s32 $0xF300  }
0x1f7: {  	[tilespmem:s12], [sflag:$0x6] =	stream.indirect_vreg.gather [hbm4b:s9+s3], $0x80, v18, vm0, $0xb8;
	[tilespmem:$0x1B400] =	vst v63  }
0x1f8: {  	v40 =	vperm.xlane v17, v11;
	s11 =	simm.s32 $0xF380;
	v18 =	vadd.s32 v3, v39  }
0x1f9: {  	[tilespmem:s11], [sflag:$0x6] =	stream.indirect_vreg.gather [hbm4b:s9+s3], $0x80, v19, vm0, $0xb8;
	[tilespmem:$0x1B400] =	vst v63  }
0x1fa: {  	v41 =	vperm.xlane v17, v12;
	s12 =	simm.s32 $0xF400;
	v19 =	vadd.s32 v3, v40  }
0x1fb: {  	[tilespmem:s12], [sflag:$0x6] =	stream.indirect_vreg.gather [hbm4b:s9+s3], $0x80, v38, vm0, $0xb8;
	[tilespmem:$0x1B400] =	vst v63  }
0x1fc: {  	v43 =	vperm.xlane v17, v13;
	v42 =	vadd.s32 v3, v41;
	s11 =	simm.s32 $0xF480  }
0x1fd: {  	[tilespmem:s11], [sflag:$0x6] =	stream.indirect_vreg.gather [hbm4b:s9+s3], $0x80, v18, vm0, $0xb8;
	[tilespmem:$0x1B400] =	vst v63  }
0x1fe: {  	v44 =	vperm.xlane v17, v14;
	s12 =	simm.s32 $0xF500;
	v18 =	vadd.s32 v3, v43  }
0x1ff: {  	[tilespmem:s12], [sflag:$0x6] =	stream.indirect_vreg.gather [hbm4b:s9+s3], $0x80, v19, vm0, $0xb8;
	[tilespmem:$0x1B400] =	vst v63  }
0x200: {  	v45 =	vperm.xlane v17, v15;
	s11 =	simm.s32 $0xF580;
	v19 =	vadd.s32 v3, v44  }
0x201: {  	[tilespmem:s11], [sflag:$0x6] =	stream.indirect_vreg.gather [hbm4b:s9+s3], $0x80, v42, vm0, $0xb8;
	[tilespmem:$0x1B400] =	vst v63  }
0x202: {  	v17 =	vperm.xlane v17, v16;
	v46 =	vadd.s32 v3, v45;
	s12 =	simm.s32 $0xF600  }
0x203: {  	[tilespmem:s12], [sflag:$0x6] =	stream.indirect_vreg.gather [hbm4b:s9+s3], $0x80, v18, vm0, $0xb8;
	[tilespmem:$0x1B400] =	vst v63  }
0x204: {  	v17 =	vadd.s32 v3, v17;
	s11 =	simm.s32 $0xF680  }
0x205: {  	[tilespmem:s11], [sflag:$0x6] =	stream.indirect_vreg.gather [hbm4b:s9+s3], $0x80, v19, vm0, $0xb8;
	[tilespmem:$0x1B400] =	vst v63  }
0x206: {  	s12 =	simm.s32 $0xF700  }
0x207: {  	[tilespmem:s12], [sflag:$0x6] =	stream.indirect_vreg.gather [hbm4b:s9+s3], $0x80, v46, vm0, $0xb8;
	[tilespmem:$0x1B400] =	vst v63  }
0x208: {  	s11 =	simm.s32 $0xF780  }
0x209: {  	[tilespmem:s11], [sflag:$0x6] =	stream.indirect_vreg.gather [hbm4b:s9+s3], $0x80, v17, vm0, $0xb8;
	[tilespmem:$0x1B400] =	vst v63  }
0x20a: {  	v17 =	vld [tilespmem:s7+$0x2B0];
	_ =	sdelay $0x4  }
0x20b: {  	v18 =	vshll.u32 v17, $0x1  }
0x20c: {  	v17 =	vand.u32 $0x7, v17;
	v18 =	vand.u32 $0xFFFFFFF0, v18  }
0x20d: {  	v17 =	vor.u32 v17, v18  }
0x20e: {  	v18 =	vperm.xlane v17, v2;
	_ =	sdelay $0x1  }
0x20f: {  	v19 =	vperm.xlane v17, v1;
	v18 =	vadd.s32 v3, v18;
	_ =	sdelay $0x1  }
0x210: {  	v47 =	vperm.xlane v17, v4;
	v19 =	vadd.s32 v3, v19;
	_ =	sdelay $0x1  }
0x211: {  	s12 =	simm.s32 $0xF800;
	v48 =	vperm.xlane v17, v5;
	v20 =	vadd.s32 v3, v47  }
0x212: {  	[tilespmem:s12], [sflag:$0x6] =	stream.indirect_vreg.gather [hbm4b:s9+s3], $0x80, v18, vm0, $0xb8;
	[tilespmem:$0x1B400] =	vst v63  }
0x213: {  	s10 =	simm.s32 $0xF880;
	v49 =	vperm.xlane v17, v6;
	v18 =	vadd.s32 v3, v48  }
0x214: {  	[tilespmem:s10], [sflag:$0x6] =	stream.indirect_vreg.gather [hbm4b:s9+s3], $0x80, v19, vm0, $0xb8;
	[tilespmem:$0x1B400] =	vst v63  }
0x215: {  	s11 =	simm.s32 $0xF900;
	v50 =	vperm.xlane v17, v7;
	v19 =	vadd.s32 v3, v49  }
0x216: {  	[tilespmem:s11], [sflag:$0x6] =	stream.indirect_vreg.gather [hbm4b:s9+s3], $0x80, v20, vm0, $0xb8;
	[tilespmem:$0x1B400] =	vst v63  }
0x217: {  	v52 =	vperm.xlane v17, v8;
	v51 =	vadd.s32 v3, v50;
	s12 =	simm.s32 $0xF980  }
0x218: {  	[tilespmem:s12], [sflag:$0x6] =	stream.indirect_vreg.gather [hbm4b:s9+s3], $0x80, v18, vm0, $0xb8;
	[tilespmem:$0x1B400] =	vst v63  }
0x219: {  	v53 =	vperm.xlane v17, v0;
	s10 =	simm.s32 $0xFA00;
	v18 =	vadd.s32 v3, v52  }
0x21a: {  	[tilespmem:s10], [sflag:$0x6] =	stream.indirect_vreg.gather [hbm4b:s9+s3], $0x80, v19, vm0, $0xb8;
	[tilespmem:$0x1B400] =	vst v63  }
0x21b: {  	v54 =	vperm.xlane v17, v9;
	s11 =	simm.s32 $0xFA80;
	v19 =	vadd.s32 v3, v53  }
0x21c: {  	[tilespmem:s11], [sflag:$0x6] =	stream.indirect_vreg.gather [hbm4b:s9+s3], $0x80, v51, vm0, $0xb8;
	[tilespmem:$0x1B400] =	vst v63  }
0x21d: {  	v56 =	vperm.xlane v17, v10;
	v55 =	vadd.s32 v3, v54;
	s12 =	simm.s32 $0xFB00  }
0x21e: {  	[tilespmem:s12], [sflag:$0x6] =	stream.indirect_vreg.gather [hbm4b:s9+s3], $0x80, v18, vm0, $0xb8;
	[tilespmem:$0x1B400] =	vst v63  }
0x21f: {  	v57 =	vperm.xlane v17, v11;
	s10 =	simm.s32 $0xFB80;
	v18 =	vadd.s32 v3, v56  }
0x220: {  	[tilespmem:s10], [sflag:$0x6] =	stream.indirect_vreg.gather [hbm4b:s9+s3], $0x80, v19, vm0, $0xb8;
	[tilespmem:$0x1B400] =	vst v63  }
0x221: {  	v58 =	vperm.xlane v17, v12;
	s11 =	simm.s32 $0xFC00;
	v19 =	vadd.s32 v3, v57  }
0x222: {  	[tilespmem:s11], [sflag:$0x6] =	stream.indirect_vreg.gather [hbm4b:s9+s3], $0x80, v55, vm0, $0xb8;
	[tilespmem:$0x1B400] =	vst v63  }
0x223: {  	v60 =	vperm.xlane v17, v13;
	v59 =	vadd.s32 v3, v58;
	s12 =	simm.s32 $0xFC80  }
0x224: {  	[tilespmem:s12], [sflag:$0x6] =	stream.indirect_vreg.gather [hbm4b:s9+s3], $0x80, v18, vm0, $0xb8;
	[tilespmem:$0x1B400] =	vst v63  }
0x225: {  	v61 =	vperm.xlane v17, v14;
	v18 =	vadd.s32 v3, v60  }
0x226: {  	[tilespmem:s6], [sflag:$0x6] =	stream.indirect_vreg.gather [hbm4b:s9+s3], $0x80, v19, vm0, $0xb8;
	[tilespmem:$0x1B400] =	vst v63  }
0x227: {  	v62 =	vperm.xlane v17, v15;
	v19 =	vadd.s32 v3, v61  }
0x228: {  	[tilespmem:s14], [sflag:$0x6] =	stream.indirect_vreg.gather [hbm4b:s9+s3], $0x80, v59, vm0, $0xb8;
	[tilespmem:$0x1B400] =	vst v63  }
0x229: {  	v17 =	vperm.xlane v17, v16;
	v63 =	vadd.s32 v3, v62  }
0x22a: {  	[tilespmem:s17], [sflag:$0x6] =	stream.indirect_vreg.gather [hbm4b:s9+s3], $0x80, v18, vm0, $0xb8;
	[tilespmem:$0x1B400] =	vst v63  }
0x22b: {  	v17 =	vadd.s32 v3, v17  }
0x22c: {  	[tilespmem:s18], [sflag:$0x6] =	stream.indirect_vreg.gather [hbm4b:s9+s3], $0x80, v19, vm0, $0xb8;
	[tilespmem:$0x1B400] =	vst v63  }
0x22d: {  	_ = 	snop  }
0x22e: {  	[tilespmem:s19], [sflag:$0x6] =	stream.indirect_vreg.gather [hbm4b:s9+s3], $0x80, v63, vm0, $0xb8;
	[tilespmem:$0x1B400] =	vst v63  }
0x22f: {  	p2 =	por $0x0, $0x0  }
0x230: {  	[tilespmem:s21], [sflag:$0x6] =	stream.indirect_vreg.gather [hbm4b:s9+s3], $0x80, v17, vm0, $0xb8;
	[tilespmem:$0x1B400] =	vst v63  }
.LBB2_6:
0x231: {  	s10 =	sshra.s32 @!p0 s1, $0x2  }
0x232: {  	v17 =	vld @!p0 [tilespmem:s10+$0x0];
	_ =	sdelay $0x6  }
0x233: {  	v18 =	vimm.f32 @!p0 $1.000000000e+00;
	s7 =	simm.s32 @!p0 $0x10000  }
0x234: {  	[tilespmem:v17+s7+$0x0] =	vst.idx.add.f32.msk @!p0 $0xffff, v18  }
0x235: {  	v17 =	vld @!p0 [tilespmem:s10+$0x10];
	_ =	sdelay $0x2  }
0x236: {  	p3 =	sgt.u32 s31, $0x138  }
.Ltmp7:
0x237: {  	_ = 	snop;
	(pc) =	sbr.rel @p3 .LBB2_10-.Ltmp7, $2  }
0x238: {  	_ =	sdelay $0x2  }
0x239: {  	[tilespmem:v17+s7+$0x0] =	vst.idx.add.f32.msk @!p0 $0xffff, v18;
	s7 =	sshra.s32 @!p1 s1, $0x2  }
0x23a: {  	_ =	swait.ge [sflag:s23], $0x1000  }
0x23b: {  	[sflag:s23] =	ssyncset.done $0x0  }
.Ltmp8:
0x23c: {  	[sflag:s23] =	ssyncadd.s32 $0xFFFFF000;
	(pc) =	sbr.rel @p2 .LBB2_9-.Ltmp8, $4  }
0x23d: {  	_ =	swait.ge [sflag:s24], $0x1000  }
0x23e: {  	s11 =	sshra.s32 s1, $0x2;
	[sflag:s24] =	ssyncset.done $0x0  }
0x23f: {  	s12 =	sadd.s32 $0x80, s11;
	[sflag:s24] =	ssyncadd.s32 $0xFFFFF000  }
0x240: {  	[spmem:s2] =	stream.indirect.scatter.add.f32 [tilespmem:s22], [sflag:$0x7], $0x80, s12, s13, $0xb8;
	[tilespmem:$0x1B400] =	vst v63  }
0x241: {  	v17 =	vld [tilespmem:s5+$0x320];
	_ =	sdelay $0x4  }
0x242: {  	v18 =	vshll.u32 v17, $0x1  }
0x243: {  	v17 =	vand.u32 $0x7, v17;
	v18 =	vand.u32 $0xFFFFFFF0, v18  }
0x244: {  	v17 =	vor.u32 v17, v18  }
0x245: {  	v18 =	vperm.xlane v17, v2;
	_ =	sdelay $0x1  }
0x246: {  	v19 =	vperm.xlane v17, v1;
	v18 =	vadd.s32 v3, v18;
	_ =	sdelay $0x1  }
0x247: {  	v20 =	vperm.xlane v17, v4;
	v19 =	vadd.s32 v3, v19;
	_ =	sdelay $0x1  }
0x248: {  	v21 =	vperm.xlane v17, v5;
	v20 =	vadd.s32 v3, v20  }
0x249: {  	[tilespmem:s16], [sflag:$0x1] =	stream.indirect_vreg.gather [hbm4b:s9+s3], $0x80, v18, vm0, $0xb8;
	[tilespmem:$0x1B400] =	vst v63  }
0x24a: {  	s12 =	simm.s32 $0xA080;
	v32 =	vperm.xlane v17, v6;
	v18 =	vadd.s32 v3, v21  }
0x24b: {  	[tilespmem:s12], [sflag:$0x1] =	stream.indirect_vreg.gather [hbm4b:s9+s3], $0x80, v19, vm0, $0xb8;
	[tilespmem:$0x1B400] =	vst v63  }
0x24c: {  	v33 =	vperm.xlane v17, v7;
	v19 =	vadd.s32 v3, v32;
	s12 =	simm.s32 $0xA100  }
0x24d: {  	[tilespmem:s12], [sflag:$0x1] =	stream.indirect_vreg.gather [hbm4b:s9+s3], $0x80, v20, vm0, $0xb8;
	[tilespmem:$0x1B400] =	vst v63  }
0x24e: {  	v35 =	vperm.xlane v17, v8;
	v34 =	vadd.s32 v3, v33;
	s12 =	simm.s32 $0xA180  }
0x24f: {  	[tilespmem:s12], [sflag:$0x1] =	stream.indirect_vreg.gather [hbm4b:s9+s3], $0x80, v18, vm0, $0xb8;
	[tilespmem:$0x1B400] =	vst v63  }
0x250: {  	v36 =	vperm.xlane v17, v0;
	v18 =	vadd.s32 v3, v35;
	s12 =	simm.s32 $0xA200  }
0x251: {  	[tilespmem:s12], [sflag:$0x1] =	stream.indirect_vreg.gather [hbm4b:s9+s3], $0x80, v19, vm0, $0xb8;
	[tilespmem:$0x1B400] =	vst v63  }
0x252: {  	v37 =	vperm.xlane v17, v9;
	v19 =	vadd.s32 v3, v36;
	s12 =	simm.s32 $0xA280  }
0x253: {  	[tilespmem:s12], [sflag:$0x1] =	stream.indirect_vreg.gather [hbm4b:s9+s3], $0x80, v34, vm0, $0xb8;
	[tilespmem:$0x1B400] =	vst v63  }
0x254: {  	v39 =	vperm.xlane v17, v10;
	v38 =	vadd.s32 v3, v37;
	s12 =	simm.s32 $0xA300  }
0x255: {  	[tilespmem:s12], [sflag:$0x1] =	stream.indirect_vreg.gather [hbm4b:s9+s3], $0x80, v18, vm0, $0xb8;
	[tilespmem:$0x1B400] =	vst v63  }
0x256: {  	v40 =	vperm.xlane v17, v11;
	v18 =	vadd.s32 v3, v39;
	s12 =	simm.s32 $0xA380  }
0x257: {  	[tilespmem:s12], [sflag:$0x1] =	stream.indirect_vreg.gather [hbm4b:s9+s3], $0x80, v19, vm0, $0xb8;
	[tilespmem:$0x1B400] =	vst v63  }
0x258: {  	v41 =	vperm.xlane v17, v12;
	v19 =	vadd.s32 v3, v40;
	s12 =	simm.s32 $0xA400  }
0x259: {  	[tilespmem:s12], [sflag:$0x1] =	stream.indirect_vreg.gather [hbm4b:s9+s3], $0x80, v38, vm0, $0xb8;
	[tilespmem:$0x1B400] =	vst v63  }
0x25a: {  	v43 =	vperm.xlane v17, v13;
	v42 =	vadd.s32 v3, v41;
	s12 =	simm.s32 $0xA480  }
0x25b: {  	[tilespmem:s12], [sflag:$0x1] =	stream.indirect_vreg.gather [hbm4b:s9+s3], $0x80, v18, vm0, $0xb8;
	[tilespmem:$0x1B400] =	vst v63  }
0x25c: {  	v44 =	vperm.xlane v17, v14;
	v18 =	vadd.s32 v3, v43;
	s12 =	simm.s32 $0xA500  }
0x25d: {  	[tilespmem:s12], [sflag:$0x1] =	stream.indirect_vreg.gather [hbm4b:s9+s3], $0x80, v19, vm0, $0xb8;
	[tilespmem:$0x1B400] =	vst v63  }
0x25e: {  	v45 =	vperm.xlane v17, v15;
	v19 =	vadd.s32 v3, v44;
	s12 =	simm.s32 $0xA580  }
0x25f: {  	[tilespmem:s12], [sflag:$0x1] =	stream.indirect_vreg.gather [hbm4b:s9+s3], $0x80, v42, vm0, $0xb8;
	[tilespmem:$0x1B400] =	vst v63  }
0x260: {  	v17 =	vperm.xlane v17, v16;
	v46 =	vadd.s32 v3, v45;
	s12 =	simm.s32 $0xA600  }
0x261: {  	[tilespmem:s12], [sflag:$0x1] =	stream.indirect_vreg.gather [hbm4b:s9+s3], $0x80, v18, vm0, $0xb8;
	[tilespmem:$0x1B400] =	vst v63  }
0x262: {  	v17 =	vadd.s32 v3, v17;
	s12 =	simm.s32 $0xA680  }
0x263: {  	[tilespmem:s12], [sflag:$0x1] =	stream.indirect_vreg.gather [hbm4b:s9+s3], $0x80, v19, vm0, $0xb8;
	[tilespmem:$0x1B400] =	vst v63  }
0x264: {  	s12 =	simm.s32 $0xA700  }
0x265: {  	[tilespmem:s12], [sflag:$0x1] =	stream.indirect_vreg.gather [hbm4b:s9+s3], $0x80, v46, vm0, $0xb8;
	[tilespmem:$0x1B400] =	vst v63  }
0x266: {  	s12 =	simm.s32 $0xA780  }
0x267: {  	[tilespmem:s12], [sflag:$0x1] =	stream.indirect_vreg.gather [hbm4b:s9+s3], $0x80, v17, vm0, $0xb8;
	[tilespmem:$0x1B400] =	vst v63  }
0x268: {  	v17 =	vld [tilespmem:s5+$0x330];
	_ =	sdelay $0x4  }
0x269: {  	v18 =	vshll.u32 v17, $0x1  }
0x26a: {  	v17 =	vand.u32 $0x7, v17;
	v18 =	vand.u32 $0xFFFFFFF0, v18  }
0x26b: {  	v17 =	vor.u32 v17, v18  }
0x26c: {  	v18 =	vperm.xlane v17, v2;
	_ =	sdelay $0x1  }
0x26d: {  	v19 =	vperm.xlane v17, v1;
	v18 =	vadd.s32 v3, v18;
	_ =	sdelay $0x1  }
0x26e: {  	v47 =	vperm.xlane v17, v4;
	v19 =	vadd.s32 v3, v19;
	_ =	sdelay $0x1  }
0x26f: {  	s12 =	simm.s32 $0xA800;
	v48 =	vperm.xlane v17, v5;
	v20 =	vadd.s32 v3, v47  }
0x270: {  	[tilespmem:s12], [sflag:$0x1] =	stream.indirect_vreg.gather [hbm4b:s9+s3], $0x80, v18, vm0, $0xb8;
	[tilespmem:$0x1B400] =	vst v63  }
0x271: {  	v49 =	vperm.xlane v17, v6;
	v18 =	vadd.s32 v3, v48;
	s12 =	simm.s32 $0xA880  }
0x272: {  	[tilespmem:s12], [sflag:$0x1] =	stream.indirect_vreg.gather [hbm4b:s9+s3], $0x80, v19, vm0, $0xb8;
	[tilespmem:$0x1B400] =	vst v63  }
0x273: {  	v50 =	vperm.xlane v17, v7;
	v19 =	vadd.s32 v3, v49;
	s12 =	simm.s32 $0xA900  }
0x274: {  	[tilespmem:s12], [sflag:$0x1] =	stream.indirect_vreg.gather [hbm4b:s9+s3], $0x80, v20, vm0, $0xb8;
	[tilespmem:$0x1B400] =	vst v63  }
0x275: {  	v52 =	vperm.xlane v17, v8;
	v51 =	vadd.s32 v3, v50;
	s12 =	simm.s32 $0xA980  }
0x276: {  	[tilespmem:s12], [sflag:$0x1] =	stream.indirect_vreg.gather [hbm4b:s9+s3], $0x80, v18, vm0, $0xb8;
	[tilespmem:$0x1B400] =	vst v63  }
0x277: {  	v53 =	vperm.xlane v17, v0;
	v18 =	vadd.s32 v3, v52;
	s12 =	simm.s32 $0xAA00  }
0x278: {  	[tilespmem:s12], [sflag:$0x1] =	stream.indirect_vreg.gather [hbm4b:s9+s3], $0x80, v19, vm0, $0xb8;
	[tilespmem:$0x1B400] =	vst v63  }
0x279: {  	v54 =	vperm.xlane v17, v9;
	v19 =	vadd.s32 v3, v53;
	s12 =	simm.s32 $0xAA80  }
0x27a: {  	[tilespmem:s12], [sflag:$0x1] =	stream.indirect_vreg.gather [hbm4b:s9+s3], $0x80, v51, vm0, $0xb8;
	[tilespmem:$0x1B400] =	vst v63  }
0x27b: {  	v56 =	vperm.xlane v17, v10;
	v55 =	vadd.s32 v3, v54;
	s12 =	simm.s32 $0xAB00  }
0x27c: {  	[tilespmem:s12], [sflag:$0x1] =	stream.indirect_vreg.gather [hbm4b:s9+s3], $0x80, v18, vm0, $0xb8;
	[tilespmem:$0x1B400] =	vst v63  }
0x27d: {  	v57 =	vperm.xlane v17, v11;
	v18 =	vadd.s32 v3, v56;
	s12 =	simm.s32 $0xAB80  }
0x27e: {  	[tilespmem:s12], [sflag:$0x1] =	stream.indirect_vreg.gather [hbm4b:s9+s3], $0x80, v19, vm0, $0xb8;
	[tilespmem:$0x1B400] =	vst v63  }
0x27f: {  	v58 =	vperm.xlane v17, v12;
	v19 =	vadd.s32 v3, v57;
	s12 =	simm.s32 $0xAC00  }
0x280: {  	[tilespmem:s12], [sflag:$0x1] =	stream.indirect_vreg.gather [hbm4b:s9+s3], $0x80, v55, vm0, $0xb8;
	[tilespmem:$0x1B400] =	vst v63  }
0x281: {  	v60 =	vperm.xlane v17, v13;
	v59 =	vadd.s32 v3, v58;
	s12 =	simm.s32 $0xAC80  }
0x282: {  	[tilespmem:s12], [sflag:$0x1] =	stream.indirect_vreg.gather [hbm4b:s9+s3], $0x80, v18, vm0, $0xb8;
	[tilespmem:$0x1B400] =	vst v63  }
0x283: {  	v61 =	vperm.xlane v17, v14;
	v18 =	vadd.s32 v3, v60;
	s12 =	simm.s32 $0xAD00  }
0x284: {  	[tilespmem:s12], [sflag:$0x1] =	stream.indirect_vreg.gather [hbm4b:s9+s3], $0x80, v19, vm0, $0xb8;
	[tilespmem:$0x1B400] =	vst v63  }
0x285: {  	v62 =	vperm.xlane v17, v15;
	v19 =	vadd.s32 v3, v61;
	s12 =	simm.s32 $0xAD80  }
0x286: {  	[tilespmem:s12], [sflag:$0x1] =	stream.indirect_vreg.gather [hbm4b:s9+s3], $0x80, v59, vm0, $0xb8;
	[tilespmem:$0x1B400] =	vst v63  }
0x287: {  	v17 =	vperm.xlane v17, v16;
	v63 =	vadd.s32 v3, v62;
	s12 =	simm.s32 $0xAE00  }
0x288: {  	[tilespmem:s12], [sflag:$0x1] =	stream.indirect_vreg.gather [hbm4b:s9+s3], $0x80, v18, vm0, $0xb8;
	[tilespmem:$0x1B400] =	vst v63  }
0x289: {  	v17 =	vadd.s32 v3, v17;
	s12 =	simm.s32 $0xAE80  }
0x28a: {  	[tilespmem:s12], [sflag:$0x1] =	stream.indirect_vreg.gather [hbm4b:s9+s3], $0x80, v19, vm0, $0xb8;
	[tilespmem:$0x1B400] =	vst v63  }
0x28b: {  	s12 =	simm.s32 $0xAF00  }
0x28c: {  	[tilespmem:s12], [sflag:$0x1] =	stream.indirect_vreg.gather [hbm4b:s9+s3], $0x80, v63, vm0, $0xb8;
	[tilespmem:$0x1B400] =	vst v63  }
0x28d: {  	s12 =	simm.s32 $0xAF80  }
0x28e: {  	[tilespmem:s12], [sflag:$0x1] =	stream.indirect_vreg.gather [hbm4b:s9+s3], $0x80, v17, vm0, $0xb8;
	[tilespmem:$0x1B400] =	vst v63  }
.LBB2_9:
0x28f: {  	v17 =	vld @!p1 [tilespmem:s11+$0x80];
	_ =	sdelay $0x6  }
0x290: {  	v18 =	vimm.f32 @!p1 $1.000000000e+00;
	s11 =	simm.s32 @!p1 $0x10000  }
0x291: {  	[tilespmem:v17+s11+$0x0] =	vst.idx.add.f32.msk @!p1 $0xffff, v18  }
0x292: {  	v17 =	vld @!p1 [tilespmem:s7+$0x90];
	_ =	sdelay $0x7  }
0x293: {  	[tilespmem:v17+s11+$0x0] =	vst.idx.add.f32.msk @!p1 $0xffff, v18  }
.LBB2_10:
.Ltmp9:
0x294: {  	(pc) =	sbr.rel @p2 .LBB2_20-.Ltmp9, $1  }
0x295: {  	_ =	sdelay $0x3  }
0x296: {  	_ =	swait.ge [sflag:s25], $0x1000  }
0x297: {  	p2 =	sgt.u32 s15, $0x32;
	[sflag:s25] =	ssyncset.done $0x0  }
.Ltmp10:
0x298: {  	[sflag:s25] =	ssyncadd.s32 $0xFFFFF000;
	(pc) =	sbr.rel @p2 .LBB2_13-.Ltmp10, $4  }
0x299: {  	_ =	swait.ge [sflag:s24], $0x1000  }
0x29a: {  	s11 =	sshra.s32 s1, $0x2;
	[sflag:s24] =	ssyncset.done $0x0  }
0x29b: {  	s12 =	sadd.s32 $0x100, s11;
	[sflag:s24] =	ssyncadd.s32 $0xFFFFF000  }
0x29c: {  	[spmem:s2] =	stream.indirect.scatter.add.f32 [tilespmem:s30], [sflag:$0x7], $0x80, s12, s13, $0xb8;
	[tilespmem:$0x1B400] =	vst v63  }
0x29d: {  	v17 =	vld [tilespmem:s5+$0x3A0];
	_ =	sdelay $0x4  }
0x29e: {  	v18 =	vshll.u32 v17, $0x1  }
0x29f: {  	v17 =	vand.u32 $0x7, v17;
	v18 =	vand.u32 $0xFFFFFFF0, v18  }
0x2a0: {  	v17 =	vor.u32 v17, v18  }
0x2a1: {  	v18 =	vperm.xlane v17, v2;
	_ =	sdelay $0x1  }
0x2a2: {  	v19 =	vperm.xlane v17, v1;
	v18 =	vadd.s32 v3, v18;
	_ =	sdelay $0x1  }
0x2a3: {  	v20 =	vperm.xlane v17, v4;
	v19 =	vadd.s32 v3, v19;
	_ =	sdelay $0x1  }
0x2a4: {  	v21 =	vperm.xlane v17, v5;
	v20 =	vadd.s32 v3, v20  }
0x2a5: {  	[tilespmem:s22], [sflag:$0x2] =	stream.indirect_vreg.gather [hbm4b:s9+s3], $0x80, v18, vm0, $0xb8;
	[tilespmem:$0x1B400] =	vst v63  }
0x2a6: {  	s12 =	simm.s32 $0xB080;
	v32 =	vperm.xlane v17, v6;
	v18 =	vadd.s32 v3, v21  }
0x2a7: {  	[tilespmem:s12], [sflag:$0x2] =	stream.indirect_vreg.gather [hbm4b:s9+s3], $0x80, v19, vm0, $0xb8;
	[tilespmem:$0x1B400] =	vst v63  }
0x2a8: {  	v33 =	vperm.xlane v17, v7;
	v19 =	vadd.s32 v3, v32;
	s12 =	simm.s32 $0xB100  }
0x2a9: {  	[tilespmem:s12], [sflag:$0x2] =	stream.indirect_vreg.gather [hbm4b:s9+s3], $0x80, v20, vm0, $0xb8;
	[tilespmem:$0x1B400] =	vst v63  }
0x2aa: {  	v35 =	vperm.xlane v17, v8;
	v34 =	vadd.s32 v3, v33;
	s12 =	simm.s32 $0xB180  }
0x2ab: {  	[tilespmem:s12], [sflag:$0x2] =	stream.indirect_vreg.gather [hbm4b:s9+s3], $0x80, v18, vm0, $0xb8;
	[tilespmem:$0x1B400] =	vst v63  }
0x2ac: {  	v36 =	vperm.xlane v17, v0;
	v18 =	vadd.s32 v3, v35;
	s12 =	simm.s32 $0xB200  }
0x2ad: {  	[tilespmem:s12], [sflag:$0x2] =	stream.indirect_vreg.gather [hbm4b:s9+s3], $0x80, v19, vm0, $0xb8;
	[tilespmem:$0x1B400] =	vst v63  }
0x2ae: {  	v37 =	vperm.xlane v17, v9;
	v19 =	vadd.s32 v3, v36;
	s12 =	simm.s32 $0xB280  }
0x2af: {  	[tilespmem:s12], [sflag:$0x2] =	stream.indirect_vreg.gather [hbm4b:s9+s3], $0x80, v34, vm0, $0xb8;
	[tilespmem:$0x1B400] =	vst v63  }
0x2b0: {  	v39 =	vperm.xlane v17, v10;
	v38 =	vadd.s32 v3, v37;
	s12 =	simm.s32 $0xB300  }
0x2b1: {  	[tilespmem:s12], [sflag:$0x2] =	stream.indirect_vreg.gather [hbm4b:s9+s3], $0x80, v18, vm0, $0xb8;
	[tilespmem:$0x1B400] =	vst v63  }
0x2b2: {  	v40 =	vperm.xlane v17, v11;
	v18 =	vadd.s32 v3, v39;
	s12 =	simm.s32 $0xB380  }
0x2b3: {  	[tilespmem:s12], [sflag:$0x2] =	stream.indirect_vreg.gather [hbm4b:s9+s3], $0x80, v19, vm0, $0xb8;
	[tilespmem:$0x1B400] =	vst v63  }
0x2b4: {  	v41 =	vperm.xlane v17, v12;
	v19 =	vadd.s32 v3, v40;
	s12 =	simm.s32 $0xB400  }
0x2b5: {  	[tilespmem:s12], [sflag:$0x2] =	stream.indirect_vreg.gather [hbm4b:s9+s3], $0x80, v38, vm0, $0xb8;
	[tilespmem:$0x1B400] =	vst v63  }
0x2b6: {  	v43 =	vperm.xlane v17, v13;
	v42 =	vadd.s32 v3, v41;
	s12 =	simm.s32 $0xB480  }
0x2b7: {  	[tilespmem:s12], [sflag:$0x2] =	stream.indirect_vreg.gather [hbm4b:s9+s3], $0x80, v18, vm0, $0xb8;
	[tilespmem:$0x1B400] =	vst v63  }
0x2b8: {  	v44 =	vperm.xlane v17, v14;
	v18 =	vadd.s32 v3, v43;
	s12 =	simm.s32 $0xB500  }
0x2b9: {  	[tilespmem:s12], [sflag:$0x2] =	stream.indirect_vreg.gather [hbm4b:s9+s3], $0x80, v19, vm0, $0xb8;
	[tilespmem:$0x1B400] =	vst v63  }
0x2ba: {  	v45 =	vperm.xlane v17, v15;
	v19 =	vadd.s32 v3, v44;
	s12 =	simm.s32 $0xB580  }
0x2bb: {  	[tilespmem:s12], [sflag:$0x2] =	stream.indirect_vreg.gather [hbm4b:s9+s3], $0x80, v42, vm0, $0xb8;
	[tilespmem:$0x1B400] =	vst v63  }
0x2bc: {  	v17 =	vperm.xlane v17, v16;
	v46 =	vadd.s32 v3, v45;
	s12 =	simm.s32 $0xB600  }
0x2bd: {  	[tilespmem:s12], [sflag:$0x2] =	stream.indirect_vreg.gather [hbm4b:s9+s3], $0x80, v18, vm0, $0xb8;
	[tilespmem:$0x1B400] =	vst v63  }
0x2be: {  	v17 =	vadd.s32 v3, v17;
	s12 =	simm.s32 $0xB680  }
0x2bf: {  	[tilespmem:s12], [sflag:$0x2] =	stream.indirect_vreg.gather [hbm4b:s9+s3], $0x80, v19, vm0, $0xb8;
	[tilespmem:$0x1B400] =	vst v63  }
0x2c0: {  	s12 =	simm.s32 $0xB700  }
0x2c1: {  	[tilespmem:s12], [sflag:$0x2] =	stream.indirect_vreg.gather [hbm4b:s9+s3], $0x80, v46, vm0, $0xb8;
	[tilespmem:$0x1B400] =	vst v63  }
0x2c2: {  	s12 =	simm.s32 $0xB780  }
0x2c3: {  	[tilespmem:s12], [sflag:$0x2] =	stream.indirect_vreg.gather [hbm4b:s9+s3], $0x80, v17, vm0, $0xb8;
	[tilespmem:$0x1B400] =	vst v63  }
0x2c4: {  	v17 =	vld [tilespmem:s5+$0x3B0];
	_ =	sdelay $0x4  }
0x2c5: {  	v18 =	vshll.u32 v17, $0x1  }
0x2c6: {  	v17 =	vand.u32 $0x7, v17;
	v18 =	vand.u32 $0xFFFFFFF0, v18  }
0x2c7: {  	v17 =	vor.u32 v17, v18  }
0x2c8: {  	v18 =	vperm.xlane v17, v2;
	_ =	sdelay $0x1  }
0x2c9: {  	v19 =	vperm.xlane v17, v1;
	v18 =	vadd.s32 v3, v18;
	_ =	sdelay $0x1  }
0x2ca: {  	v47 =	vperm.xlane v17, v4;
	v19 =	vadd.s32 v3, v19;
	_ =	sdelay $0x1  }
0x2cb: {  	s12 =	simm.s32 $0xB800;
	v48 =	vperm.xlane v17, v5;
	v20 =	vadd.s32 v3, v47  }
0x2cc: {  	[tilespmem:s12], [sflag:$0x2] =	stream.indirect_vreg.gather [hbm4b:s9+s3], $0x80, v18, vm0, $0xb8;
	[tilespmem:$0x1B400] =	vst v63  }
0x2cd: {  	v49 =	vperm.xlane v17, v6;
	v18 =	vadd.s32 v3, v48;
	s12 =	simm.s32 $0xB880  }
0x2ce: {  	[tilespmem:s12], [sflag:$0x2] =	stream.indirect_vreg.gather [hbm4b:s9+s3], $0x80, v19, vm0, $0xb8;
	[tilespmem:$0x1B400] =	vst v63  }
0x2cf: {  	v50 =	vperm.xlane v17, v7;
	v19 =	vadd.s32 v3, v49;
	s12 =	simm.s32 $0xB900  }
0x2d0: {  	[tilespmem:s12], [sflag:$0x2] =	stream.indirect_vreg.gather [hbm4b:s9+s3], $0x80, v20, vm0, $0xb8;
	[tilespmem:$0x1B400] =	vst v63  }
0x2d1: {  	v52 =	vperm.xlane v17, v8;
	v51 =	vadd.s32 v3, v50;
	s12 =	simm.s32 $0xB980  }
0x2d2: {  	[tilespmem:s12], [sflag:$0x2] =	stream.indirect_vreg.gather [hbm4b:s9+s3], $0x80, v18, vm0, $0xb8;
	[tilespmem:$0x1B400] =	vst v63  }
0x2d3: {  	v53 =	vperm.xlane v17, v0;
	v18 =	vadd.s32 v3, v52;
	s12 =	simm.s32 $0xBA00  }
0x2d4: {  	[tilespmem:s12], [sflag:$0x2] =	stream.indirect_vreg.gather [hbm4b:s9+s3], $0x80, v19, vm0, $0xb8;
	[tilespmem:$0x1B400] =	vst v63  }
0x2d5: {  	v54 =	vperm.xlane v17, v9;
	v19 =	vadd.s32 v3, v53;
	s12 =	simm.s32 $0xBA80  }
0x2d6: {  	[tilespmem:s12], [sflag:$0x2] =	stream.indirect_vreg.gather [hbm4b:s9+s3], $0x80, v51, vm0, $0xb8;
	[tilespmem:$0x1B400] =	vst v63  }
0x2d7: {  	v56 =	vperm.xlane v17, v10;
	v55 =	vadd.s32 v3, v54;
	s12 =	simm.s32 $0xBB00  }
0x2d8: {  	[tilespmem:s12], [sflag:$0x2] =	stream.indirect_vreg.gather [hbm4b:s9+s3], $0x80, v18, vm0, $0xb8;
	[tilespmem:$0x1B400] =	vst v63  }
0x2d9: {  	v57 =	vperm.xlane v17, v11;
	v18 =	vadd.s32 v3, v56;
	s12 =	simm.s32 $0xBB80  }
0x2da: {  	[tilespmem:s12], [sflag:$0x2] =	stream.indirect_vreg.gather [hbm4b:s9+s3], $0x80, v19, vm0, $0xb8;
	[tilespmem:$0x1B400] =	vst v63  }
0x2db: {  	v58 =	vperm.xlane v17, v12;
	v19 =	vadd.s32 v3, v57;
	s12 =	simm.s32 $0xBC00  }
0x2dc: {  	[tilespmem:s12], [sflag:$0x2] =	stream.indirect_vreg.gather [hbm4b:s9+s3], $0x80, v55, vm0, $0xb8;
	[tilespmem:$0x1B400] =	vst v63  }
0x2dd: {  	v60 =	vperm.xlane v17, v13;
	v59 =	vadd.s32 v3, v58;
	s12 =	simm.s32 $0xBC80  }
0x2de: {  	[tilespmem:s12], [sflag:$0x2] =	stream.indirect_vreg.gather [hbm4b:s9+s3], $0x80, v18, vm0, $0xb8;
	[tilespmem:$0x1B400] =	vst v63  }
0x2df: {  	v61 =	vperm.xlane v17, v14;
	v18 =	vadd.s32 v3, v60;
	s12 =	simm.s32 $0xBD00  }
0x2e0: {  	[tilespmem:s12], [sflag:$0x2] =	stream.indirect_vreg.gather [hbm4b:s9+s3], $0x80, v19, vm0, $0xb8;
	[tilespmem:$0x1B400] =	vst v63  }
0x2e1: {  	v62 =	vperm.xlane v17, v15;
	v19 =	vadd.s32 v3, v61;
	s12 =	simm.s32 $0xBD80  }
0x2e2: {  	[tilespmem:s12], [sflag:$0x2] =	stream.indirect_vreg.gather [hbm4b:s9+s3], $0x80, v59, vm0, $0xb8;
	[tilespmem:$0x1B400] =	vst v63  }
0x2e3: {  	v17 =	vperm.xlane v17, v16;
	v63 =	vadd.s32 v3, v62;
	s12 =	simm.s32 $0xBE00  }
0x2e4: {  	[tilespmem:s12], [sflag:$0x2] =	stream.indirect_vreg.gather [hbm4b:s9+s3], $0x80, v18, vm0, $0xb8;
	[tilespmem:$0x1B400] =	vst v63  }
0x2e5: {  	v17 =	vadd.s32 v3, v17;
	s12 =	simm.s32 $0xBE80  }
0x2e6: {  	[tilespmem:s12], [sflag:$0x2] =	stream.indirect_vreg.gather [hbm4b:s9+s3], $0x80, v19, vm0, $0xb8;
	[tilespmem:$0x1B400] =	vst v63  }
0x2e7: {  	s12 =	simm.s32 $0xBF00  }
0x2e8: {  	[tilespmem:s12], [sflag:$0x2] =	stream.indirect_vreg.gather [hbm4b:s9+s3], $0x80, v63, vm0, $0xb8;
	[tilespmem:$0x1B400] =	vst v63  }
0x2e9: {  	s12 =	simm.s32 $0xBF80  }
0x2ea: {  	[tilespmem:s12], [sflag:$0x2] =	stream.indirect_vreg.gather [hbm4b:s9+s3], $0x80, v17, vm0, $0xb8;
	[tilespmem:$0x1B400] =	vst v63  }
.LBB2_13:
0x2eb: {  	v17 =	vld @!p0 [tilespmem:s11+$0x100];
	_ =	sdelay $0x6  }
0x2ec: {  	v18 =	vimm.f32 @!p0 $1.000000000e+00;
	s12 =	simm.s32 @!p0 $0x10000  }
0x2ed: {  	[tilespmem:v17+s12+$0x0] =	vst.idx.add.f32.msk @!p0 $0xffff, v18  }
0x2ee: {  	v17 =	vld @!p0 [tilespmem:s10+$0x110];
	_ =	sdelay $0x7  }
0x2ef: {  	[tilespmem:v17+s12+$0x0] =	vst.idx.add.f32.msk @!p0 $0xffff, v18  }
0x2f0: {  	_ =	swait.ge [sflag:s26], $0x1000  }
0x2f1: {  	[sflag:s26] =	ssyncset.done $0x0  }
.Ltmp11:
0x2f2: {  	[sflag:s26] =	ssyncadd.s32 $0xFFFFF000;
	(pc) =	sbr.rel @p2 .LBB2_15-.Ltmp11, $4  }
0x2f3: {  	_ =	swait.ge [sflag:s24], $0x1000  }
0x2f4: {  	[sflag:s24] =	ssyncset.done $0x0  }
0x2f5: {  	s12 =	sadd.s32 $0x180, s11;
	[sflag:s24] =	ssyncadd.s32 $0xFFFFF000  }
0x2f6: {  	[spmem:s2] =	stream.indirect.scatter.add.f32 [tilespmem:s8], [sflag:$0x7], $0x80, s12, s13, $0xb8;
	[tilespmem:$0x1B400] =	vst v63  }
0x2f7: {  	v17 =	vld [tilespmem:s5+$0x420];
	_ =	sdelay $0x4  }
0x2f8: {  	v18 =	vshll.u32 v17, $0x1  }
0x2f9: {  	v17 =	vand.u32 $0x7, v17;
	v18 =	vand.u32 $0xFFFFFFF0, v18  }
0x2fa: {  	v17 =	vor.u32 v17, v18  }
0x2fb: {  	v18 =	vperm.xlane v17, v2;
	_ =	sdelay $0x1  }
0x2fc: {  	v19 =	vperm.xlane v17, v1;
	v18 =	vadd.s32 v3, v18;
	_ =	sdelay $0x1  }
0x2fd: {  	v20 =	vperm.xlane v17, v4;
	v19 =	vadd.s32 v3, v19;
	_ =	sdelay $0x1  }
0x2fe: {  	v21 =	vperm.xlane v17, v5;
	v20 =	vadd.s32 v3, v20  }
0x2ff: {  	[tilespmem:s30], [sflag:$0x3] =	stream.indirect_vreg.gather [hbm4b:s9+s3], $0x80, v18, vm0, $0xb8;
	[tilespmem:$0x1B400] =	vst v63  }
0x300: {  	s12 =	simm.s32 $0xC080;
	v32 =	vperm.xlane v17, v6;
	v18 =	vadd.s32 v3, v21  }
0x301: {  	[tilespmem:s12], [sflag:$0x3] =	stream.indirect_vreg.gather [hbm4b:s9+s3], $0x80, v19, vm0, $0xb8;
	[tilespmem:$0x1B400] =	vst v63  }
0x302: {  	v33 =	vperm.xlane v17, v7;
	v19 =	vadd.s32 v3, v32;
	s12 =	simm.s32 $0xC100  }
0x303: {  	[tilespmem:s12], [sflag:$0x3] =	stream.indirect_vreg.gather [hbm4b:s9+s3], $0x80, v20, vm0, $0xb8;
	[tilespmem:$0x1B400] =	vst v63  }
0x304: {  	v35 =	vperm.xlane v17, v8;
	v34 =	vadd.s32 v3, v33;
	s12 =	simm.s32 $0xC180  }
0x305: {  	[tilespmem:s12], [sflag:$0x3] =	stream.indirect_vreg.gather [hbm4b:s9+s3], $0x80, v18, vm0, $0xb8;
	[tilespmem:$0x1B400] =	vst v63  }
0x306: {  	v36 =	vperm.xlane v17, v0;
	v18 =	vadd.s32 v3, v35;
	s12 =	simm.s32 $0xC200  }
0x307: {  	[tilespmem:s12], [sflag:$0x3] =	stream.indirect_vreg.gather [hbm4b:s9+s3], $0x80, v19, vm0, $0xb8;
	[tilespmem:$0x1B400] =	vst v63  }
0x308: {  	v37 =	vperm.xlane v17, v9;
	v19 =	vadd.s32 v3, v36;
	s12 =	simm.s32 $0xC280  }
0x309: {  	[tilespmem:s12], [sflag:$0x3] =	stream.indirect_vreg.gather [hbm4b:s9+s3], $0x80, v34, vm0, $0xb8;
	[tilespmem:$0x1B400] =	vst v63  }
0x30a: {  	v39 =	vperm.xlane v17, v10;
	v38 =	vadd.s32 v3, v37;
	s12 =	simm.s32 $0xC300  }
0x30b: {  	[tilespmem:s12], [sflag:$0x3] =	stream.indirect_vreg.gather [hbm4b:s9+s3], $0x80, v18, vm0, $0xb8;
	[tilespmem:$0x1B400] =	vst v63  }
0x30c: {  	v40 =	vperm.xlane v17, v11;
	v18 =	vadd.s32 v3, v39;
	s12 =	simm.s32 $0xC380  }
0x30d: {  	[tilespmem:s12], [sflag:$0x3] =	stream.indirect_vreg.gather [hbm4b:s9+s3], $0x80, v19, vm0, $0xb8;
	[tilespmem:$0x1B400] =	vst v63  }
0x30e: {  	v41 =	vperm.xlane v17, v12;
	v19 =	vadd.s32 v3, v40;
	s12 =	simm.s32 $0xC400  }
0x30f: {  	[tilespmem:s12], [sflag:$0x3] =	stream.indirect_vreg.gather [hbm4b:s9+s3], $0x80, v38, vm0, $0xb8;
	[tilespmem:$0x1B400] =	vst v63  }
0x310: {  	v43 =	vperm.xlane v17, v13;
	v42 =	vadd.s32 v3, v41;
	s12 =	simm.s32 $0xC480  }
0x311: {  	[tilespmem:s12], [sflag:$0x3] =	stream.indirect_vreg.gather [hbm4b:s9+s3], $0x80, v18, vm0, $0xb8;
	[tilespmem:$0x1B400] =	vst v63  }
0x312: {  	v44 =	vperm.xlane v17, v14;
	v18 =	vadd.s32 v3, v43;
	s12 =	simm.s32 $0xC500  }
0x313: {  	[tilespmem:s12], [sflag:$0x3] =	stream.indirect_vreg.gather [hbm4b:s9+s3], $0x80, v19, vm0, $0xb8;
	[tilespmem:$0x1B400] =	vst v63  }
0x314: {  	v45 =	vperm.xlane v17, v15;
	v19 =	vadd.s32 v3, v44;
	s12 =	simm.s32 $0xC580  }
0x315: {  	[tilespmem:s12], [sflag:$0x3] =	stream.indirect_vreg.gather [hbm4b:s9+s3], $0x80, v42, vm0, $0xb8;
	[tilespmem:$0x1B400] =	vst v63  }
0x316: {  	v17 =	vperm.xlane v17, v16;
	v46 =	vadd.s32 v3, v45;
	s12 =	simm.s32 $0xC600  }
0x317: {  	[tilespmem:s12], [sflag:$0x3] =	stream.indirect_vreg.gather [hbm4b:s9+s3], $0x80, v18, vm0, $0xb8;
	[tilespmem:$0x1B400] =	vst v63  }
0x318: {  	v17 =	vadd.s32 v3, v17;
	s12 =	simm.s32 $0xC680  }
0x319: {  	[tilespmem:s12], [sflag:$0x3] =	stream.indirect_vreg.gather [hbm4b:s9+s3], $0x80, v19, vm0, $0xb8;
	[tilespmem:$0x1B400] =	vst v63  }
0x31a: {  	s12 =	simm.s32 $0xC700  }
0x31b: {  	[tilespmem:s12], [sflag:$0x3] =	stream.indirect_vreg.gather [hbm4b:s9+s3], $0x80, v46, vm0, $0xb8;
	[tilespmem:$0x1B400] =	vst v63  }
0x31c: {  	s12 =	simm.s32 $0xC780  }
0x31d: {  	[tilespmem:s12], [sflag:$0x3] =	stream.indirect_vreg.gather [hbm4b:s9+s3], $0x80, v17, vm0, $0xb8;
	[tilespmem:$0x1B400] =	vst v63  }
0x31e: {  	v17 =	vld [tilespmem:s5+$0x430];
	_ =	sdelay $0x4  }
0x31f: {  	v18 =	vshll.u32 v17, $0x1  }
0x320: {  	v17 =	vand.u32 $0x7, v17;
	v18 =	vand.u32 $0xFFFFFFF0, v18  }
0x321: {  	v17 =	vor.u32 v17, v18  }
0x322: {  	v18 =	vperm.xlane v17, v2;
	_ =	sdelay $0x1  }
0x323: {  	v19 =	vperm.xlane v17, v1;
	v18 =	vadd.s32 v3, v18;
	_ =	sdelay $0x1  }
0x324: {  	v47 =	vperm.xlane v17, v4;
	v19 =	vadd.s32 v3, v19;
	_ =	sdelay $0x1  }
0x325: {  	s12 =	simm.s32 $0xC800;
	v48 =	vperm.xlane v17, v5;
	v20 =	vadd.s32 v3, v47  }
0x326: {  	[tilespmem:s12], [sflag:$0x3] =	stream.indirect_vreg.gather [hbm4b:s9+s3], $0x80, v18, vm0, $0xb8;
	[tilespmem:$0x1B400] =	vst v63  }
0x327: {  	v49 =	vperm.xlane v17, v6;
	v18 =	vadd.s32 v3, v48;
	s12 =	simm.s32 $0xC880  }
0x328: {  	[tilespmem:s12], [sflag:$0x3] =	stream.indirect_vreg.gather [hbm4b:s9+s3], $0x80, v19, vm0, $0xb8;
	[tilespmem:$0x1B400] =	vst v63  }
0x329: {  	v50 =	vperm.xlane v17, v7;
	v19 =	vadd.s32 v3, v49;
	s12 =	simm.s32 $0xC900  }
0x32a: {  	[tilespmem:s12], [sflag:$0x3] =	stream.indirect_vreg.gather [hbm4b:s9+s3], $0x80, v20, vm0, $0xb8;
	[tilespmem:$0x1B400] =	vst v63  }
0x32b: {  	v52 =	vperm.xlane v17, v8;
	v51 =	vadd.s32 v3, v50;
	s12 =	simm.s32 $0xC980  }
0x32c: {  	[tilespmem:s12], [sflag:$0x3] =	stream.indirect_vreg.gather [hbm4b:s9+s3], $0x80, v18, vm0, $0xb8;
	[tilespmem:$0x1B400] =	vst v63  }
0x32d: {  	v53 =	vperm.xlane v17, v0;
	v18 =	vadd.s32 v3, v52;
	s12 =	simm.s32 $0xCA00  }
0x32e: {  	[tilespmem:s12], [sflag:$0x3] =	stream.indirect_vreg.gather [hbm4b:s9+s3], $0x80, v19, vm0, $0xb8;
	[tilespmem:$0x1B400] =	vst v63  }
0x32f: {  	v54 =	vperm.xlane v17, v9;
	v19 =	vadd.s32 v3, v53;
	s12 =	simm.s32 $0xCA80  }
0x330: {  	[tilespmem:s12], [sflag:$0x3] =	stream.indirect_vreg.gather [hbm4b:s9+s3], $0x80, v51, vm0, $0xb8;
	[tilespmem:$0x1B400] =	vst v63  }
0x331: {  	v56 =	vperm.xlane v17, v10;
	v55 =	vadd.s32 v3, v54;
	s12 =	simm.s32 $0xCB00  }
0x332: {  	[tilespmem:s12], [sflag:$0x3] =	stream.indirect_vreg.gather [hbm4b:s9+s3], $0x80, v18, vm0, $0xb8;
	[tilespmem:$0x1B400] =	vst v63  }
0x333: {  	v57 =	vperm.xlane v17, v11;
	v18 =	vadd.s32 v3, v56;
	s12 =	simm.s32 $0xCB80  }
0x334: {  	[tilespmem:s12], [sflag:$0x3] =	stream.indirect_vreg.gather [hbm4b:s9+s3], $0x80, v19, vm0, $0xb8;
	[tilespmem:$0x1B400] =	vst v63  }
0x335: {  	v58 =	vperm.xlane v17, v12;
	v19 =	vadd.s32 v3, v57;
	s12 =	simm.s32 $0xCC00  }
0x336: {  	[tilespmem:s12], [sflag:$0x3] =	stream.indirect_vreg.gather [hbm4b:s9+s3], $0x80, v55, vm0, $0xb8;
	[tilespmem:$0x1B400] =	vst v63  }
0x337: {  	v60 =	vperm.xlane v17, v13;
	v59 =	vadd.s32 v3, v58;
	s12 =	simm.s32 $0xCC80  }
0x338: {  	[tilespmem:s12], [sflag:$0x3] =	stream.indirect_vreg.gather [hbm4b:s9+s3], $0x80, v18, vm0, $0xb8;
	[tilespmem:$0x1B400] =	vst v63  }
0x339: {  	v61 =	vperm.xlane v17, v14;
	v18 =	vadd.s32 v3, v60;
	s12 =	simm.s32 $0xCD00  }
0x33a: {  	[tilespmem:s12], [sflag:$0x3] =	stream.indirect_vreg.gather [hbm4b:s9+s3], $0x80, v19, vm0, $0xb8;
	[tilespmem:$0x1B400] =	vst v63  }
0x33b: {  	v62 =	vperm.xlane v17, v15;
	v19 =	vadd.s32 v3, v61;
	s12 =	simm.s32 $0xCD80  }
0x33c: {  	[tilespmem:s12], [sflag:$0x3] =	stream.indirect_vreg.gather [hbm4b:s9+s3], $0x80, v59, vm0, $0xb8;
	[tilespmem:$0x1B400] =	vst v63  }
0x33d: {  	v17 =	vperm.xlane v17, v16;
	v63 =	vadd.s32 v3, v62;
	s12 =	simm.s32 $0xCE00  }
0x33e: {  	[tilespmem:s12], [sflag:$0x3] =	stream.indirect_vreg.gather [hbm4b:s9+s3], $0x80, v18, vm0, $0xb8;
	[tilespmem:$0x1B400] =	vst v63  }
0x33f: {  	v17 =	vadd.s32 v3, v17;
	s12 =	simm.s32 $0xCE80  }
0x340: {  	[tilespmem:s12], [sflag:$0x3] =	stream.indirect_vreg.gather [hbm4b:s9+s3], $0x80, v19, vm0, $0xb8;
	[tilespmem:$0x1B400] =	vst v63  }
0x341: {  	s12 =	simm.s32 $0xCF00  }
0x342: {  	[tilespmem:s12], [sflag:$0x3] =	stream.indirect_vreg.gather [hbm4b:s9+s3], $0x80, v63, vm0, $0xb8;
	[tilespmem:$0x1B400] =	vst v63  }
0x343: {  	s12 =	simm.s32 $0xCF80  }
0x344: {  	[tilespmem:s12], [sflag:$0x3] =	stream.indirect_vreg.gather [hbm4b:s9+s3], $0x80, v17, vm0, $0xb8;
	[tilespmem:$0x1B400] =	vst v63  }
.LBB2_15:
0x345: {  	v17 =	vld @!p1 [tilespmem:s11+$0x180];
	_ =	sdelay $0x6  }
0x346: {  	v18 =	vimm.f32 @!p1 $1.000000000e+00;
	s12 =	simm.s32 @!p1 $0x10000  }
0x347: {  	[tilespmem:v17+s12+$0x0] =	vst.idx.add.f32.msk @!p1 $0xffff, v18  }
0x348: {  	v17 =	vld @!p1 [tilespmem:s7+$0x190];
	_ =	sdelay $0x7  }
0x349: {  	[tilespmem:v17+s12+$0x0] =	vst.idx.add.f32.msk @!p1 $0xffff, v18  }
0x34a: {  	_ =	swait.ge [sflag:s28], $0x1000  }
0x34b: {  	[sflag:s28] =	ssyncset.done $0x0  }
.Ltmp12:
0x34c: {  	[sflag:s28] =	ssyncadd.s32 $0xFFFFF000;
	(pc) =	sbr.rel @p2 .LBB2_17-.Ltmp12, $4  }
0x34d: {  	_ =	swait.ge [sflag:s24], $0x1000  }
0x34e: {  	[sflag:s24] =	ssyncset.done $0x0  }
0x34f: {  	s12 =	sadd.s32 $0x200, s11;
	[sflag:s24] =	ssyncadd.s32 $0xFFFFF000  }
0x350: {  	[spmem:s2] =	stream.indirect.scatter.add.f32 [tilespmem:s20], [sflag:$0x7], $0x80, s12, s13, $0xb8;
	[tilespmem:$0x1B400] =	vst v63  }
0x351: {  	v17 =	vld [tilespmem:s5+$0x4A0];
	_ =	sdelay $0x4  }
0x352: {  	v18 =	vshll.u32 v17, $0x1  }
0x353: {  	v17 =	vand.u32 $0x7, v17;
	v18 =	vand.u32 $0xFFFFFFF0, v18  }
0x354: {  	v17 =	vor.u32 v17, v18  }
0x355: {  	v18 =	vperm.xlane v17, v2;
	_ =	sdelay $0x1  }
0x356: {  	v19 =	vperm.xlane v17, v1;
	v18 =	vadd.s32 v3, v18;
	_ =	sdelay $0x1  }
0x357: {  	v20 =	vperm.xlane v17, v4;
	v19 =	vadd.s32 v3, v19;
	_ =	sdelay $0x1  }
0x358: {  	v21 =	vperm.xlane v17, v5;
	v20 =	vadd.s32 v3, v20  }
0x359: {  	[tilespmem:s8], [sflag:$0x4] =	stream.indirect_vreg.gather [hbm4b:s9+s3], $0x80, v18, vm0, $0xb8;
	[tilespmem:$0x1B400] =	vst v63  }
0x35a: {  	s12 =	simm.s32 $0xD080;
	v32 =	vperm.xlane v17, v6;
	v18 =	vadd.s32 v3, v21  }
0x35b: {  	[tilespmem:s12], [sflag:$0x4] =	stream.indirect_vreg.gather [hbm4b:s9+s3], $0x80, v19, vm0, $0xb8;
	[tilespmem:$0x1B400] =	vst v63  }
0x35c: {  	v33 =	vperm.xlane v17, v7;
	v19 =	vadd.s32 v3, v32;
	s12 =	simm.s32 $0xD100  }
0x35d: {  	[tilespmem:s12], [sflag:$0x4] =	stream.indirect_vreg.gather [hbm4b:s9+s3], $0x80, v20, vm0, $0xb8;
	[tilespmem:$0x1B400] =	vst v63  }
0x35e: {  	v35 =	vperm.xlane v17, v8;
	v34 =	vadd.s32 v3, v33;
	s12 =	simm.s32 $0xD180  }
0x35f: {  	[tilespmem:s12], [sflag:$0x4] =	stream.indirect_vreg.gather [hbm4b:s9+s3], $0x80, v18, vm0, $0xb8;
	[tilespmem:$0x1B400] =	vst v63  }
0x360: {  	v36 =	vperm.xlane v17, v0;
	v18 =	vadd.s32 v3, v35;
	s12 =	simm.s32 $0xD200  }
0x361: {  	[tilespmem:s12], [sflag:$0x4] =	stream.indirect_vreg.gather [hbm4b:s9+s3], $0x80, v19, vm0, $0xb8;
	[tilespmem:$0x1B400] =	vst v63  }
0x362: {  	v37 =	vperm.xlane v17, v9;
	v19 =	vadd.s32 v3, v36;
	s12 =	simm.s32 $0xD280  }
0x363: {  	[tilespmem:s12], [sflag:$0x4] =	stream.indirect_vreg.gather [hbm4b:s9+s3], $0x80, v34, vm0, $0xb8;
	[tilespmem:$0x1B400] =	vst v63  }
0x364: {  	v39 =	vperm.xlane v17, v10;
	v38 =	vadd.s32 v3, v37;
	s12 =	simm.s32 $0xD300  }
0x365: {  	[tilespmem:s12], [sflag:$0x4] =	stream.indirect_vreg.gather [hbm4b:s9+s3], $0x80, v18, vm0, $0xb8;
	[tilespmem:$0x1B400] =	vst v63  }
0x366: {  	v40 =	vperm.xlane v17, v11;
	v18 =	vadd.s32 v3, v39;
	s12 =	simm.s32 $0xD380  }
0x367: {  	[tilespmem:s12], [sflag:$0x4] =	stream.indirect_vreg.gather [hbm4b:s9+s3], $0x80, v19, vm0, $0xb8;
	[tilespmem:$0x1B400] =	vst v63  }
0x368: {  	v41 =	vperm.xlane v17, v12;
	v19 =	vadd.s32 v3, v40;
	s12 =	simm.s32 $0xD400  }
0x369: {  	[tilespmem:s12], [sflag:$0x4] =	stream.indirect_vreg.gather [hbm4b:s9+s3], $0x80, v38, vm0, $0xb8;
	[tilespmem:$0x1B400] =	vst v63  }
0x36a: {  	v43 =	vperm.xlane v17, v13;
	v42 =	vadd.s32 v3, v41;
	s12 =	simm.s32 $0xD480  }
0x36b: {  	[tilespmem:s12], [sflag:$0x4] =	stream.indirect_vreg.gather [hbm4b:s9+s3], $0x80, v18, vm0, $0xb8;
	[tilespmem:$0x1B400] =	vst v63  }
0x36c: {  	v44 =	vperm.xlane v17, v14;
	v18 =	vadd.s32 v3, v43;
	s12 =	simm.s32 $0xD500  }
0x36d: {  	[tilespmem:s12], [sflag:$0x4] =	stream.indirect_vreg.gather [hbm4b:s9+s3], $0x80, v19, vm0, $0xb8;
	[tilespmem:$0x1B400] =	vst v63  }
0x36e: {  	v45 =	vperm.xlane v17, v15;
	v19 =	vadd.s32 v3, v44;
	s12 =	simm.s32 $0xD580  }
0x36f: {  	[tilespmem:s12], [sflag:$0x4] =	stream.indirect_vreg.gather [hbm4b:s9+s3], $0x80, v42, vm0, $0xb8;
	[tilespmem:$0x1B400] =	vst v63  }
0x370: {  	v17 =	vperm.xlane v17, v16;
	v46 =	vadd.s32 v3, v45;
	s12 =	simm.s32 $0xD600  }
0x371: {  	[tilespmem:s12], [sflag:$0x4] =	stream.indirect_vreg.gather [hbm4b:s9+s3], $0x80, v18, vm0, $0xb8;
	[tilespmem:$0x1B400] =	vst v63  }
0x372: {  	v17 =	vadd.s32 v3, v17;
	s12 =	simm.s32 $0xD680  }
0x373: {  	[tilespmem:s12], [sflag:$0x4] =	stream.indirect_vreg.gather [hbm4b:s9+s3], $0x80, v19, vm0, $0xb8;
	[tilespmem:$0x1B400] =	vst v63  }
0x374: {  	s12 =	simm.s32 $0xD700  }
0x375: {  	[tilespmem:s12], [sflag:$0x4] =	stream.indirect_vreg.gather [hbm4b:s9+s3], $0x80, v46, vm0, $0xb8;
	[tilespmem:$0x1B400] =	vst v63  }
0x376: {  	s12 =	simm.s32 $0xD780  }
0x377: {  	[tilespmem:s12], [sflag:$0x4] =	stream.indirect_vreg.gather [hbm4b:s9+s3], $0x80, v17, vm0, $0xb8;
	[tilespmem:$0x1B400] =	vst v63  }
0x378: {  	v17 =	vld [tilespmem:s5+$0x4B0];
	_ =	sdelay $0x4  }
0x379: {  	v18 =	vshll.u32 v17, $0x1  }
0x37a: {  	v17 =	vand.u32 $0x7, v17;
	v18 =	vand.u32 $0xFFFFFFF0, v18  }
0x37b: {  	v17 =	vor.u32 v17, v18  }
0x37c: {  	v18 =	vperm.xlane v17, v2;
	_ =	sdelay $0x1  }
0x37d: {  	v19 =	vperm.xlane v17, v1;
	v18 =	vadd.s32 v3, v18;
	_ =	sdelay $0x1  }
0x37e: {  	v47 =	vperm.xlane v17, v4;
	v19 =	vadd.s32 v3, v19;
	_ =	sdelay $0x1  }
0x37f: {  	s12 =	simm.s32 $0xD800;
	v48 =	vperm.xlane v17, v5;
	v20 =	vadd.s32 v3, v47  }
0x380: {  	[tilespmem:s12], [sflag:$0x4] =	stream.indirect_vreg.gather [hbm4b:s9+s3], $0x80, v18, vm0, $0xb8;
	[tilespmem:$0x1B400] =	vst v63  }
0x381: {  	v49 =	vperm.xlane v17, v6;
	v18 =	vadd.s32 v3, v48;
	s12 =	simm.s32 $0xD880  }
0x382: {  	[tilespmem:s12], [sflag:$0x4] =	stream.indirect_vreg.gather [hbm4b:s9+s3], $0x80, v19, vm0, $0xb8;
	[tilespmem:$0x1B400] =	vst v63  }
0x383: {  	v50 =	vperm.xlane v17, v7;
	v19 =	vadd.s32 v3, v49;
	s12 =	simm.s32 $0xD900  }
0x384: {  	[tilespmem:s12], [sflag:$0x4] =	stream.indirect_vreg.gather [hbm4b:s9+s3], $0x80, v20, vm0, $0xb8;
	[tilespmem:$0x1B400] =	vst v63  }
0x385: {  	v52 =	vperm.xlane v17, v8;
	v51 =	vadd.s32 v3, v50;
	s12 =	simm.s32 $0xD980  }
0x386: {  	[tilespmem:s12], [sflag:$0x4] =	stream.indirect_vreg.gather [hbm4b:s9+s3], $0x80, v18, vm0, $0xb8;
	[tilespmem:$0x1B400] =	vst v63  }
0x387: {  	v53 =	vperm.xlane v17, v0;
	v18 =	vadd.s32 v3, v52;
	s12 =	simm.s32 $0xDA00  }
0x388: {  	[tilespmem:s12], [sflag:$0x4] =	stream.indirect_vreg.gather [hbm4b:s9+s3], $0x80, v19, vm0, $0xb8;
	[tilespmem:$0x1B400] =	vst v63  }
0x389: {  	v54 =	vperm.xlane v17, v9;
	v19 =	vadd.s32 v3, v53;
	s12 =	simm.s32 $0xDA80  }
0x38a: {  	[tilespmem:s12], [sflag:$0x4] =	stream.indirect_vreg.gather [hbm4b:s9+s3], $0x80, v51, vm0, $0xb8;
	[tilespmem:$0x1B400] =	vst v63  }
0x38b: {  	v56 =	vperm.xlane v17, v10;
	v55 =	vadd.s32 v3, v54;
	s12 =	simm.s32 $0xDB00  }
0x38c: {  	[tilespmem:s12], [sflag:$0x4] =	stream.indirect_vreg.gather [hbm4b:s9+s3], $0x80, v18, vm0, $0xb8;
	[tilespmem:$0x1B400] =	vst v63  }
0x38d: {  	v57 =	vperm.xlane v17, v11;
	v18 =	vadd.s32 v3, v56;
	s12 =	simm.s32 $0xDB80  }
0x38e: {  	[tilespmem:s12], [sflag:$0x4] =	stream.indirect_vreg.gather [hbm4b:s9+s3], $0x80, v19, vm0, $0xb8;
	[tilespmem:$0x1B400] =	vst v63  }
0x38f: {  	v58 =	vperm.xlane v17, v12;
	v19 =	vadd.s32 v3, v57;
	s12 =	simm.s32 $0xDC00  }
0x390: {  	[tilespmem:s12], [sflag:$0x4] =	stream.indirect_vreg.gather [hbm4b:s9+s3], $0x80, v55, vm0, $0xb8;
	[tilespmem:$0x1B400] =	vst v63  }
0x391: {  	v60 =	vperm.xlane v17, v13;
	v59 =	vadd.s32 v3, v58;
	s12 =	simm.s32 $0xDC80  }
0x392: {  	[tilespmem:s12], [sflag:$0x4] =	stream.indirect_vreg.gather [hbm4b:s9+s3], $0x80, v18, vm0, $0xb8;
	[tilespmem:$0x1B400] =	vst v63  }
0x393: {  	v61 =	vperm.xlane v17, v14;
	v18 =	vadd.s32 v3, v60;
	s12 =	simm.s32 $0xDD00  }
0x394: {  	[tilespmem:s12], [sflag:$0x4] =	stream.indirect_vreg.gather [hbm4b:s9+s3], $0x80, v19, vm0, $0xb8;
	[tilespmem:$0x1B400] =	vst v63  }
0x395: {  	v62 =	vperm.xlane v17, v15;
	v19 =	vadd.s32 v3, v61;
	s12 =	simm.s32 $0xDD80  }
0x396: {  	[tilespmem:s12], [sflag:$0x4] =	stream.indirect_vreg.gather [hbm4b:s9+s3], $0x80, v59, vm0, $0xb8;
	[tilespmem:$0x1B400] =	vst v63  }
0x397: {  	v17 =	vperm.xlane v17, v16;
	v63 =	vadd.s32 v3, v62;
	s12 =	simm.s32 $0xDE00  }
0x398: {  	[tilespmem:s12], [sflag:$0x4] =	stream.indirect_vreg.gather [hbm4b:s9+s3], $0x80, v18, vm0, $0xb8;
	[tilespmem:$0x1B400] =	vst v63  }
0x399: {  	v17 =	vadd.s32 v3, v17;
	s12 =	simm.s32 $0xDE80  }
0x39a: {  	[tilespmem:s12], [sflag:$0x4] =	stream.indirect_vreg.gather [hbm4b:s9+s3], $0x80, v19, vm0, $0xb8;
	[tilespmem:$0x1B400] =	vst v63  }
0x39b: {  	s12 =	simm.s32 $0xDF00  }
0x39c: {  	[tilespmem:s12], [sflag:$0x4] =	stream.indirect_vreg.gather [hbm4b:s9+s3], $0x80, v63, vm0, $0xb8;
	[tilespmem:$0x1B400] =	vst v63  }
0x39d: {  	s12 =	simm.s32 $0xDF80  }
0x39e: {  	[tilespmem:s12], [sflag:$0x4] =	stream.indirect_vreg.gather [hbm4b:s9+s3], $0x80, v17, vm0, $0xb8;
	[tilespmem:$0x1B400] =	vst v63  }
.LBB2_17:
0x39f: {  	v17 =	vld @!p0 [tilespmem:s11+$0x200];
	_ =	sdelay $0x6  }
0x3a0: {  	v18 =	vimm.f32 @!p0 $1.000000000e+00;
	s12 =	simm.s32 @!p0 $0x10000  }
0x3a1: {  	[tilespmem:v17+s12+$0x0] =	vst.idx.add.f32.msk @!p0 $0xffff, v18  }
0x3a2: {  	v17 =	vld @!p0 [tilespmem:s10+$0x210];
	_ =	sdelay $0x7  }
0x3a3: {  	[tilespmem:v17+s12+$0x0] =	vst.idx.add.f32.msk @!p0 $0xffff, v18  }
0x3a4: {  	_ =	swait.ge [sflag:s29], $0x1000  }
0x3a5: {  	[sflag:s29] =	ssyncset.done $0x0  }
.Ltmp13:
0x3a6: {  	[sflag:s29] =	ssyncadd.s32 $0xFFFFF000;
	(pc) =	sbr.rel @p2 .LBB2_19-.Ltmp13, $4  }
0x3a7: {  	_ =	swait.ge [sflag:s24], $0x1000  }
0x3a8: {  	[sflag:s24] =	ssyncset.done $0x0  }
0x3a9: {  	s12 =	sadd.s32 $0x280, s11;
	[sflag:s24] =	ssyncadd.s32 $0xFFFFF000  }
0x3aa: {  	[spmem:s2] =	stream.indirect.scatter.add.f32 [tilespmem:s4], [sflag:$0x7], $0x80, s12, s13, $0xb8;
	[tilespmem:$0x1B400] =	vst v63  }
0x3ab: {  	v17 =	vld [tilespmem:s5+$0x520];
	_ =	sdelay $0x4  }
0x3ac: {  	v18 =	vshll.u32 v17, $0x1  }
0x3ad: {  	v17 =	vand.u32 $0x7, v17;
	v18 =	vand.u32 $0xFFFFFFF0, v18  }
0x3ae: {  	v17 =	vor.u32 v17, v18  }
0x3af: {  	v18 =	vperm.xlane v17, v2;
	_ =	sdelay $0x1  }
0x3b0: {  	v19 =	vperm.xlane v17, v1;
	v18 =	vadd.s32 v3, v18;
	_ =	sdelay $0x1  }
0x3b1: {  	v20 =	vperm.xlane v17, v4;
	v19 =	vadd.s32 v3, v19;
	_ =	sdelay $0x1  }
0x3b2: {  	v21 =	vperm.xlane v17, v5;
	v20 =	vadd.s32 v3, v20  }
0x3b3: {  	[tilespmem:s20], [sflag:$0x5] =	stream.indirect_vreg.gather [hbm4b:s9+s3], $0x80, v18, vm0, $0xb8;
	[tilespmem:$0x1B400] =	vst v63  }
0x3b4: {  	s10 =	simm.s32 $0xE080;
	v32 =	vperm.xlane v17, v6;
	v18 =	vadd.s32 v3, v21  }
0x3b5: {  	[tilespmem:s10], [sflag:$0x5] =	stream.indirect_vreg.gather [hbm4b:s9+s3], $0x80, v19, vm0, $0xb8;
	[tilespmem:$0x1B400] =	vst v63  }
0x3b6: {  	s12 =	simm.s32 $0xE100;
	v33 =	vperm.xlane v17, v7;
	v19 =	vadd.s32 v3, v32  }
0x3b7: {  	[tilespmem:s12], [sflag:$0x5] =	stream.indirect_vreg.gather [hbm4b:s9+s3], $0x80, v20, vm0, $0xb8;
	[tilespmem:$0x1B400] =	vst v63  }
0x3b8: {  	v35 =	vperm.xlane v17, v8;
	v34 =	vadd.s32 v3, v33;
	s12 =	simm.s32 $0xE180  }
0x3b9: {  	[tilespmem:s12], [sflag:$0x5] =	stream.indirect_vreg.gather [hbm4b:s9+s3], $0x80, v18, vm0, $0xb8;
	[tilespmem:$0x1B400] =	vst v63  }
0x3ba: {  	v36 =	vperm.xlane v17, v0;
	v18 =	vadd.s32 v3, v35;
	s12 =	simm.s32 $0xE200  }
0x3bb: {  	[tilespmem:s12], [sflag:$0x5] =	stream.indirect_vreg.gather [hbm4b:s9+s3], $0x80, v19, vm0, $0xb8;
	[tilespmem:$0x1B400] =	vst v63  }
0x3bc: {  	v37 =	vperm.xlane v17, v9;
	v19 =	vadd.s32 v3, v36;
	s12 =	simm.s32 $0xE280  }
0x3bd: {  	[tilespmem:s12], [sflag:$0x5] =	stream.indirect_vreg.gather [hbm4b:s9+s3], $0x80, v34, vm0, $0xb8;
	[tilespmem:$0x1B400] =	vst v63  }
0x3be: {  	v39 =	vperm.xlane v17, v10;
	v38 =	vadd.s32 v3, v37;
	s12 =	simm.s32 $0xE300  }
0x3bf: {  	[tilespmem:s12], [sflag:$0x5] =	stream.indirect_vreg.gather [hbm4b:s9+s3], $0x80, v18, vm0, $0xb8;
	[tilespmem:$0x1B400] =	vst v63  }
0x3c0: {  	v40 =	vperm.xlane v17, v11;
	v18 =	vadd.s32 v3, v39;
	s12 =	simm.s32 $0xE380  }
0x3c1: {  	[tilespmem:s12], [sflag:$0x5] =	stream.indirect_vreg.gather [hbm4b:s9+s3], $0x80, v19, vm0, $0xb8;
	[tilespmem:$0x1B400] =	vst v63  }
0x3c2: {  	v41 =	vperm.xlane v17, v12;
	v19 =	vadd.s32 v3, v40;
	s12 =	simm.s32 $0xE400  }
0x3c3: {  	[tilespmem:s12], [sflag:$0x5] =	stream.indirect_vreg.gather [hbm4b:s9+s3], $0x80, v38, vm0, $0xb8;
	[tilespmem:$0x1B400] =	vst v63  }
0x3c4: {  	v43 =	vperm.xlane v17, v13;
	v42 =	vadd.s32 v3, v41;
	s12 =	simm.s32 $0xE480  }
0x3c5: {  	[tilespmem:s12], [sflag:$0x5] =	stream.indirect_vreg.gather [hbm4b:s9+s3], $0x80, v18, vm0, $0xb8;
	[tilespmem:$0x1B400] =	vst v63  }
0x3c6: {  	v44 =	vperm.xlane v17, v14;
	v18 =	vadd.s32 v3, v43;
	s12 =	simm.s32 $0xE500  }
0x3c7: {  	[tilespmem:s12], [sflag:$0x5] =	stream.indirect_vreg.gather [hbm4b:s9+s3], $0x80, v19, vm0, $0xb8;
	[tilespmem:$0x1B400] =	vst v63  }
0x3c8: {  	v45 =	vperm.xlane v17, v15;
	v19 =	vadd.s32 v3, v44;
	s12 =	simm.s32 $0xE580  }
0x3c9: {  	[tilespmem:s12], [sflag:$0x5] =	stream.indirect_vreg.gather [hbm4b:s9+s3], $0x80, v42, vm0, $0xb8;
	[tilespmem:$0x1B400] =	vst v63  }
0x3ca: {  	v17 =	vperm.xlane v17, v16;
	v46 =	vadd.s32 v3, v45;
	s12 =	simm.s32 $0xE600  }
0x3cb: {  	[tilespmem:s12], [sflag:$0x5] =	stream.indirect_vreg.gather [hbm4b:s9+s3], $0x80, v18, vm0, $0xb8;
	[tilespmem:$0x1B400] =	vst v63  }
0x3cc: {  	v17 =	vadd.s32 v3, v17;
	s12 =	simm.s32 $0xE680  }
0x3cd: {  	[tilespmem:s12], [sflag:$0x5] =	stream.indirect_vreg.gather [hbm4b:s9+s3], $0x80, v19, vm0, $0xb8;
	[tilespmem:$0x1B400] =	vst v63  }
0x3ce: {  	s12 =	simm.s32 $0xE700  }
0x3cf: {  	[tilespmem:s12], [sflag:$0x5] =	stream.indirect_vreg.gather [hbm4b:s9+s3], $0x80, v46, vm0, $0xb8;
	[tilespmem:$0x1B400] =	vst v63  }
0x3d0: {  	s12 =	simm.s32 $0xE780  }
0x3d1: {  	[tilespmem:s12], [sflag:$0x5] =	stream.indirect_vreg.gather [hbm4b:s9+s3], $0x80, v17, vm0, $0xb8;
	[tilespmem:$0x1B400] =	vst v63  }
0x3d2: {  	v17 =	vld [tilespmem:s5+$0x530];
	_ =	sdelay $0x4  }
0x3d3: {  	v18 =	vshll.u32 v17, $0x1  }
0x3d4: {  	v17 =	vand.u32 $0x7, v17;
	v18 =	vand.u32 $0xFFFFFFF0, v18  }
0x3d5: {  	v17 =	vor.u32 v17, v18  }
0x3d6: {  	v18 =	vperm.xlane v17, v2;
	_ =	sdelay $0x1  }
0x3d7: {  	v19 =	vperm.xlane v17, v1;
	v18 =	vadd.s32 v3, v18;
	_ =	sdelay $0x1  }
0x3d8: {  	v47 =	vperm.xlane v17, v4;
	v19 =	vadd.s32 v3, v19;
	_ =	sdelay $0x1  }
0x3d9: {  	s10 =	simm.s32 $0xE800;
	v48 =	vperm.xlane v17, v5;
	v20 =	vadd.s32 v3, v47  }
0x3da: {  	[tilespmem:s10], [sflag:$0x5] =	stream.indirect_vreg.gather [hbm4b:s9+s3], $0x80, v18, vm0, $0xb8;
	[tilespmem:$0x1B400] =	vst v63  }
0x3db: {  	s12 =	simm.s32 $0xE880;
	v49 =	vperm.xlane v17, v6;
	v18 =	vadd.s32 v3, v48  }
0x3dc: {  	[tilespmem:s12], [sflag:$0x5] =	stream.indirect_vreg.gather [hbm4b:s9+s3], $0x80, v19, vm0, $0xb8;
	[tilespmem:$0x1B400] =	vst v63  }
0x3dd: {  	v50 =	vperm.xlane v17, v7;
	s10 =	simm.s32 $0xE900;
	v19 =	vadd.s32 v3, v49  }
0x3de: {  	[tilespmem:s10], [sflag:$0x5] =	stream.indirect_vreg.gather [hbm4b:s9+s3], $0x80, v20, vm0, $0xb8;
	[tilespmem:$0x1B400] =	vst v63  }
0x3df: {  	v52 =	vperm.xlane v17, v8;
	v51 =	vadd.s32 v3, v50;
	s12 =	simm.s32 $0xE980  }
0x3e0: {  	[tilespmem:s12], [sflag:$0x5] =	stream.indirect_vreg.gather [hbm4b:s9+s3], $0x80, v18, vm0, $0xb8;
	[tilespmem:$0x1B400] =	vst v63  }
0x3e1: {  	v53 =	vperm.xlane v17, v0;
	s10 =	simm.s32 $0xEA00;
	v18 =	vadd.s32 v3, v52  }
0x3e2: {  	[tilespmem:s10], [sflag:$0x5] =	stream.indirect_vreg.gather [hbm4b:s9+s3], $0x80, v19, vm0, $0xb8;
	[tilespmem:$0x1B400] =	vst v63  }
0x3e3: {  	v54 =	vperm.xlane v17, v9;
	s12 =	simm.s32 $0xEA80;
	v19 =	vadd.s32 v3, v53  }
0x3e4: {  	[tilespmem:s12], [sflag:$0x5] =	stream.indirect_vreg.gather [hbm4b:s9+s3], $0x80, v51, vm0, $0xb8;
	[tilespmem:$0x1B400] =	vst v63  }
0x3e5: {  	v56 =	vperm.xlane v17, v10;
	v55 =	vadd.s32 v3, v54;
	s10 =	simm.s32 $0xEB00  }
0x3e6: {  	[tilespmem:s10], [sflag:$0x5] =	stream.indirect_vreg.gather [hbm4b:s9+s3], $0x80, v18, vm0, $0xb8;
	[tilespmem:$0x1B400] =	vst v63  }
0x3e7: {  	v57 =	vperm.xlane v17, v11;
	s12 =	simm.s32 $0xEB80;
	v18 =	vadd.s32 v3, v56  }
0x3e8: {  	[tilespmem:s12], [sflag:$0x5] =	stream.indirect_vreg.gather [hbm4b:s9+s3], $0x80, v19, vm0, $0xb8;
	[tilespmem:$0x1B400] =	vst v63  }
0x3e9: {  	v58 =	vperm.xlane v17, v12;
	s10 =	simm.s32 $0xEC00;
	v19 =	vadd.s32 v3, v57  }
0x3ea: {  	[tilespmem:s10], [sflag:$0x5] =	stream.indirect_vreg.gather [hbm4b:s9+s3], $0x80, v55, vm0, $0xb8;
	[tilespmem:$0x1B400] =	vst v63  }
0x3eb: {  	v60 =	vperm.xlane v17, v13;
	v59 =	vadd.s32 v3, v58;
	s12 =	simm.s32 $0xEC80  }
0x3ec: {  	[tilespmem:s12], [sflag:$0x5] =	stream.indirect_vreg.gather [hbm4b:s9+s3], $0x80, v18, vm0, $0xb8;
	[tilespmem:$0x1B400] =	vst v63  }
0x3ed: {  	v61 =	vperm.xlane v17, v14;
	s10 =	simm.s32 $0xED00;
	v18 =	vadd.s32 v3, v60  }
0x3ee: {  	[tilespmem:s10], [sflag:$0x5] =	stream.indirect_vreg.gather [hbm4b:s9+s3], $0x80, v19, vm0, $0xb8;
	[tilespmem:$0x1B400] =	vst v63  }
0x3ef: {  	s12 =	simm.s32 $0xED80;
	v19 =	vadd.s32 v3, v61  }
0x3f0: {  	v62 =	vperm.xlane v17, v15;
	[tilespmem:s12], [sflag:$0x5] =	stream.indirect_vreg.gather [hbm4b:s9+s3], $0x80, v59, vm0, $0xb8;
	[tilespmem:$0x1B400] =	vst v63  }
0x3f1: {  	s10 =	simm.s32 $0xEE00  }
0x3f2: {  	v17 =	vperm.xlane v17, v16;
	v63 =	vadd.s32 v3, v62;
	[tilespmem:s10], [sflag:$0x5] =	stream.indirect_vreg.gather [hbm4b:s9+s3], $0x80, v18, vm0, $0xb8;
	[tilespmem:$0x1B400] =	vst v63  }
0x3f3: {  	s12 =	simm.s32 $0xEE80  }
0x3f4: {  	v17 =	vadd.s32 v3, v17;
	[tilespmem:s12], [sflag:$0x5] =	stream.indirect_vreg.gather [hbm4b:s9+s3], $0x80, v19, vm0, $0xb8;
	[tilespmem:$0x1B400] =	vst v63  }
.Ltmp14:
0x3f5: {  	_ = 	snop;
	(pc) =	sbr.rel .LBB2_19-.Ltmp14, $4  }
0x3f6: {  	s10 =	simm.s32 $0xEF00  }
0x3f7: {  	[tilespmem:s10], [sflag:$0x5] =	stream.indirect_vreg.gather [hbm4b:s9+s3], $0x80, v63, vm0, $0xb8;
	[tilespmem:$0x1B400] =	vst v63  }
0x3f8: {  	s12 =	simm.s32 $0xEF80  }
0x3f9: {  	[tilespmem:s12], [sflag:$0x5] =	stream.indirect_vreg.gather [hbm4b:s9+s3], $0x80, v17, vm0, $0xb8;
	[tilespmem:$0x1B400] =	vst v63  }
.LBB2_22:
0x3fa: {  	_ =	sfence.sel $0x180000  }
0x3fb: {  	[bflag:$0x0] =	sbarrier.arrive $0xFFFF  }
0x3fc: {  	_ =	strace $0x90000047  }
0x3fd: {  	s0 =	stileid.u32;
	[bflag:$0x2] =	sbarrier.arrive $0xFFFF  }
0x3fe: {  	p0 =	sne.s32 s0, $0x0;
	s0 =	rddreg [dreg:$0x3]  }
0x3ff: {  	s0 =	sadd.s32 @!p0 $0x100000, s0  }
0x400: {  	[sflag:s0] =	ssyncadd.tile.s32 @!p0 $0x1;
	_ =	shalt  }
.Lfunc_end2:
_tile_overlayer_lowered:
.L_overlay_start_2:
0x401: {  	(tag) =	ssettag $0x2  }
0x402: {  	s0 =	rddreg [dreg:$0x0];
	s2 =	stileid.u32  }
0x403: {  	s1 =	rddreg [dreg:$0x1];
	p0 =	sne.s32 s2, $0x0  }
0x404: {  	s3 =	rddreg [dreg:$0x2];
	[bflag:$0x3] =	sbarrier.arrive $0xFFFF;
	s2 =	simm.s32 @!p0 $0x1C09  }
0x405: {  	[timem:s3], [sflag:s2] =	dma.local @!p0 [hbm:s0], s1  }
0x406: {  	s0 =	simm.s32 @!p0 $0x9  }
0x407: {  	_ =	swait.ge @!p0 [sflag:s0], s1  }
0x408: {  	s1 =	ssub.s32 @!p0 $0x0, s1;
	[sflag:s0] =	ssyncset.done @!p0 $0x0  }
0x409: {  	[sflag:s0] =	ssyncadd.s32 @!p0 s1  }
0x40a: {  	[bflag:$0x3] =	sbarrier.arrive $0xFFFF  }
0x40b: {  	_ =	shalt  }

// kernel: kernel.9.cloned.1.call-start
scs
__scs_entry_jumppad:
0x0: {  	(pc) =	sbr.rel $0x88, $3  }
0x1: {  	(tag) =	ssettag $0x0;
	lr =	simm.s32 $0x1  }
0x2: {  	[smem:$0x3F96] =	sst lr;
	_ =	strace $0xD0000000  }
0x3: {  	_ = 	snop  }
0x4: {  	_ = 	snop  }
0x5: {  	_ = 	snop  }
0x6: {  	_ = 	snop  }
0x7: {  	_ = 	snop  }
__scs_overlays_trampoline_lowered:
0x8: {  	[smem:$0x3FA5] =	sst s0  }
0x9: {  	[smem:$0x3FA6] =	sst s1  }
0xa: {  	[smem:$0x3FA7] =	sst s2  }
0xb: {  	[smem:$0x3FA8] =	sst s3  }
0xc: {  	[smem:$0x3FA9] =	sst s4  }
0xd: {  	[smem:$0x3FAA] =	sst s5  }
0xe: {  	[smem:$0x3FAB] =	sst s6  }
0xf: {  	[smem:$0x3FAC] =	sst s7  }
0x10: {  	[smem:$0x3FAD] =	sst s8  }
0x11: {  	[smem:$0x3FAE] =	sst s9;
	s0 =	simm.s32 @!p0 $0x0  }
0x12: {  	s1 =	sld [smem:$0x3F94];
	s0 =	simm.s32 @p0 $0x1  }
0x13: {  	[smem:$0x3FAF] =	sst s0;
	s0 =	simm.s32 @!p1 $0x0  }
0x14: {  	s2 =	sld [smem:$0x3F93];
	s0 =	simm.s32 @p1 $0x1  }
0x15: {  	[smem:$0x3FB0] =	sst s0;
	s0 =	simm.s32 @!p2 $0x0  }
0x16: {  	s3 =	sld [smem:$0x3FDB];
	s0 =	simm.s32 @p2 $0x1  }
0x17: {  	s4 =	simm.s32 $0x1BF5;
	[smem:$0x3FB2] =	sst s0  }
0x18: {  	s0 =	sld [smem:$0x3F95];
	_ =	swait.ge [sflag:s4], $0x0  }
0x19: {  	s7 =	sld [smem:$0x3F96]  }
0x1a: {  	s8 =	sadd.s32 $0xFFFFE003, lr  }
0x1b: {  	s9 =	sadd.s32 $0xFFFFFEF7, lr;
	s5 =	simm.s32 $0xFFFFFFFF;
	p2 =	slt.u32 s8, $0xFFFFF086  }
0x1c: {  	p1 =	slt.u32 s9, $0xF7A;
	s5 =	simm.s32 @!p2 $0x0  }
0x1d: {  	s5 =	simm.s32 @p1 $0x1;
	p0 =	seq.s32 s7, s2  }
0x1e: {  	s7 =	smul.u32 @!p0 $0xF7A, s2;
	p2 =	seq.s32 @!p0 s5, $0x0  }
0x1f: {  	s9 =	smul.u32 $0xF7A, s1;
	s8 =	simm.s32 @!p0 $0x1BF5;
	p2 =	por !p2, p0  }
0x20: {  	[sflag:s8] =	ssyncset.s32 @!p0 $0xFFFFF086;
	s6 =	sadd.s32 @!p0 s3, s7;
	s7 =	simm.s32 @!p0 $0x108  }
0x21: {  	s3 =	sadd.s32 s3, s9;
	s6 =	sadd.s32 @!p0 $0x88, s6;
	s7 =	simm.s32 @p2 $0x1082  }
0x22: {  	[simem:s7], [sflag:s8] =	dma.local @!p0 [hbm:s6], $0xF7A  }
0x23: {  	s9 =	sor.u32 $0xD0000000, s2;
	s6 =	simm.s32 $0x108;
	_ =	swait.ge @!p0 [sflag:s8], $0x0  }
0x24: {  	s3 =	sadd.s32 $0x88, s3;
	s6 =	simm.s32 @!p1 $0x1082;
	[sflag:s4] =	ssyncset.s32 $0xFFFFF086  }
0x25: {  	[simem:s6], [sflag:s4] =	dma.local [hbm:s3], $0xF7A  }
0x26: {  	[smem:$0x3F96] =	sst s1;
	(tag) =	ssettag s2;
	_ =	strace s9  }
0x27: {  	s1 =	sld [smem:$0x3FA6]  }
0x28: {  	s2 =	sld [smem:$0x3FA7]  }
0x29: {  	s4 =	sld [smem:$0x3FA9]  }
0x2a: {  	p0 =	seq.s32 s5, $0x0;
	s5 =	sld [smem:$0x3FAA]  }
0x2b: {  	s6 =	sld [smem:$0x3FAB]  }
0x2c: {  	s7 =	sld [smem:$0x3FAC]  }
0x2d: {  	s3 =	simm.s32 $0x108;
	s8 =	sld [smem:$0x3FAD]  }
0x2e: {  	s3 =	simm.s32 @!p0 $0x1082;
	s9 =	sld [smem:$0x3FAE]  }
0x2f: {  	lr =	sadd.s32 s0, s3;
	s0 =	sld [smem:$0x3FA5]  }
0x30: {  	s3 =	sld [smem:$0x3FA8]  }
0x31: {  	[smem:$0x3FB1] =	sst s10  }
0x32: {  	s10 =	sld [smem:$0x3FAF];
	_ =	sdelay $0x3  }
0x33: {  	p0 =	seq.s32 s10, $0x1;
	s10 =	sld [smem:$0x3FB1];
	_ =	sdelay $0x3  }
0x34: {  	[smem:$0x3FB1] =	sst s10  }
0x35: {  	s10 =	sld [smem:$0x3FB0];
	_ =	sdelay $0x3  }
0x36: {  	p1 =	seq.s32 s10, $0x1;
	s10 =	sld [smem:$0x3FB1];
	_ =	sdelay $0x3  }
0x37: {  	[smem:$0x3FB1] =	sst s10  }
0x38: {  	s10 =	sld [smem:$0x3FB2]  }
0x39: {  	_ = 	snop;
	(pc) =	sbr.ind lr, $3  }
0x3a: {  	_ = 	snop  }
0x3b: {  	_ = 	snop  }
0x3c: {  	p2 =	seq.s32 s10, $0x1;
	s10 =	sld [smem:$0x3FB1]  }
0x3d: {  	_ =	shalt  }
0x3e: {  	_ =	shalt  }
0x3f: {  	_ =	shalt  }
0x40: {  	_ =	shalt  }
0x41: {  	_ =	shalt  }
0x42: {  	_ =	shalt  }
0x43: {  	_ =	shalt  }
0x44: {  	_ =	shalt  }
0x45: {  	_ =	shalt  }
0x46: {  	_ =	shalt  }
0x47: {  	_ =	shalt  }
0x48: {  	_ =	shalt  }
0x49: {  	_ =	shalt  }
0x4a: {  	_ =	shalt  }
0x4b: {  	_ =	shalt  }
0x4c: {  	_ =	shalt  }
0x4d: {  	_ =	shalt  }
0x4e: {  	_ =	shalt  }
0x4f: {  	_ =	shalt  }
0x50: {  	_ =	shalt  }
0x51: {  	_ =	shalt  }
0x52: {  	_ =	shalt  }
0x53: {  	_ =	shalt  }
0x54: {  	_ =	shalt  }
0x55: {  	_ =	shalt  }
0x56: {  	_ =	shalt  }
0x57: {  	_ =	shalt  }
0x58: {  	_ =	shalt  }
0x59: {  	_ =	shalt  }
0x5a: {  	_ =	shalt  }
0x5b: {  	_ =	shalt  }
0x5c: {  	_ =	shalt  }
0x5d: {  	_ =	shalt  }
0x5e: {  	_ =	shalt  }
0x5f: {  	_ =	shalt  }
0x60: {  	_ =	shalt  }
0x61: {  	_ =	shalt  }
0x62: {  	_ =	shalt  }
0x63: {  	_ =	shalt  }
0x64: {  	_ =	shalt  }
0x65: {  	_ =	shalt  }
0x66: {  	_ =	shalt  }
0x67: {  	_ =	shalt  }
0x68: {  	_ =	shalt  }
0x69: {  	_ =	shalt  }
0x6a: {  	_ =	shalt  }
0x6b: {  	_ =	shalt  }
0x6c: {  	_ =	shalt  }
0x6d: {  	_ =	shalt  }
0x6e: {  	_ =	shalt  }
0x6f: {  	_ =	shalt  }
0x70: {  	_ =	shalt  }
0x71: {  	_ =	shalt  }
0x72: {  	_ =	shalt  }
0x73: {  	_ =	shalt  }
0x74: {  	_ =	shalt  }
0x75: {  	_ =	shalt  }
0x76: {  	_ =	shalt  }
0x77: {  	_ =	shalt  }
0x78: {  	_ =	shalt  }
0x79: {  	_ =	shalt  }
0x7a: {  	_ =	shalt  }
0x7b: {  	_ =	shalt  }
0x7c: {  	_ =	shalt  }
0x7d: {  	_ =	shalt  }
0x7e: {  	_ =	shalt  }
0x7f: {  	_ =	shalt  }
0x80: {  	_ =	shalt  }
0x81: {  	_ =	shalt  }
0x82: {  	_ =	shalt  }
0x83: {  	_ =	shalt  }
0x84: {  	_ =	shalt  }
0x85: {  	_ =	shalt  }
0x86: {  	_ =	shalt  }
0x87: {  	_ =	shalt  }
.Lfunc_end0:
.L_simem_size_0:
called_computation.1_lowered:
.L_overlay_start_0:
0x88: {  	s2 =	sld [smem:$0x3FD9]  }
0x89: {  	s3 =	sld [smem:$0x3FFE];
	_ =	sdelay $0x1  }
0x8a: {  	s1 =	srdreg.scid  }
0x8b: {  	s0 =	sand.u32 $0x1, s1  }
0x8c: {  	s17 =	sshll.u32 s0, $0xA;
	s2 =	sadd.s32 s3, s2  }
0x8d: {  	s2 =	sadd.s32 s2, s17  }
0x8e: {  	[smem:$0x3FBD] =	sst s2  }
0x8f: {  	_ = 	snop  }
0x90: {  	s2 =	sld [smem:$0x3FD0];
	(tm) =	ssettm $0x1  }
0x91: {  	s18 =	sld [smem:$0x3FFB];
	_ =	sdelay $0x3  }
0x92: {  	_ =	strace s18  }
0x93: {  	s3 =	sld [smem:$0x3FFC];
	_ =	sdelay $0x3  }
0x94: {  	_ =	strace s3  }
0x95: {  	s3 =	sld [smem:$0x3FFD];
	_ =	sdelay $0x3  }
0x96: {  	_ =	strace s3  }
0x97: {  	_ =	strace $0x8FFFFFFF  }
0x98: {  	s19 =	sld [smem:$0x3FDB];
	_ =	sdelay $0x1  }
0x99: {  	s4 =	simm.s32 $_scs_section_size  }
0x9a: {  	s5 =	simm.s32 $_size__tile_overlayer_lowered;
	s6 =	simm.s32 $_tile_overlayer_lowered  }
0x9b: {  	s22 =	simm.s32 $0x1BFF;
	s21 =	sshll.u32 s6, $0x1;
	s3 =	sadd.s32 s4, s19  }
0x9c: {  	s7 =	simm.s32 $0x0;
	s20 =	sshll.u32 s5, $0x1;
	s5 =	sadd.s32 s21, s3  }
0x9d: {  	[timem:s7], [sflag:s22] =	dma.local [hbm:s5], s20  }
0x9e: {  	_ =	swait.ge [sflag:s22], s20  }
0x9f: {  	s4 =	ssub.s32 $0x0, s20;
	[sflag:s22] =	ssyncset.done $0x0  }
0xa0: {  	[sflag:s22] =	ssyncadd.s32 s4;
	_ =	sdelay $0x1  }
0xa1: {  	s23 =	simm.s32 $0x1B8B  }
0xa2: {  	_ =	swait.ge [sflag:s23], $0x1  }
0xa3: {  	[sflag:s23] =	ssyncset.done $0x0  }
0xa4: {  	s25 =	simm.s32 $0x1B8E;
	s24 =	sld [smem:$0x3FFE];
	[sflag:s23] =	ssyncadd.s32 $0xFFFFFFFF  }
0xa5: {  	s26 =	simm.s32 $execute0_lowered;
	[smem:$0x3FD2] =	sst s25  }
0xa6: {  	s5 =	sshll.u32 s26, $0x1;
	_ =	strace $0x80000049;
	[dreg:$0x1] =	wrdreg $0xFFFFFFFF  }
0xa7: {  	s28 =	simm.s32 $_size_execute0_lowered;
	s3 =	sadd.s32 s3, s5;
	[dreg:$0x0] =	wrdreg $0x0  }
0xa8: {  	s5 =	sshll.u32 s28, $0x1;
	[dreg:$0x2] =	wrdreg s3  }
0xa9: {  	[dreg:$0x3] =	wrdreg s5  }
0xaa: {  	[dreg:$0x4] =	wrdreg $0xC0  }
0xab: {  	_ =	task [dreg:s7], $0x5FFFF  }
0xac: {  	[dreg:$0x1] =	wrdreg $0xFFFFFFFF  }
0xad: {  	[dreg:$0x0] =	wrdreg $0x60  }
0xae: {  	[dreg:$0x2] =	wrdreg s24  }
0xaf: {  	[dreg:$0x3] =	wrdreg s2  }
0xb0: {  	[dreg:$0x4] =	wrdreg $0xBA000  }
0xb1: {  	[dreg:$0x5] =	wrdreg $0x9  }
0xb2: {  	_ =	task.clear_ibuf [dreg:s7], $0x6FFFF;
	_ =	strace $0x90000049  }
0xb3: {  	s29 =	simm.s32 $0x9;
	_ =	strace $0x8000004B  }
0xb4: {  	_ =	swait.ge [sflag:s29], $0x1  }
0xb5: {  	[sflag:s29] =	ssyncadd.s32 $0xFFFFFFFF  }
0xb6: {  	_ =	strace $0x9000004B  }
0xb7: {  	_ =	sfence  }
0xb8: {  	s30 =	sld [smem:$0x0];
	_ =	sdelay $0x2  }
0xb9: {  	s31 =	sshll.u32 s1, $0xD;
	s1 =	sshrl.u32 s1, $0x2  }
0xba: {  	s3 =	sand.u32 $0x4000, s31;
	s1 =	sadd.s32 s1, s30  }
0xbb: {  	s0 =	sor.u32 s3, s0;
	s1 =	sshll.u32 s1, $0x11  }
0xbc: {  	s0 =	sor.u32 s1, s0  }
0xbd: {  	s0 =	sadd.s32 $0x8F2B, s0  }
0xbe: {  	[sflag:s0] =	ssyncadd.remote.s32 $0x1  }
0xbf: {  	_ =	sfence.sel $0xFFFF  }
0xc0: {  	[dreg:$0x0] =	wrdreg $0xFFFFFFFF;
	(pc) =	sbr.abs _section_cstart, $3  }
0xc1: {  	[dreg:$0x1] =	wrdreg $0xFFFFFFFF  }
0xc2: {  	_ =	task.clear_ibuf [dreg:s7], $0x2FFFF;
	_ =	strace $0x9FFFFFFF  }
0xc3: {  	(tm) =	ssettm $0x7FFFFFFF  }
tec
execute0_lowered:
.L_overlay_start_1:
0x0: {  	(tag) =	ssettag $0x1  }
0x1: {  	s0 =	rddreg [dreg:$0x0]  }
0x2: {  	s2 =	rddreg [dreg:$0x1]  }
0x3: {  	s1 =	rddreg [dreg:$0x2];
	s3 =	simm.s32 $0x0  }
0x4: {  	s4 =	srdreg.scid;
	s11 =	stileid.u32;
	s30 =	simm.s32 $0x7000  }
0x5: {  	s13 =	simm.s32 $0x20;
	s14 =	simm.s32 $0xAD80;
	s28 =	simm.s32 $0x5  }
0x6: {  	s29 =	simm.s32 $0x6;
	[smem:$0x7FF] =	sst s3;
	s4 =	sand.u32 $0x1, s4  }
0x7: {  	s6 =	smul.u32 $0x5000, s11;
	s7 =	sshrl.u32 s11, $0x2;
	s9 =	sshll.u32 s11, $0x8  }
0x8: {  	s16 =	sadd.s32 $0x28000, s0;
	s17 =	sadd.s32 $0x28A00, s0;
	s19 =	smul.u32 $0x14000, s11  }
0x9: {  	s21 =	smul.u32 $0xA00, s11;
	s23 =	sshll.u32 s11, $0x6;
	s11 =	simm.s32 $0x8  }
0xa: {  	s5 =	smul.u32 $0x50000, s4;
	_ =	strace $0x8000004A;
	[dreg:$0x4] =	wrdreg s16  }
0xb: {  	s8 =	sshll.u32 s4, $0x7;
	s7 =	smul.u32 $0x5000, s7;
	[dreg:$0x5] =	wrdreg s17  }
0xc: {  	s15 =	sand.u32 $0x300, s9;
	s18 =	ssub.s32 $0x2, s4;
	[dreg:$0x6] =	wrdreg s23  }
0xd: {  	s25 =	sor.u32 $0x1C08, s23;
	s16 =	simm.s32 $0x5000;
	p0 =	sne.s32 s4, $0x0  }
0xe: {  	p1 =	seq.s32 s4, $0x0;
	s4 =	simm.s32 $0xA000;
	s17 =	simm.s32 $0xAE00  }
0xf: {  	s23 =	simm.s32 $0x2;
	s10 =	sadd.s32 s8, s0;
	s20 =	sshrl.u32 s18, $0x1  }
0x10: {  	s22 =	sshrl.u32 s19, $0x2;
	s2 =	sadd.s32 s2, s21;
	[dreg:$0x8] =	wrdreg s25  }
0x11: {  	s19 =	simm.s32 $0xAF00;
	s21 =	simm.s32 $0xAF80;
	s25 =	simm.s32 $0x3  }
0x12: {  	s5 =	sadd.s32 s6, s5;
	s6 =	sor.u32 s7, s15;
	[dreg:$0x7] =	wrdreg s2  }
0x13: {  	s24 =	sadd.s32 s22, s1;
	s9 =	sadd.s32 $0xE00, s10;
	s7 =	simm.s32 $0xB000  }
0x14: {  	s22 =	simm.s32 $0x6000;
	s2 =	simm.s32 $0x1;
	s5 =	sshrl.u32 s5, $0x3  }
0x15: {  	v0 =	vimm.s32 $0x7;
	s6 =	sor.u32 s8, s6;
	s10 =	sshrl.u32 s24, $0x3;
	s8 =	simm.s32 $0x8000  }
0x16: {  	v1 =	vimm.s32 $0x1;
	v2 =	vimm.s32 $0x0;
	v3 =	vlaneseq.u32;
	s24 =	simm.s32 $0x7;
	s5 =	sadd.s32 s5, s0;
	s6 =	sshrl.u32 s6, $0x3  }
.Ltmp0:
0x17: {  	vm0 =	vmmov $0x1;
	v4 =	vimm.s32 $0x2;
	v5 =	vimm.s32 $0x3;
	[dreg:$0xc] =	wrdreg s10;
	s0 =	sadd.s32 s6, s0;
	(pc) =	sbr.rel .LBB2_1-.Ltmp0, $4  }
0x18: {  	v6 =	vimm.s32 $0x4;
	v7 =	vimm.s32 $0x5;
	v8 =	vimm.s32 $0x6;
	s6 =	ssub.s32 s18, s20;
	s26 =	sadd.s32 $0x2B400, s5;
	s20 =	simm.s32 $0x9000  }
0x19: {  	v9 =	vimm.s32 $0x8;
	v10 =	vimm.s32 $0x9;
	v11 =	vimm.s32 $0xA;
	s18 =	simm.s32 $0xAE80;
	s0 =	sadd.s32 $0x28C00, s0;
	[dreg:$0xa] =	wrdreg s26  }
0x1a: {  	v12 =	vimm.s32 $0xB;
	v13 =	vimm.s32 $0xC;
	v14 =	vimm.s32 $0xD;
	s5 =	simm.s32 $0x0;
	s31 =	smax.u32 s6, $0x1;
	[dreg:$0x9] =	wrdreg s0  }
0x1b: {  	v15 =	vimm.s32 $0xE;
	v16 =	vimm.s32 $0xF;
	v3 =	vmul.u32 $0x8, v3;
	s6 =	simm.s32 $0xAD00;
	s26 =	simm.s32 $0x4;
	[dreg:$0xb] =	wrdreg s31  }
.LBB2_21:
0x1c: {  	_ =	swait.ge [sflag:s24], $0x1000  }
0x1d: {  	s7 =	simm.s32 $0xB000;
	s5 =	simm.s32 $0x80;
	[sflag:s24] =	ssyncset.done $0x0  }
0x1e: {  	s10 =	simm.s32 $0x400;
	s0 =	rddreg [dreg:$0x9];
	[sflag:s24] =	ssyncadd.s32 $0xFFFFF000  }
0x1f: {  	[hbm4b:s0+s5] =	stream.strided.scatter [tilespmem:s7], [sflag:$0x8], $0xA00, s10, s5, $0x38;
	[tilespmem:$0x10A00] =	vst v63  }
0x20: {  	[bflag:$0x0] =	sbarrier.arrive $0xFFFF  }
0x21: {  	s10 =	rddreg [dreg:$0x6]  }
0x22: {  	s11 =	rddreg [dreg:$0xa]  }
0x23: {  	s12 =	simm.s32 $0x9;
	s0 =	sor.u32 $0x1C09, s10;
	s10 =	rddreg [dreg:$0xc]  }
0x24: {  	[hbm:s11], [sflag:s0] =	dma.local [spmem:s10], $0xA00  }
0x25: {  	_ =	swait.ge [sflag:s12], $0xA00  }
0x26: {  	[sflag:s12] =	ssyncset.done $0x0  }
0x27: {  	s11 =	simm.s32 $0x8;
	[sflag:s12] =	ssyncadd.s32 $0xFFFFF600  }
0x28: {  	_ =	swait.ge [sflag:s11], $0xA00  }
0x29: {  	s15 =	rddreg [dreg:$0xd]  }
0x2a: {  	s31 =	rddreg [dreg:$0xb];
	s5 =	sadd.s32 $0x1, s15  }
0x2b: {  	p2 =	sne.s32 s5, s31  }
.Ltmp1:
0x2c: {  	_ = 	snop;
	(pc) =	sbr.rel @!p2 .LBB2_22-.Ltmp1, $3  }
0x2d: {  	_ =	sdelay $0x1  }
0x2e: {  	[sflag:s11] =	ssyncset.done $0x0  }
0x2f: {  	[sflag:s11] =	ssyncadd.s32 $0xFFFFF600  }
.LBB2_1:
0x30: {  	[dreg:$0xd] =	wrdreg s5  }
0x31: {  	s0 =	rddreg [dreg:$0x7]  }
0x32: {  	s5 =	rddreg [dreg:$0x5]  }
0x33: {  	s12 =	rddreg [dreg:$0x4]  }
0x34: {  	[tilespmem:s3], [sflag:$0x8] =	stream.linear.gather [hbm4b:s0+s3], $0x4E80, $0x38;
	[tilespmem:$0x10A00] =	vst v63  }
0x35: {  	s15 =	rddreg [dreg:$0x8]  }
0x36: {  	[tilespmem:s7], [sflag:$0x8] =	stream.linear.gather [hbm4b:s5+s3], $0xA00, $0x38;
	[tilespmem:$0x10A00] =	vst v63  }
0x37: {  	[spmem:s10], [sflag:s15] =	dma.local [hbm:s12], $0xA00  }
0x38: {  	_ =	swait.ge [sflag:s11], $0x4E80  }
0x39: {  	[sflag:s11] =	ssyncset.done $0x0  }
0x3a: {  	[sflag:s11] =	ssyncadd.s32 $0xFFFFB180  }
0x3b: {  	_ =	swait.ge [sflag:s11], $0xA00  }
0x3c: {  	[sflag:s11] =	ssyncset.done $0x0  }
0x3d: {  	[sflag:s11] =	ssyncadd.s32 $0xFFFFF600  }
0x3e: {  	_ =	swait.ge [sflag:s11], $0xA00  }
0x3f: {  	[sflag:s11] =	ssyncset.done $0x0  }
0x40: {  	[sflag:s11] =	ssyncadd.s32 $0xFFFFF600  }
0x41: {  	[bflag:$0x0] =	sbarrier.arrive $0xFFFF  }
0x42: {  	v17 =	vld [tilespmem:$0x20];
	_ =	sdelay $0x4  }
0x43: {  	v18 =	vshll.u32 v17, $0x1  }
0x44: {  	v17 =	vand.u32 $0x7, v17;
	v18 =	vand.u32 $0xFFFFFFF0, v18  }
0x45: {  	v17 =	vor.u32 v17, v18  }
0x46: {  	v18 =	vperm.xlane v17, v2;
	_ =	sdelay $0x1  }
0x47: {  	v19 =	vperm.xlane v17, v1;
	v18 =	vadd.s32 v3, v18;
	_ =	sdelay $0x1  }
0x48: {  	v20 =	vperm.xlane v17, v4;
	v19 =	vadd.s32 v3, v19;
	_ =	sdelay $0x1  }
0x49: {  	v21 =	vperm.xlane v17, v5;
	v20 =	vadd.s32 v3, v20  }
0x4a: {  	[tilespmem:s16], [sflag:$0x1] =	stream.indirect_vreg.gather [hbm4b:s9+s3], $0x80, v18, vm0, $0xb8;
	[tilespmem:$0x10A00] =	vst v63  }
0x4b: {  	s7 =	simm.s32 $0x5080;
	v56 =	vperm.xlane v17, v6;
	v18 =	vadd.s32 v3, v21  }
0x4c: {  	[tilespmem:s7], [sflag:$0x1] =	stream.indirect_vreg.gather [hbm4b:s9+s3], $0x80, v19, vm0, $0xb8;
	[tilespmem:$0x10A00] =	vst v63  }
0x4d: {  	s10 =	simm.s32 $0x5100;
	v57 =	vperm.xlane v17, v7;
	v19 =	vadd.s32 v3, v56  }
0x4e: {  	[tilespmem:s10], [sflag:$0x1] =	stream.indirect_vreg.gather [hbm4b:s9+s3], $0x80, v20, vm0, $0xb8;
	[tilespmem:$0x10A00] =	vst v63  }
0x4f: {  	s11 =	simm.s32 $0x5180;
	v59 =	vperm.xlane v17, v8;
	v58 =	vadd.s32 v3, v57  }
0x50: {  	[tilespmem:s11], [sflag:$0x1] =	stream.indirect_vreg.gather [hbm4b:s9+s3], $0x80, v18, vm0, $0xb8;
	[tilespmem:$0x10A00] =	vst v63  }
0x51: {  	s12 =	simm.s32 $0x5200;
	v60 =	vperm.xlane v17, v0;
	v18 =	vadd.s32 v3, v59  }
0x52: {  	[tilespmem:s12], [sflag:$0x1] =	stream.indirect_vreg.gather [hbm4b:s9+s3], $0x80, v19, vm0, $0xb8;
	[tilespmem:$0x10A00] =	vst v63  }
0x53: {  	s15 =	simm.s32 $0x5280;
	v61 =	vperm.xlane v17, v9;
	v19 =	vadd.s32 v3, v60  }
0x54: {  	[tilespmem:s15], [sflag:$0x1] =	stream.indirect_vreg.gather [hbm4b:s9+s3], $0x80, v58, vm0, $0xb8;
	[tilespmem:$0x10A00] =	vst v63  }
0x55: {  	s5 =	simm.s32 $0x5300;
	v63 =	vperm.xlane v17, v10;
	v62 =	vadd.s32 v3, v61  }
0x56: {  	[tilespmem:s5], [sflag:$0x1] =	stream.indirect_vreg.gather [hbm4b:s9+s3], $0x80, v18, vm0, $0xb8;
	[tilespmem:$0x10A00] =	vst v63  }
0x57: {  	v24 =	vperm.xlane v17, v11;
	s7 =	simm.s32 $0x5380;
	v18 =	vadd.s32 v3, v63  }
0x58: {  	[tilespmem:s7], [sflag:$0x1] =	stream.indirect_vreg.gather [hbm4b:s9+s3], $0x80, v19, vm0, $0xb8;
	[tilespmem:$0x10A00] =	vst v63  }
0x59: {  	v25 =	vperm.xlane v17, v12;
	s10 =	simm.s32 $0x5400;
	v19 =	vadd.s32 v3, v24  }
0x5a: {  	[tilespmem:s10], [sflag:$0x1] =	stream.indirect_vreg.gather [hbm4b:s9+s3], $0x80, v62, vm0, $0xb8;
	[tilespmem:$0x10A00] =	vst v63  }
0x5b: {  	v27 =	vperm.xlane v17, v13;
	v26 =	vadd.s32 v3, v25;
	s11 =	simm.s32 $0x5480  }
0x5c: {  	[tilespmem:s11], [sflag:$0x1] =	stream.indirect_vreg.gather [hbm4b:s9+s3], $0x80, v18, vm0, $0xb8;
	[tilespmem:$0x10A00] =	vst v63  }
0x5d: {  	v28 =	vperm.xlane v17, v14;
	s12 =	simm.s32 $0x5500;
	v18 =	vadd.s32 v3, v27  }
0x5e: {  	[tilespmem:s12], [sflag:$0x1] =	stream.indirect_vreg.gather [hbm4b:s9+s3], $0x80, v19, vm0, $0xb8;
	[tilespmem:$0x10A00] =	vst v63  }
0x5f: {  	v29 =	vperm.xlane v17, v15;
	s15 =	simm.s32 $0x5580;
	v19 =	vadd.s32 v3, v28  }
0x60: {  	[tilespmem:s15], [sflag:$0x1] =	stream.indirect_vreg.gather [hbm4b:s9+s3], $0x80, v26, vm0, $0xb8;
	[tilespmem:$0x10A00] =	vst v63  }
0x61: {  	v17 =	vperm.xlane v17, v16;
	v30 =	vadd.s32 v3, v29;
	s5 =	simm.s32 $0x5600  }
0x62: {  	[tilespmem:s5], [sflag:$0x1] =	stream.indirect_vreg.gather [hbm4b:s9+s3], $0x80, v18, vm0, $0xb8;
	[tilespmem:$0x10A00] =	vst v63  }
0x63: {  	v17 =	vadd.s32 v3, v17;
	s7 =	simm.s32 $0x5680  }
0x64: {  	[tilespmem:s7], [sflag:$0x1] =	stream.indirect_vreg.gather [hbm4b:s9+s3], $0x80, v19, vm0, $0xb8;
	[tilespmem:$0x10A00] =	vst v63  }
0x65: {  	s10 =	simm.s32 $0x5700  }
0x66: {  	[tilespmem:s10], [sflag:$0x1] =	stream.indirect_vreg.gather [hbm4b:s9+s3], $0x80, v30, vm0, $0xb8;
	[tilespmem:$0x10A00] =	vst v63  }
0x67: {  	s11 =	simm.s32 $0x5780  }
0x68: {  	[tilespmem:s11], [sflag:$0x1] =	stream.indirect_vreg.gather [hbm4b:s9+s3], $0x80, v17, vm0, $0xb8;
	[tilespmem:$0x10A00] =	vst v63  }
0x69: {  	v17 =	vld [tilespmem:$0x30];
	_ =	sdelay $0x4  }
0x6a: {  	v18 =	vshll.u32 v17, $0x1  }
0x6b: {  	v17 =	vand.u32 $0x7, v17;
	v18 =	vand.u32 $0xFFFFFFF0, v18  }
0x6c: {  	v17 =	vor.u32 v17, v18  }
0x6d: {  	v18 =	vperm.xlane v17, v2;
	_ =	sdelay $0x1  }
0x6e: {  	v19 =	vperm.xlane v17, v1;
	v18 =	vadd.s32 v3, v18;
	_ =	sdelay $0x1  }
0x6f: {  	v31 =	vperm.xlane v17, v4;
	v19 =	vadd.s32 v3, v19;
	_ =	sdelay $0x1  }
0x70: {  	s12 =	simm.s32 $0x5800;
	v32 =	vperm.xlane v17, v5;
	v20 =	vadd.s32 v3, v31  }
0x71: {  	[tilespmem:s12], [sflag:$0x1] =	stream.indirect_vreg.gather [hbm4b:s9+s3], $0x80, v18, vm0, $0xb8;
	[tilespmem:$0x10A00] =	vst v63  }
0x72: {  	s15 =	simm.s32 $0x5880;
	v33 =	vperm.xlane v17, v6;
	v18 =	vadd.s32 v3, v32  }
0x73: {  	[tilespmem:s15], [sflag:$0x1] =	stream.indirect_vreg.gather [hbm4b:s9+s3], $0x80, v19, vm0, $0xb8;
	[tilespmem:$0x10A00] =	vst v63  }
0x74: {  	s5 =	simm.s32 $0x5900;
	v34 =	vperm.xlane v17, v7;
	v19 =	vadd.s32 v3, v33  }
0x75: {  	[tilespmem:s5], [sflag:$0x1] =	stream.indirect_vreg.gather [hbm4b:s9+s3], $0x80, v20, vm0, $0xb8;
	[tilespmem:$0x10A00] =	vst v63  }
0x76: {  	s7 =	simm.s32 $0x5980;
	v36 =	vperm.xlane v17, v8;
	v35 =	vadd.s32 v3, v34  }
0x77: {  	[tilespmem:s7], [sflag:$0x1] =	stream.indirect_vreg.gather [hbm4b:s9+s3], $0x80, v18, vm0, $0xb8;
	[tilespmem:$0x10A00] =	vst v63  }
0x78: {  	s10 =	simm.s32 $0x5A00;
	v37 =	vperm.xlane v17, v0;
	v18 =	vadd.s32 v3, v36  }
0x79: {  	[tilespmem:s10], [sflag:$0x1] =	stream.indirect_vreg.gather [hbm4b:s9+s3], $0x80, v19, vm0, $0xb8;
	[tilespmem:$0x10A00] =	vst v63  }
0x7a: {  	s11 =	simm.s32 $0x5A80;
	v38 =	vperm.xlane v17, v9;
	v19 =	vadd.s32 v3, v37  }
0x7b: {  	[tilespmem:s11], [sflag:$0x1] =	stream.indirect_vreg.gather [hbm4b:s9+s3], $0x80, v35, vm0, $0xb8;
	[tilespmem:$0x10A00] =	vst v63  }
0x7c: {  	v40 =	vperm.xlane v17, v10;
	v39 =	vadd.s32 v3, v38;
	s12 =	simm.s32 $0x5B00  }
0x7d: {  	[tilespmem:s12], [sflag:$0x1] =	stream.indirect_vreg.gather [hbm4b:s9+s3], $0x80, v18, vm0, $0xb8;
	[tilespmem:$0x10A00] =	vst v63  }
0x7e: {  	v41 =	vperm.xlane v17, v11;
	s15 =	simm.s32 $0x5B80;
	v18 =	vadd.s32 v3, v40  }
0x7f: {  	[tilespmem:s15], [sflag:$0x1] =	stream.indirect_vreg.gather [hbm4b:s9+s3], $0x80, v19, vm0, $0xb8;
	[tilespmem:$0x10A00] =	vst v63  }
0x80: {  	v42 =	vperm.xlane v17, v12;
	s5 =	simm.s32 $0x5C00;
	v19 =	vadd.s32 v3, v41  }
0x81: {  	[tilespmem:s5], [sflag:$0x1] =	stream.indirect_vreg.gather [hbm4b:s9+s3], $0x80, v39, vm0, $0xb8;
	[tilespmem:$0x10A00] =	vst v63  }
0x82: {  	v44 =	vperm.xlane v17, v13;
	v43 =	vadd.s32 v3, v42;
	s7 =	simm.s32 $0x5C80  }
0x83: {  	[tilespmem:s7], [sflag:$0x1] =	stream.indirect_vreg.gather [hbm4b:s9+s3], $0x80, v18, vm0, $0xb8;
	[tilespmem:$0x10A00] =	vst v63  }
0x84: {  	v45 =	vperm.xlane v17, v14;
	s10 =	simm.s32 $0x5D00;
	v18 =	vadd.s32 v3, v44  }
0x85: {  	[tilespmem:s10], [sflag:$0x1] =	stream.indirect_vreg.gather [hbm4b:s9+s3], $0x80, v19, vm0, $0xb8;
	[tilespmem:$0x10A00] =	vst v63  }
0x86: {  	v46 =	vperm.xlane v17, v15;
	s11 =	simm.s32 $0x5D80;
	v19 =	vadd.s32 v3, v45  }
0x87: {  	[tilespmem:s11], [sflag:$0x1] =	stream.indirect_vreg.gather [hbm4b:s9+s3], $0x80, v43, vm0, $0xb8;
	[tilespmem:$0x10A00] =	vst v63  }
0x88: {  	v17 =	vperm.xlane v17, v16;
	v47 =	vadd.s32 v3, v46;
	s12 =	simm.s32 $0x5E00  }
0x89: {  	[tilespmem:s12], [sflag:$0x1] =	stream.indirect_vreg.gather [hbm4b:s9+s3], $0x80, v18, vm0, $0xb8;
	[tilespmem:$0x10A00] =	vst v63  }
0x8a: {  	v17 =	vadd.s32 v3, v17;
	s15 =	simm.s32 $0x5E80  }
0x8b: {  	[tilespmem:s15], [sflag:$0x1] =	stream.indirect_vreg.gather [hbm4b:s9+s3], $0x80, v19, vm0, $0xb8;
	[tilespmem:$0x10A00] =	vst v63  }
0x8c: {  	s5 =	simm.s32 $0x5F00  }
0x8d: {  	[tilespmem:s5], [sflag:$0x1] =	stream.indirect_vreg.gather [hbm4b:s9+s3], $0x80, v47, vm0, $0xb8;
	[tilespmem:$0x10A00] =	vst v63  }
0x8e: {  	s7 =	simm.s32 $0x5F80  }
0x8f: {  	[tilespmem:s7], [sflag:$0x1] =	stream.indirect_vreg.gather [hbm4b:s9+s3], $0x80, v17, vm0, $0xb8;
	[tilespmem:$0x10A00] =	vst v63  }
0x90: {  	v17 =	vld [tilespmem:$0xA0];
	_ =	sdelay $0x4  }
0x91: {  	v18 =	vshll.u32 v17, $0x1  }
0x92: {  	v17 =	vand.u32 $0x7, v17;
	v18 =	vand.u32 $0xFFFFFFF0, v18  }
0x93: {  	v17 =	vor.u32 v17, v18  }
0x94: {  	v18 =	vperm.xlane v17, v2;
	_ =	sdelay $0x1  }
0x95: {  	v19 =	vperm.xlane v17, v1;
	v18 =	vadd.s32 v3, v18;
	_ =	sdelay $0x1  }
0x96: {  	v48 =	vperm.xlane v17, v4;
	v19 =	vadd.s32 v3, v19;
	_ =	sdelay $0x1  }
0x97: {  	v49 =	vperm.xlane v17, v5;
	v20 =	vadd.s32 v3, v48  }
0x98: {  	[tilespmem:s22], [sflag:$0x2] =	stream.indirect_vreg.gather [hbm4b:s9+s3], $0x80, v18, vm0, $0xb8;
	[tilespmem:$0x10A00] =	vst v63  }
0x99: {  	s10 =	simm.s32 $0x6080;
	v50 =	vperm.xlane v17, v6;
	v18 =	vadd.s32 v3, v49  }
0x9a: {  	[tilespmem:s10], [sflag:$0x2] =	stream.indirect_vreg.gather [hbm4b:s9+s3], $0x80, v19, vm0, $0xb8;
	[tilespmem:$0x10A00] =	vst v63  }
0x9b: {  	s11 =	simm.s32 $0x6100;
	v51 =	vperm.xlane v17, v7;
	v19 =	vadd.s32 v3, v50  }
0x9c: {  	[tilespmem:s11], [sflag:$0x2] =	stream.indirect_vreg.gather [hbm4b:s9+s3], $0x80, v20, vm0, $0xb8;
	[tilespmem:$0x10A00] =	vst v63  }
0x9d: {  	s12 =	simm.s32 $0x6180;
	v53 =	vperm.xlane v17, v8;
	v52 =	vadd.s32 v3, v51  }
0x9e: {  	[tilespmem:s12], [sflag:$0x2] =	stream.indirect_vreg.gather [hbm4b:s9+s3], $0x80, v18, vm0, $0xb8;
	[tilespmem:$0x10A00] =	vst v63  }
0x9f: {  	s15 =	simm.s32 $0x6200;
	v54 =	vperm.xlane v17, v0;
	v18 =	vadd.s32 v3, v53  }
0xa0: {  	[tilespmem:s15], [sflag:$0x2] =	stream.indirect_vreg.gather [hbm4b:s9+s3], $0x80, v19, vm0, $0xb8;
	[tilespmem:$0x10A00] =	vst v63  }
0xa1: {  	s5 =	simm.s32 $0x6280;
	v55 =	vperm.xlane v17, v9;
	v19 =	vadd.s32 v3, v54  }
0xa2: {  	[tilespmem:s5], [sflag:$0x2] =	stream.indirect_vreg.gather [hbm4b:s9+s3], $0x80, v52, vm0, $0xb8;
	[tilespmem:$0x10A00] =	vst v63  }
0xa3: {  	s7 =	simm.s32 $0x6300;
	v57 =	vperm.xlane v17, v10;
	v56 =	vadd.s32 v3, v55  }
0xa4: {  	[tilespmem:s7], [sflag:$0x2] =	stream.indirect_vreg.gather [hbm4b:s9+s3], $0x80, v18, vm0, $0xb8;
	[tilespmem:$0x10A00] =	vst v63  }
0xa5: {  	v58 =	vperm.xlane v17, v11;
	s10 =	simm.s32 $0x6380;
	v18 =	vadd.s32 v3, v57  }
0xa6: {  	[tilespmem:s10], [sflag:$0x2] =	stream.indirect_vreg.gather [hbm4b:s9+s3], $0x80, v19, vm0, $0xb8;
	[tilespmem:$0x10A00] =	vst v63  }
0xa7: {  	v59 =	vperm.xlane v17, v12;
	s11 =	simm.s32 $0x6400;
	v19 =	vadd.s32 v3, v58  }
0xa8: {  	[tilespmem:s11], [sflag:$0x2] =	stream.indirect_vreg.gather [hbm4b:s9+s3], $0x80, v56, vm0, $0xb8;
	[tilespmem:$0x10A00] =	vst v63  }
0xa9: {  	v61 =	vperm.xlane v17, v13;
	v60 =	vadd.s32 v3, v59;
	s12 =	simm.s32 $0x6480  }
0xaa: {  	[tilespmem:s12], [sflag:$0x2] =	stream.indirect_vreg.gather [hbm4b:s9+s3], $0x80, v18, vm0, $0xb8;
	[tilespmem:$0x10A00] =	vst v63  }
0xab: {  	v62 =	vperm.xlane v17, v14;
	s15 =	simm.s32 $0x6500;
	v18 =	vadd.s32 v3, v61  }
0xac: {  	[tilespmem:s15], [sflag:$0x2] =	stream.indirect_vreg.gather [hbm4b:s9+s3], $0x80, v19, vm0, $0xb8;
	[tilespmem:$0x10A00] =	vst v63  }
0xad: {  	v63 =	vperm.xlane v17, v15;
	s5 =	simm.s32 $0x6580;
	v19 =	vadd.s32 v3, v62  }
0xae: {  	[tilespmem:s5], [sflag:$0x2] =	stream.indirect_vreg.gather [hbm4b:s9+s3], $0x80, v60, vm0, $0xb8;
	[tilespmem:$0x10A00] =	vst v63  }
0xaf: {  	v17 =	vperm.xlane v17, v16;
	v24 =	vadd.s32 v3, v63;
	s7 =	simm.s32 $0x6600  }
0xb0: {  	[tilespmem:s7], [sflag:$0x2] =	stream.indirect_vreg.gather [hbm4b:s9+s3], $0x80, v18, vm0, $0xb8;
	[tilespmem:$0x10A00] =	vst v63  }
0xb1: {  	v17 =	vadd.s32 v3, v17;
	s10 =	simm.s32 $0x6680  }
0xb2: {  	[tilespmem:s10], [sflag:$0x2] =	stream.indirect_vreg.gather [hbm4b:s9+s3], $0x80, v19, vm0, $0xb8;
	[tilespmem:$0x10A00] =	vst v63  }
0xb3: {  	s11 =	simm.s32 $0x6700  }
0xb4: {  	[tilespmem:s11], [sflag:$0x2] =	stream.indirect_vreg.gather [hbm4b:s9+s3], $0x80, v24, vm0, $0xb8;
	[tilespmem:$0x10A00] =	vst v63  }
0xb5: {  	s12 =	simm.s32 $0x6780  }
0xb6: {  	[tilespmem:s12], [sflag:$0x2] =	stream.indirect_vreg.gather [hbm4b:s9+s3], $0x80, v17, vm0, $0xb8;
	[tilespmem:$0x10A00] =	vst v63  }
0xb7: {  	v17 =	vld [tilespmem:$0xB0];
	_ =	sdelay $0x4  }
0xb8: {  	v18 =	vshll.u32 v17, $0x1  }
0xb9: {  	v17 =	vand.u32 $0x7, v17;
	v18 =	vand.u32 $0xFFFFFFF0, v18  }
0xba: {  	v17 =	vor.u32 v17, v18  }
0xbb: {  	v18 =	vperm.xlane v17, v2;
	_ =	sdelay $0x1  }
0xbc: {  	v19 =	vperm.xlane v17, v1;
	v18 =	vadd.s32 v3, v18;
	_ =	sdelay $0x1  }
0xbd: {  	v25 =	vperm.xlane v17, v4;
	v19 =	vadd.s32 v3, v19;
	_ =	sdelay $0x1  }
0xbe: {  	s15 =	simm.s32 $0x6800;
	v26 =	vperm.xlane v17, v5;
	v20 =	vadd.s32 v3, v25  }
0xbf: {  	[tilespmem:s15], [sflag:$0x2] =	stream.indirect_vreg.gather [hbm4b:s9+s3], $0x80, v18, vm0, $0xb8;
	[tilespmem:$0x10A00] =	vst v63  }
0xc0: {  	s5 =	simm.s32 $0x6880;
	v27 =	vperm.xlane v17, v6;
	v18 =	vadd.s32 v3, v26  }
0xc1: {  	[tilespmem:s5], [sflag:$0x2] =	stream.indirect_vreg.gather [hbm4b:s9+s3], $0x80, v19, vm0, $0xb8;
	[tilespmem:$0x10A00] =	vst v63  }
0xc2: {  	s7 =	simm.s32 $0x6900;
	v28 =	vperm.xlane v17, v7;
	v19 =	vadd.s32 v3, v27  }
0xc3: {  	[tilespmem:s7], [sflag:$0x2] =	stream.indirect_vreg.gather [hbm4b:s9+s3], $0x80, v20, vm0, $0xb8;
	[tilespmem:$0x10A00] =	vst v63  }
0xc4: {  	s10 =	simm.s32 $0x6980;
	v30 =	vperm.xlane v17, v8;
	v29 =	vadd.s32 v3, v28  }
0xc5: {  	[tilespmem:s10], [sflag:$0x2] =	stream.indirect_vreg.gather [hbm4b:s9+s3], $0x80, v18, vm0, $0xb8;
	[tilespmem:$0x10A00] =	vst v63  }
0xc6: {  	s11 =	simm.s32 $0x6A00;
	v31 =	vperm.xlane v17, v0;
	v18 =	vadd.s32 v3, v30  }
0xc7: {  	[tilespmem:s11], [sflag:$0x2] =	stream.indirect_vreg.gather [hbm4b:s9+s3], $0x80, v19, vm0, $0xb8;
	[tilespmem:$0x10A00] =	vst v63  }
0xc8: {  	s12 =	simm.s32 $0x6A80;
	v32 =	vperm.xlane v17, v9;
	v19 =	vadd.s32 v3, v31  }
0xc9: {  	[tilespmem:s12], [sflag:$0x2] =	stream.indirect_vreg.gather [hbm4b:s9+s3], $0x80, v29, vm0, $0xb8;
	[tilespmem:$0x10A00] =	vst v63  }
0xca: {  	v34 =	vperm.xlane v17, v10;
	v33 =	vadd.s32 v3, v32;
	s15 =	simm.s32 $0x6B00  }
0xcb: {  	[tilespmem:s15], [sflag:$0x2] =	stream.indirect_vreg.gather [hbm4b:s9+s3], $0x80, v18, vm0, $0xb8;
	[tilespmem:$0x10A00] =	vst v63  }
0xcc: {  	v35 =	vperm.xlane v17, v11;
	s5 =	simm.s32 $0x6B80;
	v18 =	vadd.s32 v3, v34  }
0xcd: {  	[tilespmem:s5], [sflag:$0x2] =	stream.indirect_vreg.gather [hbm4b:s9+s3], $0x80, v19, vm0, $0xb8;
	[tilespmem:$0x10A00] =	vst v63  }
0xce: {  	v36 =	vperm.xlane v17, v12;
	s7 =	simm.s32 $0x6C00;
	v19 =	vadd.s32 v3, v35  }
0xcf: {  	[tilespmem:s7], [sflag:$0x2] =	stream.indirect_vreg.gather [hbm4b:s9+s3], $0x80, v33, vm0, $0xb8;
	[tilespmem:$0x10A00] =	vst v63  }
0xd0: {  	v38 =	vperm.xlane v17, v13;
	v37 =	vadd.s32 v3, v36;
	s10 =	simm.s32 $0x6C80  }
0xd1: {  	[tilespmem:s10], [sflag:$0x2] =	stream.indirect_vreg.gather [hbm4b:s9+s3], $0x80, v18, vm0, $0xb8;
	[tilespmem:$0x10A00] =	vst v63  }
0xd2: {  	v39 =	vperm.xlane v17, v14;
	s11 =	simm.s32 $0x6D00;
	v18 =	vadd.s32 v3, v38  }
0xd3: {  	[tilespmem:s11], [sflag:$0x2] =	stream.indirect_vreg.gather [hbm4b:s9+s3], $0x80, v19, vm0, $0xb8;
	[tilespmem:$0x10A00] =	vst v63  }
0xd4: {  	v40 =	vperm.xlane v17, v15;
	s12 =	simm.s32 $0x6D80;
	v19 =	vadd.s32 v3, v39  }
0xd5: {  	[tilespmem:s12], [sflag:$0x2] =	stream.indirect_vreg.gather [hbm4b:s9+s3], $0x80, v37, vm0, $0xb8;
	[tilespmem:$0x10A00] =	vst v63  }
0xd6: {  	v17 =	vperm.xlane v17, v16;
	v41 =	vadd.s32 v3, v40;
	s15 =	simm.s32 $0x6E00  }
0xd7: {  	[tilespmem:s15], [sflag:$0x2] =	stream.indirect_vreg.gather [hbm4b:s9+s3], $0x80, v18, vm0, $0xb8;
	[tilespmem:$0x10A00] =	vst v63  }
0xd8: {  	v17 =	vadd.s32 v3, v17;
	s5 =	simm.s32 $0x6E80  }
0xd9: {  	[tilespmem:s5], [sflag:$0x2] =	stream.indirect_vreg.gather [hbm4b:s9+s3], $0x80, v19, vm0, $0xb8;
	[tilespmem:$0x10A00] =	vst v63  }
0xda: {  	s7 =	simm.s32 $0x6F00  }
0xdb: {  	[tilespmem:s7], [sflag:$0x2] =	stream.indirect_vreg.gather [hbm4b:s9+s3], $0x80, v41, vm0, $0xb8;
	[tilespmem:$0x10A00] =	vst v63  }
0xdc: {  	s10 =	simm.s32 $0x6F80  }
0xdd: {  	[tilespmem:s10], [sflag:$0x2] =	stream.indirect_vreg.gather [hbm4b:s9+s3], $0x80, v17, vm0, $0xb8;
	[tilespmem:$0x10A00] =	vst v63  }
0xde: {  	v17 =	vld [tilespmem:$0x120];
	_ =	sdelay $0x4  }
0xdf: {  	v18 =	vshll.u32 v17, $0x1  }
0xe0: {  	v17 =	vand.u32 $0x7, v17;
	v18 =	vand.u32 $0xFFFFFFF0, v18  }
0xe1: {  	v17 =	vor.u32 v17, v18  }
0xe2: {  	v18 =	vperm.xlane v17, v2;
	_ =	sdelay $0x1  }
0xe3: {  	v19 =	vperm.xlane v17, v1;
	v18 =	vadd.s32 v3, v18;
	_ =	sdelay $0x1  }
0xe4: {  	v42 =	vperm.xlane v17, v4;
	v19 =	vadd.s32 v3, v19;
	_ =	sdelay $0x1  }
0xe5: {  	v43 =	vperm.xlane v17, v5;
	v20 =	vadd.s32 v3, v42  }
0xe6: {  	[tilespmem:s30], [sflag:$0x3] =	stream.indirect_vreg.gather [hbm4b:s9+s3], $0x80, v18, vm0, $0xb8;
	[tilespmem:$0x10A00] =	vst v63  }
0xe7: {  	s11 =	simm.s32 $0x7080;
	v44 =	vperm.xlane v17, v6;
	v18 =	vadd.s32 v3, v43  }
0xe8: {  	[tilespmem:s11], [sflag:$0x3] =	stream.indirect_vreg.gather [hbm4b:s9+s3], $0x80, v19, vm0, $0xb8;
	[tilespmem:$0x10A00] =	vst v63  }
0xe9: {  	s12 =	simm.s32 $0x7100;
	v45 =	vperm.xlane v17, v7;
	v19 =	vadd.s32 v3, v44  }
0xea: {  	[tilespmem:s12], [sflag:$0x3] =	stream.indirect_vreg.gather [hbm4b:s9+s3], $0x80, v20, vm0, $0xb8;
	[tilespmem:$0x10A00] =	vst v63  }
0xeb: {  	s15 =	simm.s32 $0x7180;
	v47 =	vperm.xlane v17, v8;
	v46 =	vadd.s32 v3, v45  }
0xec: {  	[tilespmem:s15], [sflag:$0x3] =	stream.indirect_vreg.gather [hbm4b:s9+s3], $0x80, v18, vm0, $0xb8;
	[tilespmem:$0x10A00] =	vst v63  }
0xed: {  	s5 =	simm.s32 $0x7200;
	v48 =	vperm.xlane v17, v0;
	v18 =	vadd.s32 v3, v47  }
0xee: {  	[tilespmem:s5], [sflag:$0x3] =	stream.indirect_vreg.gather [hbm4b:s9+s3], $0x80, v19, vm0, $0xb8;
	[tilespmem:$0x10A00] =	vst v63  }
0xef: {  	s7 =	simm.s32 $0x7280;
	v49 =	vperm.xlane v17, v9;
	v19 =	vadd.s32 v3, v48  }
0xf0: {  	[tilespmem:s7], [sflag:$0x3] =	stream.indirect_vreg.gather [hbm4b:s9+s3], $0x80, v46, vm0, $0xb8;
	[tilespmem:$0x10A00] =	vst v63  }
0xf1: {  	s10 =	simm.s32 $0x7300;
	v51 =	vperm.xlane v17, v10;
	v50 =	vadd.s32 v3, v49  }
0xf2: {  	[tilespmem:s10], [sflag:$0x3] =	stream.indirect_vreg.gather [hbm4b:s9+s3], $0x80, v18, vm0, $0xb8;
	[tilespmem:$0x10A00] =	vst v63  }
0xf3: {  	v52 =	vperm.xlane v17, v11;
	s11 =	simm.s32 $0x7380;
	v18 =	vadd.s32 v3, v51  }
0xf4: {  	[tilespmem:s11], [sflag:$0x3] =	stream.indirect_vreg.gather [hbm4b:s9+s3], $0x80, v19, vm0, $0xb8;
	[tilespmem:$0x10A00] =	vst v63  }
0xf5: {  	v53 =	vperm.xlane v17, v12;
	s12 =	simm.s32 $0x7400;
	v19 =	vadd.s32 v3, v52  }
0xf6: {  	[tilespmem:s12], [sflag:$0x3] =	stream.indirect_vreg.gather [hbm4b:s9+s3], $0x80, v50, vm0, $0xb8;
	[tilespmem:$0x10A00] =	vst v63  }
0xf7: {  	v55 =	vperm.xlane v17, v13;
	v54 =	vadd.s32 v3, v53;
	s15 =	simm.s32 $0x7480  }
0xf8: {  	[tilespmem:s15], [sflag:$0x3] =	stream.indirect_vreg.gather [hbm4b:s9+s3], $0x80, v18, vm0, $0xb8;
	[tilespmem:$0x10A00] =	vst v63  }
0xf9: {  	v56 =	vperm.xlane v17, v14;
	s5 =	simm.s32 $0x7500;
	v18 =	vadd.s32 v3, v55  }
0xfa: {  	[tilespmem:s5], [sflag:$0x3] =	stream.indirect_vreg.gather [hbm4b:s9+s3], $0x80, v19, vm0, $0xb8;
	[tilespmem:$0x10A00] =	vst v63  }
0xfb: {  	v57 =	vperm.xlane v17, v15;
	s7 =	simm.s32 $0x7580;
	v19 =	vadd.s32 v3, v56  }
0xfc: {  	[tilespmem:s7], [sflag:$0x3] =	stream.indirect_vreg.gather [hbm4b:s9+s3], $0x80, v54, vm0, $0xb8;
	[tilespmem:$0x10A00] =	vst v63  }
0xfd: {  	v17 =	vperm.xlane v17, v16;
	v58 =	vadd.s32 v3, v57;
	s10 =	simm.s32 $0x7600  }
0xfe: {  	[tilespmem:s10], [sflag:$0x3] =	stream.indirect_vreg.gather [hbm4b:s9+s3], $0x80, v18, vm0, $0xb8;
	[tilespmem:$0x10A00] =	vst v63  }
0xff: {  	v17 =	vadd.s32 v3, v17;
	s11 =	simm.s32 $0x7680  }
0x100: {  	[tilespmem:s11], [sflag:$0x3] =	stream.indirect_vreg.gather [hbm4b:s9+s3], $0x80, v19, vm0, $0xb8;
	[tilespmem:$0x10A00] =	vst v63  }
0x101: {  	s12 =	simm.s32 $0x7700  }
0x102: {  	[tilespmem:s12], [sflag:$0x3] =	stream.indirect_vreg.gather [hbm4b:s9+s3], $0x80, v58, vm0, $0xb8;
	[tilespmem:$0x10A00] =	vst v63  }
0x103: {  	s15 =	simm.s32 $0x7780  }
0x104: {  	[tilespmem:s15], [sflag:$0x3] =	stream.indirect_vreg.gather [hbm4b:s9+s3], $0x80, v17, vm0, $0xb8;
	[tilespmem:$0x10A00] =	vst v63  }
0x105: {  	v17 =	vld [tilespmem:$0x130];
	_ =	sdelay $0x4  }
0x106: {  	v18 =	vshll.u32 v17, $0x1  }
0x107: {  	v17 =	vand.u32 $0x7, v17;
	v18 =	vand.u32 $0xFFFFFFF0, v18  }
0x108: {  	v17 =	vor.u32 v17, v18  }
0x109: {  	v18 =	vperm.xlane v17, v2;
	_ =	sdelay $0x1  }
0x10a: {  	v19 =	vperm.xlane v17, v1;
	v18 =	vadd.s32 v3, v18;
	_ =	sdelay $0x1  }
0x10b: {  	v59 =	vperm.xlane v17, v4;
	v19 =	vadd.s32 v3, v19;
	_ =	sdelay $0x1  }
0x10c: {  	s5 =	simm.s32 $0x7800;
	v60 =	vperm.xlane v17, v5;
	v20 =	vadd.s32 v3, v59  }
0x10d: {  	[tilespmem:s5], [sflag:$0x3] =	stream.indirect_vreg.gather [hbm4b:s9+s3], $0x80, v18, vm0, $0xb8;
	[tilespmem:$0x10A00] =	vst v63  }
0x10e: {  	s7 =	simm.s32 $0x7880;
	v61 =	vperm.xlane v17, v6;
	v18 =	vadd.s32 v3, v60  }
0x10f: {  	[tilespmem:s7], [sflag:$0x3] =	stream.indirect_vreg.gather [hbm4b:s9+s3], $0x80, v19, vm0, $0xb8;
	[tilespmem:$0x10A00] =	vst v63  }
0x110: {  	s10 =	simm.s32 $0x7900;
	v62 =	vperm.xlane v17, v7;
	v19 =	vadd.s32 v3, v61  }
0x111: {  	[tilespmem:s10], [sflag:$0x3] =	stream.indirect_vreg.gather [hbm4b:s9+s3], $0x80, v20, vm0, $0xb8;
	[tilespmem:$0x10A00] =	vst v63  }
0x112: {  	s11 =	simm.s32 $0x7980;
	v24 =	vperm.xlane v17, v8;
	v63 =	vadd.s32 v3, v62  }
0x113: {  	[tilespmem:s11], [sflag:$0x3] =	stream.indirect_vreg.gather [hbm4b:s9+s3], $0x80, v18, vm0, $0xb8;
	[tilespmem:$0x10A00] =	vst v63  }
0x114: {  	s12 =	simm.s32 $0x7A00;
	v25 =	vperm.xlane v17, v0;
	v18 =	vadd.s32 v3, v24  }
0x115: {  	[tilespmem:s12], [sflag:$0x3] =	stream.indirect_vreg.gather [hbm4b:s9+s3], $0x80, v19, vm0, $0xb8;
	[tilespmem:$0x10A00] =	vst v63  }
0x116: {  	s15 =	simm.s32 $0x7A80;
	v26 =	vperm.xlane v17, v9;
	v19 =	vadd.s32 v3, v25  }
0x117: {  	[tilespmem:s15], [sflag:$0x3] =	stream.indirect_vreg.gather [hbm4b:s9+s3], $0x80, v63, vm0, $0xb8;
	[tilespmem:$0x10A00] =	vst v63  }
0x118: {  	v28 =	vperm.xlane v17, v10;
	v27 =	vadd.s32 v3, v26;
	s5 =	simm.s32 $0x7B00  }
0x119: {  	[tilespmem:s5], [sflag:$0x3] =	stream.indirect_vreg.gather [hbm4b:s9+s3], $0x80, v18, vm0, $0xb8;
	[tilespmem:$0x10A00] =	vst v63  }
0x11a: {  	v29 =	vperm.xlane v17, v11;
	s7 =	simm.s32 $0x7B80;
	v18 =	vadd.s32 v3, v28  }
0x11b: {  	[tilespmem:s7], [sflag:$0x3] =	stream.indirect_vreg.gather [hbm4b:s9+s3], $0x80, v19, vm0, $0xb8;
	[tilespmem:$0x10A00] =	vst v63  }
0x11c: {  	v30 =	vperm.xlane v17, v12;
	s10 =	simm.s32 $0x7C00;
	v19 =	vadd.s32 v3, v29  }
0x11d: {  	[tilespmem:s10], [sflag:$0x3] =	stream.indirect_vreg.gather [hbm4b:s9+s3], $0x80, v27, vm0, $0xb8;
	[tilespmem:$0x10A00] =	vst v63  }
0x11e: {  	v32 =	vperm.xlane v17, v13;
	v31 =	vadd.s32 v3, v30;
	s11 =	simm.s32 $0x7C80  }
0x11f: {  	[tilespmem:s11], [sflag:$0x3] =	stream.indirect_vreg.gather [hbm4b:s9+s3], $0x80, v18, vm0, $0xb8;
	[tilespmem:$0x10A00] =	vst v63  }
0x120: {  	v33 =	vperm.xlane v17, v14;
	s12 =	simm.s32 $0x7D00;
	v18 =	vadd.s32 v3, v32  }
0x121: {  	[tilespmem:s12], [sflag:$0x3] =	stream.indirect_vreg.gather [hbm4b:s9+s3], $0x80, v19, vm0, $0xb8;
	[tilespmem:$0x10A00] =	vst v63  }
0x122: {  	v34 =	vperm.xlane v17, v15;
	s15 =	simm.s32 $0x7D80;
	v19 =	vadd.s32 v3, v33  }
0x123: {  	[tilespmem:s15], [sflag:$0x3] =	stream.indirect_vreg.gather [hbm4b:s9+s3], $0x80, v31, vm0, $0xb8;
	[tilespmem:$0x10A00] =	vst v63  }
0x124: {  	v17 =	vperm.xlane v17, v16;
	v35 =	vadd.s32 v3, v34;
	s5 =	simm.s32 $0x7E00  }
0x125: {  	[tilespmem:s5], [sflag:$0x3] =	stream.indirect_vreg.gather [hbm4b:s9+s3], $0x80, v18, vm0, $0xb8;
	[tilespmem:$0x10A00] =	vst v63  }
0x126: {  	v17 =	vadd.s32 v3, v17;
	s7 =	simm.s32 $0x7E80  }
0x127: {  	[tilespmem:s7], [sflag:$0x3] =	stream.indirect_vreg.gather [hbm4b:s9+s3], $0x80, v19, vm0, $0xb8;
	[tilespmem:$0x10A00] =	vst v63  }
0x128: {  	s10 =	simm.s32 $0x7F00  }
0x129: {  	[tilespmem:s10], [sflag:$0x3] =	stream.indirect_vreg.gather [hbm4b:s9+s3], $0x80, v35, vm0, $0xb8;
	[tilespmem:$0x10A00] =	vst v63  }
0x12a: {  	s11 =	simm.s32 $0x7F80  }
0x12b: {  	[tilespmem:s11], [sflag:$0x3] =	stream.indirect_vreg.gather [hbm4b:s9+s3], $0x80, v17, vm0, $0xb8;
	[tilespmem:$0x10A00] =	vst v63  }
0x12c: {  	v17 =	vld [tilespmem:$0x1A0];
	_ =	sdelay $0x4  }
0x12d: {  	v18 =	vshll.u32 v17, $0x1  }
0x12e: {  	v17 =	vand.u32 $0x7, v17;
	v18 =	vand.u32 $0xFFFFFFF0, v18  }
0x12f: {  	v17 =	vor.u32 v17, v18  }
0x130: {  	v18 =	vperm.xlane v17, v2;
	_ =	sdelay $0x1  }
0x131: {  	v19 =	vperm.xlane v17, v1;
	v18 =	vadd.s32 v3, v18;
	_ =	sdelay $0x1  }
0x132: {  	v36 =	vperm.xlane v17, v4;
	v19 =	vadd.s32 v3, v19;
	_ =	sdelay $0x1  }
0x133: {  	v37 =	vperm.xlane v17, v5;
	v20 =	vadd.s32 v3, v36  }
0x134: {  	[tilespmem:s8], [sflag:$0x4] =	stream.indirect_vreg.gather [hbm4b:s9+s3], $0x80, v18, vm0, $0xb8;
	[tilespmem:$0x10A00] =	vst v63  }
0x135: {  	s12 =	simm.s32 $0x8080;
	v38 =	vperm.xlane v17, v6;
	v18 =	vadd.s32 v3, v37  }
0x136: {  	[tilespmem:s12], [sflag:$0x4] =	stream.indirect_vreg.gather [hbm4b:s9+s3], $0x80, v19, vm0, $0xb8;
	[tilespmem:$0x10A00] =	vst v63  }
0x137: {  	s15 =	simm.s32 $0x8100;
	v39 =	vperm.xlane v17, v7;
	v19 =	vadd.s32 v3, v38  }
0x138: {  	[tilespmem:s15], [sflag:$0x4] =	stream.indirect_vreg.gather [hbm4b:s9+s3], $0x80, v20, vm0, $0xb8;
	[tilespmem:$0x10A00] =	vst v63  }
0x139: {  	s5 =	simm.s32 $0x8180;
	v41 =	vperm.xlane v17, v8;
	v40 =	vadd.s32 v3, v39  }
0x13a: {  	[tilespmem:s5], [sflag:$0x4] =	stream.indirect_vreg.gather [hbm4b:s9+s3], $0x80, v18, vm0, $0xb8;
	[tilespmem:$0x10A00] =	vst v63  }
0x13b: {  	s7 =	simm.s32 $0x8200;
	v42 =	vperm.xlane v17, v0;
	v18 =	vadd.s32 v3, v41  }
0x13c: {  	[tilespmem:s7], [sflag:$0x4] =	stream.indirect_vreg.gather [hbm4b:s9+s3], $0x80, v19, vm0, $0xb8;
	[tilespmem:$0x10A00] =	vst v63  }
0x13d: {  	s10 =	simm.s32 $0x8280;
	v43 =	vperm.xlane v17, v9;
	v19 =	vadd.s32 v3, v42  }
0x13e: {  	[tilespmem:s10], [sflag:$0x4] =	stream.indirect_vreg.gather [hbm4b:s9+s3], $0x80, v40, vm0, $0xb8;
	[tilespmem:$0x10A00] =	vst v63  }
0x13f: {  	s11 =	simm.s32 $0x8300;
	v45 =	vperm.xlane v17, v10;
	v44 =	vadd.s32 v3, v43  }
0x140: {  	[tilespmem:s11], [sflag:$0x4] =	stream.indirect_vreg.gather [hbm4b:s9+s3], $0x80, v18, vm0, $0xb8;
	[tilespmem:$0x10A00] =	vst v63  }
0x141: {  	v46 =	vperm.xlane v17, v11;
	s12 =	simm.s32 $0x8380;
	v18 =	vadd.s32 v3, v45  }
0x142: {  	[tilespmem:s12], [sflag:$0x4] =	stream.indirect_vreg.gather [hbm4b:s9+s3], $0x80, v19, vm0, $0xb8;
	[tilespmem:$0x10A00] =	vst v63  }
0x143: {  	v47 =	vperm.xlane v17, v12;
	s15 =	simm.s32 $0x8400;
	v19 =	vadd.s32 v3, v46  }
0x144: {  	[tilespmem:s15], [sflag:$0x4] =	stream.indirect_vreg.gather [hbm4b:s9+s3], $0x80, v44, vm0, $0xb8;
	[tilespmem:$0x10A00] =	vst v63  }
0x145: {  	v49 =	vperm.xlane v17, v13;
	v48 =	vadd.s32 v3, v47;
	s5 =	simm.s32 $0x8480  }
0x146: {  	[tilespmem:s5], [sflag:$0x4] =	stream.indirect_vreg.gather [hbm4b:s9+s3], $0x80, v18, vm0, $0xb8;
	[tilespmem:$0x10A00] =	vst v63  }
0x147: {  	v50 =	vperm.xlane v17, v14;
	s7 =	simm.s32 $0x8500;
	v18 =	vadd.s32 v3, v49  }
0x148: {  	[tilespmem:s7], [sflag:$0x4] =	stream.indirect_vreg.gather [hbm4b:s9+s3], $0x80, v19, vm0, $0xb8;
	[tilespmem:$0x10A00] =	vst v63  }
0x149: {  	v51 =	vperm.xlane v17, v15;
	s10 =	simm.s32 $0x8580;
	v19 =	vadd.s32 v3, v50  }
0x14a: {  	[tilespmem:s10], [sflag:$0x4] =	stream.indirect_vreg.gather [hbm4b:s9+s3], $0x80, v48, vm0, $0xb8;
	[tilespmem:$0x10A00] =	vst v63  }
0x14b: {  	v17 =	vperm.xlane v17, v16;
	v52 =	vadd.s32 v3, v51;
	s11 =	simm.s32 $0x8600  }
0x14c: {  	[tilespmem:s11], [sflag:$0x4] =	stream.indirect_vreg.gather [hbm4b:s9+s3], $0x80, v18, vm0, $0xb8;
	[tilespmem:$0x10A00] =	vst v63  }
0x14d: {  	v17 =	vadd.s32 v3, v17;
	s12 =	simm.s32 $0x8680  }
0x14e: {  	[tilespmem:s12], [sflag:$0x4] =	stream.indirect_vreg.gather [hbm4b:s9+s3], $0x80, v19, vm0, $0xb8;
	[tilespmem:$0x10A00] =	vst v63  }
0x14f: {  	s15 =	simm.s32 $0x8700  }
0x150: {  	[tilespmem:s15], [sflag:$0x4] =	stream.indirect_vreg.gather [hbm4b:s9+s3], $0x80, v52, vm0, $0xb8;
	[tilespmem:$0x10A00] =	vst v63  }
0x151: {  	s5 =	simm.s32 $0x8780  }
0x152: {  	[tilespmem:s5], [sflag:$0x4] =	stream.indirect_vreg.gather [hbm4b:s9+s3], $0x80, v17, vm0, $0xb8;
	[tilespmem:$0x10A00] =	vst v63  }
0x153: {  	v17 =	vld [tilespmem:$0x1B0];
	_ =	sdelay $0x4  }
0x154: {  	v18 =	vshll.u32 v17, $0x1  }
0x155: {  	v17 =	vand.u32 $0x7, v17;
	v18 =	vand.u32 $0xFFFFFFF0, v18  }
0x156: {  	v17 =	vor.u32 v17, v18  }
0x157: {  	v18 =	vperm.xlane v17, v2;
	_ =	sdelay $0x1  }
0x158: {  	v19 =	vperm.xlane v17, v1;
	v18 =	vadd.s32 v3, v18;
	_ =	sdelay $0x1  }
0x159: {  	v53 =	vperm.xlane v17, v4;
	v19 =	vadd.s32 v3, v19;
	_ =	sdelay $0x1  }
0x15a: {  	s7 =	simm.s32 $0x8800;
	v54 =	vperm.xlane v17, v5;
	v20 =	vadd.s32 v3, v53  }
0x15b: {  	[tilespmem:s7], [sflag:$0x4] =	stream.indirect_vreg.gather [hbm4b:s9+s3], $0x80, v18, vm0, $0xb8;
	[tilespmem:$0x10A00] =	vst v63  }
0x15c: {  	s10 =	simm.s32 $0x8880;
	v55 =	vperm.xlane v17, v6;
	v18 =	vadd.s32 v3, v54  }
0x15d: {  	[tilespmem:s10], [sflag:$0x4] =	stream.indirect_vreg.gather [hbm4b:s9+s3], $0x80, v19, vm0, $0xb8;
	[tilespmem:$0x10A00] =	vst v63  }
0x15e: {  	s11 =	simm.s32 $0x8900;
	v56 =	vperm.xlane v17, v7;
	v19 =	vadd.s32 v3, v55  }
0x15f: {  	[tilespmem:s11], [sflag:$0x4] =	stream.indirect_vreg.gather [hbm4b:s9+s3], $0x80, v20, vm0, $0xb8;
	[tilespmem:$0x10A00] =	vst v63  }
0x160: {  	s12 =	simm.s32 $0x8980;
	v58 =	vperm.xlane v17, v8;
	v57 =	vadd.s32 v3, v56  }
0x161: {  	[tilespmem:s12], [sflag:$0x4] =	stream.indirect_vreg.gather [hbm4b:s9+s3], $0x80, v18, vm0, $0xb8;
	[tilespmem:$0x10A00] =	vst v63  }
0x162: {  	s15 =	simm.s32 $0x8A00;
	v59 =	vperm.xlane v17, v0;
	v18 =	vadd.s32 v3, v58  }
0x163: {  	[tilespmem:s15], [sflag:$0x4] =	stream.indirect_vreg.gather [hbm4b:s9+s3], $0x80, v19, vm0, $0xb8;
	[tilespmem:$0x10A00] =	vst v63  }
0x164: {  	s5 =	simm.s32 $0x8A80;
	v60 =	vperm.xlane v17, v9;
	v19 =	vadd.s32 v3, v59  }
0x165: {  	[tilespmem:s5], [sflag:$0x4] =	stream.indirect_vreg.gather [hbm4b:s9+s3], $0x80, v57, vm0, $0xb8;
	[tilespmem:$0x10A00] =	vst v63  }
0x166: {  	v62 =	vperm.xlane v17, v10;
	v61 =	vadd.s32 v3, v60;
	s7 =	simm.s32 $0x8B00  }
0x167: {  	[tilespmem:s7], [sflag:$0x4] =	stream.indirect_vreg.gather [hbm4b:s9+s3], $0x80, v18, vm0, $0xb8;
	[tilespmem:$0x10A00] =	vst v63  }
0x168: {  	v63 =	vperm.xlane v17, v11;
	s10 =	simm.s32 $0x8B80;
	v18 =	vadd.s32 v3, v62  }
0x169: {  	[tilespmem:s10], [sflag:$0x4] =	stream.indirect_vreg.gather [hbm4b:s9+s3], $0x80, v19, vm0, $0xb8;
	[tilespmem:$0x10A00] =	vst v63  }
0x16a: {  	v24 =	vperm.xlane v17, v12;
	s11 =	simm.s32 $0x8C00;
	v19 =	vadd.s32 v3, v63  }
0x16b: {  	[tilespmem:s11], [sflag:$0x4] =	stream.indirect_vreg.gather [hbm4b:s9+s3], $0x80, v61, vm0, $0xb8;
	[tilespmem:$0x10A00] =	vst v63  }
0x16c: {  	v26 =	vperm.xlane v17, v13;
	v25 =	vadd.s32 v3, v24;
	s12 =	simm.s32 $0x8C80  }
0x16d: {  	[tilespmem:s12], [sflag:$0x4] =	stream.indirect_vreg.gather [hbm4b:s9+s3], $0x80, v18, vm0, $0xb8;
	[tilespmem:$0x10A00] =	vst v63  }
0x16e: {  	v27 =	vperm.xlane v17, v14;
	s15 =	simm.s32 $0x8D00;
	v18 =	vadd.s32 v3, v26  }
0x16f: {  	[tilespmem:s15], [sflag:$0x4] =	stream.indirect_vreg.gather [hbm4b:s9+s3], $0x80, v19, vm0, $0xb8;
	[tilespmem:$0x10A00] =	vst v63  }
0x170: {  	v28 =	vperm.xlane v17, v15;
	s5 =	simm.s32 $0x8D80;
	v19 =	vadd.s32 v3, v27  }
0x171: {  	[tilespmem:s5], [sflag:$0x4] =	stream.indirect_vreg.gather [hbm4b:s9+s3], $0x80, v25, vm0, $0xb8;
	[tilespmem:$0x10A00] =	vst v63  }
0x172: {  	v17 =	vperm.xlane v17, v16;
	v29 =	vadd.s32 v3, v28;
	s7 =	simm.s32 $0x8E00  }
0x173: {  	[tilespmem:s7], [sflag:$0x4] =	stream.indirect_vreg.gather [hbm4b:s9+s3], $0x80, v18, vm0, $0xb8;
	[tilespmem:$0x10A00] =	vst v63  }
0x174: {  	v17 =	vadd.s32 v3, v17;
	s10 =	simm.s32 $0x8E80  }
0x175: {  	[tilespmem:s10], [sflag:$0x4] =	stream.indirect_vreg.gather [hbm4b:s9+s3], $0x80, v19, vm0, $0xb8;
	[tilespmem:$0x10A00] =	vst v63  }
0x176: {  	s11 =	simm.s32 $0x8F00  }
0x177: {  	[tilespmem:s11], [sflag:$0x4] =	stream.indirect_vreg.gather [hbm4b:s9+s3], $0x80, v29, vm0, $0xb8;
	[tilespmem:$0x10A00] =	vst v63  }
0x178: {  	s12 =	simm.s32 $0x8F80  }
0x179: {  	[tilespmem:s12], [sflag:$0x4] =	stream.indirect_vreg.gather [hbm4b:s9+s3], $0x80, v17, vm0, $0xb8;
	[tilespmem:$0x10A00] =	vst v63  }
0x17a: {  	v17 =	vld [tilespmem:$0x220];
	_ =	sdelay $0x4  }
0x17b: {  	v18 =	vshll.u32 v17, $0x1  }
0x17c: {  	v17 =	vand.u32 $0x7, v17;
	v18 =	vand.u32 $0xFFFFFFF0, v18  }
0x17d: {  	v17 =	vor.u32 v17, v18  }
0x17e: {  	v18 =	vperm.xlane v17, v2;
	_ =	sdelay $0x1  }
0x17f: {  	v19 =	vperm.xlane v17, v1;
	v18 =	vadd.s32 v3, v18;
	_ =	sdelay $0x1  }
0x180: {  	v30 =	vperm.xlane v17, v4;
	v19 =	vadd.s32 v3, v19;
	_ =	sdelay $0x1  }
0x181: {  	v31 =	vperm.xlane v17, v5;
	v20 =	vadd.s32 v3, v30  }
0x182: {  	[tilespmem:s20], [sflag:$0x5] =	stream.indirect_vreg.gather [hbm4b:s9+s3], $0x80, v18, vm0, $0xb8;
	[tilespmem:$0x10A00] =	vst v63  }
0x183: {  	s15 =	simm.s32 $0x9080;
	v32 =	vperm.xlane v17, v6;
	v18 =	vadd.s32 v3, v31  }
0x184: {  	[tilespmem:s15], [sflag:$0x5] =	stream.indirect_vreg.gather [hbm4b:s9+s3], $0x80, v19, vm0, $0xb8;
	[tilespmem:$0x10A00] =	vst v63  }
0x185: {  	s5 =	simm.s32 $0x9100;
	v33 =	vperm.xlane v17, v7;
	v19 =	vadd.s32 v3, v32  }
0x186: {  	[tilespmem:s5], [sflag:$0x5] =	stream.indirect_vreg.gather [hbm4b:s9+s3], $0x80, v20, vm0, $0xb8;
	[tilespmem:$0x10A00] =	vst v63  }
0x187: {  	s7 =	simm.s32 $0x9180;
	v35 =	vperm.xlane v17, v8;
	v34 =	vadd.s32 v3, v33  }
0x188: {  	[tilespmem:s7], [sflag:$0x5] =	stream.indirect_vreg.gather [hbm4b:s9+s3], $0x80, v18, vm0, $0xb8;
	[tilespmem:$0x10A00] =	vst v63  }
0x189: {  	s10 =	simm.s32 $0x9200;
	v36 =	vperm.xlane v17, v0;
	v18 =	vadd.s32 v3, v35  }
0x18a: {  	[tilespmem:s10], [sflag:$0x5] =	stream.indirect_vreg.gather [hbm4b:s9+s3], $0x80, v19, vm0, $0xb8;
	[tilespmem:$0x10A00] =	vst v63  }
0x18b: {  	s11 =	simm.s32 $0x9280;
	v37 =	vperm.xlane v17, v9;
	v19 =	vadd.s32 v3, v36  }
0x18c: {  	[tilespmem:s11], [sflag:$0x5] =	stream.indirect_vreg.gather [hbm4b:s9+s3], $0x80, v34, vm0, $0xb8;
	[tilespmem:$0x10A00] =	vst v63  }
0x18d: {  	s12 =	simm.s32 $0x9300;
	v39 =	vperm.xlane v17, v10;
	v38 =	vadd.s32 v3, v37  }
0x18e: {  	[tilespmem:s12], [sflag:$0x5] =	stream.indirect_vreg.gather [hbm4b:s9+s3], $0x80, v18, vm0, $0xb8;
	[tilespmem:$0x10A00] =	vst v63  }
0x18f: {  	v40 =	vperm.xlane v17, v11;
	s15 =	simm.s32 $0x9380;
	v18 =	vadd.s32 v3, v39  }
0x190: {  	[tilespmem:s15], [sflag:$0x5] =	stream.indirect_vreg.gather [hbm4b:s9+s3], $0x80, v19, vm0, $0xb8;
	[tilespmem:$0x10A00] =	vst v63  }
0x191: {  	v41 =	vperm.xlane v17, v12;
	s5 =	simm.s32 $0x9400;
	v19 =	vadd.s32 v3, v40  }
0x192: {  	[tilespmem:s5], [sflag:$0x5] =	stream.indirect_vreg.gather [hbm4b:s9+s3], $0x80, v38, vm0, $0xb8;
	[tilespmem:$0x10A00] =	vst v63  }
0x193: {  	v43 =	vperm.xlane v17, v13;
	v42 =	vadd.s32 v3, v41;
	s7 =	simm.s32 $0x9480  }
0x194: {  	[tilespmem:s7], [sflag:$0x5] =	stream.indirect_vreg.gather [hbm4b:s9+s3], $0x80, v18, vm0, $0xb8;
	[tilespmem:$0x10A00] =	vst v63  }
0x195: {  	v44 =	vperm.xlane v17, v14;
	s10 =	simm.s32 $0x9500;
	v18 =	vadd.s32 v3, v43  }
0x196: {  	[tilespmem:s10], [sflag:$0x5] =	stream.indirect_vreg.gather [hbm4b:s9+s3], $0x80, v19, vm0, $0xb8;
	[tilespmem:$0x10A00] =	vst v63  }
0x197: {  	v45 =	vperm.xlane v17, v15;
	s11 =	simm.s32 $0x9580;
	v19 =	vadd.s32 v3, v44  }
0x198: {  	[tilespmem:s11], [sflag:$0x5] =	stream.indirect_vreg.gather [hbm4b:s9+s3], $0x80, v42, vm0, $0xb8;
	[tilespmem:$0x10A00] =	vst v63  }
0x199: {  	v17 =	vperm.xlane v17, v16;
	v46 =	vadd.s32 v3, v45;
	s12 =	simm.s32 $0x9600  }
0x19a: {  	[tilespmem:s12], [sflag:$0x5] =	stream.indirect_vreg.gather [hbm4b:s9+s3], $0x80, v18, vm0, $0xb8;
	[tilespmem:$0x10A00] =	vst v63  }
0x19b: {  	v17 =	vadd.s32 v3, v17;
	s15 =	simm.s32 $0x9680  }
0x19c: {  	[tilespmem:s15], [sflag:$0x5] =	stream.indirect_vreg.gather [hbm4b:s9+s3], $0x80, v19, vm0, $0xb8;
	[tilespmem:$0x10A00] =	vst v63  }
0x19d: {  	s5 =	simm.s32 $0x9700  }
0x19e: {  	[tilespmem:s5], [sflag:$0x5] =	stream.indirect_vreg.gather [hbm4b:s9+s3], $0x80, v46, vm0, $0xb8;
	[tilespmem:$0x10A00] =	vst v63  }
0x19f: {  	s7 =	simm.s32 $0x9780  }
0x1a0: {  	[tilespmem:s7], [sflag:$0x5] =	stream.indirect_vreg.gather [hbm4b:s9+s3], $0x80, v17, vm0, $0xb8;
	[tilespmem:$0x10A00] =	vst v63  }
0x1a1: {  	v17 =	vld [tilespmem:$0x230];
	_ =	sdelay $0x4  }
0x1a2: {  	v18 =	vshll.u32 v17, $0x1  }
0x1a3: {  	v17 =	vand.u32 $0x7, v17;
	v18 =	vand.u32 $0xFFFFFFF0, v18  }
0x1a4: {  	v17 =	vor.u32 v17, v18  }
0x1a5: {  	v18 =	vperm.xlane v17, v2;
	_ =	sdelay $0x1  }
0x1a6: {  	v19 =	vperm.xlane v17, v1;
	v18 =	vadd.s32 v3, v18;
	_ =	sdelay $0x1  }
0x1a7: {  	v47 =	vperm.xlane v17, v4;
	v19 =	vadd.s32 v3, v19;
	_ =	sdelay $0x1  }
0x1a8: {  	s10 =	simm.s32 $0x9800;
	v48 =	vperm.xlane v17, v5;
	v20 =	vadd.s32 v3, v47  }
0x1a9: {  	[tilespmem:s10], [sflag:$0x5] =	stream.indirect_vreg.gather [hbm4b:s9+s3], $0x80, v18, vm0, $0xb8;
	[tilespmem:$0x10A00] =	vst v63  }
0x1aa: {  	s11 =	simm.s32 $0x9880;
	v49 =	vperm.xlane v17, v6;
	v18 =	vadd.s32 v3, v48  }
0x1ab: {  	[tilespmem:s11], [sflag:$0x5] =	stream.indirect_vreg.gather [hbm4b:s9+s3], $0x80, v19, vm0, $0xb8;
	[tilespmem:$0x10A00] =	vst v63  }
0x1ac: {  	s12 =	simm.s32 $0x9900;
	v50 =	vperm.xlane v17, v7;
	v19 =	vadd.s32 v3, v49  }
0x1ad: {  	[tilespmem:s12], [sflag:$0x5] =	stream.indirect_vreg.gather [hbm4b:s9+s3], $0x80, v20, vm0, $0xb8;
	[tilespmem:$0x10A00] =	vst v63  }
0x1ae: {  	s15 =	simm.s32 $0x9980;
	v52 =	vperm.xlane v17, v8;
	v51 =	vadd.s32 v3, v50  }
0x1af: {  	[tilespmem:s15], [sflag:$0x5] =	stream.indirect_vreg.gather [hbm4b:s9+s3], $0x80, v18, vm0, $0xb8;
	[tilespmem:$0x10A00] =	vst v63  }
0x1b0: {  	s5 =	simm.s32 $0x9A00;
	v53 =	vperm.xlane v17, v0;
	v18 =	vadd.s32 v3, v52  }
0x1b1: {  	[tilespmem:s5], [sflag:$0x5] =	stream.indirect_vreg.gather [hbm4b:s9+s3], $0x80, v19, vm0, $0xb8;
	[tilespmem:$0x10A00] =	vst v63  }
0x1b2: {  	s7 =	simm.s32 $0x9A80;
	v54 =	vperm.xlane v17, v9;
	v19 =	vadd.s32 v3, v53  }
0x1b3: {  	[tilespmem:s7], [sflag:$0x5] =	stream.indirect_vreg.gather [hbm4b:s9+s3], $0x80, v51, vm0, $0xb8;
	[tilespmem:$0x10A00] =	vst v63  }
0x1b4: {  	v56 =	vperm.xlane v17, v10;
	v55 =	vadd.s32 v3, v54;
	s10 =	simm.s32 $0x9B00  }
0x1b5: {  	[tilespmem:s10], [sflag:$0x5] =	stream.indirect_vreg.gather [hbm4b:s9+s3], $0x80, v18, vm0, $0xb8;
	[tilespmem:$0x10A00] =	vst v63  }
0x1b6: {  	v57 =	vperm.xlane v17, v11;
	s11 =	simm.s32 $0x9B80;
	v18 =	vadd.s32 v3, v56  }
0x1b7: {  	[tilespmem:s11], [sflag:$0x5] =	stream.indirect_vreg.gather [hbm4b:s9+s3], $0x80, v19, vm0, $0xb8;
	[tilespmem:$0x10A00] =	vst v63  }
0x1b8: {  	v58 =	vperm.xlane v17, v12;
	s12 =	simm.s32 $0x9C00;
	v19 =	vadd.s32 v3, v57  }
0x1b9: {  	[tilespmem:s12], [sflag:$0x5] =	stream.indirect_vreg.gather [hbm4b:s9+s3], $0x80, v55, vm0, $0xb8;
	[tilespmem:$0x10A00] =	vst v63  }
0x1ba: {  	v60 =	vperm.xlane v17, v13;
	v59 =	vadd.s32 v3, v58;
	s15 =	simm.s32 $0x9C80  }
0x1bb: {  	[tilespmem:s15], [sflag:$0x5] =	stream.indirect_vreg.gather [hbm4b:s9+s3], $0x80, v18, vm0, $0xb8;
	[tilespmem:$0x10A00] =	vst v63  }
0x1bc: {  	v61 =	vperm.xlane v17, v14;
	s5 =	simm.s32 $0x9D00;
	v18 =	vadd.s32 v3, v60  }
0x1bd: {  	[tilespmem:s5], [sflag:$0x5] =	stream.indirect_vreg.gather [hbm4b:s9+s3], $0x80, v19, vm0, $0xb8;
	[tilespmem:$0x10A00] =	vst v63  }
0x1be: {  	v62 =	vperm.xlane v17, v15;
	s7 =	simm.s32 $0x9D80;
	v19 =	vadd.s32 v3, v61  }
0x1bf: {  	[tilespmem:s7], [sflag:$0x5] =	stream.indirect_vreg.gather [hbm4b:s9+s3], $0x80, v59, vm0, $0xb8;
	[tilespmem:$0x10A00] =	vst v63  }
0x1c0: {  	v17 =	vperm.xlane v17, v16;
	v63 =	vadd.s32 v3, v62;
	s10 =	simm.s32 $0x9E00  }
0x1c1: {  	[tilespmem:s10], [sflag:$0x5] =	stream.indirect_vreg.gather [hbm4b:s9+s3], $0x80, v18, vm0, $0xb8;
	[tilespmem:$0x10A00] =	vst v63  }
0x1c2: {  	v17 =	vadd.s32 v3, v17;
	s11 =	simm.s32 $0x9E80  }
0x1c3: {  	[tilespmem:s11], [sflag:$0x5] =	stream.indirect_vreg.gather [hbm4b:s9+s3], $0x80, v19, vm0, $0xb8;
	[tilespmem:$0x10A00] =	vst v63  }
.Ltmp2:
0x1c4: {  	s12 =	simm.s32 $0x9F00;
	(pc) =	sbr.rel .LBB2_2-.Ltmp2, $4  }
0x1c5: {  	[tilespmem:s12], [sflag:$0x5] =	stream.indirect_vreg.gather [hbm4b:s9+s3], $0x80, v63, vm0, $0xb8;
	[tilespmem:$0x10A00] =	vst v63  }
0x1c6: {  	s15 =	simm.s32 $0x9F80  }
0x1c7: {  	[tilespmem:s15], [sflag:$0x5] =	stream.indirect_vreg.gather [hbm4b:s9+s3], $0x80, v17, vm0, $0xb8;
	[tilespmem:$0x10A00] =	vst v63  }
0x1c8: {  	s31 =	simm.s32 $0x1;
	s0 =	simm.s32 $0x0;
	s15 =	simm.s32 $0x0  }
.LBB2_19:
0x1c9: {  	v17 =	vld @!p1 [tilespmem:s11+$0x280];
	_ =	sdelay $0x6  }
0x1ca: {  	v18 =	vimm.f32 @!p1 $1.000000000e+00;
	s5 =	simm.s32 @!p1 $0xB000  }
0x1cb: {  	[tilespmem:v17+s5+$0x0] =	vst.idx.add.f32.msk @!p1 $0xffff, v18  }
0x1cc: {  	v17 =	vld @!p1 [tilespmem:s7+$0x290];
	_ =	sdelay $0x7  }
0x1cd: {  	[tilespmem:v17+s5+$0x0] =	vst.idx.add.f32.msk @!p1 $0xffff, v18  }
.LBB2_20:
0x1ce: {  	s0 =	sadd.s32 $0xC00, s0  }
0x1cf: {  	p2 =	sne.s32 s0, $0x14400  }
.Ltmp3:
0x1d0: {  	_ = 	snop;
	(pc) =	sbr.rel @!p2 .LBB2_21-.Ltmp3, $2  }
0x1d1: {  	_ =	sdelay $0x2  }
0x1d2: {  	s15 =	sadd.s32 $0x1, s15;
	s31 =	sadd.s32 $0x6, s31  }
.LBB2_2:
0x1d3: {  	p2 =	sne.s32 s0, $0x0  }
.Ltmp4:
0x1d4: {  	_ = 	snop;
	(pc) =	sbr.rel @!p2 .LBB2_3-.Ltmp4, $4  }
0x1d5: {  	_ = 	snop  }
0x1d6: {  	_ =	swait.ge [sflag:s2], $0x1000  }
0x1d7: {  	[sflag:s2] =	ssyncset.done $0x0  }
0x1d8: {  	[sflag:s2] =	ssyncadd.s32 $0xFFFFF000  }
0x1d9: {  	p3 =	seq.s32 s0, $0x13800  }
.Ltmp5:
0x1da: {  	_ = 	snop;
	(pc) =	sbr.rel @p3 .LBB2_6-.Ltmp5, $4  }
.Ltmp6:
0x1db: {  	_ =	swait.ge [sflag:s24], $0x1000;
	(pc) =	sbr.rel @!p3 .LBB2_5-.Ltmp6, $4  }
0x1dc: {  	[sflag:s24] =	ssyncset.done $0x0  }
0x1dd: {  	s5 =	sshra.s32 s0, $0x2;
	p2 =	por $0x1, $0x1;
	[sflag:s24] =	ssyncadd.s32 $0xFFFFF000  }
0x1de: {  	[spmem:s1] =	stream.indirect.scatter.add.f32 [tilespmem:s16], [sflag:$0x7], $0x80, s5, s13, $0xb8;
	[tilespmem:$0x10A00] =	vst v63  }
0x1df: {  	_ = 	snop  }
.LBB2_3:
0x1e0: {  	s5 =	simm.s32 $0x0  }
0x1e1: {  	[spmem:s1] =	stream.indirect.scatter.add.f32 [tilespmem:s16], [sflag:$0x7], $0x80, s5, s13, $0xb8;
	[tilespmem:$0x10A00] =	vst v63  }
.LBB2_5:
0x1e2: {  	s7 =	sshra.s32 s0, $0x2  }
0x1e3: {  	v17 =	vld [tilespmem:s7+$0x2A0];
	_ =	sdelay $0x4  }
0x1e4: {  	v18 =	vshll.u32 v17, $0x1  }
0x1e5: {  	v17 =	vand.u32 $0x7, v17;
	v18 =	vand.u32 $0xFFFFFFF0, v18  }
0x1e6: {  	v17 =	vor.u32 v17, v18  }
0x1e7: {  	v18 =	vperm.xlane v17, v2;
	_ =	sdelay $0x1  }
0x1e8: {  	v19 =	vperm.xlane v17, v1;
	v18 =	vadd.s32 v3, v18;
	_ =	sdelay $0x1  }
0x1e9: {  	v20 =	vperm.xlane v17, v4;
	v19 =	vadd.s32 v3, v19;
	_ =	sdelay $0x1  }
0x1ea: {  	v21 =	vperm.xlane v17, v5;
	v20 =	vadd.s32 v3, v20  }
0x1eb: {  	[tilespmem:s4], [sflag:$0x6] =	stream.indirect_vreg.gather [hbm4b:s9+s3], $0x80, v18, vm0, $0xb8;
	[tilespmem:$0x10A00] =	vst v63  }
0x1ec: {  	s10 =	simm.s32 $0xA080;
	v32 =	vperm.xlane v17, v6;
	v18 =	vadd.s32 v3, v21  }
0x1ed: {  	[tilespmem:s10], [sflag:$0x6] =	stream.indirect_vreg.gather [hbm4b:s9+s3], $0x80, v19, vm0, $0xb8;
	[tilespmem:$0x10A00] =	vst v63  }
0x1ee: {  	s12 =	simm.s32 $0xA100;
	v33 =	vperm.xlane v17, v7;
	v19 =	vadd.s32 v3, v32  }
0x1ef: {  	[tilespmem:s12], [sflag:$0x6] =	stream.indirect_vreg.gather [hbm4b:s9+s3], $0x80, v20, vm0, $0xb8;
	[tilespmem:$0x10A00] =	vst v63  }
0x1f0: {  	s11 =	simm.s32 $0xA180;
	v35 =	vperm.xlane v17, v8;
	v34 =	vadd.s32 v3, v33  }
0x1f1: {  	[tilespmem:s11], [sflag:$0x6] =	stream.indirect_vreg.gather [hbm4b:s9+s3], $0x80, v18, vm0, $0xb8;
	[tilespmem:$0x10A00] =	vst v63  }
0x1f2: {  	v36 =	vperm.xlane v17, v0;
	s12 =	simm.s32 $0xA200;
	v18 =	vadd.s32 v3, v35  }
0x1f3: {  	[tilespmem:s12], [sflag:$0x6] =	stream.indirect_vreg.gather [hbm4b:s9+s3], $0x80, v19, vm0, $0xb8;
	[tilespmem:$0x10A00] =	vst v63  }
0x1f4: {  	v37 =	vperm.xlane v17, v9;
	s11 =	simm.s32 $0xA280;
	v19 =	vadd.s32 v3, v36  }
0x1f5: {  	[tilespmem:s11], [sflag:$0x6] =	stream.indirect_vreg.gather [hbm4b:s9+s3], $0x80, v34, vm0, $0xb8;
	[tilespmem:$0x10A00] =	vst v63  }
0x1f6: {  	v39 =	vperm.xlane v17, v10;
	v38 =	vadd.s32 v3, v37;
	s12 =	simm.s32 $0xA300  }
0x1f7: {  	[tilespmem:s12], [sflag:$0x6] =	stream.indirect_vreg.gather [hbm4b:s9+s3], $0x80, v18, vm0, $0xb8;
	[tilespmem:$0x10A00] =	vst v63  }
0x1f8: {  	v40 =	vperm.xlane v17, v11;
	s11 =	simm.s32 $0xA380;
	v18 =	vadd.s32 v3, v39  }
0x1f9: {  	[tilespmem:s11], [sflag:$0x6] =	stream.indirect_vreg.gather [hbm4b:s9+s3], $0x80, v19, vm0, $0xb8;
	[tilespmem:$0x10A00] =	vst v63  }
0x1fa: {  	v41 =	vperm.xlane v17, v12;
	s12 =	simm.s32 $0xA400;
	v19 =	vadd.s32 v3, v40  }
0x1fb: {  	[tilespmem:s12], [sflag:$0x6] =	stream.indirect_vreg.gather [hbm4b:s9+s3], $0x80, v38, vm0, $0xb8;
	[tilespmem:$0x10A00] =	vst v63  }
0x1fc: {  	v43 =	vperm.xlane v17, v13;
	v42 =	vadd.s32 v3, v41;
	s11 =	simm.s32 $0xA480  }
0x1fd: {  	[tilespmem:s11], [sflag:$0x6] =	stream.indirect_vreg.gather [hbm4b:s9+s3], $0x80, v18, vm0, $0xb8;
	[tilespmem:$0x10A00] =	vst v63  }
0x1fe: {  	v44 =	vperm.xlane v17, v14;
	s12 =	simm.s32 $0xA500;
	v18 =	vadd.s32 v3, v43  }
0x1ff: {  	[tilespmem:s12], [sflag:$0x6] =	stream.indirect_vreg.gather [hbm4b:s9+s3], $0x80, v19, vm0, $0xb8;
	[tilespmem:$0x10A00] =	vst v63  }
0x200: {  	v45 =	vperm.xlane v17, v15;
	s11 =	simm.s32 $0xA580;
	v19 =	vadd.s32 v3, v44  }
0x201: {  	[tilespmem:s11], [sflag:$0x6] =	stream.indirect_vreg.gather [hbm4b:s9+s3], $0x80, v42, vm0, $0xb8;
	[tilespmem:$0x10A00] =	vst v63  }
0x202: {  	v17 =	vperm.xlane v17, v16;
	v46 =	vadd.s32 v3, v45;
	s12 =	simm.s32 $0xA600  }
0x203: {  	[tilespmem:s12], [sflag:$0x6] =	stream.indirect_vreg.gather [hbm4b:s9+s3], $0x80, v18, vm0, $0xb8;
	[tilespmem:$0x10A00] =	vst v63  }
0x204: {  	v17 =	vadd.s32 v3, v17;
	s11 =	simm.s32 $0xA680  }
0x205: {  	[tilespmem:s11], [sflag:$0x6] =	stream.indirect_vreg.gather [hbm4b:s9+s3], $0x80, v19, vm0, $0xb8;
	[tilespmem:$0x10A00] =	vst v63  }
0x206: {  	s12 =	simm.s32 $0xA700  }
0x207: {  	[tilespmem:s12], [sflag:$0x6] =	stream.indirect_vreg.gather [hbm4b:s9+s3], $0x80, v46, vm0, $0xb8;
	[tilespmem:$0x10A00] =	vst v63  }
0x208: {  	s11 =	simm.s32 $0xA780  }
0x209: {  	[tilespmem:s11], [sflag:$0x6] =	stream.indirect_vreg.gather [hbm4b:s9+s3], $0x80, v17, vm0, $0xb8;
	[tilespmem:$0x10A00] =	vst v63  }
0x20a: {  	v17 =	vld [tilespmem:s7+$0x2B0];
	_ =	sdelay $0x4  }
0x20b: {  	v18 =	vshll.u32 v17, $0x1  }
0x20c: {  	v17 =	vand.u32 $0x7, v17;
	v18 =	vand.u32 $0xFFFFFFF0, v18  }
0x20d: {  	v17 =	vor.u32 v17, v18  }
0x20e: {  	v18 =	vperm.xlane v17, v2;
	_ =	sdelay $0x1  }
0x20f: {  	v19 =	vperm.xlane v17, v1;
	v18 =	vadd.s32 v3, v18;
	_ =	sdelay $0x1  }
0x210: {  	v47 =	vperm.xlane v17, v4;
	v19 =	vadd.s32 v3, v19;
	_ =	sdelay $0x1  }
0x211: {  	s12 =	simm.s32 $0xA800;
	v48 =	vperm.xlane v17, v5;
	v20 =	vadd.s32 v3, v47  }
0x212: {  	[tilespmem:s12], [sflag:$0x6] =	stream.indirect_vreg.gather [hbm4b:s9+s3], $0x80, v18, vm0, $0xb8;
	[tilespmem:$0x10A00] =	vst v63  }
0x213: {  	s10 =	simm.s32 $0xA880;
	v49 =	vperm.xlane v17, v6;
	v18 =	vadd.s32 v3, v48  }
0x214: {  	[tilespmem:s10], [sflag:$0x6] =	stream.indirect_vreg.gather [hbm4b:s9+s3], $0x80, v19, vm0, $0xb8;
	[tilespmem:$0x10A00] =	vst v63  }
0x215: {  	s11 =	simm.s32 $0xA900;
	v50 =	vperm.xlane v17, v7;
	v19 =	vadd.s32 v3, v49  }
0x216: {  	[tilespmem:s11], [sflag:$0x6] =	stream.indirect_vreg.gather [hbm4b:s9+s3], $0x80, v20, vm0, $0xb8;
	[tilespmem:$0x10A00] =	vst v63  }
0x217: {  	v52 =	vperm.xlane v17, v8;
	v51 =	vadd.s32 v3, v50;
	s12 =	simm.s32 $0xA980  }
0x218: {  	[tilespmem:s12], [sflag:$0x6] =	stream.indirect_vreg.gather [hbm4b:s9+s3], $0x80, v18, vm0, $0xb8;
	[tilespmem:$0x10A00] =	vst v63  }
0x219: {  	v53 =	vperm.xlane v17, v0;
	s10 =	simm.s32 $0xAA00;
	v18 =	vadd.s32 v3, v52  }
0x21a: {  	[tilespmem:s10], [sflag:$0x6] =	stream.indirect_vreg.gather [hbm4b:s9+s3], $0x80, v19, vm0, $0xb8;
	[tilespmem:$0x10A00] =	vst v63  }
0x21b: {  	v54 =	vperm.xlane v17, v9;
	s11 =	simm.s32 $0xAA80;
	v19 =	vadd.s32 v3, v53  }
0x21c: {  	[tilespmem:s11], [sflag:$0x6] =	stream.indirect_vreg.gather [hbm4b:s9+s3], $0x80, v51, vm0, $0xb8;
	[tilespmem:$0x10A00] =	vst v63  }
0x21d: {  	v56 =	vperm.xlane v17, v10;
	v55 =	vadd.s32 v3, v54;
	s12 =	simm.s32 $0xAB00  }
0x21e: {  	[tilespmem:s12], [sflag:$0x6] =	stream.indirect_vreg.gather [hbm4b:s9+s3], $0x80, v18, vm0, $0xb8;
	[tilespmem:$0x10A00] =	vst v63  }
0x21f: {  	v57 =	vperm.xlane v17, v11;
	s10 =	simm.s32 $0xAB80;
	v18 =	vadd.s32 v3, v56  }
0x220: {  	[tilespmem:s10], [sflag:$0x6] =	stream.indirect_vreg.gather [hbm4b:s9+s3], $0x80, v19, vm0, $0xb8;
	[tilespmem:$0x10A00] =	vst v63  }
0x221: {  	v58 =	vperm.xlane v17, v12;
	s11 =	simm.s32 $0xAC00;
	v19 =	vadd.s32 v3, v57  }
0x222: {  	[tilespmem:s11], [sflag:$0x6] =	stream.indirect_vreg.gather [hbm4b:s9+s3], $0x80, v55, vm0, $0xb8;
	[tilespmem:$0x10A00] =	vst v63  }
0x223: {  	v60 =	vperm.xlane v17, v13;
	v59 =	vadd.s32 v3, v58;
	s12 =	simm.s32 $0xAC80  }
0x224: {  	[tilespmem:s12], [sflag:$0x6] =	stream.indirect_vreg.gather [hbm4b:s9+s3], $0x80, v18, vm0, $0xb8;
	[tilespmem:$0x10A00] =	vst v63  }
0x225: {  	v61 =	vperm.xlane v17, v14;
	v18 =	vadd.s32 v3, v60  }
0x226: {  	[tilespmem:s6], [sflag:$0x6] =	stream.indirect_vreg.gather [hbm4b:s9+s3], $0x80, v19, vm0, $0xb8;
	[tilespmem:$0x10A00] =	vst v63  }
0x227: {  	v62 =	vperm.xlane v17, v15;
	v19 =	vadd.s32 v3, v61  }
0x228: {  	[tilespmem:s14], [sflag:$0x6] =	stream.indirect_vreg.gather [hbm4b:s9+s3], $0x80, v59, vm0, $0xb8;
	[tilespmem:$0x10A00] =	vst v63  }
0x229: {  	v17 =	vperm.xlane v17, v16;
	v63 =	vadd.s32 v3, v62  }
0x22a: {  	[tilespmem:s17], [sflag:$0x6] =	stream.indirect_vreg.gather [hbm4b:s9+s3], $0x80, v18, vm0, $0xb8;
	[tilespmem:$0x10A00] =	vst v63  }
0x22b: {  	v17 =	vadd.s32 v3, v17  }
0x22c: {  	[tilespmem:s18], [sflag:$0x6] =	stream.indirect_vreg.gather [hbm4b:s9+s3], $0x80, v19, vm0, $0xb8;
	[tilespmem:$0x10A00] =	vst v63  }
0x22d: {  	_ = 	snop  }
0x22e: {  	[tilespmem:s19], [sflag:$0x6] =	stream.indirect_vreg.gather [hbm4b:s9+s3], $0x80, v63, vm0, $0xb8;
	[tilespmem:$0x10A00] =	vst v63  }
0x22f: {  	p2 =	por $0x0, $0x0  }
0x230: {  	[tilespmem:s21], [sflag:$0x6] =	stream.indirect_vreg.gather [hbm4b:s9+s3], $0x80, v17, vm0, $0xb8;
	[tilespmem:$0x10A00] =	vst v63  }
.LBB2_6:
0x231: {  	s10 =	sshra.s32 @!p0 s0, $0x2  }
0x232: {  	v17 =	vld @!p0 [tilespmem:s10+$0x0];
	_ =	sdelay $0x6  }
0x233: {  	v18 =	vimm.f32 @!p0 $1.000000000e+00;
	s7 =	simm.s32 @!p0 $0xB000  }
0x234: {  	[tilespmem:v17+s7+$0x0] =	vst.idx.add.f32.msk @!p0 $0xffff, v18  }
0x235: {  	v17 =	vld @!p0 [tilespmem:s10+$0x10];
	_ =	sdelay $0x2  }
0x236: {  	p3 =	sgt.u32 s31, $0x9C  }
.Ltmp7:
0x237: {  	_ = 	snop;
	(pc) =	sbr.rel @p3 .LBB2_10-.Ltmp7, $2  }
0x238: {  	_ =	sdelay $0x2  }
0x239: {  	[tilespmem:v17+s7+$0x0] =	vst.idx.add.f32.msk @!p0 $0xffff, v18;
	s7 =	sshra.s32 @!p1 s0, $0x2  }
0x23a: {  	_ =	swait.ge [sflag:s23], $0x1000  }
0x23b: {  	[sflag:s23] =	ssyncset.done $0x0  }
.Ltmp8:
0x23c: {  	[sflag:s23] =	ssyncadd.s32 $0xFFFFF000;
	(pc) =	sbr.rel @p2 .LBB2_9-.Ltmp8, $4  }
0x23d: {  	_ =	swait.ge [sflag:s24], $0x1000  }
0x23e: {  	s11 =	sshra.s32 s0, $0x2;
	[sflag:s24] =	ssyncset.done $0x0  }
0x23f: {  	s12 =	sadd.s32 $0x80, s11;
	[sflag:s24] =	ssyncadd.s32 $0xFFFFF000  }
0x240: {  	[spmem:s1] =	stream.indirect.scatter.add.f32 [tilespmem:s22], [sflag:$0x7], $0x80, s12, s13, $0xb8;
	[tilespmem:$0x10A00] =	vst v63  }
0x241: {  	v17 =	vld [tilespmem:s5+$0x320];
	_ =	sdelay $0x4  }
0x242: {  	v18 =	vshll.u32 v17, $0x1  }
0x243: {  	v17 =	vand.u32 $0x7, v17;
	v18 =	vand.u32 $0xFFFFFFF0, v18  }
0x244: {  	v17 =	vor.u32 v17, v18  }
0x245: {  	v18 =	vperm.xlane v17, v2;
	_ =	sdelay $0x1  }
0x246: {  	v19 =	vperm.xlane v17, v1;
	v18 =	vadd.s32 v3, v18;
	_ =	sdelay $0x1  }
0x247: {  	v20 =	vperm.xlane v17, v4;
	v19 =	vadd.s32 v3, v19;
	_ =	sdelay $0x1  }
0x248: {  	v21 =	vperm.xlane v17, v5;
	v20 =	vadd.s32 v3, v20  }
0x249: {  	[tilespmem:s16], [sflag:$0x1] =	stream.indirect_vreg.gather [hbm4b:s9+s3], $0x80, v18, vm0, $0xb8;
	[tilespmem:$0x10A00] =	vst v63  }
0x24a: {  	s12 =	simm.s32 $0x5080;
	v32 =	vperm.xlane v17, v6;
	v18 =	vadd.s32 v3, v21  }
0x24b: {  	[tilespmem:s12], [sflag:$0x1] =	stream.indirect_vreg.gather [hbm4b:s9+s3], $0x80, v19, vm0, $0xb8;
	[tilespmem:$0x10A00] =	vst v63  }
0x24c: {  	v33 =	vperm.xlane v17, v7;
	v19 =	vadd.s32 v3, v32;
	s12 =	simm.s32 $0x5100  }
0x24d: {  	[tilespmem:s12], [sflag:$0x1] =	stream.indirect_vreg.gather [hbm4b:s9+s3], $0x80, v20, vm0, $0xb8;
	[tilespmem:$0x10A00] =	vst v63  }
0x24e: {  	v35 =	vperm.xlane v17, v8;
	v34 =	vadd.s32 v3, v33;
	s12 =	simm.s32 $0x5180  }
0x24f: {  	[tilespmem:s12], [sflag:$0x1] =	stream.indirect_vreg.gather [hbm4b:s9+s3], $0x80, v18, vm0, $0xb8;
	[tilespmem:$0x10A00] =	vst v63  }
0x250: {  	v36 =	vperm.xlane v17, v0;
	v18 =	vadd.s32 v3, v35;
	s12 =	simm.s32 $0x5200  }
0x251: {  	[tilespmem:s12], [sflag:$0x1] =	stream.indirect_vreg.gather [hbm4b:s9+s3], $0x80, v19, vm0, $0xb8;
	[tilespmem:$0x10A00] =	vst v63  }
0x252: {  	v37 =	vperm.xlane v17, v9;
	v19 =	vadd.s32 v3, v36;
	s12 =	simm.s32 $0x5280  }
0x253: {  	[tilespmem:s12], [sflag:$0x1] =	stream.indirect_vreg.gather [hbm4b:s9+s3], $0x80, v34, vm0, $0xb8;
	[tilespmem:$0x10A00] =	vst v63  }
0x254: {  	v39 =	vperm.xlane v17, v10;
	v38 =	vadd.s32 v3, v37;
	s12 =	simm.s32 $0x5300  }
0x255: {  	[tilespmem:s12], [sflag:$0x1] =	stream.indirect_vreg.gather [hbm4b:s9+s3], $0x80, v18, vm0, $0xb8;
	[tilespmem:$0x10A00] =	vst v63  }
0x256: {  	v40 =	vperm.xlane v17, v11;
	v18 =	vadd.s32 v3, v39;
	s12 =	simm.s32 $0x5380  }
0x257: {  	[tilespmem:s12], [sflag:$0x1] =	stream.indirect_vreg.gather [hbm4b:s9+s3], $0x80, v19, vm0, $0xb8;
	[tilespmem:$0x10A00] =	vst v63  }
0x258: {  	v41 =	vperm.xlane v17, v12;
	v19 =	vadd.s32 v3, v40;
	s12 =	simm.s32 $0x5400  }
0x259: {  	[tilespmem:s12], [sflag:$0x1] =	stream.indirect_vreg.gather [hbm4b:s9+s3], $0x80, v38, vm0, $0xb8;
	[tilespmem:$0x10A00] =	vst v63  }
0x25a: {  	v43 =	vperm.xlane v17, v13;
	v42 =	vadd.s32 v3, v41;
	s12 =	simm.s32 $0x5480  }
0x25b: {  	[tilespmem:s12], [sflag:$0x1] =	stream.indirect_vreg.gather [hbm4b:s9+s3], $0x80, v18, vm0, $0xb8;
	[tilespmem:$0x10A00] =	vst v63  }
0x25c: {  	v44 =	vperm.xlane v17, v14;
	v18 =	vadd.s32 v3, v43;
	s12 =	simm.s32 $0x5500  }
0x25d: {  	[tilespmem:s12], [sflag:$0x1] =	stream.indirect_vreg.gather [hbm4b:s9+s3], $0x80, v19, vm0, $0xb8;
	[tilespmem:$0x10A00] =	vst v63  }
0x25e: {  	v45 =	vperm.xlane v17, v15;
	v19 =	vadd.s32 v3, v44;
	s12 =	simm.s32 $0x5580  }
0x25f: {  	[tilespmem:s12], [sflag:$0x1] =	stream.indirect_vreg.gather [hbm4b:s9+s3], $0x80, v42, vm0, $0xb8;
	[tilespmem:$0x10A00] =	vst v63  }
0x260: {  	v17 =	vperm.xlane v17, v16;
	v46 =	vadd.s32 v3, v45;
	s12 =	simm.s32 $0x5600  }
0x261: {  	[tilespmem:s12], [sflag:$0x1] =	stream.indirect_vreg.gather [hbm4b:s9+s3], $0x80, v18, vm0, $0xb8;
	[tilespmem:$0x10A00] =	vst v63  }
0x262: {  	v17 =	vadd.s32 v3, v17;
	s12 =	simm.s32 $0x5680  }
0x263: {  	[tilespmem:s12], [sflag:$0x1] =	stream.indirect_vreg.gather [hbm4b:s9+s3], $0x80, v19, vm0, $0xb8;
	[tilespmem:$0x10A00] =	vst v63  }
0x264: {  	s12 =	simm.s32 $0x5700  }
0x265: {  	[tilespmem:s12], [sflag:$0x1] =	stream.indirect_vreg.gather [hbm4b:s9+s3], $0x80, v46, vm0, $0xb8;
	[tilespmem:$0x10A00] =	vst v63  }
0x266: {  	s12 =	simm.s32 $0x5780  }
0x267: {  	[tilespmem:s12], [sflag:$0x1] =	stream.indirect_vreg.gather [hbm4b:s9+s3], $0x80, v17, vm0, $0xb8;
	[tilespmem:$0x10A00] =	vst v63  }
0x268: {  	v17 =	vld [tilespmem:s5+$0x330];
	_ =	sdelay $0x4  }
0x269: {  	v18 =	vshll.u32 v17, $0x1  }
0x26a: {  	v17 =	vand.u32 $0x7, v17;
	v18 =	vand.u32 $0xFFFFFFF0, v18  }
0x26b: {  	v17 =	vor.u32 v17, v18  }
0x26c: {  	v18 =	vperm.xlane v17, v2;
	_ =	sdelay $0x1  }
0x26d: {  	v19 =	vperm.xlane v17, v1;
	v18 =	vadd.s32 v3, v18;
	_ =	sdelay $0x1  }
0x26e: {  	v47 =	vperm.xlane v17, v4;
	v19 =	vadd.s32 v3, v19;
	_ =	sdelay $0x1  }
0x26f: {  	s12 =	simm.s32 $0x5800;
	v48 =	vperm.xlane v17, v5;
	v20 =	vadd.s32 v3, v47  }
0x270: {  	[tilespmem:s12], [sflag:$0x1] =	stream.indirect_vreg.gather [hbm4b:s9+s3], $0x80, v18, vm0, $0xb8;
	[tilespmem:$0x10A00] =	vst v63  }
0x271: {  	v49 =	vperm.xlane v17, v6;
	v18 =	vadd.s32 v3, v48;
	s12 =	simm.s32 $0x5880  }
0x272: {  	[tilespmem:s12], [sflag:$0x1] =	stream.indirect_vreg.gather [hbm4b:s9+s3], $0x80, v19, vm0, $0xb8;
	[tilespmem:$0x10A00] =	vst v63  }
0x273: {  	v50 =	vperm.xlane v17, v7;
	v19 =	vadd.s32 v3, v49;
	s12 =	simm.s32 $0x5900  }
0x274: {  	[tilespmem:s12], [sflag:$0x1] =	stream.indirect_vreg.gather [hbm4b:s9+s3], $0x80, v20, vm0, $0xb8;
	[tilespmem:$0x10A00] =	vst v63  }
0x275: {  	v52 =	vperm.xlane v17, v8;
	v51 =	vadd.s32 v3, v50;
	s12 =	simm.s32 $0x5980  }
0x276: {  	[tilespmem:s12], [sflag:$0x1] =	stream.indirect_vreg.gather [hbm4b:s9+s3], $0x80, v18, vm0, $0xb8;
	[tilespmem:$0x10A00] =	vst v63  }
0x277: {  	v53 =	vperm.xlane v17, v0;
	v18 =	vadd.s32 v3, v52;
	s12 =	simm.s32 $0x5A00  }
0x278: {  	[tilespmem:s12], [sflag:$0x1] =	stream.indirect_vreg.gather [hbm4b:s9+s3], $0x80, v19, vm0, $0xb8;
	[tilespmem:$0x10A00] =	vst v63  }
0x279: {  	v54 =	vperm.xlane v17, v9;
	v19 =	vadd.s32 v3, v53;
	s12 =	simm.s32 $0x5A80  }
0x27a: {  	[tilespmem:s12], [sflag:$0x1] =	stream.indirect_vreg.gather [hbm4b:s9+s3], $0x80, v51, vm0, $0xb8;
	[tilespmem:$0x10A00] =	vst v63  }
0x27b: {  	v56 =	vperm.xlane v17, v10;
	v55 =	vadd.s32 v3, v54;
	s12 =	simm.s32 $0x5B00  }
0x27c: {  	[tilespmem:s12], [sflag:$0x1] =	stream.indirect_vreg.gather [hbm4b:s9+s3], $0x80, v18, vm0, $0xb8;
	[tilespmem:$0x10A00] =	vst v63  }
0x27d: {  	v57 =	vperm.xlane v17, v11;
	v18 =	vadd.s32 v3, v56;
	s12 =	simm.s32 $0x5B80  }
0x27e: {  	[tilespmem:s12], [sflag:$0x1] =	stream.indirect_vreg.gather [hbm4b:s9+s3], $0x80, v19, vm0, $0xb8;
	[tilespmem:$0x10A00] =	vst v63  }
0x27f: {  	v58 =	vperm.xlane v17, v12;
	v19 =	vadd.s32 v3, v57;
	s12 =	simm.s32 $0x5C00  }
0x280: {  	[tilespmem:s12], [sflag:$0x1] =	stream.indirect_vreg.gather [hbm4b:s9+s3], $0x80, v55, vm0, $0xb8;
	[tilespmem:$0x10A00] =	vst v63  }
0x281: {  	v60 =	vperm.xlane v17, v13;
	v59 =	vadd.s32 v3, v58;
	s12 =	simm.s32 $0x5C80  }
0x282: {  	[tilespmem:s12], [sflag:$0x1] =	stream.indirect_vreg.gather [hbm4b:s9+s3], $0x80, v18, vm0, $0xb8;
	[tilespmem:$0x10A00] =	vst v63  }
0x283: {  	v61 =	vperm.xlane v17, v14;
	v18 =	vadd.s32 v3, v60;
	s12 =	simm.s32 $0x5D00  }
0x284: {  	[tilespmem:s12], [sflag:$0x1] =	stream.indirect_vreg.gather [hbm4b:s9+s3], $0x80, v19, vm0, $0xb8;
	[tilespmem:$0x10A00] =	vst v63  }
0x285: {  	v62 =	vperm.xlane v17, v15;
	v19 =	vadd.s32 v3, v61;
	s12 =	simm.s32 $0x5D80  }
0x286: {  	[tilespmem:s12], [sflag:$0x1] =	stream.indirect_vreg.gather [hbm4b:s9+s3], $0x80, v59, vm0, $0xb8;
	[tilespmem:$0x10A00] =	vst v63  }
0x287: {  	v17 =	vperm.xlane v17, v16;
	v63 =	vadd.s32 v3, v62;
	s12 =	simm.s32 $0x5E00  }
0x288: {  	[tilespmem:s12], [sflag:$0x1] =	stream.indirect_vreg.gather [hbm4b:s9+s3], $0x80, v18, vm0, $0xb8;
	[tilespmem:$0x10A00] =	vst v63  }
0x289: {  	v17 =	vadd.s32 v3, v17;
	s12 =	simm.s32 $0x5E80  }
0x28a: {  	[tilespmem:s12], [sflag:$0x1] =	stream.indirect_vreg.gather [hbm4b:s9+s3], $0x80, v19, vm0, $0xb8;
	[tilespmem:$0x10A00] =	vst v63  }
0x28b: {  	s12 =	simm.s32 $0x5F00  }
0x28c: {  	[tilespmem:s12], [sflag:$0x1] =	stream.indirect_vreg.gather [hbm4b:s9+s3], $0x80, v63, vm0, $0xb8;
	[tilespmem:$0x10A00] =	vst v63  }
0x28d: {  	s12 =	simm.s32 $0x5F80  }
0x28e: {  	[tilespmem:s12], [sflag:$0x1] =	stream.indirect_vreg.gather [hbm4b:s9+s3], $0x80, v17, vm0, $0xb8;
	[tilespmem:$0x10A00] =	vst v63  }
.LBB2_9:
0x28f: {  	v17 =	vld @!p1 [tilespmem:s11+$0x80];
	_ =	sdelay $0x6  }
0x290: {  	v18 =	vimm.f32 @!p1 $1.000000000e+00;
	s11 =	simm.s32 @!p1 $0xB000  }
0x291: {  	[tilespmem:v17+s11+$0x0] =	vst.idx.add.f32.msk @!p1 $0xffff, v18  }
0x292: {  	v17 =	vld @!p1 [tilespmem:s7+$0x90];
	_ =	sdelay $0x7  }
0x293: {  	[tilespmem:v17+s11+$0x0] =	vst.idx.add.f32.msk @!p1 $0xffff, v18  }
.LBB2_10:
.Ltmp9:
0x294: {  	(pc) =	sbr.rel @p2 .LBB2_20-.Ltmp9, $1  }
0x295: {  	_ =	sdelay $0x3  }
0x296: {  	_ =	swait.ge [sflag:s25], $0x1000  }
0x297: {  	p2 =	sgt.u32 s15, $0x18;
	[sflag:s25] =	ssyncset.done $0x0  }
.Ltmp10:
0x298: {  	[sflag:s25] =	ssyncadd.s32 $0xFFFFF000;
	(pc) =	sbr.rel @p2 .LBB2_13-.Ltmp10, $4  }
0x299: {  	_ =	swait.ge [sflag:s24], $0x1000  }
0x29a: {  	s11 =	sshra.s32 s0, $0x2;
	[sflag:s24] =	ssyncset.done $0x0  }
0x29b: {  	s12 =	sadd.s32 $0x100, s11;
	[sflag:s24] =	ssyncadd.s32 $0xFFFFF000  }
0x29c: {  	[spmem:s1] =	stream.indirect.scatter.add.f32 [tilespmem:s30], [sflag:$0x7], $0x80, s12, s13, $0xb8;
	[tilespmem:$0x10A00] =	vst v63  }
0x29d: {  	v17 =	vld [tilespmem:s5+$0x3A0];
	_ =	sdelay $0x4  }
0x29e: {  	v18 =	vshll.u32 v17, $0x1  }
0x29f: {  	v17 =	vand.u32 $0x7, v17;
	v18 =	vand.u32 $0xFFFFFFF0, v18  }
0x2a0: {  	v17 =	vor.u32 v17, v18  }
0x2a1: {  	v18 =	vperm.xlane v17, v2;
	_ =	sdelay $0x1  }
0x2a2: {  	v19 =	vperm.xlane v17, v1;
	v18 =	vadd.s32 v3, v18;
	_ =	sdelay $0x1  }
0x2a3: {  	v20 =	vperm.xlane v17, v4;
	v19 =	vadd.s32 v3, v19;
	_ =	sdelay $0x1  }
0x2a4: {  	v21 =	vperm.xlane v17, v5;
	v20 =	vadd.s32 v3, v20  }
0x2a5: {  	[tilespmem:s22], [sflag:$0x2] =	stream.indirect_vreg.gather [hbm4b:s9+s3], $0x80, v18, vm0, $0xb8;
	[tilespmem:$0x10A00] =	vst v63  }
0x2a6: {  	s12 =	simm.s32 $0x6080;
	v32 =	vperm.xlane v17, v6;
	v18 =	vadd.s32 v3, v21  }
0x2a7: {  	[tilespmem:s12], [sflag:$0x2] =	stream.indirect_vreg.gather [hbm4b:s9+s3], $0x80, v19, vm0, $0xb8;
	[tilespmem:$0x10A00] =	vst v63  }
0x2a8: {  	v33 =	vperm.xlane v17, v7;
	v19 =	vadd.s32 v3, v32;
	s12 =	simm.s32 $0x6100  }
0x2a9: {  	[tilespmem:s12], [sflag:$0x2] =	stream.indirect_vreg.gather [hbm4b:s9+s3], $0x80, v20, vm0, $0xb8;
	[tilespmem:$0x10A00] =	vst v63  }
0x2aa: {  	v35 =	vperm.xlane v17, v8;
	v34 =	vadd.s32 v3, v33;
	s12 =	simm.s32 $0x6180  }
0x2ab: {  	[tilespmem:s12], [sflag:$0x2] =	stream.indirect_vreg.gather [hbm4b:s9+s3], $0x80, v18, vm0, $0xb8;
	[tilespmem:$0x10A00] =	vst v63  }
0x2ac: {  	v36 =	vperm.xlane v17, v0;
	v18 =	vadd.s32 v3, v35;
	s12 =	simm.s32 $0x6200  }
0x2ad: {  	[tilespmem:s12], [sflag:$0x2] =	stream.indirect_vreg.gather [hbm4b:s9+s3], $0x80, v19, vm0, $0xb8;
	[tilespmem:$0x10A00] =	vst v63  }
0x2ae: {  	v37 =	vperm.xlane v17, v9;
	v19 =	vadd.s32 v3, v36;
	s12 =	simm.s32 $0x6280  }
0x2af: {  	[tilespmem:s12], [sflag:$0x2] =	stream.indirect_vreg.gather [hbm4b:s9+s3], $0x80, v34, vm0, $0xb8;
	[tilespmem:$0x10A00] =	vst v63  }
0x2b0: {  	v39 =	vperm.xlane v17, v10;
	v38 =	vadd.s32 v3, v37;
	s12 =	simm.s32 $0x6300  }
0x2b1: {  	[tilespmem:s12], [sflag:$0x2] =	stream.indirect_vreg.gather [hbm4b:s9+s3], $0x80, v18, vm0, $0xb8;
	[tilespmem:$0x10A00] =	vst v63  }
0x2b2: {  	v40 =	vperm.xlane v17, v11;
	v18 =	vadd.s32 v3, v39;
	s12 =	simm.s32 $0x6380  }
0x2b3: {  	[tilespmem:s12], [sflag:$0x2] =	stream.indirect_vreg.gather [hbm4b:s9+s3], $0x80, v19, vm0, $0xb8;
	[tilespmem:$0x10A00] =	vst v63  }
0x2b4: {  	v41 =	vperm.xlane v17, v12;
	v19 =	vadd.s32 v3, v40;
	s12 =	simm.s32 $0x6400  }
0x2b5: {  	[tilespmem:s12], [sflag:$0x2] =	stream.indirect_vreg.gather [hbm4b:s9+s3], $0x80, v38, vm0, $0xb8;
	[tilespmem:$0x10A00] =	vst v63  }
0x2b6: {  	v43 =	vperm.xlane v17, v13;
	v42 =	vadd.s32 v3, v41;
	s12 =	simm.s32 $0x6480  }
0x2b7: {  	[tilespmem:s12], [sflag:$0x2] =	stream.indirect_vreg.gather [hbm4b:s9+s3], $0x80, v18, vm0, $0xb8;
	[tilespmem:$0x10A00] =	vst v63  }
0x2b8: {  	v44 =	vperm.xlane v17, v14;
	v18 =	vadd.s32 v3, v43;
	s12 =	simm.s32 $0x6500  }
0x2b9: {  	[tilespmem:s12], [sflag:$0x2] =	stream.indirect_vreg.gather [hbm4b:s9+s3], $0x80, v19, vm0, $0xb8;
	[tilespmem:$0x10A00] =	vst v63  }
0x2ba: {  	v45 =	vperm.xlane v17, v15;
	v19 =	vadd.s32 v3, v44;
	s12 =	simm.s32 $0x6580  }
0x2bb: {  	[tilespmem:s12], [sflag:$0x2] =	stream.indirect_vreg.gather [hbm4b:s9+s3], $0x80, v42, vm0, $0xb8;
	[tilespmem:$0x10A00] =	vst v63  }
0x2bc: {  	v17 =	vperm.xlane v17, v16;
	v46 =	vadd.s32 v3, v45;
	s12 =	simm.s32 $0x6600  }
0x2bd: {  	[tilespmem:s12], [sflag:$0x2] =	stream.indirect_vreg.gather [hbm4b:s9+s3], $0x80, v18, vm0, $0xb8;
	[tilespmem:$0x10A00] =	vst v63  }
0x2be: {  	v17 =	vadd.s32 v3, v17;
	s12 =	simm.s32 $0x6680  }
0x2bf: {  	[tilespmem:s12], [sflag:$0x2] =	stream.indirect_vreg.gather [hbm4b:s9+s3], $0x80, v19, vm0, $0xb8;
	[tilespmem:$0x10A00] =	vst v63  }
0x2c0: {  	s12 =	simm.s32 $0x6700  }
0x2c1: {  	[tilespmem:s12], [sflag:$0x2] =	stream.indirect_vreg.gather [hbm4b:s9+s3], $0x80, v46, vm0, $0xb8;
	[tilespmem:$0x10A00] =	vst v63  }
0x2c2: {  	s12 =	simm.s32 $0x6780  }
0x2c3: {  	[tilespmem:s12], [sflag:$0x2] =	stream.indirect_vreg.gather [hbm4b:s9+s3], $0x80, v17, vm0, $0xb8;
	[tilespmem:$0x10A00] =	vst v63  }
0x2c4: {  	v17 =	vld [tilespmem:s5+$0x3B0];
	_ =	sdelay $0x4  }
0x2c5: {  	v18 =	vshll.u32 v17, $0x1  }
0x2c6: {  	v17 =	vand.u32 $0x7, v17;
	v18 =	vand.u32 $0xFFFFFFF0, v18  }
0x2c7: {  	v17 =	vor.u32 v17, v18  }
0x2c8: {  	v18 =	vperm.xlane v17, v2;
	_ =	sdelay $0x1  }
0x2c9: {  	v19 =	vperm.xlane v17, v1;
	v18 =	vadd.s32 v3, v18;
	_ =	sdelay $0x1  }
0x2ca: {  	v47 =	vperm.xlane v17, v4;
	v19 =	vadd.s32 v3, v19;
	_ =	sdelay $0x1  }
0x2cb: {  	s12 =	simm.s32 $0x6800;
	v48 =	vperm.xlane v17, v5;
	v20 =	vadd.s32 v3, v47  }
0x2cc: {  	[tilespmem:s12], [sflag:$0x2] =	stream.indirect_vreg.gather [hbm4b:s9+s3], $0x80, v18, vm0, $0xb8;
	[tilespmem:$0x10A00] =	vst v63  }
0x2cd: {  	v49 =	vperm.xlane v17, v6;
	v18 =	vadd.s32 v3, v48;
	s12 =	simm.s32 $0x6880  }
0x2ce: {  	[tilespmem:s12], [sflag:$0x2] =	stream.indirect_vreg.gather [hbm4b:s9+s3], $0x80, v19, vm0, $0xb8;
	[tilespmem:$0x10A00] =	vst v63  }
0x2cf: {  	v50 =	vperm.xlane v17, v7;
	v19 =	vadd.s32 v3, v49;
	s12 =	simm.s32 $0x6900  }
0x2d0: {  	[tilespmem:s12], [sflag:$0x2] =	stream.indirect_vreg.gather [hbm4b:s9+s3], $0x80, v20, vm0, $0xb8;
	[tilespmem:$0x10A00] =	vst v63  }
0x2d1: {  	v52 =	vperm.xlane v17, v8;
	v51 =	vadd.s32 v3, v50;
	s12 =	simm.s32 $0x6980  }
0x2d2: {  	[tilespmem:s12], [sflag:$0x2] =	stream.indirect_vreg.gather [hbm4b:s9+s3], $0x80, v18, vm0, $0xb8;
	[tilespmem:$0x10A00] =	vst v63  }
0x2d3: {  	v53 =	vperm.xlane v17, v0;
	v18 =	vadd.s32 v3, v52;
	s12 =	simm.s32 $0x6A00  }
0x2d4: {  	[tilespmem:s12], [sflag:$0x2] =	stream.indirect_vreg.gather [hbm4b:s9+s3], $0x80, v19, vm0, $0xb8;
	[tilespmem:$0x10A00] =	vst v63  }
0x2d5: {  	v54 =	vperm.xlane v17, v9;
	v19 =	vadd.s32 v3, v53;
	s12 =	simm.s32 $0x6A80  }
0x2d6: {  	[tilespmem:s12], [sflag:$0x2] =	stream.indirect_vreg.gather [hbm4b:s9+s3], $0x80, v51, vm0, $0xb8;
	[tilespmem:$0x10A00] =	vst v63  }
0x2d7: {  	v56 =	vperm.xlane v17, v10;
	v55 =	vadd.s32 v3, v54;
	s12 =	simm.s32 $0x6B00  }
0x2d8: {  	[tilespmem:s12], [sflag:$0x2] =	stream.indirect_vreg.gather [hbm4b:s9+s3], $0x80, v18, vm0, $0xb8;
	[tilespmem:$0x10A00] =	vst v63  }
0x2d9: {  	v57 =	vperm.xlane v17, v11;
	v18 =	vadd.s32 v3, v56;
	s12 =	simm.s32 $0x6B80  }
0x2da: {  	[tilespmem:s12], [sflag:$0x2] =	stream.indirect_vreg.gather [hbm4b:s9+s3], $0x80, v19, vm0, $0xb8;
	[tilespmem:$0x10A00] =	vst v63  }
0x2db: {  	v58 =	vperm.xlane v17, v12;
	v19 =	vadd.s32 v3, v57;
	s12 =	simm.s32 $0x6C00  }
0x2dc: {  	[tilespmem:s12], [sflag:$0x2] =	stream.indirect_vreg.gather [hbm4b:s9+s3], $0x80, v55, vm0, $0xb8;
	[tilespmem:$0x10A00] =	vst v63  }
0x2dd: {  	v60 =	vperm.xlane v17, v13;
	v59 =	vadd.s32 v3, v58;
	s12 =	simm.s32 $0x6C80  }
0x2de: {  	[tilespmem:s12], [sflag:$0x2] =	stream.indirect_vreg.gather [hbm4b:s9+s3], $0x80, v18, vm0, $0xb8;
	[tilespmem:$0x10A00] =	vst v63  }
0x2df: {  	v61 =	vperm.xlane v17, v14;
	v18 =	vadd.s32 v3, v60;
	s12 =	simm.s32 $0x6D00  }
0x2e0: {  	[tilespmem:s12], [sflag:$0x2] =	stream.indirect_vreg.gather [hbm4b:s9+s3], $0x80, v19, vm0, $0xb8;
	[tilespmem:$0x10A00] =	vst v63  }
0x2e1: {  	v62 =	vperm.xlane v17, v15;
	v19 =	vadd.s32 v3, v61;
	s12 =	simm.s32 $0x6D80  }
0x2e2: {  	[tilespmem:s12], [sflag:$0x2] =	stream.indirect_vreg.gather [hbm4b:s9+s3], $0x80, v59, vm0, $0xb8;
	[tilespmem:$0x10A00] =	vst v63  }
0x2e3: {  	v17 =	vperm.xlane v17, v16;
	v63 =	vadd.s32 v3, v62;
	s12 =	simm.s32 $0x6E00  }
0x2e4: {  	[tilespmem:s12], [sflag:$0x2] =	stream.indirect_vreg.gather [hbm4b:s9+s3], $0x80, v18, vm0, $0xb8;
	[tilespmem:$0x10A00] =	vst v63  }
0x2e5: {  	v17 =	vadd.s32 v3, v17;
	s12 =	simm.s32 $0x6E80  }
0x2e6: {  	[tilespmem:s12], [sflag:$0x2] =	stream.indirect_vreg.gather [hbm4b:s9+s3], $0x80, v19, vm0, $0xb8;
	[tilespmem:$0x10A00] =	vst v63  }
0x2e7: {  	s12 =	simm.s32 $0x6F00  }
0x2e8: {  	[tilespmem:s12], [sflag:$0x2] =	stream.indirect_vreg.gather [hbm4b:s9+s3], $0x80, v63, vm0, $0xb8;
	[tilespmem:$0x10A00] =	vst v63  }
0x2e9: {  	s12 =	simm.s32 $0x6F80  }
0x2ea: {  	[tilespmem:s12], [sflag:$0x2] =	stream.indirect_vreg.gather [hbm4b:s9+s3], $0x80, v17, vm0, $0xb8;
	[tilespmem:$0x10A00] =	vst v63  }
.LBB2_13:
0x2eb: {  	v17 =	vld @!p0 [tilespmem:s11+$0x100];
	_ =	sdelay $0x6  }
0x2ec: {  	v18 =	vimm.f32 @!p0 $1.000000000e+00;
	s12 =	simm.s32 @!p0 $0xB000  }
0x2ed: {  	[tilespmem:v17+s12+$0x0] =	vst.idx.add.f32.msk @!p0 $0xffff, v18  }
0x2ee: {  	v17 =	vld @!p0 [tilespmem:s10+$0x110];
	_ =	sdelay $0x7  }
0x2ef: {  	[tilespmem:v17+s12+$0x0] =	vst.idx.add.f32.msk @!p0 $0xffff, v18  }
0x2f0: {  	_ =	swait.ge [sflag:s26], $0x1000  }
0x2f1: {  	[sflag:s26] =	ssyncset.done $0x0  }
.Ltmp11:
0x2f2: {  	[sflag:s26] =	ssyncadd.s32 $0xFFFFF000;
	(pc) =	sbr.rel @p2 .LBB2_15-.Ltmp11, $4  }
0x2f3: {  	_ =	swait.ge [sflag:s24], $0x1000  }
0x2f4: {  	[sflag:s24] =	ssyncset.done $0x0  }
0x2f5: {  	s12 =	sadd.s32 $0x180, s11;
	[sflag:s24] =	ssyncadd.s32 $0xFFFFF000  }
0x2f6: {  	[spmem:s1] =	stream.indirect.scatter.add.f32 [tilespmem:s8], [sflag:$0x7], $0x80, s12, s13, $0xb8;
	[tilespmem:$0x10A00] =	vst v63  }
0x2f7: {  	v17 =	vld [tilespmem:s5+$0x420];
	_ =	sdelay $0x4  }
0x2f8: {  	v18 =	vshll.u32 v17, $0x1  }
0x2f9: {  	v17 =	vand.u32 $0x7, v17;
	v18 =	vand.u32 $0xFFFFFFF0, v18  }
0x2fa: {  	v17 =	vor.u32 v17, v18  }
0x2fb: {  	v18 =	vperm.xlane v17, v2;
	_ =	sdelay $0x1  }
0x2fc: {  	v19 =	vperm.xlane v17, v1;
	v18 =	vadd.s32 v3, v18;
	_ =	sdelay $0x1  }
0x2fd: {  	v20 =	vperm.xlane v17, v4;
	v19 =	vadd.s32 v3, v19;
	_ =	sdelay $0x1  }
0x2fe: {  	v21 =	vperm.xlane v17, v5;
	v20 =	vadd.s32 v3, v20  }
0x2ff: {  	[tilespmem:s30], [sflag:$0x3] =	stream.indirect_vreg.gather [hbm4b:s9+s3], $0x80, v18, vm0, $0xb8;
	[tilespmem:$0x10A00] =	vst v63  }
0x300: {  	s12 =	simm.s32 $0x7080;
	v32 =	vperm.xlane v17, v6;
	v18 =	vadd.s32 v3, v21  }
0x301: {  	[tilespmem:s12], [sflag:$0x3] =	stream.indirect_vreg.gather [hbm4b:s9+s3], $0x80, v19, vm0, $0xb8;
	[tilespmem:$0x10A00] =	vst v63  }
0x302: {  	v33 =	vperm.xlane v17, v7;
	v19 =	vadd.s32 v3, v32;
	s12 =	simm.s32 $0x7100  }
0x303: {  	[tilespmem:s12], [sflag:$0x3] =	stream.indirect_vreg.gather [hbm4b:s9+s3], $0x80, v20, vm0, $0xb8;
	[tilespmem:$0x10A00] =	vst v63  }
0x304: {  	v35 =	vperm.xlane v17, v8;
	v34 =	vadd.s32 v3, v33;
	s12 =	simm.s32 $0x7180  }
0x305: {  	[tilespmem:s12], [sflag:$0x3] =	stream.indirect_vreg.gather [hbm4b:s9+s3], $0x80, v18, vm0, $0xb8;
	[tilespmem:$0x10A00] =	vst v63  }
0x306: {  	v36 =	vperm.xlane v17, v0;
	v18 =	vadd.s32 v3, v35;
	s12 =	simm.s32 $0x7200  }
0x307: {  	[tilespmem:s12], [sflag:$0x3] =	stream.indirect_vreg.gather [hbm4b:s9+s3], $0x80, v19, vm0, $0xb8;
	[tilespmem:$0x10A00] =	vst v63  }
0x308: {  	v37 =	vperm.xlane v17, v9;
	v19 =	vadd.s32 v3, v36;
	s12 =	simm.s32 $0x7280  }
0x309: {  	[tilespmem:s12], [sflag:$0x3] =	stream.indirect_vreg.gather [hbm4b:s9+s3], $0x80, v34, vm0, $0xb8;
	[tilespmem:$0x10A00] =	vst v63  }
0x30a: {  	v39 =	vperm.xlane v17, v10;
	v38 =	vadd.s32 v3, v37;
	s12 =	simm.s32 $0x7300  }
0x30b: {  	[tilespmem:s12], [sflag:$0x3] =	stream.indirect_vreg.gather [hbm4b:s9+s3], $0x80, v18, vm0, $0xb8;
	[tilespmem:$0x10A00] =	vst v63  }
0x30c: {  	v40 =	vperm.xlane v17, v11;
	v18 =	vadd.s32 v3, v39;
	s12 =	simm.s32 $0x7380  }
0x30d: {  	[tilespmem:s12], [sflag:$0x3] =	stream.indirect_vreg.gather [hbm4b:s9+s3], $0x80, v19, vm0, $0xb8;
	[tilespmem:$0x10A00] =	vst v63  }
0x30e: {  	v41 =	vperm.xlane v17, v12;
	v19 =	vadd.s32 v3, v40;
	s12 =	simm.s32 $0x7400  }
0x30f: {  	[tilespmem:s12], [sflag:$0x3] =	stream.indirect_vreg.gather [hbm4b:s9+s3], $0x80, v38, vm0, $0xb8;
	[tilespmem:$0x10A00] =	vst v63  }
0x310: {  	v43 =	vperm.xlane v17, v13;
	v42 =	vadd.s32 v3, v41;
	s12 =	simm.s32 $0x7480  }
0x311: {  	[tilespmem:s12], [sflag:$0x3] =	stream.indirect_vreg.gather [hbm4b:s9+s3], $0x80, v18, vm0, $0xb8;
	[tilespmem:$0x10A00] =	vst v63  }
0x312: {  	v44 =	vperm.xlane v17, v14;
	v18 =	vadd.s32 v3, v43;
	s12 =	simm.s32 $0x7500  }
0x313: {  	[tilespmem:s12], [sflag:$0x3] =	stream.indirect_vreg.gather [hbm4b:s9+s3], $0x80, v19, vm0, $0xb8;
	[tilespmem:$0x10A00] =	vst v63  }
0x314: {  	v45 =	vperm.xlane v17, v15;
	v19 =	vadd.s32 v3, v44;
	s12 =	simm.s32 $0x7580  }
0x315: {  	[tilespmem:s12], [sflag:$0x3] =	stream.indirect_vreg.gather [hbm4b:s9+s3], $0x80, v42, vm0, $0xb8;
	[tilespmem:$0x10A00] =	vst v63  }
0x316: {  	v17 =	vperm.xlane v17, v16;
	v46 =	vadd.s32 v3, v45;
	s12 =	simm.s32 $0x7600  }
0x317: {  	[tilespmem:s12], [sflag:$0x3] =	stream.indirect_vreg.gather [hbm4b:s9+s3], $0x80, v18, vm0, $0xb8;
	[tilespmem:$0x10A00] =	vst v63  }
0x318: {  	v17 =	vadd.s32 v3, v17;
	s12 =	simm.s32 $0x7680  }
0x319: {  	[tilespmem:s12], [sflag:$0x3] =	stream.indirect_vreg.gather [hbm4b:s9+s3], $0x80, v19, vm0, $0xb8;
	[tilespmem:$0x10A00] =	vst v63  }
0x31a: {  	s12 =	simm.s32 $0x7700  }
0x31b: {  	[tilespmem:s12], [sflag:$0x3] =	stream.indirect_vreg.gather [hbm4b:s9+s3], $0x80, v46, vm0, $0xb8;
	[tilespmem:$0x10A00] =	vst v63  }
0x31c: {  	s12 =	simm.s32 $0x7780  }
0x31d: {  	[tilespmem:s12], [sflag:$0x3] =	stream.indirect_vreg.gather [hbm4b:s9+s3], $0x80, v17, vm0, $0xb8;
	[tilespmem:$0x10A00] =	vst v63  }
0x31e: {  	v17 =	vld [tilespmem:s5+$0x430];
	_ =	sdelay $0x4  }
0x31f: {  	v18 =	vshll.u32 v17, $0x1  }
0x320: {  	v17 =	vand.u32 $0x7, v17;
	v18 =	vand.u32 $0xFFFFFFF0, v18  }
0x321: {  	v17 =	vor.u32 v17, v18  }
0x322: {  	v18 =	vperm.xlane v17, v2;
	_ =	sdelay $0x1  }
0x323: {  	v19 =	vperm.xlane v17, v1;
	v18 =	vadd.s32 v3, v18;
	_ =	sdelay $0x1  }
0x324: {  	v47 =	vperm.xlane v17, v4;
	v19 =	vadd.s32 v3, v19;
	_ =	sdelay $0x1  }
0x325: {  	s12 =	simm.s32 $0x7800;
	v48 =	vperm.xlane v17, v5;
	v20 =	vadd.s32 v3, v47  }
0x326: {  	[tilespmem:s12], [sflag:$0x3] =	stream.indirect_vreg.gather [hbm4b:s9+s3], $0x80, v18, vm0, $0xb8;
	[tilespmem:$0x10A00] =	vst v63  }
0x327: {  	v49 =	vperm.xlane v17, v6;
	v18 =	vadd.s32 v3, v48;
	s12 =	simm.s32 $0x7880  }
0x328: {  	[tilespmem:s12], [sflag:$0x3] =	stream.indirect_vreg.gather [hbm4b:s9+s3], $0x80, v19, vm0, $0xb8;
	[tilespmem:$0x10A00] =	vst v63  }
0x329: {  	v50 =	vperm.xlane v17, v7;
	v19 =	vadd.s32 v3, v49;
	s12 =	simm.s32 $0x7900  }
0x32a: {  	[tilespmem:s12], [sflag:$0x3] =	stream.indirect_vreg.gather [hbm4b:s9+s3], $0x80, v20, vm0, $0xb8;
	[tilespmem:$0x10A00] =	vst v63  }
0x32b: {  	v52 =	vperm.xlane v17, v8;
	v51 =	vadd.s32 v3, v50;
	s12 =	simm.s32 $0x7980  }
0x32c: {  	[tilespmem:s12], [sflag:$0x3] =	stream.indirect_vreg.gather [hbm4b:s9+s3], $0x80, v18, vm0, $0xb8;
	[tilespmem:$0x10A00] =	vst v63  }
0x32d: {  	v53 =	vperm.xlane v17, v0;
	v18 =	vadd.s32 v3, v52;
	s12 =	simm.s32 $0x7A00  }
0x32e: {  	[tilespmem:s12], [sflag:$0x3] =	stream.indirect_vreg.gather [hbm4b:s9+s3], $0x80, v19, vm0, $0xb8;
	[tilespmem:$0x10A00] =	vst v63  }
0x32f: {  	v54 =	vperm.xlane v17, v9;
	v19 =	vadd.s32 v3, v53;
	s12 =	simm.s32 $0x7A80  }
0x330: {  	[tilespmem:s12], [sflag:$0x3] =	stream.indirect_vreg.gather [hbm4b:s9+s3], $0x80, v51, vm0, $0xb8;
	[tilespmem:$0x10A00] =	vst v63  }
0x331: {  	v56 =	vperm.xlane v17, v10;
	v55 =	vadd.s32 v3, v54;
	s12 =	simm.s32 $0x7B00  }
0x332: {  	[tilespmem:s12], [sflag:$0x3] =	stream.indirect_vreg.gather [hbm4b:s9+s3], $0x80, v18, vm0, $0xb8;
	[tilespmem:$0x10A00] =	vst v63  }
0x333: {  	v57 =	vperm.xlane v17, v11;
	v18 =	vadd.s32 v3, v56;
	s12 =	simm.s32 $0x7B80  }
0x334: {  	[tilespmem:s12], [sflag:$0x3] =	stream.indirect_vreg.gather [hbm4b:s9+s3], $0x80, v19, vm0, $0xb8;
	[tilespmem:$0x10A00] =	vst v63  }
0x335: {  	v58 =	vperm.xlane v17, v12;
	v19 =	vadd.s32 v3, v57;
	s12 =	simm.s32 $0x7C00  }
0x336: {  	[tilespmem:s12], [sflag:$0x3] =	stream.indirect_vreg.gather [hbm4b:s9+s3], $0x80, v55, vm0, $0xb8;
	[tilespmem:$0x10A00] =	vst v63  }
0x337: {  	v60 =	vperm.xlane v17, v13;
	v59 =	vadd.s32 v3, v58;
	s12 =	simm.s32 $0x7C80  }
0x338: {  	[tilespmem:s12], [sflag:$0x3] =	stream.indirect_vreg.gather [hbm4b:s9+s3], $0x80, v18, vm0, $0xb8;
	[tilespmem:$0x10A00] =	vst v63  }
0x339: {  	v61 =	vperm.xlane v17, v14;
	v18 =	vadd.s32 v3, v60;
	s12 =	simm.s32 $0x7D00  }
0x33a: {  	[tilespmem:s12], [sflag:$0x3] =	stream.indirect_vreg.gather [hbm4b:s9+s3], $0x80, v19, vm0, $0xb8;
	[tilespmem:$0x10A00] =	vst v63  }
0x33b: {  	v62 =	vperm.xlane v17, v15;
	v19 =	vadd.s32 v3, v61;
	s12 =	simm.s32 $0x7D80  }
0x33c: {  	[tilespmem:s12], [sflag:$0x3] =	stream.indirect_vreg.gather [hbm4b:s9+s3], $0x80, v59, vm0, $0xb8;
	[tilespmem:$0x10A00] =	vst v63  }
0x33d: {  	v17 =	vperm.xlane v17, v16;
	v63 =	vadd.s32 v3, v62;
	s12 =	simm.s32 $0x7E00  }
0x33e: {  	[tilespmem:s12], [sflag:$0x3] =	stream.indirect_vreg.gather [hbm4b:s9+s3], $0x80, v18, vm0, $0xb8;
	[tilespmem:$0x10A00] =	vst v63  }
0x33f: {  	v17 =	vadd.s32 v3, v17;
	s12 =	simm.s32 $0x7E80  }
0x340: {  	[tilespmem:s12], [sflag:$0x3] =	stream.indirect_vreg.gather [hbm4b:s9+s3], $0x80, v19, vm0, $0xb8;
	[tilespmem:$0x10A00] =	vst v63  }
0x341: {  	s12 =	simm.s32 $0x7F00  }
0x342: {  	[tilespmem:s12], [sflag:$0x3] =	stream.indirect_vreg.gather [hbm4b:s9+s3], $0x80, v63, vm0, $0xb8;
	[tilespmem:$0x10A00] =	vst v63  }
0x343: {  	s12 =	simm.s32 $0x7F80  }
0x344: {  	[tilespmem:s12], [sflag:$0x3] =	stream.indirect_vreg.gather [hbm4b:s9+s3], $0x80, v17, vm0, $0xb8;
	[tilespmem:$0x10A00] =	vst v63  }
.LBB2_15:
0x345: {  	v17 =	vld @!p1 [tilespmem:s11+$0x180];
	_ =	sdelay $0x6  }
0x346: {  	v18 =	vimm.f32 @!p1 $1.000000000e+00;
	s12 =	simm.s32 @!p1 $0xB000  }
0x347: {  	[tilespmem:v17+s12+$0x0] =	vst.idx.add.f32.msk @!p1 $0xffff, v18  }
0x348: {  	v17 =	vld @!p1 [tilespmem:s7+$0x190];
	_ =	sdelay $0x7  }
0x349: {  	[tilespmem:v17+s12+$0x0] =	vst.idx.add.f32.msk @!p1 $0xffff, v18  }
0x34a: {  	_ =	swait.ge [sflag:s28], $0x1000  }
0x34b: {  	[sflag:s28] =	ssyncset.done $0x0  }
.Ltmp12:
0x34c: {  	[sflag:s28] =	ssyncadd.s32 $0xFFFFF000;
	(pc) =	sbr.rel @p2 .LBB2_17-.Ltmp12, $4  }
0x34d: {  	_ =	swait.ge [sflag:s24], $0x1000  }
0x34e: {  	[sflag:s24] =	ssyncset.done $0x0  }
0x34f: {  	s12 =	sadd.s32 $0x200, s11;
	[sflag:s24] =	ssyncadd.s32 $0xFFFFF000  }
0x350: {  	[spmem:s1] =	stream.indirect.scatter.add.f32 [tilespmem:s20], [sflag:$0x7], $0x80, s12, s13, $0xb8;
	[tilespmem:$0x10A00] =	vst v63  }
0x351: {  	v17 =	vld [tilespmem:s5+$0x4A0];
	_ =	sdelay $0x4  }
0x352: {  	v18 =	vshll.u32 v17, $0x1  }
0x353: {  	v17 =	vand.u32 $0x7, v17;
	v18 =	vand.u32 $0xFFFFFFF0, v18  }
0x354: {  	v17 =	vor.u32 v17, v18  }
0x355: {  	v18 =	vperm.xlane v17, v2;
	_ =	sdelay $0x1  }
0x356: {  	v19 =	vperm.xlane v17, v1;
	v18 =	vadd.s32 v3, v18;
	_ =	sdelay $0x1  }
0x357: {  	v20 =	vperm.xlane v17, v4;
	v19 =	vadd.s32 v3, v19;
	_ =	sdelay $0x1  }
0x358: {  	v21 =	vperm.xlane v17, v5;
	v20 =	vadd.s32 v3, v20  }
0x359: {  	[tilespmem:s8], [sflag:$0x4] =	stream.indirect_vreg.gather [hbm4b:s9+s3], $0x80, v18, vm0, $0xb8;
	[tilespmem:$0x10A00] =	vst v63  }
0x35a: {  	s12 =	simm.s32 $0x8080;
	v32 =	vperm.xlane v17, v6;
	v18 =	vadd.s32 v3, v21  }
0x35b: {  	[tilespmem:s12], [sflag:$0x4] =	stream.indirect_vreg.gather [hbm4b:s9+s3], $0x80, v19, vm0, $0xb8;
	[tilespmem:$0x10A00] =	vst v63  }
0x35c: {  	v33 =	vperm.xlane v17, v7;
	v19 =	vadd.s32 v3, v32;
	s12 =	simm.s32 $0x8100  }
0x35d: {  	[tilespmem:s12], [sflag:$0x4] =	stream.indirect_vreg.gather [hbm4b:s9+s3], $0x80, v20, vm0, $0xb8;
	[tilespmem:$0x10A00] =	vst v63  }
0x35e: {  	v35 =	vperm.xlane v17, v8;
	v34 =	vadd.s32 v3, v33;
	s12 =	simm.s32 $0x8180  }
0x35f: {  	[tilespmem:s12], [sflag:$0x4] =	stream.indirect_vreg.gather [hbm4b:s9+s3], $0x80, v18, vm0, $0xb8;
	[tilespmem:$0x10A00] =	vst v63  }
0x360: {  	v36 =	vperm.xlane v17, v0;
	v18 =	vadd.s32 v3, v35;
	s12 =	simm.s32 $0x8200  }
0x361: {  	[tilespmem:s12], [sflag:$0x4] =	stream.indirect_vreg.gather [hbm4b:s9+s3], $0x80, v19, vm0, $0xb8;
	[tilespmem:$0x10A00] =	vst v63  }
0x362: {  	v37 =	vperm.xlane v17, v9;
	v19 =	vadd.s32 v3, v36;
	s12 =	simm.s32 $0x8280  }
0x363: {  	[tilespmem:s12], [sflag:$0x4] =	stream.indirect_vreg.gather [hbm4b:s9+s3], $0x80, v34, vm0, $0xb8;
	[tilespmem:$0x10A00] =	vst v63  }
0x364: {  	v39 =	vperm.xlane v17, v10;
	v38 =	vadd.s32 v3, v37;
	s12 =	simm.s32 $0x8300  }
0x365: {  	[tilespmem:s12], [sflag:$0x4] =	stream.indirect_vreg.gather [hbm4b:s9+s3], $0x80, v18, vm0, $0xb8;
	[tilespmem:$0x10A00] =	vst v63  }
0x366: {  	v40 =	vperm.xlane v17, v11;
	v18 =	vadd.s32 v3, v39;
	s12 =	simm.s32 $0x8380  }
0x367: {  	[tilespmem:s12], [sflag:$0x4] =	stream.indirect_vreg.gather [hbm4b:s9+s3], $0x80, v19, vm0, $0xb8;
	[tilespmem:$0x10A00] =	vst v63  }
0x368: {  	v41 =	vperm.xlane v17, v12;
	v19 =	vadd.s32 v3, v40;
	s12 =	simm.s32 $0x8400  }
0x369: {  	[tilespmem:s12], [sflag:$0x4] =	stream.indirect_vreg.gather [hbm4b:s9+s3], $0x80, v38, vm0, $0xb8;
	[tilespmem:$0x10A00] =	vst v63  }
0x36a: {  	v43 =	vperm.xlane v17, v13;
	v42 =	vadd.s32 v3, v41;
	s12 =	simm.s32 $0x8480  }
0x36b: {  	[tilespmem:s12], [sflag:$0x4] =	stream.indirect_vreg.gather [hbm4b:s9+s3], $0x80, v18, vm0, $0xb8;
	[tilespmem:$0x10A00] =	vst v63  }
0x36c: {  	v44 =	vperm.xlane v17, v14;
	v18 =	vadd.s32 v3, v43;
	s12 =	simm.s32 $0x8500  }
0x36d: {  	[tilespmem:s12], [sflag:$0x4] =	stream.indirect_vreg.gather [hbm4b:s9+s3], $0x80, v19, vm0, $0xb8;
	[tilespmem:$0x10A00] =	vst v63  }
0x36e: {  	v45 =	vperm.xlane v17, v15;
	v19 =	vadd.s32 v3, v44;
	s12 =	simm.s32 $0x8580  }
0x36f: {  	[tilespmem:s12], [sflag:$0x4] =	stream.indirect_vreg.gather [hbm4b:s9+s3], $0x80, v42, vm0, $0xb8;
	[tilespmem:$0x10A00] =	vst v63  }
0x370: {  	v17 =	vperm.xlane v17, v16;
	v46 =	vadd.s32 v3, v45;
	s12 =	simm.s32 $0x8600  }
0x371: {  	[tilespmem:s12], [sflag:$0x4] =	stream.indirect_vreg.gather [hbm4b:s9+s3], $0x80, v18, vm0, $0xb8;
	[tilespmem:$0x10A00] =	vst v63  }
0x372: {  	v17 =	vadd.s32 v3, v17;
	s12 =	simm.s32 $0x8680  }
0x373: {  	[tilespmem:s12], [sflag:$0x4] =	stream.indirect_vreg.gather [hbm4b:s9+s3], $0x80, v19, vm0, $0xb8;
	[tilespmem:$0x10A00] =	vst v63  }
0x374: {  	s12 =	simm.s32 $0x8700  }
0x375: {  	[tilespmem:s12], [sflag:$0x4] =	stream.indirect_vreg.gather [hbm4b:s9+s3], $0x80, v46, vm0, $0xb8;
	[tilespmem:$0x10A00] =	vst v63  }
0x376: {  	s12 =	simm.s32 $0x8780  }
0x377: {  	[tilespmem:s12], [sflag:$0x4] =	stream.indirect_vreg.gather [hbm4b:s9+s3], $0x80, v17, vm0, $0xb8;
	[tilespmem:$0x10A00] =	vst v63  }
0x378: {  	v17 =	vld [tilespmem:s5+$0x4B0];
	_ =	sdelay $0x4  }
0x379: {  	v18 =	vshll.u32 v17, $0x1  }
0x37a: {  	v17 =	vand.u32 $0x7, v17;
	v18 =	vand.u32 $0xFFFFFFF0, v18  }
0x37b: {  	v17 =	vor.u32 v17, v18  }
0x37c: {  	v18 =	vperm.xlane v17, v2;
	_ =	sdelay $0x1  }
0x37d: {  	v19 =	vperm.xlane v17, v1;
	v18 =	vadd.s32 v3, v18;
	_ =	sdelay $0x1  }
0x37e: {  	v47 =	vperm.xlane v17, v4;
	v19 =	vadd.s32 v3, v19;
	_ =	sdelay $0x1  }
0x37f: {  	s12 =	simm.s32 $0x8800;
	v48 =	vperm.xlane v17, v5;
	v20 =	vadd.s32 v3, v47  }
0x380: {  	[tilespmem:s12], [sflag:$0x4] =	stream.indirect_vreg.gather [hbm4b:s9+s3], $0x80, v18, vm0, $0xb8;
	[tilespmem:$0x10A00] =	vst v63  }
0x381: {  	v49 =	vperm.xlane v17, v6;
	v18 =	vadd.s32 v3, v48;
	s12 =	simm.s32 $0x8880  }
0x382: {  	[tilespmem:s12], [sflag:$0x4] =	stream.indirect_vreg.gather [hbm4b:s9+s3], $0x80, v19, vm0, $0xb8;
	[tilespmem:$0x10A00] =	vst v63  }
0x383: {  	v50 =	vperm.xlane v17, v7;
	v19 =	vadd.s32 v3, v49;
	s12 =	simm.s32 $0x8900  }
0x384: {  	[tilespmem:s12], [sflag:$0x4] =	stream.indirect_vreg.gather [hbm4b:s9+s3], $0x80, v20, vm0, $0xb8;
	[tilespmem:$0x10A00] =	vst v63  }
0x385: {  	v52 =	vperm.xlane v17, v8;
	v51 =	vadd.s32 v3, v50;
	s12 =	simm.s32 $0x8980  }
0x386: {  	[tilespmem:s12], [sflag:$0x4] =	stream.indirect_vreg.gather [hbm4b:s9+s3], $0x80, v18, vm0, $0xb8;
	[tilespmem:$0x10A00] =	vst v63  }
0x387: {  	v53 =	vperm.xlane v17, v0;
	v18 =	vadd.s32 v3, v52;
	s12 =	simm.s32 $0x8A00  }
0x388: {  	[tilespmem:s12], [sflag:$0x4] =	stream.indirect_vreg.gather [hbm4b:s9+s3], $0x80, v19, vm0, $0xb8;
	[tilespmem:$0x10A00] =	vst v63  }
0x389: {  	v54 =	vperm.xlane v17, v9;
	v19 =	vadd.s32 v3, v53;
	s12 =	simm.s32 $0x8A80  }
0x38a: {  	[tilespmem:s12], [sflag:$0x4] =	stream.indirect_vreg.gather [hbm4b:s9+s3], $0x80, v51, vm0, $0xb8;
	[tilespmem:$0x10A00] =	vst v63  }
0x38b: {  	v56 =	vperm.xlane v17, v10;
	v55 =	vadd.s32 v3, v54;
	s12 =	simm.s32 $0x8B00  }
0x38c: {  	[tilespmem:s12], [sflag:$0x4] =	stream.indirect_vreg.gather [hbm4b:s9+s3], $0x80, v18, vm0, $0xb8;
	[tilespmem:$0x10A00] =	vst v63  }
0x38d: {  	v57 =	vperm.xlane v17, v11;
	v18 =	vadd.s32 v3, v56;
	s12 =	simm.s32 $0x8B80  }
0x38e: {  	[tilespmem:s12], [sflag:$0x4] =	stream.indirect_vreg.gather [hbm4b:s9+s3], $0x80, v19, vm0, $0xb8;
	[tilespmem:$0x10A00] =	vst v63  }
0x38f: {  	v58 =	vperm.xlane v17, v12;
	v19 =	vadd.s32 v3, v57;
	s12 =	simm.s32 $0x8C00  }
0x390: {  	[tilespmem:s12], [sflag:$0x4] =	stream.indirect_vreg.gather [hbm4b:s9+s3], $0x80, v55, vm0, $0xb8;
	[tilespmem:$0x10A00] =	vst v63  }
0x391: {  	v60 =	vperm.xlane v17, v13;
	v59 =	vadd.s32 v3, v58;
	s12 =	simm.s32 $0x8C80  }
0x392: {  	[tilespmem:s12], [sflag:$0x4] =	stream.indirect_vreg.gather [hbm4b:s9+s3], $0x80, v18, vm0, $0xb8;
	[tilespmem:$0x10A00] =	vst v63  }
0x393: {  	v61 =	vperm.xlane v17, v14;
	v18 =	vadd.s32 v3, v60;
	s12 =	simm.s32 $0x8D00  }
0x394: {  	[tilespmem:s12], [sflag:$0x4] =	stream.indirect_vreg.gather [hbm4b:s9+s3], $0x80, v19, vm0, $0xb8;
	[tilespmem:$0x10A00] =	vst v63  }
0x395: {  	v62 =	vperm.xlane v17, v15;
	v19 =	vadd.s32 v3, v61;
	s12 =	simm.s32 $0x8D80  }
0x396: {  	[tilespmem:s12], [sflag:$0x4] =	stream.indirect_vreg.gather [hbm4b:s9+s3], $0x80, v59, vm0, $0xb8;
	[tilespmem:$0x10A00] =	vst v63  }
0x397: {  	v17 =	vperm.xlane v17, v16;
	v63 =	vadd.s32 v3, v62;
	s12 =	simm.s32 $0x8E00  }
0x398: {  	[tilespmem:s12], [sflag:$0x4] =	stream.indirect_vreg.gather [hbm4b:s9+s3], $0x80, v18, vm0, $0xb8;
	[tilespmem:$0x10A00] =	vst v63  }
0x399: {  	v17 =	vadd.s32 v3, v17;
	s12 =	simm.s32 $0x8E80  }
0x39a: {  	[tilespmem:s12], [sflag:$0x4] =	stream.indirect_vreg.gather [hbm4b:s9+s3], $0x80, v19, vm0, $0xb8;
	[tilespmem:$0x10A00] =	vst v63  }
0x39b: {  	s12 =	simm.s32 $0x8F00  }
0x39c: {  	[tilespmem:s12], [sflag:$0x4] =	stream.indirect_vreg.gather [hbm4b:s9+s3], $0x80, v63, vm0, $0xb8;
	[tilespmem:$0x10A00] =	vst v63  }
0x39d: {  	s12 =	simm.s32 $0x8F80  }
0x39e: {  	[tilespmem:s12], [sflag:$0x4] =	stream.indirect_vreg.gather [hbm4b:s9+s3], $0x80, v17, vm0, $0xb8;
	[tilespmem:$0x10A00] =	vst v63  }
.LBB2_17:
0x39f: {  	v17 =	vld @!p0 [tilespmem:s11+$0x200];
	_ =	sdelay $0x6  }
0x3a0: {  	v18 =	vimm.f32 @!p0 $1.000000000e+00;
	s12 =	simm.s32 @!p0 $0xB000  }
0x3a1: {  	[tilespmem:v17+s12+$0x0] =	vst.idx.add.f32.msk @!p0 $0xffff, v18  }
0x3a2: {  	v17 =	vld @!p0 [tilespmem:s10+$0x210];
	_ =	sdelay $0x7  }
0x3a3: {  	[tilespmem:v17+s12+$0x0] =	vst.idx.add.f32.msk @!p0 $0xffff, v18  }
0x3a4: {  	_ =	swait.ge [sflag:s29], $0x1000  }
0x3a5: {  	[sflag:s29] =	ssyncset.done $0x0  }
.Ltmp13:
0x3a6: {  	[sflag:s29] =	ssyncadd.s32 $0xFFFFF000;
	(pc) =	sbr.rel @p2 .LBB2_19-.Ltmp13, $4  }
0x3a7: {  	_ =	swait.ge [sflag:s24], $0x1000  }
0x3a8: {  	[sflag:s24] =	ssyncset.done $0x0  }
0x3a9: {  	s12 =	sadd.s32 $0x280, s11;
	[sflag:s24] =	ssyncadd.s32 $0xFFFFF000  }
0x3aa: {  	[spmem:s1] =	stream.indirect.scatter.add.f32 [tilespmem:s4], [sflag:$0x7], $0x80, s12, s13, $0xb8;
	[tilespmem:$0x10A00] =	vst v63  }
0x3ab: {  	v17 =	vld [tilespmem:s5+$0x520];
	_ =	sdelay $0x4  }
0x3ac: {  	v18 =	vshll.u32 v17, $0x1  }
0x3ad: {  	v17 =	vand.u32 $0x7, v17;
	v18 =	vand.u32 $0xFFFFFFF0, v18  }
0x3ae: {  	v17 =	vor.u32 v17, v18  }
0x3af: {  	v18 =	vperm.xlane v17, v2;
	_ =	sdelay $0x1  }
0x3b0: {  	v19 =	vperm.xlane v17, v1;
	v18 =	vadd.s32 v3, v18;
	_ =	sdelay $0x1  }
0x3b1: {  	v20 =	vperm.xlane v17, v4;
	v19 =	vadd.s32 v3, v19;
	_ =	sdelay $0x1  }
0x3b2: {  	v21 =	vperm.xlane v17, v5;
	v20 =	vadd.s32 v3, v20  }
0x3b3: {  	[tilespmem:s20], [sflag:$0x5] =	stream.indirect_vreg.gather [hbm4b:s9+s3], $0x80, v18, vm0, $0xb8;
	[tilespmem:$0x10A00] =	vst v63  }
0x3b4: {  	s10 =	simm.s32 $0x9080;
	v32 =	vperm.xlane v17, v6;
	v18 =	vadd.s32 v3, v21  }
0x3b5: {  	[tilespmem:s10], [sflag:$0x5] =	stream.indirect_vreg.gather [hbm4b:s9+s3], $0x80, v19, vm0, $0xb8;
	[tilespmem:$0x10A00] =	vst v63  }
0x3b6: {  	s12 =	simm.s32 $0x9100;
	v33 =	vperm.xlane v17, v7;
	v19 =	vadd.s32 v3, v32  }
0x3b7: {  	[tilespmem:s12], [sflag:$0x5] =	stream.indirect_vreg.gather [hbm4b:s9+s3], $0x80, v20, vm0, $0xb8;
	[tilespmem:$0x10A00] =	vst v63  }
0x3b8: {  	v35 =	vperm.xlane v17, v8;
	v34 =	vadd.s32 v3, v33;
	s12 =	simm.s32 $0x9180  }
0x3b9: {  	[tilespmem:s12], [sflag:$0x5] =	stream.indirect_vreg.gather [hbm4b:s9+s3], $0x80, v18, vm0, $0xb8;
	[tilespmem:$0x10A00] =	vst v63  }
0x3ba: {  	v36 =	vperm.xlane v17, v0;
	v18 =	vadd.s32 v3, v35;
	s12 =	simm.s32 $0x9200  }
0x3bb: {  	[tilespmem:s12], [sflag:$0x5] =	stream.indirect_vreg.gather [hbm4b:s9+s3], $0x80, v19, vm0, $0xb8;
	[tilespmem:$0x10A00] =	vst v63  }
0x3bc: {  	v37 =	vperm.xlane v17, v9;
	v19 =	vadd.s32 v3, v36;
	s12 =	simm.s32 $0x9280  }
0x3bd: {  	[tilespmem:s12], [sflag:$0x5] =	stream.indirect_vreg.gather [hbm4b:s9+s3], $0x80, v34, vm0, $0xb8;
	[tilespmem:$0x10A00] =	vst v63  }
0x3be: {  	v39 =	vperm.xlane v17, v10;
	v38 =	vadd.s32 v3, v37;
	s12 =	simm.s32 $0x9300  }
0x3bf: {  	[tilespmem:s12], [sflag:$0x5] =	stream.indirect_vreg.gather [hbm4b:s9+s3], $0x80, v18, vm0, $0xb8;
	[tilespmem:$0x10A00] =	vst v63  }
0x3c0: {  	v40 =	vperm.xlane v17, v11;
	v18 =	vadd.s32 v3, v39;
	s12 =	simm.s32 $0x9380  }
0x3c1: {  	[tilespmem:s12], [sflag:$0x5] =	stream.indirect_vreg.gather [hbm4b:s9+s3], $0x80, v19, vm0, $0xb8;
	[tilespmem:$0x10A00] =	vst v63  }
0x3c2: {  	v41 =	vperm.xlane v17, v12;
	v19 =	vadd.s32 v3, v40;
	s12 =	simm.s32 $0x9400  }
0x3c3: {  	[tilespmem:s12], [sflag:$0x5] =	stream.indirect_vreg.gather [hbm4b:s9+s3], $0x80, v38, vm0, $0xb8;
	[tilespmem:$0x10A00] =	vst v63  }
0x3c4: {  	v43 =	vperm.xlane v17, v13;
	v42 =	vadd.s32 v3, v41;
	s12 =	simm.s32 $0x9480  }
0x3c5: {  	[tilespmem:s12], [sflag:$0x5] =	stream.indirect_vreg.gather [hbm4b:s9+s3], $0x80, v18, vm0, $0xb8;
	[tilespmem:$0x10A00] =	vst v63  }
0x3c6: {  	v44 =	vperm.xlane v17, v14;
	v18 =	vadd.s32 v3, v43;
	s12 =	simm.s32 $0x9500  }
0x3c7: {  	[tilespmem:s12], [sflag:$0x5] =	stream.indirect_vreg.gather [hbm4b:s9+s3], $0x80, v19, vm0, $0xb8;
	[tilespmem:$0x10A00] =	vst v63  }
0x3c8: {  	v45 =	vperm.xlane v17, v15;
	v19 =	vadd.s32 v3, v44;
	s12 =	simm.s32 $0x9580  }
0x3c9: {  	[tilespmem:s12], [sflag:$0x5] =	stream.indirect_vreg.gather [hbm4b:s9+s3], $0x80, v42, vm0, $0xb8;
	[tilespmem:$0x10A00] =	vst v63  }
0x3ca: {  	v17 =	vperm.xlane v17, v16;
	v46 =	vadd.s32 v3, v45;
	s12 =	simm.s32 $0x9600  }
0x3cb: {  	[tilespmem:s12], [sflag:$0x5] =	stream.indirect_vreg.gather [hbm4b:s9+s3], $0x80, v18, vm0, $0xb8;
	[tilespmem:$0x10A00] =	vst v63  }
0x3cc: {  	v17 =	vadd.s32 v3, v17;
	s12 =	simm.s32 $0x9680  }
0x3cd: {  	[tilespmem:s12], [sflag:$0x5] =	stream.indirect_vreg.gather [hbm4b:s9+s3], $0x80, v19, vm0, $0xb8;
	[tilespmem:$0x10A00] =	vst v63  }
0x3ce: {  	s12 =	simm.s32 $0x9700  }
0x3cf: {  	[tilespmem:s12], [sflag:$0x5] =	stream.indirect_vreg.gather [hbm4b:s9+s3], $0x80, v46, vm0, $0xb8;
	[tilespmem:$0x10A00] =	vst v63  }
0x3d0: {  	s12 =	simm.s32 $0x9780  }
0x3d1: {  	[tilespmem:s12], [sflag:$0x5] =	stream.indirect_vreg.gather [hbm4b:s9+s3], $0x80, v17, vm0, $0xb8;
	[tilespmem:$0x10A00] =	vst v63  }
0x3d2: {  	v17 =	vld [tilespmem:s5+$0x530];
	_ =	sdelay $0x4  }
0x3d3: {  	v18 =	vshll.u32 v17, $0x1  }
0x3d4: {  	v17 =	vand.u32 $0x7, v17;
	v18 =	vand.u32 $0xFFFFFFF0, v18  }
0x3d5: {  	v17 =	vor.u32 v17, v18  }
0x3d6: {  	v18 =	vperm.xlane v17, v2;
	_ =	sdelay $0x1  }
0x3d7: {  	v19 =	vperm.xlane v17, v1;
	v18 =	vadd.s32 v3, v18;
	_ =	sdelay $0x1  }
0x3d8: {  	v47 =	vperm.xlane v17, v4;
	v19 =	vadd.s32 v3, v19;
	_ =	sdelay $0x1  }
0x3d9: {  	s10 =	simm.s32 $0x9800;
	v48 =	vperm.xlane v17, v5;
	v20 =	vadd.s32 v3, v47  }
0x3da: {  	[tilespmem:s10], [sflag:$0x5] =	stream.indirect_vreg.gather [hbm4b:s9+s3], $0x80, v18, vm0, $0xb8;
	[tilespmem:$0x10A00] =	vst v63  }
0x3db: {  	s12 =	simm.s32 $0x9880;
	v49 =	vperm.xlane v17, v6;
	v18 =	vadd.s32 v3, v48  }
0x3dc: {  	[tilespmem:s12], [sflag:$0x5] =	stream.indirect_vreg.gather [hbm4b:s9+s3], $0x80, v19, vm0, $0xb8;
	[tilespmem:$0x10A00] =	vst v63  }
0x3dd: {  	v50 =	vperm.xlane v17, v7;
	s10 =	simm.s32 $0x9900;
	v19 =	vadd.s32 v3, v49  }
0x3de: {  	[tilespmem:s10], [sflag:$0x5] =	stream.indirect_vreg.gather [hbm4b:s9+s3], $0x80, v20, vm0, $0xb8;
	[tilespmem:$0x10A00] =	vst v63  }
0x3df: {  	v52 =	vperm.xlane v17, v8;
	v51 =	vadd.s32 v3, v50;
	s12 =	simm.s32 $0x9980  }
0x3e0: {  	[tilespmem:s12], [sflag:$0x5] =	stream.indirect_vreg.gather [hbm4b:s9+s3], $0x80, v18, vm0, $0xb8;
	[tilespmem:$0x10A00] =	vst v63  }
0x3e1: {  	v53 =	vperm.xlane v17, v0;
	s10 =	simm.s32 $0x9A00;
	v18 =	vadd.s32 v3, v52  }
0x3e2: {  	[tilespmem:s10], [sflag:$0x5] =	stream.indirect_vreg.gather [hbm4b:s9+s3], $0x80, v19, vm0, $0xb8;
	[tilespmem:$0x10A00] =	vst v63  }
0x3e3: {  	v54 =	vperm.xlane v17, v9;
	s12 =	simm.s32 $0x9A80;
	v19 =	vadd.s32 v3, v53  }
0x3e4: {  	[tilespmem:s12], [sflag:$0x5] =	stream.indirect_vreg.gather [hbm4b:s9+s3], $0x80, v51, vm0, $0xb8;
	[tilespmem:$0x10A00] =	vst v63  }
0x3e5: {  	v56 =	vperm.xlane v17, v10;
	v55 =	vadd.s32 v3, v54;
	s10 =	simm.s32 $0x9B00  }
0x3e6: {  	[tilespmem:s10], [sflag:$0x5] =	stream.indirect_vreg.gather [hbm4b:s9+s3], $0x80, v18, vm0, $0xb8;
	[tilespmem:$0x10A00] =	vst v63  }
0x3e7: {  	v57 =	vperm.xlane v17, v11;
	s12 =	simm.s32 $0x9B80;
	v18 =	vadd.s32 v3, v56  }
0x3e8: {  	[tilespmem:s12], [sflag:$0x5] =	stream.indirect_vreg.gather [hbm4b:s9+s3], $0x80, v19, vm0, $0xb8;
	[tilespmem:$0x10A00] =	vst v63  }
0x3e9: {  	v58 =	vperm.xlane v17, v12;
	s10 =	simm.s32 $0x9C00;
	v19 =	vadd.s32 v3, v57  }
0x3ea: {  	[tilespmem:s10], [sflag:$0x5] =	stream.indirect_vreg.gather [hbm4b:s9+s3], $0x80, v55, vm0, $0xb8;
	[tilespmem:$0x10A00] =	vst v63  }
0x3eb: {  	v60 =	vperm.xlane v17, v13;
	v59 =	vadd.s32 v3, v58;
	s12 =	simm.s32 $0x9C80  }
0x3ec: {  	[tilespmem:s12], [sflag:$0x5] =	stream.indirect_vreg.gather [hbm4b:s9+s3], $0x80, v18, vm0, $0xb8;
	[tilespmem:$0x10A00] =	vst v63  }
0x3ed: {  	v61 =	vperm.xlane v17, v14;
	s10 =	simm.s32 $0x9D00;
	v18 =	vadd.s32 v3, v60  }
0x3ee: {  	[tilespmem:s10], [sflag:$0x5] =	stream.indirect_vreg.gather [hbm4b:s9+s3], $0x80, v19, vm0, $0xb8;
	[tilespmem:$0x10A00] =	vst v63  }
0x3ef: {  	s12 =	simm.s32 $0x9D80;
	v19 =	vadd.s32 v3, v61  }
0x3f0: {  	v62 =	vperm.xlane v17, v15;
	[tilespmem:s12], [sflag:$0x5] =	stream.indirect_vreg.gather [hbm4b:s9+s3], $0x80, v59, vm0, $0xb8;
	[tilespmem:$0x10A00] =	vst v63  }
0x3f1: {  	s10 =	simm.s32 $0x9E00  }
0x3f2: {  	v17 =	vperm.xlane v17, v16;
	v63 =	vadd.s32 v3, v62;
	[tilespmem:s10], [sflag:$0x5] =	stream.indirect_vreg.gather [hbm4b:s9+s3], $0x80, v18, vm0, $0xb8;
	[tilespmem:$0x10A00] =	vst v63  }
0x3f3: {  	s12 =	simm.s32 $0x9E80  }
0x3f4: {  	v17 =	vadd.s32 v3, v17;
	[tilespmem:s12], [sflag:$0x5] =	stream.indirect_vreg.gather [hbm4b:s9+s3], $0x80, v19, vm0, $0xb8;
	[tilespmem:$0x10A00] =	vst v63  }
.Ltmp14:
0x3f5: {  	_ = 	snop;
	(pc) =	sbr.rel .LBB2_19-.Ltmp14, $4  }
0x3f6: {  	s10 =	simm.s32 $0x9F00  }
0x3f7: {  	[tilespmem:s10], [sflag:$0x5] =	stream.indirect_vreg.gather [hbm4b:s9+s3], $0x80, v63, vm0, $0xb8;
	[tilespmem:$0x10A00] =	vst v63  }
0x3f8: {  	s12 =	simm.s32 $0x9F80  }
0x3f9: {  	[tilespmem:s12], [sflag:$0x5] =	stream.indirect_vreg.gather [hbm4b:s9+s3], $0x80, v17, vm0, $0xb8;
	[tilespmem:$0x10A00] =	vst v63  }
.LBB2_22:
0x3fa: {  	_ =	sfence.sel $0x180000  }
0x3fb: {  	[bflag:$0x0] =	sbarrier.arrive $0xFFFF  }
0x3fc: {  	_ =	strace $0x9000004A  }
0x3fd: {  	s0 =	stileid.u32;
	[bflag:$0x2] =	sbarrier.arrive $0xFFFF  }
0x3fe: {  	p0 =	sne.s32 s0, $0x0;
	s0 =	rddreg [dreg:$0x3]  }
0x3ff: {  	s0 =	sadd.s32 @!p0 $0x100000, s0  }
0x400: {  	[sflag:s0] =	ssyncadd.tile.s32 @!p0 $0x1;
	_ =	shalt  }
.Lfunc_end2:
_tile_overlayer_lowered:
.L_overlay_start_2:
0x401: {  	(tag) =	ssettag $0x2  }
0x402: {  	s0 =	rddreg [dreg:$0x0];
	s2 =	stileid.u32  }
0x403: {  	s1 =	rddreg [dreg:$0x1];
	p0 =	sne.s32 s2, $0x0  }
0x404: {  	s3 =	rddreg [dreg:$0x2];
	[bflag:$0x3] =	sbarrier.arrive $0xFFFF;
	s2 =	simm.s32 @!p0 $0x1C09  }
0x405: {  	[timem:s3], [sflag:s2] =	dma.local @!p0 [hbm:s0], s1  }
0x406: {  	s0 =	simm.s32 @!p0 $0x9  }
0x407: {  	_ =	swait.ge @!p0 [sflag:s0], s1  }
0x408: {  	s1 =	ssub.s32 @!p0 $0x0, s1;
	[sflag:s0] =	ssyncset.done @!p0 $0x0  }
0x409: {  	[sflag:s0] =	ssyncadd.s32 @!p0 s1  }
0x40a: {  	[bflag:$0x3] =	sbarrier.arrive $0xFFFF  }
0x40b: {  	_ =	shalt  }

</sc_bundles>
